<compile_context>
chip_gen: v7x
topology: tpu7x:2x2x1
jax: 0.10.2.dev20260603
libtpu: 0.0.44.dev20260713+nightly
codegen_flags: <defaults>
</compile_context>

<pallas_src>
import jax
import jax.numpy as jnp
from jax import lax
from jax.experimental import pallas as pl
from jax.experimental.pallas import tpu as pltpu
from jax.experimental.pallas import tpu_sc as plsc

N = 10000
D = 128
E = 320000
NC = 2
NS = 16
NW = NC * NS

CH = 128

AGG_ROWS = E // CH
AGG_BASE = AGG_ROWS // NW
AGG_EXTRA = AGG_ROWS - AGG_BASE * NW

ROWS_PER_TILE = N // NS
DEG_W = 16

RING = 8
LOOKAHEAD = 4
MAIN = (AGG_BASE // RING) * RING


def _mesh():
    return plsc.VectorSubcoreMesh(core_axis_name="c", subcore_axis_name="s")


_sc_params = pltpu.CompilerParams(use_tc_tiling_on_sc=False)


def _deg_body(er_hbm, upd_hbm, zero_hbm, out_hbm,
              sidx, didx, ubuf, acc_s, acc_d, sem):
    c = lax.axis_index("c")
    s = lax.axis_index("s")
    w = c * NS + s

    pltpu.sync_copy(er_hbm.at[0, pl.ds(w * AGG_BASE, AGG_BASE)],
                    sidx.at[pl.ds(0, AGG_BASE)])
    pltpu.sync_copy(er_hbm.at[1, pl.ds(w * AGG_BASE, AGG_BASE)],
                    didx.at[pl.ds(0, AGG_BASE)])

    @pl.when(w < AGG_EXTRA)
    def _():
        pltpu.sync_copy(er_hbm.at[0, pl.ds(NW * AGG_BASE + w, 1)],
                        sidx.at[pl.ds(AGG_BASE, 1)])
        pltpu.sync_copy(er_hbm.at[1, pl.ds(NW * AGG_BASE + w, 1)],
                        didx.at[pl.ds(AGG_BASE, 1)])

    pltpu.sync_copy(upd_hbm, ubuf)

    pltpu.sync_copy(zero_hbm, acc_s.at[pl.ds(s * ROWS_PER_TILE, ROWS_PER_TILE)])
    pltpu.sync_copy(zero_hbm, acc_d.at[pl.ds(s * ROWS_PER_TILE, ROWS_PER_TILE)])
    plsc.subcore_barrier()

    @pl.loop(0, AGG_BASE // 3)
    def _(jj):
        j = jj * 3
        pltpu.async_copy(ubuf, acc_s.at[sidx.at[j]], sem, add=True)
        pltpu.async_copy(ubuf, acc_d.at[didx.at[j]], sem, add=True)
        pltpu.async_copy(ubuf, acc_s.at[sidx.at[j + 1]], sem, add=True)
        pltpu.async_copy(ubuf, acc_d.at[didx.at[j + 1]], sem, add=True)
        pltpu.async_copy(ubuf, acc_s.at[sidx.at[j + 2]], sem, add=True)
        pltpu.async_copy(ubuf, acc_d.at[didx.at[j + 2]], sem, add=True)
        pltpu.make_async_copy(ubuf, acc_s.at[sidx.at[j]], sem).wait()
        pltpu.make_async_copy(ubuf, acc_d.at[didx.at[j]], sem).wait()
        pltpu.make_async_copy(ubuf, acc_s.at[sidx.at[j + 1]], sem).wait()
        pltpu.make_async_copy(ubuf, acc_d.at[didx.at[j + 1]], sem).wait()
        pltpu.make_async_copy(ubuf, acc_s.at[sidx.at[j + 2]], sem).wait()
        pltpu.make_async_copy(ubuf, acc_d.at[didx.at[j + 2]], sem).wait()

    @pl.when(w < AGG_EXTRA)
    def _():
        pltpu.sync_copy(ubuf, acc_s.at[sidx.at[AGG_BASE]], add=True)
        pltpu.sync_copy(ubuf, acc_d.at[didx.at[AGG_BASE]], add=True)

    plsc.subcore_barrier()

    base = s * ROWS_PER_TILE
    pltpu.sync_copy(acc_s.at[pl.ds(base, ROWS_PER_TILE)],
                    out_hbm.at[pl.ds(c * 2 * N + base, ROWS_PER_TILE)])
    pltpu.sync_copy(acc_d.at[pl.ds(base, ROWS_PER_TILE)],
                    out_hbm.at[pl.ds(c * 2 * N + N + base, ROWS_PER_TILE)])


_deg_call = pl.kernel(
    _deg_body,
    out_type=jax.ShapeDtypeStruct((2 * 2 * N, DEG_W), jnp.float32),
    mesh=_mesh(),
    compiler_params=_sc_params,
    scratch_types=[
        pltpu.VMEM((AGG_BASE + 1, CH), jnp.int32),
        pltpu.VMEM((AGG_BASE + 1, CH), jnp.int32),
        pltpu.VMEM((CH, DEG_W), jnp.float32),
        pltpu.VMEM_SHARED((N, DEG_W), jnp.float32),
        pltpu.VMEM_SHARED((N, DEG_W), jnp.float32),
        pltpu.SemaphoreType.DMA,
    ],
)


def _agg_body(g_hbm, er_hbm, zero_hbm, out_hbm,
              sidx, didx, r0, r1, r2, r3, r4, r5, r6, r7, acc_sh,
              sem_g, sem_s):
    c = lax.axis_index("c")
    s = lax.axis_index("s")
    w = c * NS + s
    rows = [r0, r1, r2, r3, r4, r5, r6, r7]

    pltpu.sync_copy(zero_hbm, acc_sh.at[pl.ds(s * ROWS_PER_TILE, ROWS_PER_TILE)])
    plsc.subcore_barrier()

    pltpu.sync_copy(er_hbm.at[0, pl.ds(w * AGG_BASE, AGG_BASE)],
                    sidx.at[pl.ds(0, AGG_BASE)])
    pltpu.sync_copy(er_hbm.at[1, pl.ds(w * AGG_BASE, AGG_BASE)],
                    didx.at[pl.ds(0, AGG_BASE)])

    @pl.when(w < AGG_EXTRA)
    def _():
        pltpu.sync_copy(er_hbm.at[0, pl.ds(NW * AGG_BASE + w, 1)],
                        sidx.at[pl.ds(AGG_BASE, 1)])
        pltpu.sync_copy(er_hbm.at[1, pl.ds(NW * AGG_BASE + w, 1)],
                        didx.at[pl.ds(AGG_BASE, 1)])

    for t in range(LOOKAHEAD):
        pltpu.async_copy(g_hbm.at[sidx.at[t]], rows[t], sem_g)

    def _wait_scatter(b):
        pltpu.make_async_copy(rows[b], acc_sh.at[didx.at[0]], sem_s).wait()

    def step(j, b, first_octet):
        nb = (b + LOOKAHEAD) % RING
        if first_octet:
            @pl.when(j >= LOOKAHEAD)
            def _():
                _wait_scatter(nb)
        else:
            _wait_scatter(nb)

        @pl.when(j + LOOKAHEAD < AGG_BASE)
        def _():
            pltpu.async_copy(g_hbm.at[sidx.at[j + LOOKAHEAD]], rows[nb], sem_g)

        pltpu.make_async_copy(g_hbm.at[sidx.at[j]], rows[b], sem_g).wait()
        pltpu.async_copy(rows[b], acc_sh.at[didx.at[j]], sem_s, add=True)

    @pl.loop(0, MAIN // RING)
    def _(o):
        for t in range(RING):
            step(o * RING + t, t, first_octet=True)

    for t in range(AGG_BASE - MAIN):
        step(MAIN + t, t, first_octet=False)

    for t in range(LOOKAHEAD):
        _wait_scatter((AGG_BASE - LOOKAHEAD + t) % RING)

    @pl.when(w < AGG_EXTRA)
    def _():
        pltpu.async_copy(g_hbm.at[sidx.at[AGG_BASE]], r0, sem_g).wait()
        pltpu.sync_copy(r0, acc_sh.at[didx.at[AGG_BASE]], add=True)

    plsc.subcore_barrier()

    base = s * ROWS_PER_TILE
    pltpu.sync_copy(acc_sh.at[pl.ds(base, ROWS_PER_TILE)],
                    out_hbm.at[pl.ds(c * N + base, ROWS_PER_TILE)])


_agg_call = pl.kernel(
    _agg_body,
    out_type=jax.ShapeDtypeStruct((2 * N, D), jnp.bfloat16),
    mesh=_mesh(),
    compiler_params=_sc_params,
    scratch_types=[
        pltpu.VMEM((AGG_BASE + 1, CH), jnp.int32),
        pltpu.VMEM((AGG_BASE + 1, CH), jnp.int32),
        pltpu.VMEM((CH, D), jnp.bfloat16),
        pltpu.VMEM((CH, D), jnp.bfloat16),
        pltpu.VMEM((CH, D), jnp.bfloat16),
        pltpu.VMEM((CH, D), jnp.bfloat16),
        pltpu.VMEM((CH, D), jnp.bfloat16),
        pltpu.VMEM((CH, D), jnp.bfloat16),
        pltpu.VMEM((CH, D), jnp.bfloat16),
        pltpu.VMEM((CH, D), jnp.bfloat16),
        pltpu.VMEM_SHARED((N, D), jnp.bfloat16),
        pltpu.SemaphoreType.DMA,
        pltpu.SemaphoreType.DMA,
    ],
)


RB = 2000


def _norm(a_ref, b_ref):
    return lax.rsqrt(a_ref[:, :1] + b_ref[:, :1] + 1.0)


def _norm(a_ref, b_ref):
    return lax.rsqrt(a_ref[:, :1] + b_ref[:, :1] + 1.0)


def _tc1_body(x_ref, ds0_ref, ds1_ref, w_ref, o_ref):
    ns = _norm(ds0_ref, ds1_ref)
    o_ref[...] = jnp.dot(x_ref[...] * ns, w_ref[...],
                         preferred_element_type=jnp.float32).astype(jnp.bfloat16)


def _tc2_body(p_ref, g_ref, dd0_ref, dd1_ref, ds0_ref, ds1_ref, b_ref, w_ref,
              o_ref):
    nd = _norm(dd0_ref, dd1_ref)
    ns = _norm(ds0_ref, ds1_ref)
    h = ((p_ref[0] + p_ref[1]).astype(jnp.float32)
         + g_ref[...].astype(jnp.float32)) * nd + b_ref[...]
    h = jnp.maximum(h, 0.0)
    o_ref[...] = jnp.dot(h * ns, w_ref[...],
                         preferred_element_type=jnp.float32).astype(jnp.bfloat16)


def _tc3_body(p_ref, g_ref, dd0_ref, dd1_ref, b_ref, o_ref):
    nd = _norm(dd0_ref, dd1_ref)
    o_ref[...] = ((p_ref[0] + p_ref[1]).astype(jnp.float32)
                  + g_ref[...].astype(jnp.float32)) * nd + b_ref[...]


def _deg_spec(off):
    return pl.BlockSpec((RB, DEG_W), lambda i, off=off: (i + off, 0))


_NBLOCKS = N // RB
_S0 = 0
_D0 = _NBLOCKS
_S1 = 2 * _NBLOCKS
_D1 = 3 * _NBLOCKS

_mat_spec = pl.BlockSpec((RB, D), lambda i: (i, 0))
_w_spec = pl.BlockSpec((D, D), lambda i: (0, 0))
_b_spec = pl.BlockSpec((1, D), lambda i: (0, 0))
_p_spec = pl.BlockSpec((2, RB, D), lambda i: (0, i, 0))

_tc1 = pl.pallas_call(
    _tc1_body,
    out_shape=jax.ShapeDtypeStruct((N, D), jnp.bfloat16),
    grid=(_NBLOCKS,),
    in_specs=[_mat_spec, _deg_spec(_S0), _deg_spec(_S1), _w_spec],
    out_specs=_mat_spec,
)

_tc2 = pl.pallas_call(
    _tc2_body,
    out_shape=jax.ShapeDtypeStruct((N, D), jnp.bfloat16),
    grid=(_NBLOCKS,),
    in_specs=[_p_spec, _mat_spec, _deg_spec(_D0), _deg_spec(_D1),
              _deg_spec(_S0), _deg_spec(_S1), _b_spec, _w_spec],
    out_specs=_mat_spec,
)

_tc3 = pl.pallas_call(
    _tc3_body,
    out_shape=jax.ShapeDtypeStruct((N, D), jnp.float32),
    grid=(_NBLOCKS,),
    in_specs=[_p_spec, _mat_spec, _deg_spec(_D0), _deg_spec(_D1), _b_spec],
    out_specs=_mat_spec,
)


def kernel(x, edge_index, W1, b1, W2, b2):
    er = edge_index.reshape(2, AGG_ROWS, CH)
    upd = jnp.zeros((CH, DEG_W), jnp.float32).at[:, 0].set(1.0)
    zdeg = jnp.zeros((ROWS_PER_TILE, DEG_W), jnp.float32)
    zagg = jnp.zeros((ROWS_PER_TILE, D), jnp.bfloat16)

    degp = _deg_call(er, upd, zdeg)
    g1 = _tc1(x, degp, degp, W1)
    p1 = _agg_call(g1, er, zagg)
    g2 = _tc2(p1.reshape(2, N, D), g1, degp, degp, degp, degp,
              b1.reshape(1, D), W2)
    p2 = _agg_call(g2, er, zagg)
    out = _tc3(p2.reshape(2, N, D), g2, degp, degp, b2.reshape(1, D))
    return out

# --- scband reference (transcript-rebuilt; emitter-appended) ---
"""Pipeline reference for scband-gnn-47708496724689 (READ-ONLY COPY).

The authoritative reference and input builder live on the scoring server;
editing this copy changes nothing except your own understanding.
"""

import jax, jax.numpy as jnp
import numpy as np

N = 10000
E = 320000
D_IN = 128
D_HID = 128
D_OUT = 128


def setup_inputs(seed: int = 0) -> dict:
    key = jax.random.key(seed)
    k1, k2, k3, k4, k5, k6 = jax.random.split(key, 6)
    x = jax.random.normal(k1, (N, D_IN), dtype=jnp.float32)
    edge_index = jax.random.randint(k2, (2, E), 0, N, dtype=jnp.int32)
    # GraphConv weights (glorot-style scale)
    W1 = jax.random.normal(k3, (D_IN, D_HID), dtype=jnp.float32) * (1.0 / np.sqrt(D_IN))
    b1 = jnp.zeros((D_HID,), dtype=jnp.float32)
    W2 = jax.random.normal(k4, (D_HID, D_OUT), dtype=jnp.float32) * (1.0 / np.sqrt(D_HID))
    b2 = jnp.zeros((D_OUT,), dtype=jnp.float32)
    return {"x": x, "edge_index": edge_index, "W1": W1, "b1": b1, "W2": W2, "b2": b2}


def _graph_conv(x, src, dst, W, b, n):
    # DGL GraphConv with norm='both': D_out^{-1/2} applied to src feats,
    # sum-aggregate over edges, D_in^{-1/2} applied to dst, then linear + bias.
    ones = jnp.ones(src.shape[0], dtype=x.dtype)
    deg_out = jnp.zeros((n,), dtype=x.dtype).at[src].add(ones)
    deg_in = jnpp = None
    deg_in = jnp.zeros((n,), dtype=x.dtype).at[dst].add(ones)
    norm_s = jnp.where(deg_out > 0, jax.lax.rsqrt(jnp.maximum(deg_out, 1e-12)), 0.0)
    norm_d = jnp.where(deg_in > 0, jax.lax.rsqrt(jnp.maximum(deg_in, 1e-12)), 0.0)
    h = x * norm_s[:, None]
    msg = jnp.take(h, src, axis=0)
    agg = jnp.zeros((n, x.shape[1]), dtype=x.dtype).at[dst].add(msg)
    agg = agg * norm_d[:, None]
    return agg @ W + b


def reference(x, edge_index, W1, b1, W2, b2):
    n = x.shape[0]
    # dgl.add_self_loop
    loops = jnp.arange(n, dtype=edge_index.dtype)
    src = jnp.concatenate([edge_index[0], loops])
    dst = jnp.concatenate([edge_index[1], loops])
    h = _graph_conv(x, src, dst, W1, b1, n)
    h = jax.nn.relu(h)
    # dropout: identity in eval mode
    h = _graph_conv(h, src, dst, W2, b2, n)
    return h

if __name__ == "__main__":
    import jax
    _d = setup_inputs()
    print(jax.jit(kernel)(*tuple(_d.values())))

</pallas_src>

<mosaic_0001>
#map = affine_map<(d0, d1) -> (0, 0, 0)>
#map1 = affine_map<(d0, d1) -> (0, 0)>
module attributes {stable_mosaic.version = 14 : i64} {
  func.func @_deg_body(%arg0: i32, %arg1: i32, %arg2: memref<2x2500x128xi32, #tpu.memory_space<hbm>>, %arg3: memref<128x16xf32, #tpu.memory_space<hbm>>, %arg4: memref<625x16xf32, #tpu.memory_space<hbm>>, %arg5: memref<40000x16xf32, #tpu.memory_space<hbm>>, %arg6: memref<79x128xi32, #tpu.memory_space<vmem>>, %arg7: memref<79x128xi32, #tpu.memory_space<vmem>>, %arg8: memref<128x16xf32, #tpu.memory_space<vmem>>, %arg9: memref<10000x16xf32, #tpu.memory_space<vmem_shared>>, %arg10: memref<10000x16xf32, #tpu.memory_space<vmem_shared>>, %arg11: memref<!tpu.dma_semaphore, #tpu.memory_space<semaphore_mem>>) attributes {dimension_semantics = [#tpu.dimension_semantics<core_parallel>, #tpu.dimension_semantics<subcore_parallel>], iteration_bounds = array<i64: 2, 16>, scalar_prefetch = 0 : i64, scratch_operands = 6 : i64, tpu.core_type = #tpu.core_type<sc_vector_subcore>, window_params = [{transform_indices = #map}, {transform_indices = #map1}, {transform_indices = #map1}, {transform_indices = #map1}]} {
    %mul3A = arith.constant 16 : i32
    %mul3A_0 = arith.muli %arg0, %mul3A : i32
    %add3A = arith.addi %mul3A_0, %arg1 : i32
    %mul3A_1 = arith.constant 78 : i32
    %mul3A_2 = arith.muli %add3A, %mul3A_1 : i32
    %run_scoped3A = arith.constant 0 : i32
    "tpu.region"() ({
      %run_scoped3A_36 = tpu.sem_alloc : memref<!tpu.dma_semaphore, #tpu.memory_space<semaphore_mem>>
      %dma_start3A = arith.constant 0 : i32
      %dma_start3A_37 = arith.constant 0 : i32
      %dma_start3A_38 = tpu.memref_slice %arg6[%dma_start3A, %dma_start3A_37] : memref<79x128xi32, #tpu.memory_space<vmem>> -> memref<78x128xi32, #tpu.memory_space<vmem>>
      %dma_start3A_39 = arith.constant 0 : i32
      %dma_start3A_40 = tpu.memref_slice %arg2[%run_scoped3A, %mul3A_2, %dma_start3A_39] : memref<2x2500x128xi32, #tpu.memory_space<hbm>> -> memref<1x78x128xi32, #tpu.memory_space<hbm>>
      %dma_start3A_41 = tpu.memref_squeeze %dma_start3A_40 : memref<1x78x128xi32, #tpu.memory_space<hbm>> -> memref<78x128xi32, #tpu.memory_space<hbm>>
      %dma_start3A_42 = arith.constant 0 : i32
      %dma_start3A_43 = arith.constant 0 : i32
      %dma_start3A_44 = tpu.memref_slice %arg6[%dma_start3A_42, %dma_start3A_43] : memref<79x128xi32, #tpu.memory_space<vmem>> -> memref<78x128xi32, #tpu.memory_space<vmem>>
      %dma_start3A_45 = arith.constant 0 : i32
      %dma_start3A_46 = tpu.memref_slice %arg2[%run_scoped3A, %mul3A_2, %dma_start3A_45] : memref<2x2500x128xi32, #tpu.memory_space<hbm>> -> memref<1x78x128xi32, #tpu.memory_space<hbm>>
      %dma_start3A_47 = tpu.memref_squeeze %dma_start3A_46 : memref<1x78x128xi32, #tpu.memory_space<hbm>> -> memref<78x128xi32, #tpu.memory_space<hbm>>
      tpu.enqueue_dma source(%dma_start3A_47 : memref<78x128xi32, #tpu.memory_space<hbm>>) target(%dma_start3A_44 : memref<78x128xi32, #tpu.memory_space<vmem>>) target_semaphore(%run_scoped3A_36 : memref<!tpu.dma_semaphore, #tpu.memory_space<semaphore_mem>>)
      %dma_wait3A = arith.constant 0 : i32
      %dma_wait3A_48 = arith.constant 0 : i32
      %dma_wait3A_49 = tpu.memref_slice %arg6[%dma_wait3A, %dma_wait3A_48] : memref<79x128xi32, #tpu.memory_space<vmem>> -> memref<78x128xi32, #tpu.memory_space<vmem>>
      %dma_wait3A_50 = arith.constant 0 : i32
      %dma_wait3A_51 = tpu.memref_slice %arg2[%run_scoped3A, %mul3A_2, %dma_wait3A_50] : memref<2x2500x128xi32, #tpu.memory_space<hbm>> -> memref<1x78x128xi32, #tpu.memory_space<hbm>>
      %dma_wait3A_52 = tpu.memref_squeeze %dma_wait3A_51 : memref<1x78x128xi32, #tpu.memory_space<hbm>> -> memref<78x128xi32, #tpu.memory_space<hbm>>
      %dma_wait3A_53 = arith.constant 0 : i32
      %dma_wait3A_54 = arith.constant 0 : i32
      %dma_wait3A_55 = tpu.memref_slice %arg6[%dma_wait3A_53, %dma_wait3A_54] : memref<79x128xi32, #tpu.memory_space<vmem>> -> memref<78x128xi32, #tpu.memory_space<vmem>>
      %dma_wait3A_56 = arith.constant 0 : i32
      %dma_wait3A_57 = tpu.memref_slice %arg2[%run_scoped3A, %mul3A_2, %dma_wait3A_56] : memref<2x2500x128xi32, #tpu.memory_space<hbm>> -> memref<1x78x128xi32, #tpu.memory_space<hbm>>
      %dma_wait3A_58 = tpu.memref_squeeze %dma_wait3A_57 : memref<1x78x128xi32, #tpu.memory_space<hbm>> -> memref<78x128xi32, #tpu.memory_space<hbm>>
      tpu.wait_dma2 semaphore(%run_scoped3A_36 : memref<!tpu.dma_semaphore, #tpu.memory_space<semaphore_mem>>) src(%dma_wait3A_58 : memref<78x128xi32, #tpu.memory_space<hbm>>) dst(%dma_wait3A_55 : memref<78x128xi32, #tpu.memory_space<vmem>>)
      tpu.yield
    }) : () -> ()
    %mul3A_3 = arith.constant 78 : i32
    %mul3A_4 = arith.muli %add3A, %mul3A_3 : i32
    %run_scoped3A_5 = arith.constant 1 : i32
    "tpu.region"() ({
      %run_scoped3A_36 = tpu.sem_alloc : memref<!tpu.dma_semaphore, #tpu.memory_space<semaphore_mem>>
      %dma_start3A = arith.constant 0 : i32
      %dma_start3A_37 = arith.constant 0 : i32
      %dma_start3A_38 = tpu.memref_slice %arg7[%dma_start3A, %dma_start3A_37] : memref<79x128xi32, #tpu.memory_space<vmem>> -> memref<78x128xi32, #tpu.memory_space<vmem>>
      %dma_start3A_39 = arith.constant 0 : i32
      %dma_start3A_40 = tpu.memref_slice %arg2[%run_scoped3A_5, %mul3A_4, %dma_start3A_39] : memref<2x2500x128xi32, #tpu.memory_space<hbm>> -> memref<1x78x128xi32, #tpu.memory_space<hbm>>
      %dma_start3A_41 = tpu.memref_squeeze %dma_start3A_40 : memref<1x78x128xi32, #tpu.memory_space<hbm>> -> memref<78x128xi32, #tpu.memory_space<hbm>>
      %dma_start3A_42 = arith.constant 0 : i32
      %dma_start3A_43 = arith.constant 0 : i32
      %dma_start3A_44 = tpu.memref_slice %arg7[%dma_start3A_42, %dma_start3A_43] : memref<79x128xi32, #tpu.memory_space<vmem>> -> memref<78x128xi32, #tpu.memory_space<vmem>>
      %dma_start3A_45 = arith.constant 0 : i32
      %dma_start3A_46 = tpu.memref_slice %arg2[%run_scoped3A_5, %mul3A_4, %dma_start3A_45] : memref<2x2500x128xi32, #tpu.memory_space<hbm>> -> memref<1x78x128xi32, #tpu.memory_space<hbm>>
      %dma_start3A_47 = tpu.memref_squeeze %dma_start3A_46 : memref<1x78x128xi32, #tpu.memory_space<hbm>> -> memref<78x128xi32, #tpu.memory_space<hbm>>
      tpu.enqueue_dma source(%dma_start3A_47 : memref<78x128xi32, #tpu.memory_space<hbm>>) target(%dma_start3A_44 : memref<78x128xi32, #tpu.memory_space<vmem>>) target_semaphore(%run_scoped3A_36 : memref<!tpu.dma_semaphore, #tpu.memory_space<semaphore_mem>>)
      %dma_wait3A = arith.constant 0 : i32
      %dma_wait3A_48 = arith.constant 0 : i32
      %dma_wait3A_49 = tpu.memref_slice %arg7[%dma_wait3A, %dma_wait3A_48] : memref<79x128xi32, #tpu.memory_space<vmem>> -> memref<78x128xi32, #tpu.memory_space<vmem>>
      %dma_wait3A_50 = arith.constant 0 : i32
      %dma_wait3A_51 = tpu.memref_slice %arg2[%run_scoped3A_5, %mul3A_4, %dma_wait3A_50] : memref<2x2500x128xi32, #tpu.memory_space<hbm>> -> memref<1x78x128xi32, #tpu.memory_space<hbm>>
      %dma_wait3A_52 = tpu.memref_squeeze %dma_wait3A_51 : memref<1x78x128xi32, #tpu.memory_space<hbm>> -> memref<78x128xi32, #tpu.memory_space<hbm>>
      %dma_wait3A_53 = arith.constant 0 : i32
      %dma_wait3A_54 = arith.constant 0 : i32
      %dma_wait3A_55 = tpu.memref_slice %arg7[%dma_wait3A_53, %dma_wait3A_54] : memref<79x128xi32, #tpu.memory_space<vmem>> -> memref<78x128xi32, #tpu.memory_space<vmem>>
      %dma_wait3A_56 = arith.constant 0 : i32
      %dma_wait3A_57 = tpu.memref_slice %arg2[%run_scoped3A_5, %mul3A_4, %dma_wait3A_56] : memref<2x2500x128xi32, #tpu.memory_space<hbm>> -> memref<1x78x128xi32, #tpu.memory_space<hbm>>
      %dma_wait3A_58 = tpu.memref_squeeze %dma_wait3A_57 : memref<1x78x128xi32, #tpu.memory_space<hbm>> -> memref<78x128xi32, #tpu.memory_space<hbm>>
      tpu.wait_dma2 semaphore(%run_scoped3A_36 : memref<!tpu.dma_semaphore, #tpu.memory_space<semaphore_mem>>) src(%dma_wait3A_58 : memref<78x128xi32, #tpu.memory_space<hbm>>) dst(%dma_wait3A_55 : memref<78x128xi32, #tpu.memory_space<vmem>>)
      tpu.yield
    }) : () -> ()
    %lt3A = arith.constant 4 : i32
    %lt3A_6 = arith.cmpi slt, %add3A, %lt3A : i32
    %convert_element_type3A = arith.extui %lt3A_6 : i1 to i32
    %cond3A = arith.constant 0 : i32
    %cond3A_7 = arith.cmpi ne, %convert_element_type3A, %cond3A : i32
    scf.if %cond3A_7 {
      %add3A_36 = arith.constant 2496 : i32
      %add3A_37 = arith.addi %add3A_36, %add3A : i32
      %run_scoped3A_38 = arith.constant 0 : i32
      "tpu.region"() ({
        %run_scoped3A_42 = tpu.sem_alloc : memref<!tpu.dma_semaphore, #tpu.memory_space<semaphore_mem>>
        %dma_start3A = arith.constant 78 : i32
        %dma_start3A_43 = arith.constant 0 : i32
        %dma_start3A_44 = tpu.memref_slice %arg6[%dma_start3A, %dma_start3A_43] : memref<79x128xi32, #tpu.memory_space<vmem>> -> memref<1x128xi32, #tpu.memory_space<vmem>>
        %dma_start3A_45 = arith.constant 0 : i32
        %dma_start3A_46 = tpu.memref_slice %arg2[%run_scoped3A_38, %add3A_37, %dma_start3A_45] : memref<2x2500x128xi32, #tpu.memory_space<hbm>> -> memref<1x1x128xi32, #tpu.memory_space<hbm>>
        %dma_start3A_47 = tpu.memref_squeeze %dma_start3A_46 : memref<1x1x128xi32, #tpu.memory_space<hbm>> -> memref<1x128xi32, #tpu.memory_space<hbm>>
        %dma_start3A_48 = arith.constant 78 : i32
        %dma_start3A_49 = arith.constant 0 : i32
        %dma_start3A_50 = tpu.memref_slice %arg6[%dma_start3A_48, %dma_start3A_49] : memref<79x128xi32, #tpu.memory_space<vmem>> -> memref<1x128xi32, #tpu.memory_space<vmem>>
        %dma_start3A_51 = arith.constant 0 : i32
        %dma_start3A_52 = tpu.memref_slice %arg2[%run_scoped3A_38, %add3A_37, %dma_start3A_51] : memref<2x2500x128xi32, #tpu.memory_space<hbm>> -> memref<1x1x128xi32, #tpu.memory_space<hbm>>
        %dma_start3A_53 = tpu.memref_squeeze %dma_start3A_52 : memref<1x1x128xi32, #tpu.memory_space<hbm>> -> memref<1x128xi32, #tpu.memory_space<hbm>>
        tpu.enqueue_dma source(%dma_start3A_53 : memref<1x128xi32, #tpu.memory_space<hbm>>) target(%dma_start3A_50 : memref<1x128xi32, #tpu.memory_space<vmem>>) target_semaphore(%run_scoped3A_42 : memref<!tpu.dma_semaphore, #tpu.memory_space<semaphore_mem>>)
        %dma_wait3A = arith.constant 78 : i32
        %dma_wait3A_54 = arith.constant 0 : i32
        %dma_wait3A_55 = tpu.memref_slice %arg6[%dma_wait3A, %dma_wait3A_54] : memref<79x128xi32, #tpu.memory_space<vmem>> -> memref<1x128xi32, #tpu.memory_space<vmem>>
        %dma_wait3A_56 = arith.constant 0 : i32
        %dma_wait3A_57 = tpu.memref_slice %arg2[%run_scoped3A_38, %add3A_37, %dma_wait3A_56] : memref<2x2500x128xi32, #tpu.memory_space<hbm>> -> memref<1x1x128xi32, #tpu.memory_space<hbm>>
        %dma_wait3A_58 = tpu.memref_squeeze %dma_wait3A_57 : memref<1x1x128xi32, #tpu.memory_space<hbm>> -> memref<1x128xi32, #tpu.memory_space<hbm>>
        %dma_wait3A_59 = arith.constant 78 : i32
        %dma_wait3A_60 = arith.constant 0 : i32
        %dma_wait3A_61 = tpu.memref_slice %arg6[%dma_wait3A_59, %dma_wait3A_60] : memref<79x128xi32, #tpu.memory_space<vmem>> -> memref<1x128xi32, #tpu.memory_space<vmem>>
        %dma_wait3A_62 = arith.constant 0 : i32
        %dma_wait3A_63 = tpu.memref_slice %arg2[%run_scoped3A_38, %add3A_37, %dma_wait3A_62] : memref<2x2500x128xi32, #tpu.memory_space<hbm>> -> memref<1x1x128xi32, #tpu.memory_space<hbm>>
        %dma_wait3A_64 = tpu.memref_squeeze %dma_wait3A_63 : memref<1x1x128xi32, #tpu.memory_space<hbm>> -> memref<1x128xi32, #tpu.memory_space<hbm>>
        tpu.wait_dma2 semaphore(%run_scoped3A_42 : memref<!tpu.dma_semaphore, #tpu.memory_space<semaphore_mem>>) src(%dma_wait3A_64 : memref<1x128xi32, #tpu.memory_space<hbm>>) dst(%dma_wait3A_61 : memref<1x128xi32, #tpu.memory_space<vmem>>)
        tpu.yield
      }) : () -> ()
      %add3A_39 = arith.constant 2496 : i32
      %add3A_40 = arith.addi %add3A_39, %add3A : i32
      %run_scoped3A_41 = arith.constant 1 : i32
      "tpu.region"() ({
        %run_scoped3A_42 = tpu.sem_alloc : memref<!tpu.dma_semaphore, #tpu.memory_space<semaphore_mem>>
        %dma_start3A = arith.constant 78 : i32
        %dma_start3A_43 = arith.constant 0 : i32
        %dma_start3A_44 = tpu.memref_slice %arg7[%dma_start3A, %dma_start3A_43] : memref<79x128xi32, #tpu.memory_space<vmem>> -> memref<1x128xi32, #tpu.memory_space<vmem>>
        %dma_start3A_45 = arith.constant 0 : i32
        %dma_start3A_46 = tpu.memref_slice %arg2[%run_scoped3A_41, %add3A_40, %dma_start3A_45] : memref<2x2500x128xi32, #tpu.memory_space<hbm>> -> memref<1x1x128xi32, #tpu.memory_space<hbm>>
        %dma_start3A_47 = tpu.memref_squeeze %dma_start3A_46 : memref<1x1x128xi32, #tpu.memory_space<hbm>> -> memref<1x128xi32, #tpu.memory_space<hbm>>
        %dma_start3A_48 = arith.constant 78 : i32
        %dma_start3A_49 = arith.constant 0 : i32
        %dma_start3A_50 = tpu.memref_slice %arg7[%dma_start3A_48, %dma_start3A_49] : memref<79x128xi32, #tpu.memory_space<vmem>> -> memref<1x128xi32, #tpu.memory_space<vmem>>
        %dma_start3A_51 = arith.constant 0 : i32
        %dma_start3A_52 = tpu.memref_slice %arg2[%run_scoped3A_41, %add3A_40, %dma_start3A_51] : memref<2x2500x128xi32, #tpu.memory_space<hbm>> -> memref<1x1x128xi32, #tpu.memory_space<hbm>>
        %dma_start3A_53 = tpu.memref_squeeze %dma_start3A_52 : memref<1x1x128xi32, #tpu.memory_space<hbm>> -> memref<1x128xi32, #tpu.memory_space<hbm>>
        tpu.enqueue_dma source(%dma_start3A_53 : memref<1x128xi32, #tpu.memory_space<hbm>>) target(%dma_start3A_50 : memref<1x128xi32, #tpu.memory_space<vmem>>) target_semaphore(%run_scoped3A_42 : memref<!tpu.dma_semaphore, #tpu.memory_space<semaphore_mem>>)
        %dma_wait3A = arith.constant 78 : i32
        %dma_wait3A_54 = arith.constant 0 : i32
        %dma_wait3A_55 = tpu.memref_slice %arg7[%dma_wait3A, %dma_wait3A_54] : memref<79x128xi32, #tpu.memory_space<vmem>> -> memref<1x128xi32, #tpu.memory_space<vmem>>
        %dma_wait3A_56 = arith.constant 0 : i32
        %dma_wait3A_57 = tpu.memref_slice %arg2[%run_scoped3A_41, %add3A_40, %dma_wait3A_56] : memref<2x2500x128xi32, #tpu.memory_space<hbm>> -> memref<1x1x128xi32, #tpu.memory_space<hbm>>
        %dma_wait3A_58 = tpu.memref_squeeze %dma_wait3A_57 : memref<1x1x128xi32, #tpu.memory_space<hbm>> -> memref<1x128xi32, #tpu.memory_space<hbm>>
        %dma_wait3A_59 = arith.constant 78 : i32
        %dma_wait3A_60 = arith.constant 0 : i32
        %dma_wait3A_61 = tpu.memref_slice %arg7[%dma_wait3A_59, %dma_wait3A_60] : memref<79x128xi32, #tpu.memory_space<vmem>> -> memref<1x128xi32, #tpu.memory_space<vmem>>
        %dma_wait3A_62 = arith.constant 0 : i32
        %dma_wait3A_63 = tpu.memref_slice %arg2[%run_scoped3A_41, %add3A_40, %dma_wait3A_62] : memref<2x2500x128xi32, #tpu.memory_space<hbm>> -> memref<1x1x128xi32, #tpu.memory_space<hbm>>
        %dma_wait3A_64 = tpu.memref_squeeze %dma_wait3A_63 : memref<1x1x128xi32, #tpu.memory_space<hbm>> -> memref<1x128xi32, #tpu.memory_space<hbm>>
        tpu.wait_dma2 semaphore(%run_scoped3A_42 : memref<!tpu.dma_semaphore, #tpu.memory_space<semaphore_mem>>) src(%dma_wait3A_64 : memref<1x128xi32, #tpu.memory_space<hbm>>) dst(%dma_wait3A_61 : memref<1x128xi32, #tpu.memory_space<vmem>>)
        tpu.yield
      }) : () -> ()
    } else {
    }
    "tpu.region"() ({
      %run_scoped3A_36 = tpu.sem_alloc : memref<!tpu.dma_semaphore, #tpu.memory_space<semaphore_mem>>
      tpu.enqueue_dma source(%arg3 : memref<128x16xf32, #tpu.memory_space<hbm>>) target(%arg8 : memref<128x16xf32, #tpu.memory_space<vmem>>) target_semaphore(%run_scoped3A_36 : memref<!tpu.dma_semaphore, #tpu.memory_space<semaphore_mem>>)
      tpu.wait_dma2 semaphore(%run_scoped3A_36 : memref<!tpu.dma_semaphore, #tpu.memory_space<semaphore_mem>>) src(%arg3 : memref<128x16xf32, #tpu.memory_space<hbm>>) dst(%arg8 : memref<128x16xf32, #tpu.memory_space<vmem>>)
      tpu.yield
    }) : () -> ()
    %mul3A_8 = arith.constant 625 : i32
    %mul3A_9 = arith.muli %arg1, %mul3A_8 : i32
    "tpu.region"() ({
      %run_scoped3A_36 = tpu.sem_alloc : memref<!tpu.dma_semaphore, #tpu.memory_space<semaphore_mem>>
      %dma_start3A = arith.constant 0 : i32
      %dma_start3A_37 = tpu.memref_slice %arg9[%mul3A_9, %dma_start3A] : memref<10000x16xf32, #tpu.memory_space<vmem_shared>> -> memref<625x16xf32, #tpu.memory_space<vmem_shared>>
      tpu.enqueue_dma source(%arg4 : memref<625x16xf32, #tpu.memory_space<hbm>>) target(%dma_start3A_37 : memref<625x16xf32, #tpu.memory_space<vmem_shared>>) target_semaphore(%run_scoped3A_36 : memref<!tpu.dma_semaphore, #tpu.memory_space<semaphore_mem>>)
      %dma_wait3A = arith.constant 0 : i32
      %dma_wait3A_38 = tpu.memref_slice %arg9[%mul3A_9, %dma_wait3A] : memref<10000x16xf32, #tpu.memory_space<vmem_shared>> -> memref<625x16xf32, #tpu.memory_space<vmem_shared>>
      tpu.wait_dma2 semaphore(%run_scoped3A_36 : memref<!tpu.dma_semaphore, #tpu.memory_space<semaphore_mem>>) src(%arg4 : memref<625x16xf32, #tpu.memory_space<hbm>>) dst(%dma_wait3A_38 : memref<625x16xf32, #tpu.memory_space<vmem_shared>>)
      tpu.yield
    }) : () -> ()
    %mul3A_10 = arith.constant 625 : i32
    %mul3A_11 = arith.muli %arg1, %mul3A_10 : i32
    "tpu.region"() ({
      %run_scoped3A_36 = tpu.sem_alloc : memref<!tpu.dma_semaphore, #tpu.memory_space<semaphore_mem>>
      %dma_start3A = arith.constant 0 : i32
      %dma_start3A_37 = tpu.memref_slice %arg10[%mul3A_11, %dma_start3A] : memref<10000x16xf32, #tpu.memory_space<vmem_shared>> -> memref<625x16xf32, #tpu.memory_space<vmem_shared>>
      tpu.enqueue_dma source(%arg4 : memref<625x16xf32, #tpu.memory_space<hbm>>) target(%dma_start3A_37 : memref<625x16xf32, #tpu.memory_space<vmem_shared>>) target_semaphore(%run_scoped3A_36 : memref<!tpu.dma_semaphore, #tpu.memory_space<semaphore_mem>>)
      %dma_wait3A = arith.constant 0 : i32
      %dma_wait3A_38 = tpu.memref_slice %arg10[%mul3A_11, %dma_wait3A] : memref<10000x16xf32, #tpu.memory_space<vmem_shared>> -> memref<625x16xf32, #tpu.memory_space<vmem_shared>>
      tpu.wait_dma2 semaphore(%run_scoped3A_36 : memref<!tpu.dma_semaphore, #tpu.memory_space<semaphore_mem>>) src(%arg4 : memref<625x16xf32, #tpu.memory_space<hbm>>) dst(%dma_wait3A_38 : memref<625x16xf32, #tpu.memory_space<vmem_shared>>)
      tpu.yield
    }) : () -> ()
    %barrier3A = arith.constant 0 : index
    tpu.barrier barrier_id(%barrier3A)
    %scan3A = arith.constant 0 : i32
    %scan3A_12 = arith.constant 26 : i32
    %scan3A_13 = arith.addi %scan3A, %scan3A_12 : i32
    %scan3A_14 = arith.constant 1 : i32
    scf.for %scan3A_36 = %scan3A to %scan3A_13 step %scan3A_14  : i32 {
      %mul3A_37 = arith.constant 1 : i32
      %mul3A_38 = arith.muli %scan3A_36, %mul3A_37 : i32
      %add3A_39 = arith.constant 0 : i32
      %add3A_40 = arith.addi %add3A_39, %mul3A_38 : i32
      %mul3A_41 = arith.constant 3 : i32
      %mul3A_42 = arith.muli %add3A_40, %mul3A_41 : i32
      %dma_start3A = arith.constant 0 : i32
      %dma_start3A_43 = tpu.memref_slice %arg6[%mul3A_42, %dma_start3A] : memref<79x128xi32, #tpu.memory_space<vmem>> -> memref<1x128xi32, #tpu.memory_space<vmem>>
      %dma_start3A_44 = tpu.memref_squeeze %dma_start3A_43 : memref<1x128xi32, #tpu.memory_space<vmem>> -> memref<128xi32, #tpu.memory_space<vmem>>
      %dma_start3A_45 = arith.constant 0 : i32
      %dma_start3A_46 = arith.constant 0 : i32
      %dma_start3A_47 = tpu.memref_slice %arg9[%dma_start3A_45, %dma_start3A_46] : memref<10000x16xf32, #tpu.memory_space<vmem_shared>> -> memref<10000x16xf32, #tpu.memory_space<vmem_shared>>
      tpu.enqueue_indirect_dma source(%arg8 : memref<128x16xf32, #tpu.memory_space<vmem>>) target(%dma_start3A_47 : memref<10000x16xf32, #tpu.memory_space<vmem_shared>>) offsets(%dma_start3A_44 : memref<128xi32, #tpu.memory_space<vmem>>) semaphore(%arg11 : memref<!tpu.dma_semaphore, #tpu.memory_space<semaphore_mem>>) {add = true}
      %dma_start3A_48 = arith.constant 0 : i32
      %dma_start3A_49 = tpu.memref_slice %arg7[%mul3A_42, %dma_start3A_48] : memref<79x128xi32, #tpu.memory_space<vmem>> -> memref<1x128xi32, #tpu.memory_space<vmem>>
      %dma_start3A_50 = tpu.memref_squeeze %dma_start3A_49 : memref<1x128xi32, #tpu.memory_space<vmem>> -> memref<128xi32, #tpu.memory_space<vmem>>
      %dma_start3A_51 = arith.constant 0 : i32
      %dma_start3A_52 = arith.constant 0 : i32
      %dma_start3A_53 = tpu.memref_slice %arg10[%dma_start3A_51, %dma_start3A_52] : memref<10000x16xf32, #tpu.memory_space<vmem_shared>> -> memref<10000x16xf32, #tpu.memory_space<vmem_shared>>
      tpu.enqueue_indirect_dma source(%arg8 : memref<128x16xf32, #tpu.memory_space<vmem>>) target(%dma_start3A_53 : memref<10000x16xf32, #tpu.memory_space<vmem_shared>>) offsets(%dma_start3A_50 : memref<128xi32, #tpu.memory_space<vmem>>) semaphore(%arg11 : memref<!tpu.dma_semaphore, #tpu.memory_space<semaphore_mem>>) {add = true}
      %add3A_54 = arith.constant 1 : i32
      %add3A_55 = arith.addi %mul3A_42, %add3A_54 : i32
      %dma_start3A_56 = arith.constant 0 : i32
      %dma_start3A_57 = tpu.memref_slice %arg6[%add3A_55, %dma_start3A_56] : memref<79x128xi32, #tpu.memory_space<vmem>> -> memref<1x128xi32, #tpu.memory_space<vmem>>
      %dma_start3A_58 = tpu.memref_squeeze %dma_start3A_57 : memref<1x128xi32, #tpu.memory_space<vmem>> -> memref<128xi32, #tpu.memory_space<vmem>>
      %dma_start3A_59 = arith.constant 0 : i32
      %dma_start3A_60 = arith.constant 0 : i32
      %dma_start3A_61 = tpu.memref_slice %arg9[%dma_start3A_59, %dma_start3A_60] : memref<10000x16xf32, #tpu.memory_space<vmem_shared>> -> memref<10000x16xf32, #tpu.memory_space<vmem_shared>>
      tpu.enqueue_indirect_dma source(%arg8 : memref<128x16xf32, #tpu.memory_space<vmem>>) target(%dma_start3A_61 : memref<10000x16xf32, #tpu.memory_space<vmem_shared>>) offsets(%dma_start3A_58 : memref<128xi32, #tpu.memory_space<vmem>>) semaphore(%arg11 : memref<!tpu.dma_semaphore, #tpu.memory_space<semaphore_mem>>) {add = true}
      %add3A_62 = arith.constant 1 : i32
      %add3A_63 = arith.addi %mul3A_42, %add3A_62 : i32
      %dma_start3A_64 = arith.constant 0 : i32
      %dma_start3A_65 = tpu.memref_slice %arg7[%add3A_63, %dma_start3A_64] : memref<79x128xi32, #tpu.memory_space<vmem>> -> memref<1x128xi32, #tpu.memory_space<vmem>>
      %dma_start3A_66 = tpu.memref_squeeze %dma_start3A_65 : memref<1x128xi32, #tpu.memory_space<vmem>> -> memref<128xi32, #tpu.memory_space<vmem>>
      %dma_start3A_67 = arith.constant 0 : i32
      %dma_start3A_68 = arith.constant 0 : i32
      %dma_start3A_69 = tpu.memref_slice %arg10[%dma_start3A_67, %dma_start3A_68] : memref<10000x16xf32, #tpu.memory_space<vmem_shared>> -> memref<10000x16xf32, #tpu.memory_space<vmem_shared>>
      tpu.enqueue_indirect_dma source(%arg8 : memref<128x16xf32, #tpu.memory_space<vmem>>) target(%dma_start3A_69 : memref<10000x16xf32, #tpu.memory_space<vmem_shared>>) offsets(%dma_start3A_66 : memref<128xi32, #tpu.memory_space<vmem>>) semaphore(%arg11 : memref<!tpu.dma_semaphore, #tpu.memory_space<semaphore_mem>>) {add = true}
      %add3A_70 = arith.constant 2 : i32
      %add3A_71 = arith.addi %mul3A_42, %add3A_70 : i32
      %dma_start3A_72 = arith.constant 0 : i32
      %dma_start3A_73 = tpu.memref_slice %arg6[%add3A_71, %dma_start3A_72] : memref<79x128xi32, #tpu.memory_space<vmem>> -> memref<1x128xi32, #tpu.memory_space<vmem>>
      %dma_start3A_74 = tpu.memref_squeeze %dma_start3A_73 : memref<1x128xi32, #tpu.memory_space<vmem>> -> memref<128xi32, #tpu.memory_space<vmem>>
      %dma_start3A_75 = arith.constant 0 : i32
      %dma_start3A_76 = arith.constant 0 : i32
      %dma_start3A_77 = tpu.memref_slice %arg9[%dma_start3A_75, %dma_start3A_76] : memref<10000x16xf32, #tpu.memory_space<vmem_shared>> -> memref<10000x16xf32, #tpu.memory_space<vmem_shared>>
      tpu.enqueue_indirect_dma source(%arg8 : memref<128x16xf32, #tpu.memory_space<vmem>>) target(%dma_start3A_77 : memref<10000x16xf32, #tpu.memory_space<vmem_shared>>) offsets(%dma_start3A_74 : memref<128xi32, #tpu.memory_space<vmem>>) semaphore(%arg11 : memref<!tpu.dma_semaphore, #tpu.memory_space<semaphore_mem>>) {add = true}
      %add3A_78 = arith.constant 2 : i32
      %add3A_79 = arith.addi %mul3A_42, %add3A_78 : i32
      %dma_start3A_80 = arith.constant 0 : i32
      %dma_start3A_81 = tpu.memref_slice %arg7[%add3A_79, %dma_start3A_80] : memref<79x128xi32, #tpu.memory_space<vmem>> -> memref<1x128xi32, #tpu.memory_space<vmem>>
      %dma_start3A_82 = tpu.memref_squeeze %dma_start3A_81 : memref<1x128xi32, #tpu.memory_space<vmem>> -> memref<128xi32, #tpu.memory_space<vmem>>
      %dma_start3A_83 = arith.constant 0 : i32
      %dma_start3A_84 = arith.constant 0 : i32
      %dma_start3A_85 = tpu.memref_slice %arg10[%dma_start3A_83, %dma_start3A_84] : memref<10000x16xf32, #tpu.memory_space<vmem_shared>> -> memref<10000x16xf32, #tpu.memory_space<vmem_shared>>
      tpu.enqueue_indirect_dma source(%arg8 : memref<128x16xf32, #tpu.memory_space<vmem>>) target(%dma_start3A_85 : memref<10000x16xf32, #tpu.memory_space<vmem_shared>>) offsets(%dma_start3A_82 : memref<128xi32, #tpu.memory_space<vmem>>) semaphore(%arg11 : memref<!tpu.dma_semaphore, #tpu.memory_space<semaphore_mem>>) {add = true}
      %dma_wait3A = arith.constant 0 : i32
      %dma_wait3A_86 = tpu.memref_slice %arg6[%mul3A_42, %dma_wait3A] : memref<79x128xi32, #tpu.memory_space<vmem>> -> memref<1x128xi32, #tpu.memory_space<vmem>>
      %dma_wait3A_87 = tpu.memref_squeeze %dma_wait3A_86 : memref<1x128xi32, #tpu.memory_space<vmem>> -> memref<128xi32, #tpu.memory_space<vmem>>
      %dma_wait3A_88 = arith.constant 0 : i32
      %dma_wait3A_89 = arith.constant 0 : i32
      %dma_wait3A_90 = tpu.memref_slice %arg9[%dma_wait3A_88, %dma_wait3A_89] : memref<10000x16xf32, #tpu.memory_space<vmem_shared>> -> memref<10000x16xf32, #tpu.memory_space<vmem_shared>>
      tpu.wait_indirect_dma semaphore(%arg11 : memref<!tpu.dma_semaphore, #tpu.memory_space<semaphore_mem>>) src(%arg8 : memref<128x16xf32, #tpu.memory_space<vmem>>) dst(%dma_wait3A_90 : memref<10000x16xf32, #tpu.memory_space<vmem_shared>>)
      %dma_wait3A_91 = arith.constant 0 : i32
      %dma_wait3A_92 = tpu.memref_slice %arg7[%mul3A_42, %dma_wait3A_91] : memref<79x128xi32, #tpu.memory_space<vmem>> -> memref<1x128xi32, #tpu.memory_space<vmem>>
      %dma_wait3A_93 = tpu.memref_squeeze %dma_wait3A_92 : memref<1x128xi32, #tpu.memory_space<vmem>> -> memref<128xi32, #tpu.memory_space<vmem>>
      %dma_wait3A_94 = arith.constant 0 : i32
      %dma_wait3A_95 = arith.constant 0 : i32
      %dma_wait3A_96 = tpu.memref_slice %arg10[%dma_wait3A_94, %dma_wait3A_95] : memref<10000x16xf32, #tpu.memory_space<vmem_shared>> -> memref<10000x16xf32, #tpu.memory_space<vmem_shared>>
      tpu.wait_indirect_dma semaphore(%arg11 : memref<!tpu.dma_semaphore, #tpu.memory_space<semaphore_mem>>) src(%arg8 : memref<128x16xf32, #tpu.memory_space<vmem>>) dst(%dma_wait3A_96 : memref<10000x16xf32, #tpu.memory_space<vmem_shared>>)
      %add3A_97 = arith.constant 1 : i32
      %add3A_98 = arith.addi %mul3A_42, %add3A_97 : i32
      %dma_wait3A_99 = arith.constant 0 : i32
      %dma_wait3A_100 = tpu.memref_slice %arg6[%add3A_98, %dma_wait3A_99] : memref<79x128xi32, #tpu.memory_space<vmem>> -> memref<1x128xi32, #tpu.memory_space<vmem>>
      %dma_wait3A_101 = tpu.memref_squeeze %dma_wait3A_100 : memref<1x128xi32, #tpu.memory_space<vmem>> -> memref<128xi32, #tpu.memory_space<vmem>>
      %dma_wait3A_102 = arith.constant 0 : i32
      %dma_wait3A_103 = arith.constant 0 : i32
      %dma_wait3A_104 = tpu.memref_slice %arg9[%dma_wait3A_102, %dma_wait3A_103] : memref<10000x16xf32, #tpu.memory_space<vmem_shared>> -> memref<10000x16xf32, #tpu.memory_space<vmem_shared>>
      tpu.wait_indirect_dma semaphore(%arg11 : memref<!tpu.dma_semaphore, #tpu.memory_space<semaphore_mem>>) src(%arg8 : memref<128x16xf32, #tpu.memory_space<vmem>>) dst(%dma_wait3A_104 : memref<10000x16xf32, #tpu.memory_space<vmem_shared>>)
      %add3A_105 = arith.constant 1 : i32
      %add3A_106 = arith.addi %mul3A_42, %add3A_105 : i32
      %dma_wait3A_107 = arith.constant 0 : i32
      %dma_wait3A_108 = tpu.memref_slice %arg7[%add3A_106, %dma_wait3A_107] : memref<79x128xi32, #tpu.memory_space<vmem>> -> memref<1x128xi32, #tpu.memory_space<vmem>>
      %dma_wait3A_109 = tpu.memref_squeeze %dma_wait3A_108 : memref<1x128xi32, #tpu.memory_space<vmem>> -> memref<128xi32, #tpu.memory_space<vmem>>
      %dma_wait3A_110 = arith.constant 0 : i32
      %dma_wait3A_111 = arith.constant 0 : i32
      %dma_wait3A_112 = tpu.memref_slice %arg10[%dma_wait3A_110, %dma_wait3A_111] : memref<10000x16xf32, #tpu.memory_space<vmem_shared>> -> memref<10000x16xf32, #tpu.memory_space<vmem_shared>>
      tpu.wait_indirect_dma semaphore(%arg11 : memref<!tpu.dma_semaphore, #tpu.memory_space<semaphore_mem>>) src(%arg8 : memref<128x16xf32, #tpu.memory_space<vmem>>) dst(%dma_wait3A_112 : memref<10000x16xf32, #tpu.memory_space<vmem_shared>>)
      %add3A_113 = arith.constant 2 : i32
      %add3A_114 = arith.addi %mul3A_42, %add3A_113 : i32
      %dma_wait3A_115 = arith.constant 0 : i32
      %dma_wait3A_116 = tpu.memref_slice %arg6[%add3A_114, %dma_wait3A_115] : memref<79x128xi32, #tpu.memory_space<vmem>> -> memref<1x128xi32, #tpu.memory_space<vmem>>
      %dma_wait3A_117 = tpu.memref_squeeze %dma_wait3A_116 : memref<1x128xi32, #tpu.memory_space<vmem>> -> memref<128xi32, #tpu.memory_space<vmem>>
      %dma_wait3A_118 = arith.constant 0 : i32
      %dma_wait3A_119 = arith.constant 0 : i32
      %dma_wait3A_120 = tpu.memref_slice %arg9[%dma_wait3A_118, %dma_wait3A_119] : memref<10000x16xf32, #tpu.memory_space<vmem_shared>> -> memref<10000x16xf32, #tpu.memory_space<vmem_shared>>
      tpu.wait_indirect_dma semaphore(%arg11 : memref<!tpu.dma_semaphore, #tpu.memory_space<semaphore_mem>>) src(%arg8 : memref<128x16xf32, #tpu.memory_space<vmem>>) dst(%dma_wait3A_120 : memref<10000x16xf32, #tpu.memory_space<vmem_shared>>)
      %add3A_121 = arith.constant 2 : i32
      %add3A_122 = arith.addi %mul3A_42, %add3A_121 : i32
      %dma_wait3A_123 = arith.constant 0 : i32
      %dma_wait3A_124 = tpu.memref_slice %arg7[%add3A_122, %dma_wait3A_123] : memref<79x128xi32, #tpu.memory_space<vmem>> -> memref<1x128xi32, #tpu.memory_space<vmem>>
      %dma_wait3A_125 = tpu.memref_squeeze %dma_wait3A_124 : memref<1x128xi32, #tpu.memory_space<vmem>> -> memref<128xi32, #tpu.memory_space<vmem>>
      %dma_wait3A_126 = arith.constant 0 : i32
      %dma_wait3A_127 = arith.constant 0 : i32
      %dma_wait3A_128 = tpu.memref_slice %arg10[%dma_wait3A_126, %dma_wait3A_127] : memref<10000x16xf32, #tpu.memory_space<vmem_shared>> -> memref<10000x16xf32, #tpu.memory_space<vmem_shared>>
      tpu.wait_indirect_dma semaphore(%arg11 : memref<!tpu.dma_semaphore, #tpu.memory_space<semaphore_mem>>) src(%arg8 : memref<128x16xf32, #tpu.memory_space<vmem>>) dst(%dma_wait3A_128 : memref<10000x16xf32, #tpu.memory_space<vmem_shared>>)
    }
    %scan3A_15 = arith.constant 26 : i32
    %lt3A_16 = arith.constant 4 : i32
    %lt3A_17 = arith.cmpi slt, %add3A, %lt3A_16 : i32
    %convert_element_type3A_18 = arith.extui %lt3A_17 : i1 to i32
    %cond3A_19 = arith.constant 0 : i32
    %cond3A_20 = arith.cmpi ne, %convert_element_type3A_18, %cond3A_19 : i32
    scf.if %cond3A_20 {
      %run_scoped3A_36 = arith.constant 78 : i32
      "tpu.region"() ({
        %run_scoped3A_38 = tpu.sem_alloc : memref<!tpu.dma_semaphore, #tpu.memory_space<semaphore_mem>>
        %dma_start3A = arith.constant 0 : i32
        %dma_start3A_39 = tpu.memref_slice %arg6[%run_scoped3A_36, %dma_start3A] : memref<79x128xi32, #tpu.memory_space<vmem>> -> memref<1x128xi32, #tpu.memory_space<vmem>>
        %dma_start3A_40 = tpu.memref_squeeze %dma_start3A_39 : memref<1x128xi32, #tpu.memory_space<vmem>> -> memref<128xi32, #tpu.memory_space<vmem>>
        %dma_start3A_41 = arith.constant 0 : i32
        %dma_start3A_42 = arith.constant 0 : i32
        %dma_start3A_43 = tpu.memref_slice %arg9[%dma_start3A_41, %dma_start3A_42] : memref<10000x16xf32, #tpu.memory_space<vmem_shared>> -> memref<10000x16xf32, #tpu.memory_space<vmem_shared>>
        tpu.enqueue_indirect_dma source(%arg8 : memref<128x16xf32, #tpu.memory_space<vmem>>) target(%dma_start3A_43 : memref<10000x16xf32, #tpu.memory_space<vmem_shared>>) offsets(%dma_start3A_40 : memref<128xi32, #tpu.memory_space<vmem>>) semaphore(%run_scoped3A_38 : memref<!tpu.dma_semaphore, #tpu.memory_space<semaphore_mem>>) {add = true}
        %dma_wait3A = arith.constant 0 : i32
        %dma_wait3A_44 = tpu.memref_slice %arg6[%run_scoped3A_36, %dma_wait3A] : memref<79x128xi32, #tpu.memory_space<vmem>> -> memref<1x128xi32, #tpu.memory_space<vmem>>
        %dma_wait3A_45 = tpu.memref_squeeze %dma_wait3A_44 : memref<1x128xi32, #tpu.memory_space<vmem>> -> memref<128xi32, #tpu.memory_space<vmem>>
        %dma_wait3A_46 = arith.constant 0 : i32
        %dma_wait3A_47 = arith.constant 0 : i32
        %dma_wait3A_48 = tpu.memref_slice %arg9[%dma_wait3A_46, %dma_wait3A_47] : memref<10000x16xf32, #tpu.memory_space<vmem_shared>> -> memref<10000x16xf32, #tpu.memory_space<vmem_shared>>
        tpu.wait_indirect_dma semaphore(%run_scoped3A_38 : memref<!tpu.dma_semaphore, #tpu.memory_space<semaphore_mem>>) src(%arg8 : memref<128x16xf32, #tpu.memory_space<vmem>>) dst(%dma_wait3A_48 : memref<10000x16xf32, #tpu.memory_space<vmem_shared>>)
        tpu.yield
      }) : () -> ()
      %run_scoped3A_37 = arith.constant 78 : i32
      "tpu.region"() ({
        %run_scoped3A_38 = tpu.sem_alloc : memref<!tpu.dma_semaphore, #tpu.memory_space<semaphore_mem>>
        %dma_start3A = arith.constant 0 : i32
        %dma_start3A_39 = tpu.memref_slice %arg7[%run_scoped3A_37, %dma_start3A] : memref<79x128xi32, #tpu.memory_space<vmem>> -> memref<1x128xi32, #tpu.memory_space<vmem>>
        %dma_start3A_40 = tpu.memref_squeeze %dma_start3A_39 : memref<1x128xi32, #tpu.memory_space<vmem>> -> memref<128xi32, #tpu.memory_space<vmem>>
        %dma_start3A_41 = arith.constant 0 : i32
        %dma_start3A_42 = arith.constant 0 : i32
        %dma_start3A_43 = tpu.memref_slice %arg10[%dma_start3A_41, %dma_start3A_42] : memref<10000x16xf32, #tpu.memory_space<vmem_shared>> -> memref<10000x16xf32, #tpu.memory_space<vmem_shared>>
        tpu.enqueue_indirect_dma source(%arg8 : memref<128x16xf32, #tpu.memory_space<vmem>>) target(%dma_start3A_43 : memref<10000x16xf32, #tpu.memory_space<vmem_shared>>) offsets(%dma_start3A_40 : memref<128xi32, #tpu.memory_space<vmem>>) semaphore(%run_scoped3A_38 : memref<!tpu.dma_semaphore, #tpu.memory_space<semaphore_mem>>) {add = true}
        %dma_wait3A = arith.constant 0 : i32
        %dma_wait3A_44 = tpu.memref_slice %arg7[%run_scoped3A_37, %dma_wait3A] : memref<79x128xi32, #tpu.memory_space<vmem>> -> memref<1x128xi32, #tpu.memory_space<vmem>>
        %dma_wait3A_45 = tpu.memref_squeeze %dma_wait3A_44 : memref<1x128xi32, #tpu.memory_space<vmem>> -> memref<128xi32, #tpu.memory_space<vmem>>
        %dma_wait3A_46 = arith.constant 0 : i32
        %dma_wait3A_47 = arith.constant 0 : i32
        %dma_wait3A_48 = tpu.memref_slice %arg10[%dma_wait3A_46, %dma_wait3A_47] : memref<10000x16xf32, #tpu.memory_space<vmem_shared>> -> memref<10000x16xf32, #tpu.memory_space<vmem_shared>>
        tpu.wait_indirect_dma semaphore(%run_scoped3A_38 : memref<!tpu.dma_semaphore, #tpu.memory_space<semaphore_mem>>) src(%arg8 : memref<128x16xf32, #tpu.memory_space<vmem>>) dst(%dma_wait3A_48 : memref<10000x16xf32, #tpu.memory_space<vmem_shared>>)
        tpu.yield
      }) : () -> ()
    } else {
    }
    %barrier3A_21 = arith.constant 0 : index
    tpu.barrier barrier_id(%barrier3A_21)
    %mul3A_22 = arith.constant 625 : i32
    %mul3A_23 = arith.muli %arg1, %mul3A_22 : i32
    %mul3A_24 = arith.constant 2 : i32
    %mul3A_25 = arith.muli %arg0, %mul3A_24 : i32
    %mul3A_26 = arith.constant 10000 : i32
    %mul3A_27 = arith.muli %mul3A_25, %mul3A_26 : i32
    %add3A_28 = arith.addi %mul3A_27, %mul3A_23 : i32
    "tpu.region"() ({
      %run_scoped3A_36 = tpu.sem_alloc : memref<!tpu.dma_semaphore, #tpu.memory_space<semaphore_mem>>
      %dma_start3A = arith.constant 0 : i32
      %dma_start3A_37 = tpu.memref_slice %arg5[%add3A_28, %dma_start3A] : memref<40000x16xf32, #tpu.memory_space<hbm>> -> memref<625x16xf32, #tpu.memory_space<hbm>>
      %dma_start3A_38 = arith.constant 0 : i32
      %dma_start3A_39 = tpu.memref_slice %arg9[%mul3A_23, %dma_start3A_38] : memref<10000x16xf32, #tpu.memory_space<vmem_shared>> -> memref<625x16xf32, #tpu.memory_space<vmem_shared>>
      tpu.enqueue_dma source(%dma_start3A_39 : memref<625x16xf32, #tpu.memory_space<vmem_shared>>) target(%dma_start3A_37 : memref<625x16xf32, #tpu.memory_space<hbm>>) target_semaphore(%run_scoped3A_36 : memref<!tpu.dma_semaphore, #tpu.memory_space<semaphore_mem>>)
      %dma_wait3A = arith.constant 0 : i32
      %dma_wait3A_40 = tpu.memref_slice %arg5[%add3A_28, %dma_wait3A] : memref<40000x16xf32, #tpu.memory_space<hbm>> -> memref<625x16xf32, #tpu.memory_space<hbm>>
      %dma_wait3A_41 = arith.constant 0 : i32
      %dma_wait3A_42 = tpu.memref_slice %arg9[%mul3A_23, %dma_wait3A_41] : memref<10000x16xf32, #tpu.memory_space<vmem_shared>> -> memref<625x16xf32, #tpu.memory_space<vmem_shared>>
      tpu.wait_dma2 semaphore(%run_scoped3A_36 : memref<!tpu.dma_semaphore, #tpu.memory_space<semaphore_mem>>) src(%dma_wait3A_42 : memref<625x16xf32, #tpu.memory_space<vmem_shared>>) dst(%dma_wait3A_40 : memref<625x16xf32, #tpu.memory_space<hbm>>)
      tpu.yield
    }) : () -> ()
    %mul3A_29 = arith.constant 2 : i32
    %mul3A_30 = arith.muli %arg0, %mul3A_29 : i32
    %mul3A_31 = arith.constant 10000 : i32
    %mul3A_32 = arith.muli %mul3A_30, %mul3A_31 : i32
    %add3A_33 = arith.constant 10000 : i32
    %add3A_34 = arith.addi %mul3A_32, %add3A_33 : i32
    %add3A_35 = arith.addi %add3A_34, %mul3A_23 : i32
    "tpu.region"() ({
      %run_scoped3A_36 = tpu.sem_alloc : memref<!tpu.dma_semaphore, #tpu.memory_space<semaphore_mem>>
      %dma_start3A = arith.constant 0 : i32
      %dma_start3A_37 = tpu.memref_slice %arg5[%add3A_35, %dma_start3A] : memref<40000x16xf32, #tpu.memory_space<hbm>> -> memref<625x16xf32, #tpu.memory_space<hbm>>
      %dma_start3A_38 = arith.constant 0 : i32
      %dma_start3A_39 = tpu.memref_slice %arg10[%mul3A_23, %dma_start3A_38] : memref<10000x16xf32, #tpu.memory_space<vmem_shared>> -> memref<625x16xf32, #tpu.memory_space<vmem_shared>>
      tpu.enqueue_dma source(%dma_start3A_39 : memref<625x16xf32, #tpu.memory_space<vmem_shared>>) target(%dma_start3A_37 : memref<625x16xf32, #tpu.memory_space<hbm>>) target_semaphore(%run_scoped3A_36 : memref<!tpu.dma_semaphore, #tpu.memory_space<semaphore_mem>>)
      %dma_wait3A = arith.constant 0 : i32
      %dma_wait3A_40 = tpu.memref_slice %arg5[%add3A_35, %dma_wait3A] : memref<40000x16xf32, #tpu.memory_space<hbm>> -> memref<625x16xf32, #tpu.memory_space<hbm>>
      %dma_wait3A_41 = arith.constant 0 : i32
      %dma_wait3A_42 = tpu.memref_slice %arg10[%mul3A_23, %dma_wait3A_41] : memref<10000x16xf32, #tpu.memory_space<vmem_shared>> -> memref<625x16xf32, #tpu.memory_space<vmem_shared>>
      tpu.wait_dma2 semaphore(%run_scoped3A_36 : memref<!tpu.dma_semaphore, #tpu.memory_space<semaphore_mem>>) src(%dma_wait3A_42 : memref<625x16xf32, #tpu.memory_space<vmem_shared>>) dst(%dma_wait3A_40 : memref<625x16xf32, #tpu.memory_space<hbm>>)
      tpu.yield
    }) : () -> ()
    return
  }
}

#map = affine_map<(d0, d1) -> (0, 0)>
#map1 = affine_map<(d0, d1) -> (0, 0, 0)>
module attributes {stable_mosaic.version = 14 : i64} {
  func.func @_agg_body(%arg0: i32, %arg1: i32, %arg2: memref<10000x128xbf16, #tpu.memory_space<hbm>>, %arg3: memref<2x2500x128xi32, #tpu.memory_space<hbm>>, %arg4: memref<625x128xbf16, #tpu.memory_space<hbm>>, %arg5: memref<20000x128xbf16, #tpu.memory_space<hbm>>, %arg6: memref<79x128xi32, #tpu.memory_space<vmem>>, %arg7: memref<79x128xi32, #tpu.memory_space<vmem>>, %arg8: memref<128x128xbf16, #tpu.memory_space<vmem>>, %arg9: memref<128x128xbf16, #tpu.memory_space<vmem>>, %arg10: memref<128x128xbf16, #tpu.memory_space<vmem>>, %arg11: memref<128x128xbf16, #tpu.memory_space<vmem>>, %arg12: memref<128x128xbf16, #tpu.memory_space<vmem>>, %arg13: memref<128x128xbf16, #tpu.memory_space<vmem>>, %arg14: memref<128x128xbf16, #tpu.memory_space<vmem>>, %arg15: memref<128x128xbf16, #tpu.memory_space<vmem>>, %arg16: memref<10000x128xbf16, #tpu.memory_space<vmem_shared>>, %arg17: memref<!tpu.dma_semaphore, #tpu.memory_space<semaphore_mem>>, %arg18: memref<!tpu.dma_semaphore, #tpu.memory_space<semaphore_mem>>) attributes {dimension_semantics = [#tpu.dimension_semantics<core_parallel>, #tpu.dimension_semantics<subcore_parallel>], iteration_bounds = array<i64: 2, 16>, scalar_prefetch = 0 : i64, scratch_operands = 13 : i64, tpu.core_type = #tpu.core_type<sc_vector_subcore>, window_params = [{transform_indices = #map}, {transform_indices = #map1}, {transform_indices = #map}, {transform_indices = #map}]} {
    %mul3A = arith.constant 16 : i32
    %mul3A_0 = arith.muli %arg0, %mul3A : i32
    %add3A = arith.addi %mul3A_0, %arg1 : i32
    %mul3A_1 = arith.constant 625 : i32
    %mul3A_2 = arith.muli %arg1, %mul3A_1 : i32
    "tpu.region"() ({
      %run_scoped3A_219 = tpu.sem_alloc : memref<!tpu.dma_semaphore, #tpu.memory_space<semaphore_mem>>
      %dma_start3A_220 = arith.constant 0 : i32
      %dma_start3A_221 = tpu.memref_slice %arg16[%mul3A_2, %dma_start3A_220] : memref<10000x128xbf16, #tpu.memory_space<vmem_shared>> -> memref<625x128xbf16, #tpu.memory_space<vmem_shared>>
      tpu.enqueue_dma source(%arg4 : memref<625x128xbf16, #tpu.memory_space<hbm>>) target(%dma_start3A_221 : memref<625x128xbf16, #tpu.memory_space<vmem_shared>>) target_semaphore(%run_scoped3A_219 : memref<!tpu.dma_semaphore, #tpu.memory_space<semaphore_mem>>)
      %dma_wait3A_222 = arith.constant 0 : i32
      %dma_wait3A_223 = tpu.memref_slice %arg16[%mul3A_2, %dma_wait3A_222] : memref<10000x128xbf16, #tpu.memory_space<vmem_shared>> -> memref<625x128xbf16, #tpu.memory_space<vmem_shared>>
      tpu.wait_dma2 semaphore(%run_scoped3A_219 : memref<!tpu.dma_semaphore, #tpu.memory_space<semaphore_mem>>) src(%arg4 : memref<625x128xbf16, #tpu.memory_space<hbm>>) dst(%dma_wait3A_223 : memref<625x128xbf16, #tpu.memory_space<vmem_shared>>)
      tpu.yield
    }) : () -> ()
    %barrier3A = arith.constant 0 : index
    tpu.barrier barrier_id(%barrier3A)
    %mul3A_3 = arith.constant 78 : i32
    %mul3A_4 = arith.muli %add3A, %mul3A_3 : i32
    %run_scoped3A = arith.constant 0 : i32
    "tpu.region"() ({
      %run_scoped3A_219 = tpu.sem_alloc : memref<!tpu.dma_semaphore, #tpu.memory_space<semaphore_mem>>
      %dma_start3A_220 = arith.constant 0 : i32
      %dma_start3A_221 = arith.constant 0 : i32
      %dma_start3A_222 = tpu.memref_slice %arg6[%dma_start3A_220, %dma_start3A_221] : memref<79x128xi32, #tpu.memory_space<vmem>> -> memref<78x128xi32, #tpu.memory_space<vmem>>
      %dma_start3A_223 = arith.constant 0 : i32
      %dma_start3A_224 = tpu.memref_slice %arg3[%run_scoped3A, %mul3A_4, %dma_start3A_223] : memref<2x2500x128xi32, #tpu.memory_space<hbm>> -> memref<1x78x128xi32, #tpu.memory_space<hbm>>
      %dma_start3A_225 = tpu.memref_squeeze %dma_start3A_224 : memref<1x78x128xi32, #tpu.memory_space<hbm>> -> memref<78x128xi32, #tpu.memory_space<hbm>>
      %dma_start3A_226 = arith.constant 0 : i32
      %dma_start3A_227 = arith.constant 0 : i32
      %dma_start3A_228 = tpu.memref_slice %arg6[%dma_start3A_226, %dma_start3A_227] : memref<79x128xi32, #tpu.memory_space<vmem>> -> memref<78x128xi32, #tpu.memory_space<vmem>>
      %dma_start3A_229 = arith.constant 0 : i32
      %dma_start3A_230 = tpu.memref_slice %arg3[%run_scoped3A, %mul3A_4, %dma_start3A_229] : memref<2x2500x128xi32, #tpu.memory_space<hbm>> -> memref<1x78x128xi32, #tpu.memory_space<hbm>>
      %dma_start3A_231 = tpu.memref_squeeze %dma_start3A_230 : memref<1x78x128xi32, #tpu.memory_space<hbm>> -> memref<78x128xi32, #tpu.memory_space<hbm>>
      tpu.enqueue_dma source(%dma_start3A_231 : memref<78x128xi32, #tpu.memory_space<hbm>>) target(%dma_start3A_228 : memref<78x128xi32, #tpu.memory_space<vmem>>) target_semaphore(%run_scoped3A_219 : memref<!tpu.dma_semaphore, #tpu.memory_space<semaphore_mem>>)
      %dma_wait3A_232 = arith.constant 0 : i32
      %dma_wait3A_233 = arith.constant 0 : i32
      %dma_wait3A_234 = tpu.memref_slice %arg6[%dma_wait3A_232, %dma_wait3A_233] : memref<79x128xi32, #tpu.memory_space<vmem>> -> memref<78x128xi32, #tpu.memory_space<vmem>>
      %dma_wait3A_235 = arith.constant 0 : i32
      %dma_wait3A_236 = tpu.memref_slice %arg3[%run_scoped3A, %mul3A_4, %dma_wait3A_235] : memref<2x2500x128xi32, #tpu.memory_space<hbm>> -> memref<1x78x128xi32, #tpu.memory_space<hbm>>
      %dma_wait3A_237 = tpu.memref_squeeze %dma_wait3A_236 : memref<1x78x128xi32, #tpu.memory_space<hbm>> -> memref<78x128xi32, #tpu.memory_space<hbm>>
      %dma_wait3A_238 = arith.constant 0 : i32
      %dma_wait3A_239 = arith.constant 0 : i32
      %dma_wait3A_240 = tpu.memref_slice %arg6[%dma_wait3A_238, %dma_wait3A_239] : memref<79x128xi32, #tpu.memory_space<vmem>> -> memref<78x128xi32, #tpu.memory_space<vmem>>
      %dma_wait3A_241 = arith.constant 0 : i32
      %dma_wait3A_242 = tpu.memref_slice %arg3[%run_scoped3A, %mul3A_4, %dma_wait3A_241] : memref<2x2500x128xi32, #tpu.memory_space<hbm>> -> memref<1x78x128xi32, #tpu.memory_space<hbm>>
      %dma_wait3A_243 = tpu.memref_squeeze %dma_wait3A_242 : memref<1x78x128xi32, #tpu.memory_space<hbm>> -> memref<78x128xi32, #tpu.memory_space<hbm>>
      tpu.wait_dma2 semaphore(%run_scoped3A_219 : memref<!tpu.dma_semaphore, #tpu.memory_space<semaphore_mem>>) src(%dma_wait3A_243 : memref<78x128xi32, #tpu.memory_space<hbm>>) dst(%dma_wait3A_240 : memref<78x128xi32, #tpu.memory_space<vmem>>)
      tpu.yield
    }) : () -> ()
    %mul3A_5 = arith.constant 78 : i32
    %mul3A_6 = arith.muli %add3A, %mul3A_5 : i32
    %run_scoped3A_7 = arith.constant 1 : i32
    "tpu.region"() ({
      %run_scoped3A_219 = tpu.sem_alloc : memref<!tpu.dma_semaphore, #tpu.memory_space<semaphore_mem>>
      %dma_start3A_220 = arith.constant 0 : i32
      %dma_start3A_221 = arith.constant 0 : i32
      %dma_start3A_222 = tpu.memref_slice %arg7[%dma_start3A_220, %dma_start3A_221] : memref<79x128xi32, #tpu.memory_space<vmem>> -> memref<78x128xi32, #tpu.memory_space<vmem>>
      %dma_start3A_223 = arith.constant 0 : i32
      %dma_start3A_224 = tpu.memref_slice %arg3[%run_scoped3A_7, %mul3A_6, %dma_start3A_223] : memref<2x2500x128xi32, #tpu.memory_space<hbm>> -> memref<1x78x128xi32, #tpu.memory_space<hbm>>
      %dma_start3A_225 = tpu.memref_squeeze %dma_start3A_224 : memref<1x78x128xi32, #tpu.memory_space<hbm>> -> memref<78x128xi32, #tpu.memory_space<hbm>>
      %dma_start3A_226 = arith.constant 0 : i32
      %dma_start3A_227 = arith.constant 0 : i32
      %dma_start3A_228 = tpu.memref_slice %arg7[%dma_start3A_226, %dma_start3A_227] : memref<79x128xi32, #tpu.memory_space<vmem>> -> memref<78x128xi32, #tpu.memory_space<vmem>>
      %dma_start3A_229 = arith.constant 0 : i32
      %dma_start3A_230 = tpu.memref_slice %arg3[%run_scoped3A_7, %mul3A_6, %dma_start3A_229] : memref<2x2500x128xi32, #tpu.memory_space<hbm>> -> memref<1x78x128xi32, #tpu.memory_space<hbm>>
      %dma_start3A_231 = tpu.memref_squeeze %dma_start3A_230 : memref<1x78x128xi32, #tpu.memory_space<hbm>> -> memref<78x128xi32, #tpu.memory_space<hbm>>
      tpu.enqueue_dma source(%dma_start3A_231 : memref<78x128xi32, #tpu.memory_space<hbm>>) target(%dma_start3A_228 : memref<78x128xi32, #tpu.memory_space<vmem>>) target_semaphore(%run_scoped3A_219 : memref<!tpu.dma_semaphore, #tpu.memory_space<semaphore_mem>>)
      %dma_wait3A_232 = arith.constant 0 : i32
      %dma_wait3A_233 = arith.constant 0 : i32
      %dma_wait3A_234 = tpu.memref_slice %arg7[%dma_wait3A_232, %dma_wait3A_233] : memref<79x128xi32, #tpu.memory_space<vmem>> -> memref<78x128xi32, #tpu.memory_space<vmem>>
      %dma_wait3A_235 = arith.constant 0 : i32
      %dma_wait3A_236 = tpu.memref_slice %arg3[%run_scoped3A_7, %mul3A_6, %dma_wait3A_235] : memref<2x2500x128xi32, #tpu.memory_space<hbm>> -> memref<1x78x128xi32, #tpu.memory_space<hbm>>
      %dma_wait3A_237 = tpu.memref_squeeze %dma_wait3A_236 : memref<1x78x128xi32, #tpu.memory_space<hbm>> -> memref<78x128xi32, #tpu.memory_space<hbm>>
      %dma_wait3A_238 = arith.constant 0 : i32
      %dma_wait3A_239 = arith.constant 0 : i32
      %dma_wait3A_240 = tpu.memref_slice %arg7[%dma_wait3A_238, %dma_wait3A_239] : memref<79x128xi32, #tpu.memory_space<vmem>> -> memref<78x128xi32, #tpu.memory_space<vmem>>
      %dma_wait3A_241 = arith.constant 0 : i32
      %dma_wait3A_242 = tpu.memref_slice %arg3[%run_scoped3A_7, %mul3A_6, %dma_wait3A_241] : memref<2x2500x128xi32, #tpu.memory_space<hbm>> -> memref<1x78x128xi32, #tpu.memory_space<hbm>>
      %dma_wait3A_243 = tpu.memref_squeeze %dma_wait3A_242 : memref<1x78x128xi32, #tpu.memory_space<hbm>> -> memref<78x128xi32, #tpu.memory_space<hbm>>
      tpu.wait_dma2 semaphore(%run_scoped3A_219 : memref<!tpu.dma_semaphore, #tpu.memory_space<semaphore_mem>>) src(%dma_wait3A_243 : memref<78x128xi32, #tpu.memory_space<hbm>>) dst(%dma_wait3A_240 : memref<78x128xi32, #tpu.memory_space<vmem>>)
      tpu.yield
    }) : () -> ()
    %lt3A = arith.constant 4 : i32
    %lt3A_8 = arith.cmpi slt, %add3A, %lt3A : i32
    %convert_element_type3A = arith.extui %lt3A_8 : i1 to i32
    %cond3A = arith.constant 0 : i32
    %cond3A_9 = arith.cmpi ne, %convert_element_type3A, %cond3A : i32
    scf.if %cond3A_9 {
      %add3A_219 = arith.constant 2496 : i32
      %add3A_220 = arith.addi %add3A_219, %add3A : i32
      %run_scoped3A_221 = arith.constant 0 : i32
      "tpu.region"() ({
        %run_scoped3A_225 = tpu.sem_alloc : memref<!tpu.dma_semaphore, #tpu.memory_space<semaphore_mem>>
        %dma_start3A_226 = arith.constant 78 : i32
        %dma_start3A_227 = arith.constant 0 : i32
        %dma_start3A_228 = tpu.memref_slice %arg6[%dma_start3A_226, %dma_start3A_227] : memref<79x128xi32, #tpu.memory_space<vmem>> -> memref<1x128xi32, #tpu.memory_space<vmem>>
        %dma_start3A_229 = arith.constant 0 : i32
        %dma_start3A_230 = tpu.memref_slice %arg3[%run_scoped3A_221, %add3A_220, %dma_start3A_229] : memref<2x2500x128xi32, #tpu.memory_space<hbm>> -> memref<1x1x128xi32, #tpu.memory_space<hbm>>
        %dma_start3A_231 = tpu.memref_squeeze %dma_start3A_230 : memref<1x1x128xi32, #tpu.memory_space<hbm>> -> memref<1x128xi32, #tpu.memory_space<hbm>>
        %dma_start3A_232 = arith.constant 78 : i32
        %dma_start3A_233 = arith.constant 0 : i32
        %dma_start3A_234 = tpu.memref_slice %arg6[%dma_start3A_232, %dma_start3A_233] : memref<79x128xi32, #tpu.memory_space<vmem>> -> memref<1x128xi32, #tpu.memory_space<vmem>>
        %dma_start3A_235 = arith.constant 0 : i32
        %dma_start3A_236 = tpu.memref_slice %arg3[%run_scoped3A_221, %add3A_220, %dma_start3A_235] : memref<2x2500x128xi32, #tpu.memory_space<hbm>> -> memref<1x1x128xi32, #tpu.memory_space<hbm>>
        %dma_start3A_237 = tpu.memref_squeeze %dma_start3A_236 : memref<1x1x128xi32, #tpu.memory_space<hbm>> -> memref<1x128xi32, #tpu.memory_space<hbm>>
        tpu.enqueue_dma source(%dma_start3A_237 : memref<1x128xi32, #tpu.memory_space<hbm>>) target(%dma_start3A_234 : memref<1x128xi32, #tpu.memory_space<vmem>>) target_semaphore(%run_scoped3A_225 : memref<!tpu.dma_semaphore, #tpu.memory_space<semaphore_mem>>)
        %dma_wait3A_238 = arith.constant 78 : i32
        %dma_wait3A_239 = arith.constant 0 : i32
        %dma_wait3A_240 = tpu.memref_slice %arg6[%dma_wait3A_238, %dma_wait3A_239] : memref<79x128xi32, #tpu.memory_space<vmem>> -> memref<1x128xi32, #tpu.memory_space<vmem>>
        %dma_wait3A_241 = arith.constant 0 : i32
        %dma_wait3A_242 = tpu.memref_slice %arg3[%run_scoped3A_221, %add3A_220, %dma_wait3A_241] : memref<2x2500x128xi32, #tpu.memory_space<hbm>> -> memref<1x1x128xi32, #tpu.memory_space<hbm>>
        %dma_wait3A_243 = tpu.memref_squeeze %dma_wait3A_242 : memref<1x1x128xi32, #tpu.memory_space<hbm>> -> memref<1x128xi32, #tpu.memory_space<hbm>>
        %dma_wait3A_244 = arith.constant 78 : i32
        %dma_wait3A_245 = arith.constant 0 : i32
        %dma_wait3A_246 = tpu.memref_slice %arg6[%dma_wait3A_244, %dma_wait3A_245] : memref<79x128xi32, #tpu.memory_space<vmem>> -> memref<1x128xi32, #tpu.memory_space<vmem>>
        %dma_wait3A_247 = arith.constant 0 : i32
        %dma_wait3A_248 = tpu.memref_slice %arg3[%run_scoped3A_221, %add3A_220, %dma_wait3A_247] : memref<2x2500x128xi32, #tpu.memory_space<hbm>> -> memref<1x1x128xi32, #tpu.memory_space<hbm>>
        %dma_wait3A_249 = tpu.memref_squeeze %dma_wait3A_248 : memref<1x1x128xi32, #tpu.memory_space<hbm>> -> memref<1x128xi32, #tpu.memory_space<hbm>>
        tpu.wait_dma2 semaphore(%run_scoped3A_225 : memref<!tpu.dma_semaphore, #tpu.memory_space<semaphore_mem>>) src(%dma_wait3A_249 : memref<1x128xi32, #tpu.memory_space<hbm>>) dst(%dma_wait3A_246 : memref<1x128xi32, #tpu.memory_space<vmem>>)
        tpu.yield
      }) : () -> ()
      %add3A_222 = arith.constant 2496 : i32
      %add3A_223 = arith.addi %add3A_222, %add3A : i32
      %run_scoped3A_224 = arith.constant 1 : i32
      "tpu.region"() ({
        %run_scoped3A_225 = tpu.sem_alloc : memref<!tpu.dma_semaphore, #tpu.memory_space<semaphore_mem>>
        %dma_start3A_226 = arith.constant 78 : i32
        %dma_start3A_227 = arith.constant 0 : i32
        %dma_start3A_228 = tpu.memref_slice %arg7[%dma_start3A_226, %dma_start3A_227] : memref<79x128xi32, #tpu.memory_space<vmem>> -> memref<1x128xi32, #tpu.memory_space<vmem>>
        %dma_start3A_229 = arith.constant 0 : i32
        %dma_start3A_230 = tpu.memref_slice %arg3[%run_scoped3A_224, %add3A_223, %dma_start3A_229] : memref<2x2500x128xi32, #tpu.memory_space<hbm>> -> memref<1x1x128xi32, #tpu.memory_space<hbm>>
        %dma_start3A_231 = tpu.memref_squeeze %dma_start3A_230 : memref<1x1x128xi32, #tpu.memory_space<hbm>> -> memref<1x128xi32, #tpu.memory_space<hbm>>
        %dma_start3A_232 = arith.constant 78 : i32
        %dma_start3A_233 = arith.constant 0 : i32
        %dma_start3A_234 = tpu.memref_slice %arg7[%dma_start3A_232, %dma_start3A_233] : memref<79x128xi32, #tpu.memory_space<vmem>> -> memref<1x128xi32, #tpu.memory_space<vmem>>
        %dma_start3A_235 = arith.constant 0 : i32
        %dma_start3A_236 = tpu.memref_slice %arg3[%run_scoped3A_224, %add3A_223, %dma_start3A_235] : memref<2x2500x128xi32, #tpu.memory_space<hbm>> -> memref<1x1x128xi32, #tpu.memory_space<hbm>>
        %dma_start3A_237 = tpu.memref_squeeze %dma_start3A_236 : memref<1x1x128xi32, #tpu.memory_space<hbm>> -> memref<1x128xi32, #tpu.memory_space<hbm>>
        tpu.enqueue_dma source(%dma_start3A_237 : memref<1x128xi32, #tpu.memory_space<hbm>>) target(%dma_start3A_234 : memref<1x128xi32, #tpu.memory_space<vmem>>) target_semaphore(%run_scoped3A_225 : memref<!tpu.dma_semaphore, #tpu.memory_space<semaphore_mem>>)
        %dma_wait3A_238 = arith.constant 78 : i32
        %dma_wait3A_239 = arith.constant 0 : i32
        %dma_wait3A_240 = tpu.memref_slice %arg7[%dma_wait3A_238, %dma_wait3A_239] : memref<79x128xi32, #tpu.memory_space<vmem>> -> memref<1x128xi32, #tpu.memory_space<vmem>>
        %dma_wait3A_241 = arith.constant 0 : i32
        %dma_wait3A_242 = tpu.memref_slice %arg3[%run_scoped3A_224, %add3A_223, %dma_wait3A_241] : memref<2x2500x128xi32, #tpu.memory_space<hbm>> -> memref<1x1x128xi32, #tpu.memory_space<hbm>>
        %dma_wait3A_243 = tpu.memref_squeeze %dma_wait3A_242 : memref<1x1x128xi32, #tpu.memory_space<hbm>> -> memref<1x128xi32, #tpu.memory_space<hbm>>
        %dma_wait3A_244 = arith.constant 78 : i32
        %dma_wait3A_245 = arith.constant 0 : i32
        %dma_wait3A_246 = tpu.memref_slice %arg7[%dma_wait3A_244, %dma_wait3A_245] : memref<79x128xi32, #tpu.memory_space<vmem>> -> memref<1x128xi32, #tpu.memory_space<vmem>>
        %dma_wait3A_247 = arith.constant 0 : i32
        %dma_wait3A_248 = tpu.memref_slice %arg3[%run_scoped3A_224, %add3A_223, %dma_wait3A_247] : memref<2x2500x128xi32, #tpu.memory_space<hbm>> -> memref<1x1x128xi32, #tpu.memory_space<hbm>>
        %dma_wait3A_249 = tpu.memref_squeeze %dma_wait3A_248 : memref<1x1x128xi32, #tpu.memory_space<hbm>> -> memref<1x128xi32, #tpu.memory_space<hbm>>
        tpu.wait_dma2 semaphore(%run_scoped3A_225 : memref<!tpu.dma_semaphore, #tpu.memory_space<semaphore_mem>>) src(%dma_wait3A_249 : memref<1x128xi32, #tpu.memory_space<hbm>>) dst(%dma_wait3A_246 : memref<1x128xi32, #tpu.memory_space<vmem>>)
        tpu.yield
      }) : () -> ()
    } else {
    }
    %dma_start3A = arith.constant 0 : i32
    %dma_start3A_10 = arith.constant 0 : i32
    %dma_start3A_11 = tpu.memref_slice %arg6[%dma_start3A, %dma_start3A_10] : memref<79x128xi32, #tpu.memory_space<vmem>> -> memref<1x128xi32, #tpu.memory_space<vmem>>
    %dma_start3A_12 = tpu.memref_squeeze %dma_start3A_11 : memref<1x128xi32, #tpu.memory_space<vmem>> -> memref<128xi32, #tpu.memory_space<vmem>>
    %dma_start3A_13 = arith.constant 0 : i32
    %dma_start3A_14 = arith.constant 0 : i32
    %dma_start3A_15 = tpu.memref_slice %arg2[%dma_start3A_13, %dma_start3A_14] : memref<10000x128xbf16, #tpu.memory_space<hbm>> -> memref<10000x128xbf16, #tpu.memory_space<hbm>>
    tpu.enqueue_indirect_dma source(%dma_start3A_15 : memref<10000x128xbf16, #tpu.memory_space<hbm>>) target(%arg8 : memref<128x128xbf16, #tpu.memory_space<vmem>>) offsets(%dma_start3A_12 : memref<128xi32, #tpu.memory_space<vmem>>) semaphore(%arg17 : memref<!tpu.dma_semaphore, #tpu.memory_space<semaphore_mem>>)
    %dma_start3A_16 = arith.constant 1 : i32
    %dma_start3A_17 = arith.constant 0 : i32
    %dma_start3A_18 = tpu.memref_slice %arg6[%dma_start3A_16, %dma_start3A_17] : memref<79x128xi32, #tpu.memory_space<vmem>> -> memref<1x128xi32, #tpu.memory_space<vmem>>
    %dma_start3A_19 = tpu.memref_squeeze %dma_start3A_18 : memref<1x128xi32, #tpu.memory_space<vmem>> -> memref<128xi32, #tpu.memory_space<vmem>>
    %dma_start3A_20 = arith.constant 0 : i32
    %dma_start3A_21 = arith.constant 0 : i32
    %dma_start3A_22 = tpu.memref_slice %arg2[%dma_start3A_20, %dma_start3A_21] : memref<10000x128xbf16, #tpu.memory_space<hbm>> -> memref<10000x128xbf16, #tpu.memory_space<hbm>>
    tpu.enqueue_indirect_dma source(%dma_start3A_22 : memref<10000x128xbf16, #tpu.memory_space<hbm>>) target(%arg9 : memref<128x128xbf16, #tpu.memory_space<vmem>>) offsets(%dma_start3A_19 : memref<128xi32, #tpu.memory_space<vmem>>) semaphore(%arg17 : memref<!tpu.dma_semaphore, #tpu.memory_space<semaphore_mem>>)
    %dma_start3A_23 = arith.constant 2 : i32
    %dma_start3A_24 = arith.constant 0 : i32
    %dma_start3A_25 = tpu.memref_slice %arg6[%dma_start3A_23, %dma_start3A_24] : memref<79x128xi32, #tpu.memory_space<vmem>> -> memref<1x128xi32, #tpu.memory_space<vmem>>
    %dma_start3A_26 = tpu.memref_squeeze %dma_start3A_25 : memref<1x128xi32, #tpu.memory_space<vmem>> -> memref<128xi32, #tpu.memory_space<vmem>>
    %dma_start3A_27 = arith.constant 0 : i32
    %dma_start3A_28 = arith.constant 0 : i32
    %dma_start3A_29 = tpu.memref_slice %arg2[%dma_start3A_27, %dma_start3A_28] : memref<10000x128xbf16, #tpu.memory_space<hbm>> -> memref<10000x128xbf16, #tpu.memory_space<hbm>>
    tpu.enqueue_indirect_dma source(%dma_start3A_29 : memref<10000x128xbf16, #tpu.memory_space<hbm>>) target(%arg10 : memref<128x128xbf16, #tpu.memory_space<vmem>>) offsets(%dma_start3A_26 : memref<128xi32, #tpu.memory_space<vmem>>) semaphore(%arg17 : memref<!tpu.dma_semaphore, #tpu.memory_space<semaphore_mem>>)
    %dma_start3A_30 = arith.constant 3 : i32
    %dma_start3A_31 = arith.constant 0 : i32
    %dma_start3A_32 = tpu.memref_slice %arg6[%dma_start3A_30, %dma_start3A_31] : memref<79x128xi32, #tpu.memory_space<vmem>> -> memref<1x128xi32, #tpu.memory_space<vmem>>
    %dma_start3A_33 = tpu.memref_squeeze %dma_start3A_32 : memref<1x128xi32, #tpu.memory_space<vmem>> -> memref<128xi32, #tpu.memory_space<vmem>>
    %dma_start3A_34 = arith.constant 0 : i32
    %dma_start3A_35 = arith.constant 0 : i32
    %dma_start3A_36 = tpu.memref_slice %arg2[%dma_start3A_34, %dma_start3A_35] : memref<10000x128xbf16, #tpu.memory_space<hbm>> -> memref<10000x128xbf16, #tpu.memory_space<hbm>>
    tpu.enqueue_indirect_dma source(%dma_start3A_36 : memref<10000x128xbf16, #tpu.memory_space<hbm>>) target(%arg11 : memref<128x128xbf16, #tpu.memory_space<vmem>>) offsets(%dma_start3A_33 : memref<128xi32, #tpu.memory_space<vmem>>) semaphore(%arg17 : memref<!tpu.dma_semaphore, #tpu.memory_space<semaphore_mem>>)
    %scan3A = arith.constant 0 : i32
    %scan3A_37 = arith.constant 9 : i32
    %scan3A_38 = arith.addi %scan3A, %scan3A_37 : i32
    %scan3A_39 = arith.constant 1 : i32
    scf.for %scan3A_219 = %scan3A to %scan3A_38 step %scan3A_39  : i32 {
      %mul3A_220 = arith.constant 1 : i32
      %mul3A_221 = arith.muli %scan3A_219, %mul3A_220 : i32
      %add3A_222 = arith.constant 0 : i32
      %add3A_223 = arith.addi %add3A_222, %mul3A_221 : i32
      %mul3A_224 = arith.constant 8 : i32
      %mul3A_225 = arith.muli %add3A_223, %mul3A_224 : i32
      %add3A_226 = arith.constant 0 : i32
      %add3A_227 = arith.addi %mul3A_225, %add3A_226 : i32
      %ge3A = arith.constant 4 : i32
      %ge3A_228 = arith.cmpi sge, %add3A_227, %ge3A : i32
      %convert_element_type3A_229 = arith.extui %ge3A_228 : i1 to i32
      %cond3A_230 = arith.constant 0 : i32
      %cond3A_231 = arith.cmpi ne, %convert_element_type3A_229, %cond3A_230 : i32
      scf.if %cond3A_231 {
        %dma_wait3A_447 = arith.constant 0 : i32
        %dma_wait3A_448 = arith.constant 0 : i32
        %dma_wait3A_449 = tpu.memref_slice %arg7[%dma_wait3A_447, %dma_wait3A_448] : memref<79x128xi32, #tpu.memory_space<vmem>> -> memref<1x128xi32, #tpu.memory_space<vmem>>
        %dma_wait3A_450 = tpu.memref_squeeze %dma_wait3A_449 : memref<1x128xi32, #tpu.memory_space<vmem>> -> memref<128xi32, #tpu.memory_space<vmem>>
        %dma_wait3A_451 = arith.constant 0 : i32
        %dma_wait3A_452 = arith.constant 0 : i32
        %dma_wait3A_453 = tpu.memref_slice %arg16[%dma_wait3A_451, %dma_wait3A_452] : memref<10000x128xbf16, #tpu.memory_space<vmem_shared>> -> memref<10000x128xbf16, #tpu.memory_space<vmem_shared>>
        tpu.wait_indirect_dma semaphore(%arg18 : memref<!tpu.dma_semaphore, #tpu.memory_space<semaphore_mem>>) src(%arg12 : memref<128x128xbf16, #tpu.memory_space<vmem>>) dst(%dma_wait3A_453 : memref<10000x128xbf16, #tpu.memory_space<vmem_shared>>)
      } else {
      }
      %add3A_232 = arith.constant 4 : i32
      %add3A_233 = arith.addi %add3A_227, %add3A_232 : i32
      %lt3A_234 = arith.constant 78 : i32
      %lt3A_235 = arith.cmpi slt, %add3A_233, %lt3A_234 : i32
      %convert_element_type3A_236 = arith.extui %lt3A_235 : i1 to i32
      %cond3A_237 = arith.constant 0 : i32
      %cond3A_238 = arith.cmpi ne, %convert_element_type3A_236, %cond3A_237 : i32
      scf.if %cond3A_238 {
        %add3A_447 = arith.constant 4 : i32
        %add3A_448 = arith.addi %add3A_227, %add3A_447 : i32
        %dma_start3A_449 = arith.constant 0 : i32
        %dma_start3A_450 = tpu.memref_slice %arg6[%add3A_448, %dma_start3A_449] : memref<79x128xi32, #tpu.memory_space<vmem>> -> memref<1x128xi32, #tpu.memory_space<vmem>>
        %dma_start3A_451 = tpu.memref_squeeze %dma_start3A_450 : memref<1x128xi32, #tpu.memory_space<vmem>> -> memref<128xi32, #tpu.memory_space<vmem>>
        %dma_start3A_452 = arith.constant 0 : i32
        %dma_start3A_453 = arith.constant 0 : i32
        %dma_start3A_454 = tpu.memref_slice %arg2[%dma_start3A_452, %dma_start3A_453] : memref<10000x128xbf16, #tpu.memory_space<hbm>> -> memref<10000x128xbf16, #tpu.memory_space<hbm>>
        tpu.enqueue_indirect_dma source(%dma_start3A_454 : memref<10000x128xbf16, #tpu.memory_space<hbm>>) target(%arg12 : memref<128x128xbf16, #tpu.memory_space<vmem>>) offsets(%dma_start3A_451 : memref<128xi32, #tpu.memory_space<vmem>>) semaphore(%arg17 : memref<!tpu.dma_semaphore, #tpu.memory_space<semaphore_mem>>)
      } else {
      }
      %dma_wait3A_239 = arith.constant 0 : i32
      %dma_wait3A_240 = tpu.memref_slice %arg6[%add3A_227, %dma_wait3A_239] : memref<79x128xi32, #tpu.memory_space<vmem>> -> memref<1x128xi32, #tpu.memory_space<vmem>>
      %dma_wait3A_241 = tpu.memref_squeeze %dma_wait3A_240 : memref<1x128xi32, #tpu.memory_space<vmem>> -> memref<128xi32, #tpu.memory_space<vmem>>
      %dma_wait3A_242 = arith.constant 0 : i32
      %dma_wait3A_243 = arith.constant 0 : i32
      %dma_wait3A_244 = tpu.memref_slice %arg2[%dma_wait3A_242, %dma_wait3A_243] : memref<10000x128xbf16, #tpu.memory_space<hbm>> -> memref<10000x128xbf16, #tpu.memory_space<hbm>>
      tpu.wait_indirect_dma semaphore(%arg17 : memref<!tpu.dma_semaphore, #tpu.memory_space<semaphore_mem>>) src(%dma_wait3A_244 : memref<10000x128xbf16, #tpu.memory_space<hbm>>) dst(%arg8 : memref<128x128xbf16, #tpu.memory_space<vmem>>)
      %dma_start3A_245 = arith.constant 0 : i32
      %dma_start3A_246 = tpu.memref_slice %arg7[%add3A_227, %dma_start3A_245] : memref<79x128xi32, #tpu.memory_space<vmem>> -> memref<1x128xi32, #tpu.memory_space<vmem>>
      %dma_start3A_247 = tpu.memref_squeeze %dma_start3A_246 : memref<1x128xi32, #tpu.memory_space<vmem>> -> memref<128xi32, #tpu.memory_space<vmem>>
      %dma_start3A_248 = arith.constant 0 : i32
      %dma_start3A_249 = arith.constant 0 : i32
      %dma_start3A_250 = tpu.memref_slice %arg16[%dma_start3A_248, %dma_start3A_249] : memref<10000x128xbf16, #tpu.memory_space<vmem_shared>> -> memref<10000x128xbf16, #tpu.memory_space<vmem_shared>>
      tpu.enqueue_indirect_dma source(%arg8 : memref<128x128xbf16, #tpu.memory_space<vmem>>) target(%dma_start3A_250 : memref<10000x128xbf16, #tpu.memory_space<vmem_shared>>) offsets(%dma_start3A_247 : memref<128xi32, #tpu.memory_space<vmem>>) semaphore(%arg18 : memref<!tpu.dma_semaphore, #tpu.memory_space<semaphore_mem>>) {add = true}
      %mul3A_251 = arith.constant 8 : i32
      %mul3A_252 = arith.muli %add3A_223, %mul3A_251 : i32
      %add3A_253 = arith.constant 1 : i32
      %add3A_254 = arith.addi %mul3A_252, %add3A_253 : i32
      %ge3A_255 = arith.constant 4 : i32
      %ge3A_256 = arith.cmpi sge, %add3A_254, %ge3A_255 : i32
      %convert_element_type3A_257 = arith.extui %ge3A_256 : i1 to i32
      %cond3A_258 = arith.constant 0 : i32
      %cond3A_259 = arith.cmpi ne, %convert_element_type3A_257, %cond3A_258 : i32
      scf.if %cond3A_259 {
        %dma_wait3A_447 = arith.constant 0 : i32
        %dma_wait3A_448 = arith.constant 0 : i32
        %dma_wait3A_449 = tpu.memref_slice %arg7[%dma_wait3A_447, %dma_wait3A_448] : memref<79x128xi32, #tpu.memory_space<vmem>> -> memref<1x128xi32, #tpu.memory_space<vmem>>
        %dma_wait3A_450 = tpu.memref_squeeze %dma_wait3A_449 : memref<1x128xi32, #tpu.memory_space<vmem>> -> memref<128xi32, #tpu.memory_space<vmem>>
        %dma_wait3A_451 = arith.constant 0 : i32
        %dma_wait3A_452 = arith.constant 0 : i32
        %dma_wait3A_453 = tpu.memref_slice %arg16[%dma_wait3A_451, %dma_wait3A_452] : memref<10000x128xbf16, #tpu.memory_space<vmem_shared>> -> memref<10000x128xbf16, #tpu.memory_space<vmem_shared>>
        tpu.wait_indirect_dma semaphore(%arg18 : memref<!tpu.dma_semaphore, #tpu.memory_space<semaphore_mem>>) src(%arg13 : memref<128x128xbf16, #tpu.memory_space<vmem>>) dst(%dma_wait3A_453 : memref<10000x128xbf16, #tpu.memory_space<vmem_shared>>)
      } else {
      }
      %add3A_260 = arith.constant 4 : i32
      %add3A_261 = arith.addi %add3A_254, %add3A_260 : i32
      %lt3A_262 = arith.constant 78 : i32
      %lt3A_263 = arith.cmpi slt, %add3A_261, %lt3A_262 : i32
      %convert_element_type3A_264 = arith.extui %lt3A_263 : i1 to i32
      %cond3A_265 = arith.constant 0 : i32
      %cond3A_266 = arith.cmpi ne, %convert_element_type3A_264, %cond3A_265 : i32
      scf.if %cond3A_266 {
        %add3A_447 = arith.constant 4 : i32
        %add3A_448 = arith.addi %add3A_254, %add3A_447 : i32
        %dma_start3A_449 = arith.constant 0 : i32
        %dma_start3A_450 = tpu.memref_slice %arg6[%add3A_448, %dma_start3A_449] : memref<79x128xi32, #tpu.memory_space<vmem>> -> memref<1x128xi32, #tpu.memory_space<vmem>>
        %dma_start3A_451 = tpu.memref_squeeze %dma_start3A_450 : memref<1x128xi32, #tpu.memory_space<vmem>> -> memref<128xi32, #tpu.memory_space<vmem>>
        %dma_start3A_452 = arith.constant 0 : i32
        %dma_start3A_453 = arith.constant 0 : i32
        %dma_start3A_454 = tpu.memref_slice %arg2[%dma_start3A_452, %dma_start3A_453] : memref<10000x128xbf16, #tpu.memory_space<hbm>> -> memref<10000x128xbf16, #tpu.memory_space<hbm>>
        tpu.enqueue_indirect_dma source(%dma_start3A_454 : memref<10000x128xbf16, #tpu.memory_space<hbm>>) target(%arg13 : memref<128x128xbf16, #tpu.memory_space<vmem>>) offsets(%dma_start3A_451 : memref<128xi32, #tpu.memory_space<vmem>>) semaphore(%arg17 : memref<!tpu.dma_semaphore, #tpu.memory_space<semaphore_mem>>)
      } else {
      }
      %dma_wait3A_267 = arith.constant 0 : i32
      %dma_wait3A_268 = tpu.memref_slice %arg6[%add3A_254, %dma_wait3A_267] : memref<79x128xi32, #tpu.memory_space<vmem>> -> memref<1x128xi32, #tpu.memory_space<vmem>>
      %dma_wait3A_269 = tpu.memref_squeeze %dma_wait3A_268 : memref<1x128xi32, #tpu.memory_space<vmem>> -> memref<128xi32, #tpu.memory_space<vmem>>
      %dma_wait3A_270 = arith.constant 0 : i32
      %dma_wait3A_271 = arith.constant 0 : i32
      %dma_wait3A_272 = tpu.memref_slice %arg2[%dma_wait3A_270, %dma_wait3A_271] : memref<10000x128xbf16, #tpu.memory_space<hbm>> -> memref<10000x128xbf16, #tpu.memory_space<hbm>>
      tpu.wait_indirect_dma semaphore(%arg17 : memref<!tpu.dma_semaphore, #tpu.memory_space<semaphore_mem>>) src(%dma_wait3A_272 : memref<10000x128xbf16, #tpu.memory_space<hbm>>) dst(%arg9 : memref<128x128xbf16, #tpu.memory_space<vmem>>)
      %dma_start3A_273 = arith.constant 0 : i32
      %dma_start3A_274 = tpu.memref_slice %arg7[%add3A_254, %dma_start3A_273] : memref<79x128xi32, #tpu.memory_space<vmem>> -> memref<1x128xi32, #tpu.memory_space<vmem>>
      %dma_start3A_275 = tpu.memref_squeeze %dma_start3A_274 : memref<1x128xi32, #tpu.memory_space<vmem>> -> memref<128xi32, #tpu.memory_space<vmem>>
      %dma_start3A_276 = arith.constant 0 : i32
      %dma_start3A_277 = arith.constant 0 : i32
      %dma_start3A_278 = tpu.memref_slice %arg16[%dma_start3A_276, %dma_start3A_277] : memref<10000x128xbf16, #tpu.memory_space<vmem_shared>> -> memref<10000x128xbf16, #tpu.memory_space<vmem_shared>>
      tpu.enqueue_indirect_dma source(%arg9 : memref<128x128xbf16, #tpu.memory_space<vmem>>) target(%dma_start3A_278 : memref<10000x128xbf16, #tpu.memory_space<vmem_shared>>) offsets(%dma_start3A_275 : memref<128xi32, #tpu.memory_space<vmem>>) semaphore(%arg18 : memref<!tpu.dma_semaphore, #tpu.memory_space<semaphore_mem>>) {add = true}
      %mul3A_279 = arith.constant 8 : i32
      %mul3A_280 = arith.muli %add3A_223, %mul3A_279 : i32
      %add3A_281 = arith.constant 2 : i32
      %add3A_282 = arith.addi %mul3A_280, %add3A_281 : i32
      %ge3A_283 = arith.constant 4 : i32
      %ge3A_284 = arith.cmpi sge, %add3A_282, %ge3A_283 : i32
      %convert_element_type3A_285 = arith.extui %ge3A_284 : i1 to i32
      %cond3A_286 = arith.constant 0 : i32
      %cond3A_287 = arith.cmpi ne, %convert_element_type3A_285, %cond3A_286 : i32
      scf.if %cond3A_287 {
        %dma_wait3A_447 = arith.constant 0 : i32
        %dma_wait3A_448 = arith.constant 0 : i32
        %dma_wait3A_449 = tpu.memref_slice %arg7[%dma_wait3A_447, %dma_wait3A_448] : memref<79x128xi32, #tpu.memory_space<vmem>> -> memref<1x128xi32, #tpu.memory_space<vmem>>
        %dma_wait3A_450 = tpu.memref_squeeze %dma_wait3A_449 : memref<1x128xi32, #tpu.memory_space<vmem>> -> memref<128xi32, #tpu.memory_space<vmem>>
        %dma_wait3A_451 = arith.constant 0 : i32
        %dma_wait3A_452 = arith.constant 0 : i32
        %dma_wait3A_453 = tpu.memref_slice %arg16[%dma_wait3A_451, %dma_wait3A_452] : memref<10000x128xbf16, #tpu.memory_space<vmem_shared>> -> memref<10000x128xbf16, #tpu.memory_space<vmem_shared>>
        tpu.wait_indirect_dma semaphore(%arg18 : memref<!tpu.dma_semaphore, #tpu.memory_space<semaphore_mem>>) src(%arg14 : memref<128x128xbf16, #tpu.memory_space<vmem>>) dst(%dma_wait3A_453 : memref<10000x128xbf16, #tpu.memory_space<vmem_shared>>)
      } else {
      }
      %add3A_288 = arith.constant 4 : i32
      %add3A_289 = arith.addi %add3A_282, %add3A_288 : i32
      %lt3A_290 = arith.constant 78 : i32
      %lt3A_291 = arith.cmpi slt, %add3A_289, %lt3A_290 : i32
      %convert_element_type3A_292 = arith.extui %lt3A_291 : i1 to i32
      %cond3A_293 = arith.constant 0 : i32
      %cond3A_294 = arith.cmpi ne, %convert_element_type3A_292, %cond3A_293 : i32
      scf.if %cond3A_294 {
        %add3A_447 = arith.constant 4 : i32
        %add3A_448 = arith.addi %add3A_282, %add3A_447 : i32
        %dma_start3A_449 = arith.constant 0 : i32
        %dma_start3A_450 = tpu.memref_slice %arg6[%add3A_448, %dma_start3A_449] : memref<79x128xi32, #tpu.memory_space<vmem>> -> memref<1x128xi32, #tpu.memory_space<vmem>>
        %dma_start3A_451 = tpu.memref_squeeze %dma_start3A_450 : memref<1x128xi32, #tpu.memory_space<vmem>> -> memref<128xi32, #tpu.memory_space<vmem>>
        %dma_start3A_452 = arith.constant 0 : i32
        %dma_start3A_453 = arith.constant 0 : i32
        %dma_start3A_454 = tpu.memref_slice %arg2[%dma_start3A_452, %dma_start3A_453] : memref<10000x128xbf16, #tpu.memory_space<hbm>> -> memref<10000x128xbf16, #tpu.memory_space<hbm>>
        tpu.enqueue_indirect_dma source(%dma_start3A_454 : memref<10000x128xbf16, #tpu.memory_space<hbm>>) target(%arg14 : memref<128x128xbf16, #tpu.memory_space<vmem>>) offsets(%dma_start3A_451 : memref<128xi32, #tpu.memory_space<vmem>>) semaphore(%arg17 : memref<!tpu.dma_semaphore, #tpu.memory_space<semaphore_mem>>)
      } else {
      }
      %dma_wait3A_295 = arith.constant 0 : i32
      %dma_wait3A_296 = tpu.memref_slice %arg6[%add3A_282, %dma_wait3A_295] : memref<79x128xi32, #tpu.memory_space<vmem>> -> memref<1x128xi32, #tpu.memory_space<vmem>>
      %dma_wait3A_297 = tpu.memref_squeeze %dma_wait3A_296 : memref<1x128xi32, #tpu.memory_space<vmem>> -> memref<128xi32, #tpu.memory_space<vmem>>
      %dma_wait3A_298 = arith.constant 0 : i32
      %dma_wait3A_299 = arith.constant 0 : i32
      %dma_wait3A_300 = tpu.memref_slice %arg2[%dma_wait3A_298, %dma_wait3A_299] : memref<10000x128xbf16, #tpu.memory_space<hbm>> -> memref<10000x128xbf16, #tpu.memory_space<hbm>>
      tpu.wait_indirect_dma semaphore(%arg17 : memref<!tpu.dma_semaphore, #tpu.memory_space<semaphore_mem>>) src(%dma_wait3A_300 : memref<10000x128xbf16, #tpu.memory_space<hbm>>) dst(%arg10 : memref<128x128xbf16, #tpu.memory_space<vmem>>)
      %dma_start3A_301 = arith.constant 0 : i32
      %dma_start3A_302 = tpu.memref_slice %arg7[%add3A_282, %dma_start3A_301] : memref<79x128xi32, #tpu.memory_space<vmem>> -> memref<1x128xi32, #tpu.memory_space<vmem>>
      %dma_start3A_303 = tpu.memref_squeeze %dma_start3A_302 : memref<1x128xi32, #tpu.memory_space<vmem>> -> memref<128xi32, #tpu.memory_space<vmem>>
      %dma_start3A_304 = arith.constant 0 : i32
      %dma_start3A_305 = arith.constant 0 : i32
      %dma_start3A_306 = tpu.memref_slice %arg16[%dma_start3A_304, %dma_start3A_305] : memref<10000x128xbf16, #tpu.memory_space<vmem_shared>> -> memref<10000x128xbf16, #tpu.memory_space<vmem_shared>>
      tpu.enqueue_indirect_dma source(%arg10 : memref<128x128xbf16, #tpu.memory_space<vmem>>) target(%dma_start3A_306 : memref<10000x128xbf16, #tpu.memory_space<vmem_shared>>) offsets(%dma_start3A_303 : memref<128xi32, #tpu.memory_space<vmem>>) semaphore(%arg18 : memref<!tpu.dma_semaphore, #tpu.memory_space<semaphore_mem>>) {add = true}
      %mul3A_307 = arith.constant 8 : i32
      %mul3A_308 = arith.muli %add3A_223, %mul3A_307 : i32
      %add3A_309 = arith.constant 3 : i32
      %add3A_310 = arith.addi %mul3A_308, %add3A_309 : i32
      %ge3A_311 = arith.constant 4 : i32
      %ge3A_312 = arith.cmpi sge, %add3A_310, %ge3A_311 : i32
      %convert_element_type3A_313 = arith.extui %ge3A_312 : i1 to i32
      %cond3A_314 = arith.constant 0 : i32
      %cond3A_315 = arith.cmpi ne, %convert_element_type3A_313, %cond3A_314 : i32
      scf.if %cond3A_315 {
        %dma_wait3A_447 = arith.constant 0 : i32
        %dma_wait3A_448 = arith.constant 0 : i32
        %dma_wait3A_449 = tpu.memref_slice %arg7[%dma_wait3A_447, %dma_wait3A_448] : memref<79x128xi32, #tpu.memory_space<vmem>> -> memref<1x128xi32, #tpu.memory_space<vmem>>
        %dma_wait3A_450 = tpu.memref_squeeze %dma_wait3A_449 : memref<1x128xi32, #tpu.memory_space<vmem>> -> memref<128xi32, #tpu.memory_space<vmem>>
        %dma_wait3A_451 = arith.constant 0 : i32
        %dma_wait3A_452 = arith.constant 0 : i32
        %dma_wait3A_453 = tpu.memref_slice %arg16[%dma_wait3A_451, %dma_wait3A_452] : memref<10000x128xbf16, #tpu.memory_space<vmem_shared>> -> memref<10000x128xbf16, #tpu.memory_space<vmem_shared>>
        tpu.wait_indirect_dma semaphore(%arg18 : memref<!tpu.dma_semaphore, #tpu.memory_space<semaphore_mem>>) src(%arg15 : memref<128x128xbf16, #tpu.memory_space<vmem>>) dst(%dma_wait3A_453 : memref<10000x128xbf16, #tpu.memory_space<vmem_shared>>)
      } else {
      }
      %add3A_316 = arith.constant 4 : i32
      %add3A_317 = arith.addi %add3A_310, %add3A_316 : i32
      %lt3A_318 = arith.constant 78 : i32
      %lt3A_319 = arith.cmpi slt, %add3A_317, %lt3A_318 : i32
      %convert_element_type3A_320 = arith.extui %lt3A_319 : i1 to i32
      %cond3A_321 = arith.constant 0 : i32
      %cond3A_322 = arith.cmpi ne, %convert_element_type3A_320, %cond3A_321 : i32
      scf.if %cond3A_322 {
        %add3A_447 = arith.constant 4 : i32
        %add3A_448 = arith.addi %add3A_310, %add3A_447 : i32
        %dma_start3A_449 = arith.constant 0 : i32
        %dma_start3A_450 = tpu.memref_slice %arg6[%add3A_448, %dma_start3A_449] : memref<79x128xi32, #tpu.memory_space<vmem>> -> memref<1x128xi32, #tpu.memory_space<vmem>>
        %dma_start3A_451 = tpu.memref_squeeze %dma_start3A_450 : memref<1x128xi32, #tpu.memory_space<vmem>> -> memref<128xi32, #tpu.memory_space<vmem>>
        %dma_start3A_452 = arith.constant 0 : i32
        %dma_start3A_453 = arith.constant 0 : i32
        %dma_start3A_454 = tpu.memref_slice %arg2[%dma_start3A_452, %dma_start3A_453] : memref<10000x128xbf16, #tpu.memory_space<hbm>> -> memref<10000x128xbf16, #tpu.memory_space<hbm>>
        tpu.enqueue_indirect_dma source(%dma_start3A_454 : memref<10000x128xbf16, #tpu.memory_space<hbm>>) target(%arg15 : memref<128x128xbf16, #tpu.memory_space<vmem>>) offsets(%dma_start3A_451 : memref<128xi32, #tpu.memory_space<vmem>>) semaphore(%arg17 : memref<!tpu.dma_semaphore, #tpu.memory_space<semaphore_mem>>)
      } else {
      }
      %dma_wait3A_323 = arith.constant 0 : i32
      %dma_wait3A_324 = tpu.memref_slice %arg6[%add3A_310, %dma_wait3A_323] : memref<79x128xi32, #tpu.memory_space<vmem>> -> memref<1x128xi32, #tpu.memory_space<vmem>>
      %dma_wait3A_325 = tpu.memref_squeeze %dma_wait3A_324 : memref<1x128xi32, #tpu.memory_space<vmem>> -> memref<128xi32, #tpu.memory_space<vmem>>
      %dma_wait3A_326 = arith.constant 0 : i32
      %dma_wait3A_327 = arith.constant 0 : i32
      %dma_wait3A_328 = tpu.memref_slice %arg2[%dma_wait3A_326, %dma_wait3A_327] : memref<10000x128xbf16, #tpu.memory_space<hbm>> -> memref<10000x128xbf16, #tpu.memory_space<hbm>>
      tpu.wait_indirect_dma semaphore(%arg17 : memref<!tpu.dma_semaphore, #tpu.memory_space<semaphore_mem>>) src(%dma_wait3A_328 : memref<10000x128xbf16, #tpu.memory_space<hbm>>) dst(%arg11 : memref<128x128xbf16, #tpu.memory_space<vmem>>)
      %dma_start3A_329 = arith.constant 0 : i32
      %dma_start3A_330 = tpu.memref_slice %arg7[%add3A_310, %dma_start3A_329] : memref<79x128xi32, #tpu.memory_space<vmem>> -> memref<1x128xi32, #tpu.memory_space<vmem>>
      %dma_start3A_331 = tpu.memref_squeeze %dma_start3A_330 : memref<1x128xi32, #tpu.memory_space<vmem>> -> memref<128xi32, #tpu.memory_space<vmem>>
      %dma_start3A_332 = arith.constant 0 : i32
      %dma_start3A_333 = arith.constant 0 : i32
      %dma_start3A_334 = tpu.memref_slice %arg16[%dma_start3A_332, %dma_start3A_333] : memref<10000x128xbf16, #tpu.memory_space<vmem_shared>> -> memref<10000x128xbf16, #tpu.memory_space<vmem_shared>>
      tpu.enqueue_indirect_dma source(%arg11 : memref<128x128xbf16, #tpu.memory_space<vmem>>) target(%dma_start3A_334 : memref<10000x128xbf16, #tpu.memory_space<vmem_shared>>) offsets(%dma_start3A_331 : memref<128xi32, #tpu.memory_space<vmem>>) semaphore(%arg18 : memref<!tpu.dma_semaphore, #tpu.memory_space<semaphore_mem>>) {add = true}
      %mul3A_335 = arith.constant 8 : i32
      %mul3A_336 = arith.muli %add3A_223, %mul3A_335 : i32
      %add3A_337 = arith.constant 4 : i32
      %add3A_338 = arith.addi %mul3A_336, %add3A_337 : i32
      %ge3A_339 = arith.constant 4 : i32
      %ge3A_340 = arith.cmpi sge, %add3A_338, %ge3A_339 : i32
      %convert_element_type3A_341 = arith.extui %ge3A_340 : i1 to i32
      %cond3A_342 = arith.constant 0 : i32
      %cond3A_343 = arith.cmpi ne, %convert_element_type3A_341, %cond3A_342 : i32
      scf.if %cond3A_343 {
        %dma_wait3A_447 = arith.constant 0 : i32
        %dma_wait3A_448 = arith.constant 0 : i32
        %dma_wait3A_449 = tpu.memref_slice %arg7[%dma_wait3A_447, %dma_wait3A_448] : memref<79x128xi32, #tpu.memory_space<vmem>> -> memref<1x128xi32, #tpu.memory_space<vmem>>
        %dma_wait3A_450 = tpu.memref_squeeze %dma_wait3A_449 : memref<1x128xi32, #tpu.memory_space<vmem>> -> memref<128xi32, #tpu.memory_space<vmem>>
        %dma_wait3A_451 = arith.constant 0 : i32
        %dma_wait3A_452 = arith.constant 0 : i32
        %dma_wait3A_453 = tpu.memref_slice %arg16[%dma_wait3A_451, %dma_wait3A_452] : memref<10000x128xbf16, #tpu.memory_space<vmem_shared>> -> memref<10000x128xbf16, #tpu.memory_space<vmem_shared>>
        tpu.wait_indirect_dma semaphore(%arg18 : memref<!tpu.dma_semaphore, #tpu.memory_space<semaphore_mem>>) src(%arg8 : memref<128x128xbf16, #tpu.memory_space<vmem>>) dst(%dma_wait3A_453 : memref<10000x128xbf16, #tpu.memory_space<vmem_shared>>)
      } else {
      }
      %add3A_344 = arith.constant 4 : i32
      %add3A_345 = arith.addi %add3A_338, %add3A_344 : i32
      %lt3A_346 = arith.constant 78 : i32
      %lt3A_347 = arith.cmpi slt, %add3A_345, %lt3A_346 : i32
      %convert_element_type3A_348 = arith.extui %lt3A_347 : i1 to i32
      %cond3A_349 = arith.constant 0 : i32
      %cond3A_350 = arith.cmpi ne, %convert_element_type3A_348, %cond3A_349 : i32
      scf.if %cond3A_350 {
        %add3A_447 = arith.constant 4 : i32
        %add3A_448 = arith.addi %add3A_338, %add3A_447 : i32
        %dma_start3A_449 = arith.constant 0 : i32
        %dma_start3A_450 = tpu.memref_slice %arg6[%add3A_448, %dma_start3A_449] : memref<79x128xi32, #tpu.memory_space<vmem>> -> memref<1x128xi32, #tpu.memory_space<vmem>>
        %dma_start3A_451 = tpu.memref_squeeze %dma_start3A_450 : memref<1x128xi32, #tpu.memory_space<vmem>> -> memref<128xi32, #tpu.memory_space<vmem>>
        %dma_start3A_452 = arith.constant 0 : i32
        %dma_start3A_453 = arith.constant 0 : i32
        %dma_start3A_454 = tpu.memref_slice %arg2[%dma_start3A_452, %dma_start3A_453] : memref<10000x128xbf16, #tpu.memory_space<hbm>> -> memref<10000x128xbf16, #tpu.memory_space<hbm>>
        tpu.enqueue_indirect_dma source(%dma_start3A_454 : memref<10000x128xbf16, #tpu.memory_space<hbm>>) target(%arg8 : memref<128x128xbf16, #tpu.memory_space<vmem>>) offsets(%dma_start3A_451 : memref<128xi32, #tpu.memory_space<vmem>>) semaphore(%arg17 : memref<!tpu.dma_semaphore, #tpu.memory_space<semaphore_mem>>)
      } else {
      }
      %dma_wait3A_351 = arith.constant 0 : i32
      %dma_wait3A_352 = tpu.memref_slice %arg6[%add3A_338, %dma_wait3A_351] : memref<79x128xi32, #tpu.memory_space<vmem>> -> memref<1x128xi32, #tpu.memory_space<vmem>>
      %dma_wait3A_353 = tpu.memref_squeeze %dma_wait3A_352 : memref<1x128xi32, #tpu.memory_space<vmem>> -> memref<128xi32, #tpu.memory_space<vmem>>
      %dma_wait3A_354 = arith.constant 0 : i32
      %dma_wait3A_355 = arith.constant 0 : i32
      %dma_wait3A_356 = tpu.memref_slice %arg2[%dma_wait3A_354, %dma_wait3A_355] : memref<10000x128xbf16, #tpu.memory_space<hbm>> -> memref<10000x128xbf16, #tpu.memory_space<hbm>>
      tpu.wait_indirect_dma semaphore(%arg17 : memref<!tpu.dma_semaphore, #tpu.memory_space<semaphore_mem>>) src(%dma_wait3A_356 : memref<10000x128xbf16, #tpu.memory_space<hbm>>) dst(%arg12 : memref<128x128xbf16, #tpu.memory_space<vmem>>)
      %dma_start3A_357 = arith.constant 0 : i32
      %dma_start3A_358 = tpu.memref_slice %arg7[%add3A_338, %dma_start3A_357] : memref<79x128xi32, #tpu.memory_space<vmem>> -> memref<1x128xi32, #tpu.memory_space<vmem>>
      %dma_start3A_359 = tpu.memref_squeeze %dma_start3A_358 : memref<1x128xi32, #tpu.memory_space<vmem>> -> memref<128xi32, #tpu.memory_space<vmem>>
      %dma_start3A_360 = arith.constant 0 : i32
      %dma_start3A_361 = arith.constant 0 : i32
      %dma_start3A_362 = tpu.memref_slice %arg16[%dma_start3A_360, %dma_start3A_361] : memref<10000x128xbf16, #tpu.memory_space<vmem_shared>> -> memref<10000x128xbf16, #tpu.memory_space<vmem_shared>>
      tpu.enqueue_indirect_dma source(%arg12 : memref<128x128xbf16, #tpu.memory_space<vmem>>) target(%dma_start3A_362 : memref<10000x128xbf16, #tpu.memory_space<vmem_shared>>) offsets(%dma_start3A_359 : memref<128xi32, #tpu.memory_space<vmem>>) semaphore(%arg18 : memref<!tpu.dma_semaphore, #tpu.memory_space<semaphore_mem>>) {add = true}
      %mul3A_363 = arith.constant 8 : i32
      %mul3A_364 = arith.muli %add3A_223, %mul3A_363 : i32
      %add3A_365 = arith.constant 5 : i32
      %add3A_366 = arith.addi %mul3A_364, %add3A_365 : i32
      %ge3A_367 = arith.constant 4 : i32
      %ge3A_368 = arith.cmpi sge, %add3A_366, %ge3A_367 : i32
      %convert_element_type3A_369 = arith.extui %ge3A_368 : i1 to i32
      %cond3A_370 = arith.constant 0 : i32
      %cond3A_371 = arith.cmpi ne, %convert_element_type3A_369, %cond3A_370 : i32
      scf.if %cond3A_371 {
        %dma_wait3A_447 = arith.constant 0 : i32
        %dma_wait3A_448 = arith.constant 0 : i32
        %dma_wait3A_449 = tpu.memref_slice %arg7[%dma_wait3A_447, %dma_wait3A_448] : memref<79x128xi32, #tpu.memory_space<vmem>> -> memref<1x128xi32, #tpu.memory_space<vmem>>
        %dma_wait3A_450 = tpu.memref_squeeze %dma_wait3A_449 : memref<1x128xi32, #tpu.memory_space<vmem>> -> memref<128xi32, #tpu.memory_space<vmem>>
        %dma_wait3A_451 = arith.constant 0 : i32
        %dma_wait3A_452 = arith.constant 0 : i32
        %dma_wait3A_453 = tpu.memref_slice %arg16[%dma_wait3A_451, %dma_wait3A_452] : memref<10000x128xbf16, #tpu.memory_space<vmem_shared>> -> memref<10000x128xbf16, #tpu.memory_space<vmem_shared>>
        tpu.wait_indirect_dma semaphore(%arg18 : memref<!tpu.dma_semaphore, #tpu.memory_space<semaphore_mem>>) src(%arg9 : memref<128x128xbf16, #tpu.memory_space<vmem>>) dst(%dma_wait3A_453 : memref<10000x128xbf16, #tpu.memory_space<vmem_shared>>)
      } else {
      }
      %add3A_372 = arith.constant 4 : i32
      %add3A_373 = arith.addi %add3A_366, %add3A_372 : i32
      %lt3A_374 = arith.constant 78 : i32
      %lt3A_375 = arith.cmpi slt, %add3A_373, %lt3A_374 : i32
      %convert_element_type3A_376 = arith.extui %lt3A_375 : i1 to i32
      %cond3A_377 = arith.constant 0 : i32
      %cond3A_378 = arith.cmpi ne, %convert_element_type3A_376, %cond3A_377 : i32
      scf.if %cond3A_378 {
        %add3A_447 = arith.constant 4 : i32
        %add3A_448 = arith.addi %add3A_366, %add3A_447 : i32
        %dma_start3A_449 = arith.constant 0 : i32
        %dma_start3A_450 = tpu.memref_slice %arg6[%add3A_448, %dma_start3A_449] : memref<79x128xi32, #tpu.memory_space<vmem>> -> memref<1x128xi32, #tpu.memory_space<vmem>>
        %dma_start3A_451 = tpu.memref_squeeze %dma_start3A_450 : memref<1x128xi32, #tpu.memory_space<vmem>> -> memref<128xi32, #tpu.memory_space<vmem>>
        %dma_start3A_452 = arith.constant 0 : i32
        %dma_start3A_453 = arith.constant 0 : i32
        %dma_start3A_454 = tpu.memref_slice %arg2[%dma_start3A_452, %dma_start3A_453] : memref<10000x128xbf16, #tpu.memory_space<hbm>> -> memref<10000x128xbf16, #tpu.memory_space<hbm>>
        tpu.enqueue_indirect_dma source(%dma_start3A_454 : memref<10000x128xbf16, #tpu.memory_space<hbm>>) target(%arg9 : memref<128x128xbf16, #tpu.memory_space<vmem>>) offsets(%dma_start3A_451 : memref<128xi32, #tpu.memory_space<vmem>>) semaphore(%arg17 : memref<!tpu.dma_semaphore, #tpu.memory_space<semaphore_mem>>)
      } else {
      }
      %dma_wait3A_379 = arith.constant 0 : i32
      %dma_wait3A_380 = tpu.memref_slice %arg6[%add3A_366, %dma_wait3A_379] : memref<79x128xi32, #tpu.memory_space<vmem>> -> memref<1x128xi32, #tpu.memory_space<vmem>>
      %dma_wait3A_381 = tpu.memref_squeeze %dma_wait3A_380 : memref<1x128xi32, #tpu.memory_space<vmem>> -> memref<128xi32, #tpu.memory_space<vmem>>
      %dma_wait3A_382 = arith.constant 0 : i32
      %dma_wait3A_383 = arith.constant 0 : i32
      %dma_wait3A_384 = tpu.memref_slice %arg2[%dma_wait3A_382, %dma_wait3A_383] : memref<10000x128xbf16, #tpu.memory_space<hbm>> -> memref<10000x128xbf16, #tpu.memory_space<hbm>>
      tpu.wait_indirect_dma semaphore(%arg17 : memref<!tpu.dma_semaphore, #tpu.memory_space<semaphore_mem>>) src(%dma_wait3A_384 : memref<10000x128xbf16, #tpu.memory_space<hbm>>) dst(%arg13 : memref<128x128xbf16, #tpu.memory_space<vmem>>)
      %dma_start3A_385 = arith.constant 0 : i32
      %dma_start3A_386 = tpu.memref_slice %arg7[%add3A_366, %dma_start3A_385] : memref<79x128xi32, #tpu.memory_space<vmem>> -> memref<1x128xi32, #tpu.memory_space<vmem>>
      %dma_start3A_387 = tpu.memref_squeeze %dma_start3A_386 : memref<1x128xi32, #tpu.memory_space<vmem>> -> memref<128xi32, #tpu.memory_space<vmem>>
      %dma_start3A_388 = arith.constant 0 : i32
      %dma_start3A_389 = arith.constant 0 : i32
      %dma_start3A_390 = tpu.memref_slice %arg16[%dma_start3A_388, %dma_start3A_389] : memref<10000x128xbf16, #tpu.memory_space<vmem_shared>> -> memref<10000x128xbf16, #tpu.memory_space<vmem_shared>>
      tpu.enqueue_indirect_dma source(%arg13 : memref<128x128xbf16, #tpu.memory_space<vmem>>) target(%dma_start3A_390 : memref<10000x128xbf16, #tpu.memory_space<vmem_shared>>) offsets(%dma_start3A_387 : memref<128xi32, #tpu.memory_space<vmem>>) semaphore(%arg18 : memref<!tpu.dma_semaphore, #tpu.memory_space<semaphore_mem>>) {add = true}
      %mul3A_391 = arith.constant 8 : i32
      %mul3A_392 = arith.muli %add3A_223, %mul3A_391 : i32
      %add3A_393 = arith.constant 6 : i32
      %add3A_394 = arith.addi %mul3A_392, %add3A_393 : i32
      %ge3A_395 = arith.constant 4 : i32
      %ge3A_396 = arith.cmpi sge, %add3A_394, %ge3A_395 : i32
      %convert_element_type3A_397 = arith.extui %ge3A_396 : i1 to i32
      %cond3A_398 = arith.constant 0 : i32
      %cond3A_399 = arith.cmpi ne, %convert_element_type3A_397, %cond3A_398 : i32
      scf.if %cond3A_399 {
        %dma_wait3A_447 = arith.constant 0 : i32
        %dma_wait3A_448 = arith.constant 0 : i32
        %dma_wait3A_449 = tpu.memref_slice %arg7[%dma_wait3A_447, %dma_wait3A_448] : memref<79x128xi32, #tpu.memory_space<vmem>> -> memref<1x128xi32, #tpu.memory_space<vmem>>
        %dma_wait3A_450 = tpu.memref_squeeze %dma_wait3A_449 : memref<1x128xi32, #tpu.memory_space<vmem>> -> memref<128xi32, #tpu.memory_space<vmem>>
        %dma_wait3A_451 = arith.constant 0 : i32
        %dma_wait3A_452 = arith.constant 0 : i32
        %dma_wait3A_453 = tpu.memref_slice %arg16[%dma_wait3A_451, %dma_wait3A_452] : memref<10000x128xbf16, #tpu.memory_space<vmem_shared>> -> memref<10000x128xbf16, #tpu.memory_space<vmem_shared>>
        tpu.wait_indirect_dma semaphore(%arg18 : memref<!tpu.dma_semaphore, #tpu.memory_space<semaphore_mem>>) src(%arg10 : memref<128x128xbf16, #tpu.memory_space<vmem>>) dst(%dma_wait3A_453 : memref<10000x128xbf16, #tpu.memory_space<vmem_shared>>)
      } else {
      }
      %add3A_400 = arith.constant 4 : i32
      %add3A_401 = arith.addi %add3A_394, %add3A_400 : i32
      %lt3A_402 = arith.constant 78 : i32
      %lt3A_403 = arith.cmpi slt, %add3A_401, %lt3A_402 : i32
      %convert_element_type3A_404 = arith.extui %lt3A_403 : i1 to i32
      %cond3A_405 = arith.constant 0 : i32
      %cond3A_406 = arith.cmpi ne, %convert_element_type3A_404, %cond3A_405 : i32
      scf.if %cond3A_406 {
        %add3A_447 = arith.constant 4 : i32
        %add3A_448 = arith.addi %add3A_394, %add3A_447 : i32
        %dma_start3A_449 = arith.constant 0 : i32
        %dma_start3A_450 = tpu.memref_slice %arg6[%add3A_448, %dma_start3A_449] : memref<79x128xi32, #tpu.memory_space<vmem>> -> memref<1x128xi32, #tpu.memory_space<vmem>>
        %dma_start3A_451 = tpu.memref_squeeze %dma_start3A_450 : memref<1x128xi32, #tpu.memory_space<vmem>> -> memref<128xi32, #tpu.memory_space<vmem>>
        %dma_start3A_452 = arith.constant 0 : i32
        %dma_start3A_453 = arith.constant 0 : i32
        %dma_start3A_454 = tpu.memref_slice %arg2[%dma_start3A_452, %dma_start3A_453] : memref<10000x128xbf16, #tpu.memory_space<hbm>> -> memref<10000x128xbf16, #tpu.memory_space<hbm>>
        tpu.enqueue_indirect_dma source(%dma_start3A_454 : memref<10000x128xbf16, #tpu.memory_space<hbm>>) target(%arg10 : memref<128x128xbf16, #tpu.memory_space<vmem>>) offsets(%dma_start3A_451 : memref<128xi32, #tpu.memory_space<vmem>>) semaphore(%arg17 : memref<!tpu.dma_semaphore, #tpu.memory_space<semaphore_mem>>)
      } else {
      }
      %dma_wait3A_407 = arith.constant 0 : i32
      %dma_wait3A_408 = tpu.memref_slice %arg6[%add3A_394, %dma_wait3A_407] : memref<79x128xi32, #tpu.memory_space<vmem>> -> memref<1x128xi32, #tpu.memory_space<vmem>>
      %dma_wait3A_409 = tpu.memref_squeeze %dma_wait3A_408 : memref<1x128xi32, #tpu.memory_space<vmem>> -> memref<128xi32, #tpu.memory_space<vmem>>
      %dma_wait3A_410 = arith.constant 0 : i32
      %dma_wait3A_411 = arith.constant 0 : i32
      %dma_wait3A_412 = tpu.memref_slice %arg2[%dma_wait3A_410, %dma_wait3A_411] : memref<10000x128xbf16, #tpu.memory_space<hbm>> -> memref<10000x128xbf16, #tpu.memory_space<hbm>>
      tpu.wait_indirect_dma semaphore(%arg17 : memref<!tpu.dma_semaphore, #tpu.memory_space<semaphore_mem>>) src(%dma_wait3A_412 : memref<10000x128xbf16, #tpu.memory_space<hbm>>) dst(%arg14 : memref<128x128xbf16, #tpu.memory_space<vmem>>)
      %dma_start3A_413 = arith.constant 0 : i32
      %dma_start3A_414 = tpu.memref_slice %arg7[%add3A_394, %dma_start3A_413] : memref<79x128xi32, #tpu.memory_space<vmem>> -> memref<1x128xi32, #tpu.memory_space<vmem>>
      %dma_start3A_415 = tpu.memref_squeeze %dma_start3A_414 : memref<1x128xi32, #tpu.memory_space<vmem>> -> memref<128xi32, #tpu.memory_space<vmem>>
      %dma_start3A_416 = arith.constant 0 : i32
      %dma_start3A_417 = arith.constant 0 : i32
      %dma_start3A_418 = tpu.memref_slice %arg16[%dma_start3A_416, %dma_start3A_417] : memref<10000x128xbf16, #tpu.memory_space<vmem_shared>> -> memref<10000x128xbf16, #tpu.memory_space<vmem_shared>>
      tpu.enqueue_indirect_dma source(%arg14 : memref<128x128xbf16, #tpu.memory_space<vmem>>) target(%dma_start3A_418 : memref<10000x128xbf16, #tpu.memory_space<vmem_shared>>) offsets(%dma_start3A_415 : memref<128xi32, #tpu.memory_space<vmem>>) semaphore(%arg18 : memref<!tpu.dma_semaphore, #tpu.memory_space<semaphore_mem>>) {add = true}
      %mul3A_419 = arith.constant 8 : i32
      %mul3A_420 = arith.muli %add3A_223, %mul3A_419 : i32
      %add3A_421 = arith.constant 7 : i32
      %add3A_422 = arith.addi %mul3A_420, %add3A_421 : i32
      %ge3A_423 = arith.constant 4 : i32
      %ge3A_424 = arith.cmpi sge, %add3A_422, %ge3A_423 : i32
      %convert_element_type3A_425 = arith.extui %ge3A_424 : i1 to i32
      %cond3A_426 = arith.constant 0 : i32
      %cond3A_427 = arith.cmpi ne, %convert_element_type3A_425, %cond3A_426 : i32
      scf.if %cond3A_427 {
        %dma_wait3A_447 = arith.constant 0 : i32
        %dma_wait3A_448 = arith.constant 0 : i32
        %dma_wait3A_449 = tpu.memref_slice %arg7[%dma_wait3A_447, %dma_wait3A_448] : memref<79x128xi32, #tpu.memory_space<vmem>> -> memref<1x128xi32, #tpu.memory_space<vmem>>
        %dma_wait3A_450 = tpu.memref_squeeze %dma_wait3A_449 : memref<1x128xi32, #tpu.memory_space<vmem>> -> memref<128xi32, #tpu.memory_space<vmem>>
        %dma_wait3A_451 = arith.constant 0 : i32
        %dma_wait3A_452 = arith.constant 0 : i32
        %dma_wait3A_453 = tpu.memref_slice %arg16[%dma_wait3A_451, %dma_wait3A_452] : memref<10000x128xbf16, #tpu.memory_space<vmem_shared>> -> memref<10000x128xbf16, #tpu.memory_space<vmem_shared>>
        tpu.wait_indirect_dma semaphore(%arg18 : memref<!tpu.dma_semaphore, #tpu.memory_space<semaphore_mem>>) src(%arg11 : memref<128x128xbf16, #tpu.memory_space<vmem>>) dst(%dma_wait3A_453 : memref<10000x128xbf16, #tpu.memory_space<vmem_shared>>)
      } else {
      }
      %add3A_428 = arith.constant 4 : i32
      %add3A_429 = arith.addi %add3A_422, %add3A_428 : i32
      %lt3A_430 = arith.constant 78 : i32
      %lt3A_431 = arith.cmpi slt, %add3A_429, %lt3A_430 : i32
      %convert_element_type3A_432 = arith.extui %lt3A_431 : i1 to i32
      %cond3A_433 = arith.constant 0 : i32
      %cond3A_434 = arith.cmpi ne, %convert_element_type3A_432, %cond3A_433 : i32
      scf.if %cond3A_434 {
        %add3A_447 = arith.constant 4 : i32
        %add3A_448 = arith.addi %add3A_422, %add3A_447 : i32
        %dma_start3A_449 = arith.constant 0 : i32
        %dma_start3A_450 = tpu.memref_slice %arg6[%add3A_448, %dma_start3A_449] : memref<79x128xi32, #tpu.memory_space<vmem>> -> memref<1x128xi32, #tpu.memory_space<vmem>>
        %dma_start3A_451 = tpu.memref_squeeze %dma_start3A_450 : memref<1x128xi32, #tpu.memory_space<vmem>> -> memref<128xi32, #tpu.memory_space<vmem>>
        %dma_start3A_452 = arith.constant 0 : i32
        %dma_start3A_453 = arith.constant 0 : i32
        %dma_start3A_454 = tpu.memref_slice %arg2[%dma_start3A_452, %dma_start3A_453] : memref<10000x128xbf16, #tpu.memory_space<hbm>> -> memref<10000x128xbf16, #tpu.memory_space<hbm>>
        tpu.enqueue_indirect_dma source(%dma_start3A_454 : memref<10000x128xbf16, #tpu.memory_space<hbm>>) target(%arg11 : memref<128x128xbf16, #tpu.memory_space<vmem>>) offsets(%dma_start3A_451 : memref<128xi32, #tpu.memory_space<vmem>>) semaphore(%arg17 : memref<!tpu.dma_semaphore, #tpu.memory_space<semaphore_mem>>)
      } else {
      }
      %dma_wait3A_435 = arith.constant 0 : i32
      %dma_wait3A_436 = tpu.memref_slice %arg6[%add3A_422, %dma_wait3A_435] : memref<79x128xi32, #tpu.memory_space<vmem>> -> memref<1x128xi32, #tpu.memory_space<vmem>>
      %dma_wait3A_437 = tpu.memref_squeeze %dma_wait3A_436 : memref<1x128xi32, #tpu.memory_space<vmem>> -> memref<128xi32, #tpu.memory_space<vmem>>
      %dma_wait3A_438 = arith.constant 0 : i32
      %dma_wait3A_439 = arith.constant 0 : i32
      %dma_wait3A_440 = tpu.memref_slice %arg2[%dma_wait3A_438, %dma_wait3A_439] : memref<10000x128xbf16, #tpu.memory_space<hbm>> -> memref<10000x128xbf16, #tpu.memory_space<hbm>>
      tpu.wait_indirect_dma semaphore(%arg17 : memref<!tpu.dma_semaphore, #tpu.memory_space<semaphore_mem>>) src(%dma_wait3A_440 : memref<10000x128xbf16, #tpu.memory_space<hbm>>) dst(%arg15 : memref<128x128xbf16, #tpu.memory_space<vmem>>)
      %dma_start3A_441 = arith.constant 0 : i32
      %dma_start3A_442 = tpu.memref_slice %arg7[%add3A_422, %dma_start3A_441] : memref<79x128xi32, #tpu.memory_space<vmem>> -> memref<1x128xi32, #tpu.memory_space<vmem>>
      %dma_start3A_443 = tpu.memref_squeeze %dma_start3A_442 : memref<1x128xi32, #tpu.memory_space<vmem>> -> memref<128xi32, #tpu.memory_space<vmem>>
      %dma_start3A_444 = arith.constant 0 : i32
      %dma_start3A_445 = arith.constant 0 : i32
      %dma_start3A_446 = tpu.memref_slice %arg16[%dma_start3A_444, %dma_start3A_445] : memref<10000x128xbf16, #tpu.memory_space<vmem_shared>> -> memref<10000x128xbf16, #tpu.memory_space<vmem_shared>>
      tpu.enqueue_indirect_dma source(%arg15 : memref<128x128xbf16, #tpu.memory_space<vmem>>) target(%dma_start3A_446 : memref<10000x128xbf16, #tpu.memory_space<vmem_shared>>) offsets(%dma_start3A_443 : memref<128xi32, #tpu.memory_space<vmem>>) semaphore(%arg18 : memref<!tpu.dma_semaphore, #tpu.memory_space<semaphore_mem>>) {add = true}
    }
    %scan3A_40 = arith.constant 9 : i32
    %dma_wait3A = arith.constant 0 : i32
    %dma_wait3A_41 = arith.constant 0 : i32
    %dma_wait3A_42 = tpu.memref_slice %arg7[%dma_wait3A, %dma_wait3A_41] : memref<79x128xi32, #tpu.memory_space<vmem>> -> memref<1x128xi32, #tpu.memory_space<vmem>>
    %dma_wait3A_43 = tpu.memref_squeeze %dma_wait3A_42 : memref<1x128xi32, #tpu.memory_space<vmem>> -> memref<128xi32, #tpu.memory_space<vmem>>
    %dma_wait3A_44 = arith.constant 0 : i32
    %dma_wait3A_45 = arith.constant 0 : i32
    %dma_wait3A_46 = tpu.memref_slice %arg16[%dma_wait3A_44, %dma_wait3A_45] : memref<10000x128xbf16, #tpu.memory_space<vmem_shared>> -> memref<10000x128xbf16, #tpu.memory_space<vmem_shared>>
    tpu.wait_indirect_dma semaphore(%arg18 : memref<!tpu.dma_semaphore, #tpu.memory_space<semaphore_mem>>) src(%arg12 : memref<128x128xbf16, #tpu.memory_space<vmem>>) dst(%dma_wait3A_46 : memref<10000x128xbf16, #tpu.memory_space<vmem_shared>>)
    %dma_start3A_47 = arith.constant 76 : i32
    %dma_start3A_48 = arith.constant 0 : i32
    %dma_start3A_49 = tpu.memref_slice %arg6[%dma_start3A_47, %dma_start3A_48] : memref<79x128xi32, #tpu.memory_space<vmem>> -> memref<1x128xi32, #tpu.memory_space<vmem>>
    %dma_start3A_50 = tpu.memref_squeeze %dma_start3A_49 : memref<1x128xi32, #tpu.memory_space<vmem>> -> memref<128xi32, #tpu.memory_space<vmem>>
    %dma_start3A_51 = arith.constant 0 : i32
    %dma_start3A_52 = arith.constant 0 : i32
    %dma_start3A_53 = tpu.memref_slice %arg2[%dma_start3A_51, %dma_start3A_52] : memref<10000x128xbf16, #tpu.memory_space<hbm>> -> memref<10000x128xbf16, #tpu.memory_space<hbm>>
    tpu.enqueue_indirect_dma source(%dma_start3A_53 : memref<10000x128xbf16, #tpu.memory_space<hbm>>) target(%arg12 : memref<128x128xbf16, #tpu.memory_space<vmem>>) offsets(%dma_start3A_50 : memref<128xi32, #tpu.memory_space<vmem>>) semaphore(%arg17 : memref<!tpu.dma_semaphore, #tpu.memory_space<semaphore_mem>>)
    %dma_wait3A_54 = arith.constant 72 : i32
    %dma_wait3A_55 = arith.constant 0 : i32
    %dma_wait3A_56 = tpu.memref_slice %arg6[%dma_wait3A_54, %dma_wait3A_55] : memref<79x128xi32, #tpu.memory_space<vmem>> -> memref<1x128xi32, #tpu.memory_space<vmem>>
    %dma_wait3A_57 = tpu.memref_squeeze %dma_wait3A_56 : memref<1x128xi32, #tpu.memory_space<vmem>> -> memref<128xi32, #tpu.memory_space<vmem>>
    %dma_wait3A_58 = arith.constant 0 : i32
    %dma_wait3A_59 = arith.constant 0 : i32
    %dma_wait3A_60 = tpu.memref_slice %arg2[%dma_wait3A_58, %dma_wait3A_59] : memref<10000x128xbf16, #tpu.memory_space<hbm>> -> memref<10000x128xbf16, #tpu.memory_space<hbm>>
    tpu.wait_indirect_dma semaphore(%arg17 : memref<!tpu.dma_semaphore, #tpu.memory_space<semaphore_mem>>) src(%dma_wait3A_60 : memref<10000x128xbf16, #tpu.memory_space<hbm>>) dst(%arg8 : memref<128x128xbf16, #tpu.memory_space<vmem>>)
    %dma_start3A_61 = arith.constant 72 : i32
    %dma_start3A_62 = arith.constant 0 : i32
    %dma_start3A_63 = tpu.memref_slice %arg7[%dma_start3A_61, %dma_start3A_62] : memref<79x128xi32, #tpu.memory_space<vmem>> -> memref<1x128xi32, #tpu.memory_space<vmem>>
    %dma_start3A_64 = tpu.memref_squeeze %dma_start3A_63 : memref<1x128xi32, #tpu.memory_space<vmem>> -> memref<128xi32, #tpu.memory_space<vmem>>
    %dma_start3A_65 = arith.constant 0 : i32
    %dma_start3A_66 = arith.constant 0 : i32
    %dma_start3A_67 = tpu.memref_slice %arg16[%dma_start3A_65, %dma_start3A_66] : memref<10000x128xbf16, #tpu.memory_space<vmem_shared>> -> memref<10000x128xbf16, #tpu.memory_space<vmem_shared>>
    tpu.enqueue_indirect_dma source(%arg8 : memref<128x128xbf16, #tpu.memory_space<vmem>>) target(%dma_start3A_67 : memref<10000x128xbf16, #tpu.memory_space<vmem_shared>>) offsets(%dma_start3A_64 : memref<128xi32, #tpu.memory_space<vmem>>) semaphore(%arg18 : memref<!tpu.dma_semaphore, #tpu.memory_space<semaphore_mem>>) {add = true}
    %dma_wait3A_68 = arith.constant 0 : i32
    %dma_wait3A_69 = arith.constant 0 : i32
    %dma_wait3A_70 = tpu.memref_slice %arg7[%dma_wait3A_68, %dma_wait3A_69] : memref<79x128xi32, #tpu.memory_space<vmem>> -> memref<1x128xi32, #tpu.memory_space<vmem>>
    %dma_wait3A_71 = tpu.memref_squeeze %dma_wait3A_70 : memref<1x128xi32, #tpu.memory_space<vmem>> -> memref<128xi32, #tpu.memory_space<vmem>>
    %dma_wait3A_72 = arith.constant 0 : i32
    %dma_wait3A_73 = arith.constant 0 : i32
    %dma_wait3A_74 = tpu.memref_slice %arg16[%dma_wait3A_72, %dma_wait3A_73] : memref<10000x128xbf16, #tpu.memory_space<vmem_shared>> -> memref<10000x128xbf16, #tpu.memory_space<vmem_shared>>
    tpu.wait_indirect_dma semaphore(%arg18 : memref<!tpu.dma_semaphore, #tpu.memory_space<semaphore_mem>>) src(%arg13 : memref<128x128xbf16, #tpu.memory_space<vmem>>) dst(%dma_wait3A_74 : memref<10000x128xbf16, #tpu.memory_space<vmem_shared>>)
    %dma_start3A_75 = arith.constant 77 : i32
    %dma_start3A_76 = arith.constant 0 : i32
    %dma_start3A_77 = tpu.memref_slice %arg6[%dma_start3A_75, %dma_start3A_76] : memref<79x128xi32, #tpu.memory_space<vmem>> -> memref<1x128xi32, #tpu.memory_space<vmem>>
    %dma_start3A_78 = tpu.memref_squeeze %dma_start3A_77 : memref<1x128xi32, #tpu.memory_space<vmem>> -> memref<128xi32, #tpu.memory_space<vmem>>
    %dma_start3A_79 = arith.constant 0 : i32
    %dma_start3A_80 = arith.constant 0 : i32
    %dma_start3A_81 = tpu.memref_slice %arg2[%dma_start3A_79, %dma_start3A_80] : memref<10000x128xbf16, #tpu.memory_space<hbm>> -> memref<10000x128xbf16, #tpu.memory_space<hbm>>
    tpu.enqueue_indirect_dma source(%dma_start3A_81 : memref<10000x128xbf16, #tpu.memory_space<hbm>>) target(%arg13 : memref<128x128xbf16, #tpu.memory_space<vmem>>) offsets(%dma_start3A_78 : memref<128xi32, #tpu.memory_space<vmem>>) semaphore(%arg17 : memref<!tpu.dma_semaphore, #tpu.memory_space<semaphore_mem>>)
    %dma_wait3A_82 = arith.constant 73 : i32
    %dma_wait3A_83 = arith.constant 0 : i32
    %dma_wait3A_84 = tpu.memref_slice %arg6[%dma_wait3A_82, %dma_wait3A_83] : memref<79x128xi32, #tpu.memory_space<vmem>> -> memref<1x128xi32, #tpu.memory_space<vmem>>
    %dma_wait3A_85 = tpu.memref_squeeze %dma_wait3A_84 : memref<1x128xi32, #tpu.memory_space<vmem>> -> memref<128xi32, #tpu.memory_space<vmem>>
    %dma_wait3A_86 = arith.constant 0 : i32
    %dma_wait3A_87 = arith.constant 0 : i32
    %dma_wait3A_88 = tpu.memref_slice %arg2[%dma_wait3A_86, %dma_wait3A_87] : memref<10000x128xbf16, #tpu.memory_space<hbm>> -> memref<10000x128xbf16, #tpu.memory_space<hbm>>
    tpu.wait_indirect_dma semaphore(%arg17 : memref<!tpu.dma_semaphore, #tpu.memory_space<semaphore_mem>>) src(%dma_wait3A_88 : memref<10000x128xbf16, #tpu.memory_space<hbm>>) dst(%arg9 : memref<128x128xbf16, #tpu.memory_space<vmem>>)
    %dma_start3A_89 = arith.constant 73 : i32
    %dma_start3A_90 = arith.constant 0 : i32
    %dma_start3A_91 = tpu.memref_slice %arg7[%dma_start3A_89, %dma_start3A_90] : memref<79x128xi32, #tpu.memory_space<vmem>> -> memref<1x128xi32, #tpu.memory_space<vmem>>
    %dma_start3A_92 = tpu.memref_squeeze %dma_start3A_91 : memref<1x128xi32, #tpu.memory_space<vmem>> -> memref<128xi32, #tpu.memory_space<vmem>>
    %dma_start3A_93 = arith.constant 0 : i32
    %dma_start3A_94 = arith.constant 0 : i32
    %dma_start3A_95 = tpu.memref_slice %arg16[%dma_start3A_93, %dma_start3A_94] : memref<10000x128xbf16, #tpu.memory_space<vmem_shared>> -> memref<10000x128xbf16, #tpu.memory_space<vmem_shared>>
    tpu.enqueue_indirect_dma source(%arg9 : memref<128x128xbf16, #tpu.memory_space<vmem>>) target(%dma_start3A_95 : memref<10000x128xbf16, #tpu.memory_space<vmem_shared>>) offsets(%dma_start3A_92 : memref<128xi32, #tpu.memory_space<vmem>>) semaphore(%arg18 : memref<!tpu.dma_semaphore, #tpu.memory_space<semaphore_mem>>) {add = true}
    %dma_wait3A_96 = arith.constant 0 : i32
    %dma_wait3A_97 = arith.constant 0 : i32
    %dma_wait3A_98 = tpu.memref_slice %arg7[%dma_wait3A_96, %dma_wait3A_97] : memref<79x128xi32, #tpu.memory_space<vmem>> -> memref<1x128xi32, #tpu.memory_space<vmem>>
    %dma_wait3A_99 = tpu.memref_squeeze %dma_wait3A_98 : memref<1x128xi32, #tpu.memory_space<vmem>> -> memref<128xi32, #tpu.memory_space<vmem>>
    %dma_wait3A_100 = arith.constant 0 : i32
    %dma_wait3A_101 = arith.constant 0 : i32
    %dma_wait3A_102 = tpu.memref_slice %arg16[%dma_wait3A_100, %dma_wait3A_101] : memref<10000x128xbf16, #tpu.memory_space<vmem_shared>> -> memref<10000x128xbf16, #tpu.memory_space<vmem_shared>>
    tpu.wait_indirect_dma semaphore(%arg18 : memref<!tpu.dma_semaphore, #tpu.memory_space<semaphore_mem>>) src(%arg14 : memref<128x128xbf16, #tpu.memory_space<vmem>>) dst(%dma_wait3A_102 : memref<10000x128xbf16, #tpu.memory_space<vmem_shared>>)
    %dma_wait3A_103 = arith.constant 74 : i32
    %dma_wait3A_104 = arith.constant 0 : i32
    %dma_wait3A_105 = tpu.memref_slice %arg6[%dma_wait3A_103, %dma_wait3A_104] : memref<79x128xi32, #tpu.memory_space<vmem>> -> memref<1x128xi32, #tpu.memory_space<vmem>>
    %dma_wait3A_106 = tpu.memref_squeeze %dma_wait3A_105 : memref<1x128xi32, #tpu.memory_space<vmem>> -> memref<128xi32, #tpu.memory_space<vmem>>
    %dma_wait3A_107 = arith.constant 0 : i32
    %dma_wait3A_108 = arith.constant 0 : i32
    %dma_wait3A_109 = tpu.memref_slice %arg2[%dma_wait3A_107, %dma_wait3A_108] : memref<10000x128xbf16, #tpu.memory_space<hbm>> -> memref<10000x128xbf16, #tpu.memory_space<hbm>>
    tpu.wait_indirect_dma semaphore(%arg17 : memref<!tpu.dma_semaphore, #tpu.memory_space<semaphore_mem>>) src(%dma_wait3A_109 : memref<10000x128xbf16, #tpu.memory_space<hbm>>) dst(%arg10 : memref<128x128xbf16, #tpu.memory_space<vmem>>)
    %dma_start3A_110 = arith.constant 74 : i32
    %dma_start3A_111 = arith.constant 0 : i32
    %dma_start3A_112 = tpu.memref_slice %arg7[%dma_start3A_110, %dma_start3A_111] : memref<79x128xi32, #tpu.memory_space<vmem>> -> memref<1x128xi32, #tpu.memory_space<vmem>>
    %dma_start3A_113 = tpu.memref_squeeze %dma_start3A_112 : memref<1x128xi32, #tpu.memory_space<vmem>> -> memref<128xi32, #tpu.memory_space<vmem>>
    %dma_start3A_114 = arith.constant 0 : i32
    %dma_start3A_115 = arith.constant 0 : i32
    %dma_start3A_116 = tpu.memref_slice %arg16[%dma_start3A_114, %dma_start3A_115] : memref<10000x128xbf16, #tpu.memory_space<vmem_shared>> -> memref<10000x128xbf16, #tpu.memory_space<vmem_shared>>
    tpu.enqueue_indirect_dma source(%arg10 : memref<128x128xbf16, #tpu.memory_space<vmem>>) target(%dma_start3A_116 : memref<10000x128xbf16, #tpu.memory_space<vmem_shared>>) offsets(%dma_start3A_113 : memref<128xi32, #tpu.memory_space<vmem>>) semaphore(%arg18 : memref<!tpu.dma_semaphore, #tpu.memory_space<semaphore_mem>>) {add = true}
    %dma_wait3A_117 = arith.constant 0 : i32
    %dma_wait3A_118 = arith.constant 0 : i32
    %dma_wait3A_119 = tpu.memref_slice %arg7[%dma_wait3A_117, %dma_wait3A_118] : memref<79x128xi32, #tpu.memory_space<vmem>> -> memref<1x128xi32, #tpu.memory_space<vmem>>
    %dma_wait3A_120 = tpu.memref_squeeze %dma_wait3A_119 : memref<1x128xi32, #tpu.memory_space<vmem>> -> memref<128xi32, #tpu.memory_space<vmem>>
    %dma_wait3A_121 = arith.constant 0 : i32
    %dma_wait3A_122 = arith.constant 0 : i32
    %dma_wait3A_123 = tpu.memref_slice %arg16[%dma_wait3A_121, %dma_wait3A_122] : memref<10000x128xbf16, #tpu.memory_space<vmem_shared>> -> memref<10000x128xbf16, #tpu.memory_space<vmem_shared>>
    tpu.wait_indirect_dma semaphore(%arg18 : memref<!tpu.dma_semaphore, #tpu.memory_space<semaphore_mem>>) src(%arg15 : memref<128x128xbf16, #tpu.memory_space<vmem>>) dst(%dma_wait3A_123 : memref<10000x128xbf16, #tpu.memory_space<vmem_shared>>)
    %dma_wait3A_124 = arith.constant 75 : i32
    %dma_wait3A_125 = arith.constant 0 : i32
    %dma_wait3A_126 = tpu.memref_slice %arg6[%dma_wait3A_124, %dma_wait3A_125] : memref<79x128xi32, #tpu.memory_space<vmem>> -> memref<1x128xi32, #tpu.memory_space<vmem>>
    %dma_wait3A_127 = tpu.memref_squeeze %dma_wait3A_126 : memref<1x128xi32, #tpu.memory_space<vmem>> -> memref<128xi32, #tpu.memory_space<vmem>>
    %dma_wait3A_128 = arith.constant 0 : i32
    %dma_wait3A_129 = arith.constant 0 : i32
    %dma_wait3A_130 = tpu.memref_slice %arg2[%dma_wait3A_128, %dma_wait3A_129] : memref<10000x128xbf16, #tpu.memory_space<hbm>> -> memref<10000x128xbf16, #tpu.memory_space<hbm>>
    tpu.wait_indirect_dma semaphore(%arg17 : memref<!tpu.dma_semaphore, #tpu.memory_space<semaphore_mem>>) src(%dma_wait3A_130 : memref<10000x128xbf16, #tpu.memory_space<hbm>>) dst(%arg11 : memref<128x128xbf16, #tpu.memory_space<vmem>>)
    %dma_start3A_131 = arith.constant 75 : i32
    %dma_start3A_132 = arith.constant 0 : i32
    %dma_start3A_133 = tpu.memref_slice %arg7[%dma_start3A_131, %dma_start3A_132] : memref<79x128xi32, #tpu.memory_space<vmem>> -> memref<1x128xi32, #tpu.memory_space<vmem>>
    %dma_start3A_134 = tpu.memref_squeeze %dma_start3A_133 : memref<1x128xi32, #tpu.memory_space<vmem>> -> memref<128xi32, #tpu.memory_space<vmem>>
    %dma_start3A_135 = arith.constant 0 : i32
    %dma_start3A_136 = arith.constant 0 : i32
    %dma_start3A_137 = tpu.memref_slice %arg16[%dma_start3A_135, %dma_start3A_136] : memref<10000x128xbf16, #tpu.memory_space<vmem_shared>> -> memref<10000x128xbf16, #tpu.memory_space<vmem_shared>>
    tpu.enqueue_indirect_dma source(%arg11 : memref<128x128xbf16, #tpu.memory_space<vmem>>) target(%dma_start3A_137 : memref<10000x128xbf16, #tpu.memory_space<vmem_shared>>) offsets(%dma_start3A_134 : memref<128xi32, #tpu.memory_space<vmem>>) semaphore(%arg18 : memref<!tpu.dma_semaphore, #tpu.memory_space<semaphore_mem>>) {add = true}
    %dma_wait3A_138 = arith.constant 0 : i32
    %dma_wait3A_139 = arith.constant 0 : i32
    %dma_wait3A_140 = tpu.memref_slice %arg7[%dma_wait3A_138, %dma_wait3A_139] : memref<79x128xi32, #tpu.memory_space<vmem>> -> memref<1x128xi32, #tpu.memory_space<vmem>>
    %dma_wait3A_141 = tpu.memref_squeeze %dma_wait3A_140 : memref<1x128xi32, #tpu.memory_space<vmem>> -> memref<128xi32, #tpu.memory_space<vmem>>
    %dma_wait3A_142 = arith.constant 0 : i32
    %dma_wait3A_143 = arith.constant 0 : i32
    %dma_wait3A_144 = tpu.memref_slice %arg16[%dma_wait3A_142, %dma_wait3A_143] : memref<10000x128xbf16, #tpu.memory_space<vmem_shared>> -> memref<10000x128xbf16, #tpu.memory_space<vmem_shared>>
    tpu.wait_indirect_dma semaphore(%arg18 : memref<!tpu.dma_semaphore, #tpu.memory_space<semaphore_mem>>) src(%arg8 : memref<128x128xbf16, #tpu.memory_space<vmem>>) dst(%dma_wait3A_144 : memref<10000x128xbf16, #tpu.memory_space<vmem_shared>>)
    %dma_wait3A_145 = arith.constant 76 : i32
    %dma_wait3A_146 = arith.constant 0 : i32
    %dma_wait3A_147 = tpu.memref_slice %arg6[%dma_wait3A_145, %dma_wait3A_146] : memref<79x128xi32, #tpu.memory_space<vmem>> -> memref<1x128xi32, #tpu.memory_space<vmem>>
    %dma_wait3A_148 = tpu.memref_squeeze %dma_wait3A_147 : memref<1x128xi32, #tpu.memory_space<vmem>> -> memref<128xi32, #tpu.memory_space<vmem>>
    %dma_wait3A_149 = arith.constant 0 : i32
    %dma_wait3A_150 = arith.constant 0 : i32
    %dma_wait3A_151 = tpu.memref_slice %arg2[%dma_wait3A_149, %dma_wait3A_150] : memref<10000x128xbf16, #tpu.memory_space<hbm>> -> memref<10000x128xbf16, #tpu.memory_space<hbm>>
    tpu.wait_indirect_dma semaphore(%arg17 : memref<!tpu.dma_semaphore, #tpu.memory_space<semaphore_mem>>) src(%dma_wait3A_151 : memref<10000x128xbf16, #tpu.memory_space<hbm>>) dst(%arg12 : memref<128x128xbf16, #tpu.memory_space<vmem>>)
    %dma_start3A_152 = arith.constant 76 : i32
    %dma_start3A_153 = arith.constant 0 : i32
    %dma_start3A_154 = tpu.memref_slice %arg7[%dma_start3A_152, %dma_start3A_153] : memref<79x128xi32, #tpu.memory_space<vmem>> -> memref<1x128xi32, #tpu.memory_space<vmem>>
    %dma_start3A_155 = tpu.memref_squeeze %dma_start3A_154 : memref<1x128xi32, #tpu.memory_space<vmem>> -> memref<128xi32, #tpu.memory_space<vmem>>
    %dma_start3A_156 = arith.constant 0 : i32
    %dma_start3A_157 = arith.constant 0 : i32
    %dma_start3A_158 = tpu.memref_slice %arg16[%dma_start3A_156, %dma_start3A_157] : memref<10000x128xbf16, #tpu.memory_space<vmem_shared>> -> memref<10000x128xbf16, #tpu.memory_space<vmem_shared>>
    tpu.enqueue_indirect_dma source(%arg12 : memref<128x128xbf16, #tpu.memory_space<vmem>>) target(%dma_start3A_158 : memref<10000x128xbf16, #tpu.memory_space<vmem_shared>>) offsets(%dma_start3A_155 : memref<128xi32, #tpu.memory_space<vmem>>) semaphore(%arg18 : memref<!tpu.dma_semaphore, #tpu.memory_space<semaphore_mem>>) {add = true}
    %dma_wait3A_159 = arith.constant 0 : i32
    %dma_wait3A_160 = arith.constant 0 : i32
    %dma_wait3A_161 = tpu.memref_slice %arg7[%dma_wait3A_159, %dma_wait3A_160] : memref<79x128xi32, #tpu.memory_space<vmem>> -> memref<1x128xi32, #tpu.memory_space<vmem>>
    %dma_wait3A_162 = tpu.memref_squeeze %dma_wait3A_161 : memref<1x128xi32, #tpu.memory_space<vmem>> -> memref<128xi32, #tpu.memory_space<vmem>>
    %dma_wait3A_163 = arith.constant 0 : i32
    %dma_wait3A_164 = arith.constant 0 : i32
    %dma_wait3A_165 = tpu.memref_slice %arg16[%dma_wait3A_163, %dma_wait3A_164] : memref<10000x128xbf16, #tpu.memory_space<vmem_shared>> -> memref<10000x128xbf16, #tpu.memory_space<vmem_shared>>
    tpu.wait_indirect_dma semaphore(%arg18 : memref<!tpu.dma_semaphore, #tpu.memory_space<semaphore_mem>>) src(%arg9 : memref<128x128xbf16, #tpu.memory_space<vmem>>) dst(%dma_wait3A_165 : memref<10000x128xbf16, #tpu.memory_space<vmem_shared>>)
    %dma_wait3A_166 = arith.constant 77 : i32
    %dma_wait3A_167 = arith.constant 0 : i32
    %dma_wait3A_168 = tpu.memref_slice %arg6[%dma_wait3A_166, %dma_wait3A_167] : memref<79x128xi32, #tpu.memory_space<vmem>> -> memref<1x128xi32, #tpu.memory_space<vmem>>
    %dma_wait3A_169 = tpu.memref_squeeze %dma_wait3A_168 : memref<1x128xi32, #tpu.memory_space<vmem>> -> memref<128xi32, #tpu.memory_space<vmem>>
    %dma_wait3A_170 = arith.constant 0 : i32
    %dma_wait3A_171 = arith.constant 0 : i32
    %dma_wait3A_172 = tpu.memref_slice %arg2[%dma_wait3A_170, %dma_wait3A_171] : memref<10000x128xbf16, #tpu.memory_space<hbm>> -> memref<10000x128xbf16, #tpu.memory_space<hbm>>
    tpu.wait_indirect_dma semaphore(%arg17 : memref<!tpu.dma_semaphore, #tpu.memory_space<semaphore_mem>>) src(%dma_wait3A_172 : memref<10000x128xbf16, #tpu.memory_space<hbm>>) dst(%arg13 : memref<128x128xbf16, #tpu.memory_space<vmem>>)
    %dma_start3A_173 = arith.constant 77 : i32
    %dma_start3A_174 = arith.constant 0 : i32
    %dma_start3A_175 = tpu.memref_slice %arg7[%dma_start3A_173, %dma_start3A_174] : memref<79x128xi32, #tpu.memory_space<vmem>> -> memref<1x128xi32, #tpu.memory_space<vmem>>
    %dma_start3A_176 = tpu.memref_squeeze %dma_start3A_175 : memref<1x128xi32, #tpu.memory_space<vmem>> -> memref<128xi32, #tpu.memory_space<vmem>>
    %dma_start3A_177 = arith.constant 0 : i32
    %dma_start3A_178 = arith.constant 0 : i32
    %dma_start3A_179 = tpu.memref_slice %arg16[%dma_start3A_177, %dma_start3A_178] : memref<10000x128xbf16, #tpu.memory_space<vmem_shared>> -> memref<10000x128xbf16, #tpu.memory_space<vmem_shared>>
    tpu.enqueue_indirect_dma source(%arg13 : memref<128x128xbf16, #tpu.memory_space<vmem>>) target(%dma_start3A_179 : memref<10000x128xbf16, #tpu.memory_space<vmem_shared>>) offsets(%dma_start3A_176 : memref<128xi32, #tpu.memory_space<vmem>>) semaphore(%arg18 : memref<!tpu.dma_semaphore, #tpu.memory_space<semaphore_mem>>) {add = true}
    %dma_wait3A_180 = arith.constant 0 : i32
    %dma_wait3A_181 = arith.constant 0 : i32
    %dma_wait3A_182 = tpu.memref_slice %arg7[%dma_wait3A_180, %dma_wait3A_181] : memref<79x128xi32, #tpu.memory_space<vmem>> -> memref<1x128xi32, #tpu.memory_space<vmem>>
    %dma_wait3A_183 = tpu.memref_squeeze %dma_wait3A_182 : memref<1x128xi32, #tpu.memory_space<vmem>> -> memref<128xi32, #tpu.memory_space<vmem>>
    %dma_wait3A_184 = arith.constant 0 : i32
    %dma_wait3A_185 = arith.constant 0 : i32
    %dma_wait3A_186 = tpu.memref_slice %arg16[%dma_wait3A_184, %dma_wait3A_185] : memref<10000x128xbf16, #tpu.memory_space<vmem_shared>> -> memref<10000x128xbf16, #tpu.memory_space<vmem_shared>>
    tpu.wait_indirect_dma semaphore(%arg18 : memref<!tpu.dma_semaphore, #tpu.memory_space<semaphore_mem>>) src(%arg10 : memref<128x128xbf16, #tpu.memory_space<vmem>>) dst(%dma_wait3A_186 : memref<10000x128xbf16, #tpu.memory_space<vmem_shared>>)
    %dma_wait3A_187 = arith.constant 0 : i32
    %dma_wait3A_188 = arith.constant 0 : i32
    %dma_wait3A_189 = tpu.memref_slice %arg7[%dma_wait3A_187, %dma_wait3A_188] : memref<79x128xi32, #tpu.memory_space<vmem>> -> memref<1x128xi32, #tpu.memory_space<vmem>>
    %dma_wait3A_190 = tpu.memref_squeeze %dma_wait3A_189 : memref<1x128xi32, #tpu.memory_space<vmem>> -> memref<128xi32, #tpu.memory_space<vmem>>
    %dma_wait3A_191 = arith.constant 0 : i32
    %dma_wait3A_192 = arith.constant 0 : i32
    %dma_wait3A_193 = tpu.memref_slice %arg16[%dma_wait3A_191, %dma_wait3A_192] : memref<10000x128xbf16, #tpu.memory_space<vmem_shared>> -> memref<10000x128xbf16, #tpu.memory_space<vmem_shared>>
    tpu.wait_indirect_dma semaphore(%arg18 : memref<!tpu.dma_semaphore, #tpu.memory_space<semaphore_mem>>) src(%arg11 : memref<128x128xbf16, #tpu.memory_space<vmem>>) dst(%dma_wait3A_193 : memref<10000x128xbf16, #tpu.memory_space<vmem_shared>>)
    %dma_wait3A_194 = arith.constant 0 : i32
    %dma_wait3A_195 = arith.constant 0 : i32
    %dma_wait3A_196 = tpu.memref_slice %arg7[%dma_wait3A_194, %dma_wait3A_195] : memref<79x128xi32, #tpu.memory_space<vmem>> -> memref<1x128xi32, #tpu.memory_space<vmem>>
    %dma_wait3A_197 = tpu.memref_squeeze %dma_wait3A_196 : memref<1x128xi32, #tpu.memory_space<vmem>> -> memref<128xi32, #tpu.memory_space<vmem>>
    %dma_wait3A_198 = arith.constant 0 : i32
    %dma_wait3A_199 = arith.constant 0 : i32
    %dma_wait3A_200 = tpu.memref_slice %arg16[%dma_wait3A_198, %dma_wait3A_199] : memref<10000x128xbf16, #tpu.memory_space<vmem_shared>> -> memref<10000x128xbf16, #tpu.memory_space<vmem_shared>>
    tpu.wait_indirect_dma semaphore(%arg18 : memref<!tpu.dma_semaphore, #tpu.memory_space<semaphore_mem>>) src(%arg12 : memref<128x128xbf16, #tpu.memory_space<vmem>>) dst(%dma_wait3A_200 : memref<10000x128xbf16, #tpu.memory_space<vmem_shared>>)
    %dma_wait3A_201 = arith.constant 0 : i32
    %dma_wait3A_202 = arith.constant 0 : i32
    %dma_wait3A_203 = tpu.memref_slice %arg7[%dma_wait3A_201, %dma_wait3A_202] : memref<79x128xi32, #tpu.memory_space<vmem>> -> memref<1x128xi32, #tpu.memory_space<vmem>>
    %dma_wait3A_204 = tpu.memref_squeeze %dma_wait3A_203 : memref<1x128xi32, #tpu.memory_space<vmem>> -> memref<128xi32, #tpu.memory_space<vmem>>
    %dma_wait3A_205 = arith.constant 0 : i32
    %dma_wait3A_206 = arith.constant 0 : i32
    %dma_wait3A_207 = tpu.memref_slice %arg16[%dma_wait3A_205, %dma_wait3A_206] : memref<10000x128xbf16, #tpu.memory_space<vmem_shared>> -> memref<10000x128xbf16, #tpu.memory_space<vmem_shared>>
    tpu.wait_indirect_dma semaphore(%arg18 : memref<!tpu.dma_semaphore, #tpu.memory_space<semaphore_mem>>) src(%arg13 : memref<128x128xbf16, #tpu.memory_space<vmem>>) dst(%dma_wait3A_207 : memref<10000x128xbf16, #tpu.memory_space<vmem_shared>>)
    %lt3A_208 = arith.constant 4 : i32
    %lt3A_209 = arith.cmpi slt, %add3A, %lt3A_208 : i32
    %convert_element_type3A_210 = arith.extui %lt3A_209 : i1 to i32
    %cond3A_211 = arith.constant 0 : i32
    %cond3A_212 = arith.cmpi ne, %convert_element_type3A_210, %cond3A_211 : i32
    scf.if %cond3A_212 {
      %dma_start3A_219 = arith.constant 78 : i32
      %dma_start3A_220 = arith.constant 0 : i32
      %dma_start3A_221 = tpu.memref_slice %arg6[%dma_start3A_219, %dma_start3A_220] : memref<79x128xi32, #tpu.memory_space<vmem>> -> memref<1x128xi32, #tpu.memory_space<vmem>>
      %dma_start3A_222 = tpu.memref_squeeze %dma_start3A_221 : memref<1x128xi32, #tpu.memory_space<vmem>> -> memref<128xi32, #tpu.memory_space<vmem>>
      %dma_start3A_223 = arith.constant 0 : i32
      %dma_start3A_224 = arith.constant 0 : i32
      %dma_start3A_225 = tpu.memref_slice %arg2[%dma_start3A_223, %dma_start3A_224] : memref<10000x128xbf16, #tpu.memory_space<hbm>> -> memref<10000x128xbf16, #tpu.memory_space<hbm>>
      tpu.enqueue_indirect_dma source(%dma_start3A_225 : memref<10000x128xbf16, #tpu.memory_space<hbm>>) target(%arg8 : memref<128x128xbf16, #tpu.memory_space<vmem>>) offsets(%dma_start3A_222 : memref<128xi32, #tpu.memory_space<vmem>>) semaphore(%arg17 : memref<!tpu.dma_semaphore, #tpu.memory_space<semaphore_mem>>)
      %dma_wait3A_226 = arith.constant 78 : i32
      %dma_wait3A_227 = arith.constant 0 : i32
      %dma_wait3A_228 = tpu.memref_slice %arg6[%dma_wait3A_226, %dma_wait3A_227] : memref<79x128xi32, #tpu.memory_space<vmem>> -> memref<1x128xi32, #tpu.memory_space<vmem>>
      %dma_wait3A_229 = tpu.memref_squeeze %dma_wait3A_228 : memref<1x128xi32, #tpu.memory_space<vmem>> -> memref<128xi32, #tpu.memory_space<vmem>>
      %dma_wait3A_230 = arith.constant 0 : i32
      %dma_wait3A_231 = arith.constant 0 : i32
      %dma_wait3A_232 = tpu.memref_slice %arg2[%dma_wait3A_230, %dma_wait3A_231] : memref<10000x128xbf16, #tpu.memory_space<hbm>> -> memref<10000x128xbf16, #tpu.memory_space<hbm>>
      tpu.wait_indirect_dma semaphore(%arg17 : memref<!tpu.dma_semaphore, #tpu.memory_space<semaphore_mem>>) src(%dma_wait3A_232 : memref<10000x128xbf16, #tpu.memory_space<hbm>>) dst(%arg8 : memref<128x128xbf16, #tpu.memory_space<vmem>>)
      %run_scoped3A_233 = arith.constant 78 : i32
      "tpu.region"() ({
        %run_scoped3A_234 = tpu.sem_alloc : memref<!tpu.dma_semaphore, #tpu.memory_space<semaphore_mem>>
        %dma_start3A_235 = arith.constant 0 : i32
        %dma_start3A_236 = tpu.memref_slice %arg7[%run_scoped3A_233, %dma_start3A_235] : memref<79x128xi32, #tpu.memory_space<vmem>> -> memref<1x128xi32, #tpu.memory_space<vmem>>
        %dma_start3A_237 = tpu.memref_squeeze %dma_start3A_236 : memref<1x128xi32, #tpu.memory_space<vmem>> -> memref<128xi32, #tpu.memory_space<vmem>>
        %dma_start3A_238 = arith.constant 0 : i32
        %dma_start3A_239 = arith.constant 0 : i32
        %dma_start3A_240 = tpu.memref_slice %arg16[%dma_start3A_238, %dma_start3A_239] : memref<10000x128xbf16, #tpu.memory_space<vmem_shared>> -> memref<10000x128xbf16, #tpu.memory_space<vmem_shared>>
        tpu.enqueue_indirect_dma source(%arg8 : memref<128x128xbf16, #tpu.memory_space<vmem>>) target(%dma_start3A_240 : memref<10000x128xbf16, #tpu.memory_space<vmem_shared>>) offsets(%dma_start3A_237 : memref<128xi32, #tpu.memory_space<vmem>>) semaphore(%run_scoped3A_234 : memref<!tpu.dma_semaphore, #tpu.memory_space<semaphore_mem>>) {add = true}
        %dma_wait3A_241 = arith.constant 0 : i32
        %dma_wait3A_242 = tpu.memref_slice %arg7[%run_scoped3A_233, %dma_wait3A_241] : memref<79x128xi32, #tpu.memory_space<vmem>> -> memref<1x128xi32, #tpu.memory_space<vmem>>
        %dma_wait3A_243 = tpu.memref_squeeze %dma_wait3A_242 : memref<1x128xi32, #tpu.memory_space<vmem>> -> memref<128xi32, #tpu.memory_space<vmem>>
        %dma_wait3A_244 = arith.constant 0 : i32
        %dma_wait3A_245 = arith.constant 0 : i32
        %dma_wait3A_246 = tpu.memref_slice %arg16[%dma_wait3A_244, %dma_wait3A_245] : memref<10000x128xbf16, #tpu.memory_space<vmem_shared>> -> memref<10000x128xbf16, #tpu.memory_space<vmem_shared>>
        tpu.wait_indirect_dma semaphore(%run_scoped3A_234 : memref<!tpu.dma_semaphore, #tpu.memory_space<semaphore_mem>>) src(%arg8 : memref<128x128xbf16, #tpu.memory_space<vmem>>) dst(%dma_wait3A_246 : memref<10000x128xbf16, #tpu.memory_space<vmem_shared>>)
        tpu.yield
      }) : () -> ()
    } else {
    }
    %barrier3A_213 = arith.constant 0 : index
    tpu.barrier barrier_id(%barrier3A_213)
    %mul3A_214 = arith.constant 625 : i32
    %mul3A_215 = arith.muli %arg1, %mul3A_214 : i32
    %mul3A_216 = arith.constant 10000 : i32
    %mul3A_217 = arith.muli %arg0, %mul3A_216 : i32
    %add3A_218 = arith.addi %mul3A_217, %mul3A_215 : i32
    "tpu.region"() ({
      %run_scoped3A_219 = tpu.sem_alloc : memref<!tpu.dma_semaphore, #tpu.memory_space<semaphore_mem>>
      %dma_start3A_220 = arith.constant 0 : i32
      %dma_start3A_221 = tpu.memref_slice %arg5[%add3A_218, %dma_start3A_220] : memref<20000x128xbf16, #tpu.memory_space<hbm>> -> memref<625x128xbf16, #tpu.memory_space<hbm>>
      %dma_start3A_222 = arith.constant 0 : i32
      %dma_start3A_223 = tpu.memref_slice %arg16[%mul3A_215, %dma_start3A_222] : memref<10000x128xbf16, #tpu.memory_space<vmem_shared>> -> memref<625x128xbf16, #tpu.memory_space<vmem_shared>>
      tpu.enqueue_dma source(%dma_start3A_223 : memref<625x128xbf16, #tpu.memory_space<vmem_shared>>) target(%dma_start3A_221 : memref<625x128xbf16, #tpu.memory_space<hbm>>) target_semaphore(%run_scoped3A_219 : memref<!tpu.dma_semaphore, #tpu.memory_space<semaphore_mem>>)
      %dma_wait3A_224 = arith.constant 0 : i32
      %dma_wait3A_225 = tpu.memref_slice %arg5[%add3A_218, %dma_wait3A_224] : memref<20000x128xbf16, #tpu.memory_space<hbm>> -> memref<625x128xbf16, #tpu.memory_space<hbm>>
      %dma_wait3A_226 = arith.constant 0 : i32
      %dma_wait3A_227 = tpu.memref_slice %arg16[%mul3A_215, %dma_wait3A_226] : memref<10000x128xbf16, #tpu.memory_space<vmem_shared>> -> memref<625x128xbf16, #tpu.memory_space<vmem_shared>>
      tpu.wait_dma2 semaphore(%run_scoped3A_219 : memref<!tpu.dma_semaphore, #tpu.memory_space<semaphore_mem>>) src(%dma_wait3A_227 : memref<625x128xbf16, #tpu.memory_space<vmem_shared>>) dst(%dma_wait3A_225 : memref<625x128xbf16, #tpu.memory_space<hbm>>)
      tpu.yield
    }) : () -> ()
    return
  }
}

#map = affine_map<(d0, d1) -> (0, 0)>
#map1 = affine_map<(d0, d1) -> (0, 0, 0)>
module attributes {stable_mosaic.version = 14 : i64} {
  func.func @_agg_body(%arg0: i32, %arg1: i32, %arg2: memref<10000x128xbf16, #tpu.memory_space<hbm>>, %arg3: memref<2x2500x128xi32, #tpu.memory_space<hbm>>, %arg4: memref<625x128xbf16, #tpu.memory_space<hbm>>, %arg5: memref<20000x128xbf16, #tpu.memory_space<hbm>>, %arg6: memref<79x128xi32, #tpu.memory_space<vmem>>, %arg7: memref<79x128xi32, #tpu.memory_space<vmem>>, %arg8: memref<128x128xbf16, #tpu.memory_space<vmem>>, %arg9: memref<128x128xbf16, #tpu.memory_space<vmem>>, %arg10: memref<128x128xbf16, #tpu.memory_space<vmem>>, %arg11: memref<128x128xbf16, #tpu.memory_space<vmem>>, %arg12: memref<128x128xbf16, #tpu.memory_space<vmem>>, %arg13: memref<128x128xbf16, #tpu.memory_space<vmem>>, %arg14: memref<128x128xbf16, #tpu.memory_space<vmem>>, %arg15: memref<128x128xbf16, #tpu.memory_space<vmem>>, %arg16: memref<10000x128xbf16, #tpu.memory_space<vmem_shared>>, %arg17: memref<!tpu.dma_semaphore, #tpu.memory_space<semaphore_mem>>, %arg18: memref<!tpu.dma_semaphore, #tpu.memory_space<semaphore_mem>>) attributes {dimension_semantics = [#tpu.dimension_semantics<core_parallel>, #tpu.dimension_semantics<subcore_parallel>], iteration_bounds = array<i64: 2, 16>, scalar_prefetch = 0 : i64, scratch_operands = 13 : i64, tpu.core_type = #tpu.core_type<sc_vector_subcore>, window_params = [{transform_indices = #map}, {transform_indices = #map1}, {transform_indices = #map}, {transform_indices = #map}]} {
    %mul3A = arith.constant 16 : i32
    %mul3A_0 = arith.muli %arg0, %mul3A : i32
    %add3A = arith.addi %mul3A_0, %arg1 : i32
    %mul3A_1 = arith.constant 625 : i32
    %mul3A_2 = arith.muli %arg1, %mul3A_1 : i32
    "tpu.region"() ({
      %run_scoped3A_219 = tpu.sem_alloc : memref<!tpu.dma_semaphore, #tpu.memory_space<semaphore_mem>>
      %dma_start3A_220 = arith.constant 0 : i32
      %dma_start3A_221 = tpu.memref_slice %arg16[%mul3A_2, %dma_start3A_220] : memref<10000x128xbf16, #tpu.memory_space<vmem_shared>> -> memref<625x128xbf16, #tpu.memory_space<vmem_shared>>
      tpu.enqueue_dma source(%arg4 : memref<625x128xbf16, #tpu.memory_space<hbm>>) target(%dma_start3A_221 : memref<625x128xbf16, #tpu.memory_space<vmem_shared>>) target_semaphore(%run_scoped3A_219 : memref<!tpu.dma_semaphore, #tpu.memory_space<semaphore_mem>>)
      %dma_wait3A_222 = arith.constant 0 : i32
      %dma_wait3A_223 = tpu.memref_slice %arg16[%mul3A_2, %dma_wait3A_222] : memref<10000x128xbf16, #tpu.memory_space<vmem_shared>> -> memref<625x128xbf16, #tpu.memory_space<vmem_shared>>
      tpu.wait_dma2 semaphore(%run_scoped3A_219 : memref<!tpu.dma_semaphore, #tpu.memory_space<semaphore_mem>>) src(%arg4 : memref<625x128xbf16, #tpu.memory_space<hbm>>) dst(%dma_wait3A_223 : memref<625x128xbf16, #tpu.memory_space<vmem_shared>>)
      tpu.yield
    }) : () -> ()
    %barrier3A = arith.constant 0 : index
    tpu.barrier barrier_id(%barrier3A)
    %mul3A_3 = arith.constant 78 : i32
    %mul3A_4 = arith.muli %add3A, %mul3A_3 : i32
    %run_scoped3A = arith.constant 0 : i32
    "tpu.region"() ({
      %run_scoped3A_219 = tpu.sem_alloc : memref<!tpu.dma_semaphore, #tpu.memory_space<semaphore_mem>>
      %dma_start3A_220 = arith.constant 0 : i32
      %dma_start3A_221 = arith.constant 0 : i32
      %dma_start3A_222 = tpu.memref_slice %arg6[%dma_start3A_220, %dma_start3A_221] : memref<79x128xi32, #tpu.memory_space<vmem>> -> memref<78x128xi32, #tpu.memory_space<vmem>>
      %dma_start3A_223 = arith.constant 0 : i32
      %dma_start3A_224 = tpu.memref_slice %arg3[%run_scoped3A, %mul3A_4, %dma_start3A_223] : memref<2x2500x128xi32, #tpu.memory_space<hbm>> -> memref<1x78x128xi32, #tpu.memory_space<hbm>>
      %dma_start3A_225 = tpu.memref_squeeze %dma_start3A_224 : memref<1x78x128xi32, #tpu.memory_space<hbm>> -> memref<78x128xi32, #tpu.memory_space<hbm>>
      %dma_start3A_226 = arith.constant 0 : i32
      %dma_start3A_227 = arith.constant 0 : i32
      %dma_start3A_228 = tpu.memref_slice %arg6[%dma_start3A_226, %dma_start3A_227] : memref<79x128xi32, #tpu.memory_space<vmem>> -> memref<78x128xi32, #tpu.memory_space<vmem>>
      %dma_start3A_229 = arith.constant 0 : i32
      %dma_start3A_230 = tpu.memref_slice %arg3[%run_scoped3A, %mul3A_4, %dma_start3A_229] : memref<2x2500x128xi32, #tpu.memory_space<hbm>> -> memref<1x78x128xi32, #tpu.memory_space<hbm>>
      %dma_start3A_231 = tpu.memref_squeeze %dma_start3A_230 : memref<1x78x128xi32, #tpu.memory_space<hbm>> -> memref<78x128xi32, #tpu.memory_space<hbm>>
      tpu.enqueue_dma source(%dma_start3A_231 : memref<78x128xi32, #tpu.memory_space<hbm>>) target(%dma_start3A_228 : memref<78x128xi32, #tpu.memory_space<vmem>>) target_semaphore(%run_scoped3A_219 : memref<!tpu.dma_semaphore, #tpu.memory_space<semaphore_mem>>)
      %dma_wait3A_232 = arith.constant 0 : i32
      %dma_wait3A_233 = arith.constant 0 : i32
      %dma_wait3A_234 = tpu.memref_slice %arg6[%dma_wait3A_232, %dma_wait3A_233] : memref<79x128xi32, #tpu.memory_space<vmem>> -> memref<78x128xi32, #tpu.memory_space<vmem>>
      %dma_wait3A_235 = arith.constant 0 : i32
      %dma_wait3A_236 = tpu.memref_slice %arg3[%run_scoped3A, %mul3A_4, %dma_wait3A_235] : memref<2x2500x128xi32, #tpu.memory_space<hbm>> -> memref<1x78x128xi32, #tpu.memory_space<hbm>>
      %dma_wait3A_237 = tpu.memref_squeeze %dma_wait3A_236 : memref<1x78x128xi32, #tpu.memory_space<hbm>> -> memref<78x128xi32, #tpu.memory_space<hbm>>
      %dma_wait3A_238 = arith.constant 0 : i32
      %dma_wait3A_239 = arith.constant 0 : i32
      %dma_wait3A_240 = tpu.memref_slice %arg6[%dma_wait3A_238, %dma_wait3A_239] : memref<79x128xi32, #tpu.memory_space<vmem>> -> memref<78x128xi32, #tpu.memory_space<vmem>>
      %dma_wait3A_241 = arith.constant 0 : i32
      %dma_wait3A_242 = tpu.memref_slice %arg3[%run_scoped3A, %mul3A_4, %dma_wait3A_241] : memref<2x2500x128xi32, #tpu.memory_space<hbm>> -> memref<1x78x128xi32, #tpu.memory_space<hbm>>
      %dma_wait3A_243 = tpu.memref_squeeze %dma_wait3A_242 : memref<1x78x128xi32, #tpu.memory_space<hbm>> -> memref<78x128xi32, #tpu.memory_space<hbm>>
      tpu.wait_dma2 semaphore(%run_scoped3A_219 : memref<!tpu.dma_semaphore, #tpu.memory_space<semaphore_mem>>) src(%dma_wait3A_243 : memref<78x128xi32, #tpu.memory_space<hbm>>) dst(%dma_wait3A_240 : memref<78x128xi32, #tpu.memory_space<vmem>>)
      tpu.yield
    }) : () -> ()
    %mul3A_5 = arith.constant 78 : i32
    %mul3A_6 = arith.muli %add3A, %mul3A_5 : i32
    %run_scoped3A_7 = arith.constant 1 : i32
    "tpu.region"() ({
      %run_scoped3A_219 = tpu.sem_alloc : memref<!tpu.dma_semaphore, #tpu.memory_space<semaphore_mem>>
      %dma_start3A_220 = arith.constant 0 : i32
      %dma_start3A_221 = arith.constant 0 : i32
      %dma_start3A_222 = tpu.memref_slice %arg7[%dma_start3A_220, %dma_start3A_221] : memref<79x128xi32, #tpu.memory_space<vmem>> -> memref<78x128xi32, #tpu.memory_space<vmem>>
      %dma_start3A_223 = arith.constant 0 : i32
      %dma_start3A_224 = tpu.memref_slice %arg3[%run_scoped3A_7, %mul3A_6, %dma_start3A_223] : memref<2x2500x128xi32, #tpu.memory_space<hbm>> -> memref<1x78x128xi32, #tpu.memory_space<hbm>>
      %dma_start3A_225 = tpu.memref_squeeze %dma_start3A_224 : memref<1x78x128xi32, #tpu.memory_space<hbm>> -> memref<78x128xi32, #tpu.memory_space<hbm>>
      %dma_start3A_226 = arith.constant 0 : i32
      %dma_start3A_227 = arith.constant 0 : i32
      %dma_start3A_228 = tpu.memref_slice %arg7[%dma_start3A_226, %dma_start3A_227] : memref<79x128xi32, #tpu.memory_space<vmem>> -> memref<78x128xi32, #tpu.memory_space<vmem>>
      %dma_start3A_229 = arith.constant 0 : i32
      %dma_start3A_230 = tpu.memref_slice %arg3[%run_scoped3A_7, %mul3A_6, %dma_start3A_229] : memref<2x2500x128xi32, #tpu.memory_space<hbm>> -> memref<1x78x128xi32, #tpu.memory_space<hbm>>
      %dma_start3A_231 = tpu.memref_squeeze %dma_start3A_230 : memref<1x78x128xi32, #tpu.memory_space<hbm>> -> memref<78x128xi32, #tpu.memory_space<hbm>>
      tpu.enqueue_dma source(%dma_start3A_231 : memref<78x128xi32, #tpu.memory_space<hbm>>) target(%dma_start3A_228 : memref<78x128xi32, #tpu.memory_space<vmem>>) target_semaphore(%run_scoped3A_219 : memref<!tpu.dma_semaphore, #tpu.memory_space<semaphore_mem>>)
      %dma_wait3A_232 = arith.constant 0 : i32
      %dma_wait3A_233 = arith.constant 0 : i32
      %dma_wait3A_234 = tpu.memref_slice %arg7[%dma_wait3A_232, %dma_wait3A_233] : memref<79x128xi32, #tpu.memory_space<vmem>> -> memref<78x128xi32, #tpu.memory_space<vmem>>
      %dma_wait3A_235 = arith.constant 0 : i32
      %dma_wait3A_236 = tpu.memref_slice %arg3[%run_scoped3A_7, %mul3A_6, %dma_wait3A_235] : memref<2x2500x128xi32, #tpu.memory_space<hbm>> -> memref<1x78x128xi32, #tpu.memory_space<hbm>>
      %dma_wait3A_237 = tpu.memref_squeeze %dma_wait3A_236 : memref<1x78x128xi32, #tpu.memory_space<hbm>> -> memref<78x128xi32, #tpu.memory_space<hbm>>
      %dma_wait3A_238 = arith.constant 0 : i32
      %dma_wait3A_239 = arith.constant 0 : i32
      %dma_wait3A_240 = tpu.memref_slice %arg7[%dma_wait3A_238, %dma_wait3A_239] : memref<79x128xi32, #tpu.memory_space<vmem>> -> memref<78x128xi32, #tpu.memory_space<vmem>>
      %dma_wait3A_241 = arith.constant 0 : i32
      %dma_wait3A_242 = tpu.memref_slice %arg3[%run_scoped3A_7, %mul3A_6, %dma_wait3A_241] : memref<2x2500x128xi32, #tpu.memory_space<hbm>> -> memref<1x78x128xi32, #tpu.memory_space<hbm>>
      %dma_wait3A_243 = tpu.memref_squeeze %dma_wait3A_242 : memref<1x78x128xi32, #tpu.memory_space<hbm>> -> memref<78x128xi32, #tpu.memory_space<hbm>>
      tpu.wait_dma2 semaphore(%run_scoped3A_219 : memref<!tpu.dma_semaphore, #tpu.memory_space<semaphore_mem>>) src(%dma_wait3A_243 : memref<78x128xi32, #tpu.memory_space<hbm>>) dst(%dma_wait3A_240 : memref<78x128xi32, #tpu.memory_space<vmem>>)
      tpu.yield
    }) : () -> ()
    %lt3A = arith.constant 4 : i32
    %lt3A_8 = arith.cmpi slt, %add3A, %lt3A : i32
    %convert_element_type3A = arith.extui %lt3A_8 : i1 to i32
    %cond3A = arith.constant 0 : i32
    %cond3A_9 = arith.cmpi ne, %convert_element_type3A, %cond3A : i32
    scf.if %cond3A_9 {
      %add3A_219 = arith.constant 2496 : i32
      %add3A_220 = arith.addi %add3A_219, %add3A : i32
      %run_scoped3A_221 = arith.constant 0 : i32
      "tpu.region"() ({
        %run_scoped3A_225 = tpu.sem_alloc : memref<!tpu.dma_semaphore, #tpu.memory_space<semaphore_mem>>
        %dma_start3A_226 = arith.constant 78 : i32
        %dma_start3A_227 = arith.constant 0 : i32
        %dma_start3A_228 = tpu.memref_slice %arg6[%dma_start3A_226, %dma_start3A_227] : memref<79x128xi32, #tpu.memory_space<vmem>> -> memref<1x128xi32, #tpu.memory_space<vmem>>
        %dma_start3A_229 = arith.constant 0 : i32
        %dma_start3A_230 = tpu.memref_slice %arg3[%run_scoped3A_221, %add3A_220, %dma_start3A_229] : memref<2x2500x128xi32, #tpu.memory_space<hbm>> -> memref<1x1x128xi32, #tpu.memory_space<hbm>>
        %dma_start3A_231 = tpu.memref_squeeze %dma_start3A_230 : memref<1x1x128xi32, #tpu.memory_space<hbm>> -> memref<1x128xi32, #tpu.memory_space<hbm>>
        %dma_start3A_232 = arith.constant 78 : i32
        %dma_start3A_233 = arith.constant 0 : i32
        %dma_start3A_234 = tpu.memref_slice %arg6[%dma_start3A_232, %dma_start3A_233] : memref<79x128xi32, #tpu.memory_space<vmem>> -> memref<1x128xi32, #tpu.memory_space<vmem>>
        %dma_start3A_235 = arith.constant 0 : i32
        %dma_start3A_236 = tpu.memref_slice %arg3[%run_scoped3A_221, %add3A_220, %dma_start3A_235] : memref<2x2500x128xi32, #tpu.memory_space<hbm>> -> memref<1x1x128xi32, #tpu.memory_space<hbm>>
        %dma_start3A_237 = tpu.memref_squeeze %dma_start3A_236 : memref<1x1x128xi32, #tpu.memory_space<hbm>> -> memref<1x128xi32, #tpu.memory_space<hbm>>
        tpu.enqueue_dma source(%dma_start3A_237 : memref<1x128xi32, #tpu.memory_space<hbm>>) target(%dma_start3A_234 : memref<1x128xi32, #tpu.memory_space<vmem>>) target_semaphore(%run_scoped3A_225 : memref<!tpu.dma_semaphore, #tpu.memory_space<semaphore_mem>>)
        %dma_wait3A_238 = arith.constant 78 : i32
        %dma_wait3A_239 = arith.constant 0 : i32
        %dma_wait3A_240 = tpu.memref_slice %arg6[%dma_wait3A_238, %dma_wait3A_239] : memref<79x128xi32, #tpu.memory_space<vmem>> -> memref<1x128xi32, #tpu.memory_space<vmem>>
        %dma_wait3A_241 = arith.constant 0 : i32
        %dma_wait3A_242 = tpu.memref_slice %arg3[%run_scoped3A_221, %add3A_220, %dma_wait3A_241] : memref<2x2500x128xi32, #tpu.memory_space<hbm>> -> memref<1x1x128xi32, #tpu.memory_space<hbm>>
        %dma_wait3A_243 = tpu.memref_squeeze %dma_wait3A_242 : memref<1x1x128xi32, #tpu.memory_space<hbm>> -> memref<1x128xi32, #tpu.memory_space<hbm>>
        %dma_wait3A_244 = arith.constant 78 : i32
        %dma_wait3A_245 = arith.constant 0 : i32
        %dma_wait3A_246 = tpu.memref_slice %arg6[%dma_wait3A_244, %dma_wait3A_245] : memref<79x128xi32, #tpu.memory_space<vmem>> -> memref<1x128xi32, #tpu.memory_space<vmem>>
        %dma_wait3A_247 = arith.constant 0 : i32
        %dma_wait3A_248 = tpu.memref_slice %arg3[%run_scoped3A_221, %add3A_220, %dma_wait3A_247] : memref<2x2500x128xi32, #tpu.memory_space<hbm>> -> memref<1x1x128xi32, #tpu.memory_space<hbm>>
        %dma_wait3A_249 = tpu.memref_squeeze %dma_wait3A_248 : memref<1x1x128xi32, #tpu.memory_space<hbm>> -> memref<1x128xi32, #tpu.memory_space<hbm>>
        tpu.wait_dma2 semaphore(%run_scoped3A_225 : memref<!tpu.dma_semaphore, #tpu.memory_space<semaphore_mem>>) src(%dma_wait3A_249 : memref<1x128xi32, #tpu.memory_space<hbm>>) dst(%dma_wait3A_246 : memref<1x128xi32, #tpu.memory_space<vmem>>)
        tpu.yield
      }) : () -> ()
      %add3A_222 = arith.constant 2496 : i32
      %add3A_223 = arith.addi %add3A_222, %add3A : i32
      %run_scoped3A_224 = arith.constant 1 : i32
      "tpu.region"() ({
        %run_scoped3A_225 = tpu.sem_alloc : memref<!tpu.dma_semaphore, #tpu.memory_space<semaphore_mem>>
        %dma_start3A_226 = arith.constant 78 : i32
        %dma_start3A_227 = arith.constant 0 : i32
        %dma_start3A_228 = tpu.memref_slice %arg7[%dma_start3A_226, %dma_start3A_227] : memref<79x128xi32, #tpu.memory_space<vmem>> -> memref<1x128xi32, #tpu.memory_space<vmem>>
        %dma_start3A_229 = arith.constant 0 : i32
        %dma_start3A_230 = tpu.memref_slice %arg3[%run_scoped3A_224, %add3A_223, %dma_start3A_229] : memref<2x2500x128xi32, #tpu.memory_space<hbm>> -> memref<1x1x128xi32, #tpu.memory_space<hbm>>
        %dma_start3A_231 = tpu.memref_squeeze %dma_start3A_230 : memref<1x1x128xi32, #tpu.memory_space<hbm>> -> memref<1x128xi32, #tpu.memory_space<hbm>>
        %dma_start3A_232 = arith.constant 78 : i32
        %dma_start3A_233 = arith.constant 0 : i32
        %dma_start3A_234 = tpu.memref_slice %arg7[%dma_start3A_232, %dma_start3A_233] : memref<79x128xi32, #tpu.memory_space<vmem>> -> memref<1x128xi32, #tpu.memory_space<vmem>>
        %dma_start3A_235 = arith.constant 0 : i32
        %dma_start3A_236 = tpu.memref_slice %arg3[%run_scoped3A_224, %add3A_223, %dma_start3A_235] : memref<2x2500x128xi32, #tpu.memory_space<hbm>> -> memref<1x1x128xi32, #tpu.memory_space<hbm>>
        %dma_start3A_237 = tpu.memref_squeeze %dma_start3A_236 : memref<1x1x128xi32, #tpu.memory_space<hbm>> -> memref<1x128xi32, #tpu.memory_space<hbm>>
        tpu.enqueue_dma source(%dma_start3A_237 : memref<1x128xi32, #tpu.memory_space<hbm>>) target(%dma_start3A_234 : memref<1x128xi32, #tpu.memory_space<vmem>>) target_semaphore(%run_scoped3A_225 : memref<!tpu.dma_semaphore, #tpu.memory_space<semaphore_mem>>)
        %dma_wait3A_238 = arith.constant 78 : i32
        %dma_wait3A_239 = arith.constant 0 : i32
        %dma_wait3A_240 = tpu.memref_slice %arg7[%dma_wait3A_238, %dma_wait3A_239] : memref<79x128xi32, #tpu.memory_space<vmem>> -> memref<1x128xi32, #tpu.memory_space<vmem>>
        %dma_wait3A_241 = arith.constant 0 : i32
        %dma_wait3A_242 = tpu.memref_slice %arg3[%run_scoped3A_224, %add3A_223, %dma_wait3A_241] : memref<2x2500x128xi32, #tpu.memory_space<hbm>> -> memref<1x1x128xi32, #tpu.memory_space<hbm>>
        %dma_wait3A_243 = tpu.memref_squeeze %dma_wait3A_242 : memref<1x1x128xi32, #tpu.memory_space<hbm>> -> memref<1x128xi32, #tpu.memory_space<hbm>>
        %dma_wait3A_244 = arith.constant 78 : i32
        %dma_wait3A_245 = arith.constant 0 : i32
        %dma_wait3A_246 = tpu.memref_slice %arg7[%dma_wait3A_244, %dma_wait3A_245] : memref<79x128xi32, #tpu.memory_space<vmem>> -> memref<1x128xi32, #tpu.memory_space<vmem>>
        %dma_wait3A_247 = arith.constant 0 : i32
        %dma_wait3A_248 = tpu.memref_slice %arg3[%run_scoped3A_224, %add3A_223, %dma_wait3A_247] : memref<2x2500x128xi32, #tpu.memory_space<hbm>> -> memref<1x1x128xi32, #tpu.memory_space<hbm>>
        %dma_wait3A_249 = tpu.memref_squeeze %dma_wait3A_248 : memref<1x1x128xi32, #tpu.memory_space<hbm>> -> memref<1x128xi32, #tpu.memory_space<hbm>>
        tpu.wait_dma2 semaphore(%run_scoped3A_225 : memref<!tpu.dma_semaphore, #tpu.memory_space<semaphore_mem>>) src(%dma_wait3A_249 : memref<1x128xi32, #tpu.memory_space<hbm>>) dst(%dma_wait3A_246 : memref<1x128xi32, #tpu.memory_space<vmem>>)
        tpu.yield
      }) : () -> ()
    } else {
    }
    %dma_start3A = arith.constant 0 : i32
    %dma_start3A_10 = arith.constant 0 : i32
    %dma_start3A_11 = tpu.memref_slice %arg6[%dma_start3A, %dma_start3A_10] : memref<79x128xi32, #tpu.memory_space<vmem>> -> memref<1x128xi32, #tpu.memory_space<vmem>>
    %dma_start3A_12 = tpu.memref_squeeze %dma_start3A_11 : memref<1x128xi32, #tpu.memory_space<vmem>> -> memref<128xi32, #tpu.memory_space<vmem>>
    %dma_start3A_13 = arith.constant 0 : i32
    %dma_start3A_14 = arith.constant 0 : i32
    %dma_start3A_15 = tpu.memref_slice %arg2[%dma_start3A_13, %dma_start3A_14] : memref<10000x128xbf16, #tpu.memory_space<hbm>> -> memref<10000x128xbf16, #tpu.memory_space<hbm>>
    tpu.enqueue_indirect_dma source(%dma_start3A_15 : memref<10000x128xbf16, #tpu.memory_space<hbm>>) target(%arg8 : memref<128x128xbf16, #tpu.memory_space<vmem>>) offsets(%dma_start3A_12 : memref<128xi32, #tpu.memory_space<vmem>>) semaphore(%arg17 : memref<!tpu.dma_semaphore, #tpu.memory_space<semaphore_mem>>)
    %dma_start3A_16 = arith.constant 1 : i32
    %dma_start3A_17 = arith.constant 0 : i32
    %dma_start3A_18 = tpu.memref_slice %arg6[%dma_start3A_16, %dma_start3A_17] : memref<79x128xi32, #tpu.memory_space<vmem>> -> memref<1x128xi32, #tpu.memory_space<vmem>>
    %dma_start3A_19 = tpu.memref_squeeze %dma_start3A_18 : memref<1x128xi32, #tpu.memory_space<vmem>> -> memref<128xi32, #tpu.memory_space<vmem>>
    %dma_start3A_20 = arith.constant 0 : i32
    %dma_start3A_21 = arith.constant 0 : i32
    %dma_start3A_22 = tpu.memref_slice %arg2[%dma_start3A_20, %dma_start3A_21] : memref<10000x128xbf16, #tpu.memory_space<hbm>> -> memref<10000x128xbf16, #tpu.memory_space<hbm>>
    tpu.enqueue_indirect_dma source(%dma_start3A_22 : memref<10000x128xbf16, #tpu.memory_space<hbm>>) target(%arg9 : memref<128x128xbf16, #tpu.memory_space<vmem>>) offsets(%dma_start3A_19 : memref<128xi32, #tpu.memory_space<vmem>>) semaphore(%arg17 : memref<!tpu.dma_semaphore, #tpu.memory_space<semaphore_mem>>)
    %dma_start3A_23 = arith.constant 2 : i32
    %dma_start3A_24 = arith.constant 0 : i32
    %dma_start3A_25 = tpu.memref_slice %arg6[%dma_start3A_23, %dma_start3A_24] : memref<79x128xi32, #tpu.memory_space<vmem>> -> memref<1x128xi32, #tpu.memory_space<vmem>>
    %dma_start3A_26 = tpu.memref_squeeze %dma_start3A_25 : memref<1x128xi32, #tpu.memory_space<vmem>> -> memref<128xi32, #tpu.memory_space<vmem>>
    %dma_start3A_27 = arith.constant 0 : i32
    %dma_start3A_28 = arith.constant 0 : i32
    %dma_start3A_29 = tpu.memref_slice %arg2[%dma_start3A_27, %dma_start3A_28] : memref<10000x128xbf16, #tpu.memory_space<hbm>> -> memref<10000x128xbf16, #tpu.memory_space<hbm>>
    tpu.enqueue_indirect_dma source(%dma_start3A_29 : memref<10000x128xbf16, #tpu.memory_space<hbm>>) target(%arg10 : memref<128x128xbf16, #tpu.memory_space<vmem>>) offsets(%dma_start3A_26 : memref<128xi32, #tpu.memory_space<vmem>>) semaphore(%arg17 : memref<!tpu.dma_semaphore, #tpu.memory_space<semaphore_mem>>)
    %dma_start3A_30 = arith.constant 3 : i32
    %dma_start3A_31 = arith.constant 0 : i32
    %dma_start3A_32 = tpu.memref_slice %arg6[%dma_start3A_30, %dma_start3A_31] : memref<79x128xi32, #tpu.memory_space<vmem>> -> memref<1x128xi32, #tpu.memory_space<vmem>>
    %dma_start3A_33 = tpu.memref_squeeze %dma_start3A_32 : memref<1x128xi32, #tpu.memory_space<vmem>> -> memref<128xi32, #tpu.memory_space<vmem>>
    %dma_start3A_34 = arith.constant 0 : i32
    %dma_start3A_35 = arith.constant 0 : i32
    %dma_start3A_36 = tpu.memref_slice %arg2[%dma_start3A_34, %dma_start3A_35] : memref<10000x128xbf16, #tpu.memory_space<hbm>> -> memref<10000x128xbf16, #tpu.memory_space<hbm>>
    tpu.enqueue_indirect_dma source(%dma_start3A_36 : memref<10000x128xbf16, #tpu.memory_space<hbm>>) target(%arg11 : memref<128x128xbf16, #tpu.memory_space<vmem>>) offsets(%dma_start3A_33 : memref<128xi32, #tpu.memory_space<vmem>>) semaphore(%arg17 : memref<!tpu.dma_semaphore, #tpu.memory_space<semaphore_mem>>)
    %scan3A = arith.constant 0 : i32
    %scan3A_37 = arith.constant 9 : i32
    %scan3A_38 = arith.addi %scan3A, %scan3A_37 : i32
    %scan3A_39 = arith.constant 1 : i32
    scf.for %scan3A_219 = %scan3A to %scan3A_38 step %scan3A_39  : i32 {
      %mul3A_220 = arith.constant 1 : i32
      %mul3A_221 = arith.muli %scan3A_219, %mul3A_220 : i32
      %add3A_222 = arith.constant 0 : i32
      %add3A_223 = arith.addi %add3A_222, %mul3A_221 : i32
      %mul3A_224 = arith.constant 8 : i32
      %mul3A_225 = arith.muli %add3A_223, %mul3A_224 : i32
      %add3A_226 = arith.constant 0 : i32
      %add3A_227 = arith.addi %mul3A_225, %add3A_226 : i32
      %ge3A = arith.constant 4 : i32
      %ge3A_228 = arith.cmpi sge, %add3A_227, %ge3A : i32
      %convert_element_type3A_229 = arith.extui %ge3A_228 : i1 to i32
      %cond3A_230 = arith.constant 0 : i32
      %cond3A_231 = arith.cmpi ne, %convert_element_type3A_229, %cond3A_230 : i32
      scf.if %cond3A_231 {
        %dma_wait3A_447 = arith.constant 0 : i32
        %dma_wait3A_448 = arith.constant 0 : i32
        %dma_wait3A_449 = tpu.memref_slice %arg7[%dma_wait3A_447, %dma_wait3A_448] : memref<79x128xi32, #tpu.memory_space<vmem>> -> memref<1x128xi32, #tpu.memory_space<vmem>>
        %dma_wait3A_450 = tpu.memref_squeeze %dma_wait3A_449 : memref<1x128xi32, #tpu.memory_space<vmem>> -> memref<128xi32, #tpu.memory_space<vmem>>
        %dma_wait3A_451 = arith.constant 0 : i32
        %dma_wait3A_452 = arith.constant 0 : i32
        %dma_wait3A_453 = tpu.memref_slice %arg16[%dma_wait3A_451, %dma_wait3A_452] : memref<10000x128xbf16, #tpu.memory_space<vmem_shared>> -> memref<10000x128xbf16, #tpu.memory_space<vmem_shared>>
        tpu.wait_indirect_dma semaphore(%arg18 : memref<!tpu.dma_semaphore, #tpu.memory_space<semaphore_mem>>) src(%arg12 : memref<128x128xbf16, #tpu.memory_space<vmem>>) dst(%dma_wait3A_453 : memref<10000x128xbf16, #tpu.memory_space<vmem_shared>>)
      } else {
      }
      %add3A_232 = arith.constant 4 : i32
      %add3A_233 = arith.addi %add3A_227, %add3A_232 : i32
      %lt3A_234 = arith.constant 78 : i32
      %lt3A_235 = arith.cmpi slt, %add3A_233, %lt3A_234 : i32
      %convert_element_type3A_236 = arith.extui %lt3A_235 : i1 to i32
      %cond3A_237 = arith.constant 0 : i32
      %cond3A_238 = arith.cmpi ne, %convert_element_type3A_236, %cond3A_237 : i32
      scf.if %cond3A_238 {
        %add3A_447 = arith.constant 4 : i32
        %add3A_448 = arith.addi %add3A_227, %add3A_447 : i32
        %dma_start3A_449 = arith.constant 0 : i32
        %dma_start3A_450 = tpu.memref_slice %arg6[%add3A_448, %dma_start3A_449] : memref<79x128xi32, #tpu.memory_space<vmem>> -> memref<1x128xi32, #tpu.memory_space<vmem>>
        %dma_start3A_451 = tpu.memref_squeeze %dma_start3A_450 : memref<1x128xi32, #tpu.memory_space<vmem>> -> memref<128xi32, #tpu.memory_space<vmem>>
        %dma_start3A_452 = arith.constant 0 : i32
        %dma_start3A_453 = arith.constant 0 : i32
        %dma_start3A_454 = tpu.memref_slice %arg2[%dma_start3A_452, %dma_start3A_453] : memref<10000x128xbf16, #tpu.memory_space<hbm>> -> memref<10000x128xbf16, #tpu.memory_space<hbm>>
        tpu.enqueue_indirect_dma source(%dma_start3A_454 : memref<10000x128xbf16, #tpu.memory_space<hbm>>) target(%arg12 : memref<128x128xbf16, #tpu.memory_space<vmem>>) offsets(%dma_start3A_451 : memref<128xi32, #tpu.memory_space<vmem>>) semaphore(%arg17 : memref<!tpu.dma_semaphore, #tpu.memory_space<semaphore_mem>>)
      } else {
      }
      %dma_wait3A_239 = arith.constant 0 : i32
      %dma_wait3A_240 = tpu.memref_slice %arg6[%add3A_227, %dma_wait3A_239] : memref<79x128xi32, #tpu.memory_space<vmem>> -> memref<1x128xi32, #tpu.memory_space<vmem>>
      %dma_wait3A_241 = tpu.memref_squeeze %dma_wait3A_240 : memref<1x128xi32, #tpu.memory_space<vmem>> -> memref<128xi32, #tpu.memory_space<vmem>>
      %dma_wait3A_242 = arith.constant 0 : i32
      %dma_wait3A_243 = arith.constant 0 : i32
      %dma_wait3A_244 = tpu.memref_slice %arg2[%dma_wait3A_242, %dma_wait3A_243] : memref<10000x128xbf16, #tpu.memory_space<hbm>> -> memref<10000x128xbf16, #tpu.memory_space<hbm>>
      tpu.wait_indirect_dma semaphore(%arg17 : memref<!tpu.dma_semaphore, #tpu.memory_space<semaphore_mem>>) src(%dma_wait3A_244 : memref<10000x128xbf16, #tpu.memory_space<hbm>>) dst(%arg8 : memref<128x128xbf16, #tpu.memory_space<vmem>>)
      %dma_start3A_245 = arith.constant 0 : i32
      %dma_start3A_246 = tpu.memref_slice %arg7[%add3A_227, %dma_start3A_245] : memref<79x128xi32, #tpu.memory_space<vmem>> -> memref<1x128xi32, #tpu.memory_space<vmem>>
      %dma_start3A_247 = tpu.memref_squeeze %dma_start3A_246 : memref<1x128xi32, #tpu.memory_space<vmem>> -> memref<128xi32, #tpu.memory_space<vmem>>
      %dma_start3A_248 = arith.constant 0 : i32
      %dma_start3A_249 = arith.constant 0 : i32
      %dma_start3A_250 = tpu.memref_slice %arg16[%dma_start3A_248, %dma_start3A_249] : memref<10000x128xbf16, #tpu.memory_space<vmem_shared>> -> memref<10000x128xbf16, #tpu.memory_space<vmem_shared>>
      tpu.enqueue_indirect_dma source(%arg8 : memref<128x128xbf16, #tpu.memory_space<vmem>>) target(%dma_start3A_250 : memref<10000x128xbf16, #tpu.memory_space<vmem_shared>>) offsets(%dma_start3A_247 : memref<128xi32, #tpu.memory_space<vmem>>) semaphore(%arg18 : memref<!tpu.dma_semaphore, #tpu.memory_space<semaphore_mem>>) {add = true}
      %mul3A_251 = arith.constant 8 : i32
      %mul3A_252 = arith.muli %add3A_223, %mul3A_251 : i32
      %add3A_253 = arith.constant 1 : i32
      %add3A_254 = arith.addi %mul3A_252, %add3A_253 : i32
      %ge3A_255 = arith.constant 4 : i32
      %ge3A_256 = arith.cmpi sge, %add3A_254, %ge3A_255 : i32
      %convert_element_type3A_257 = arith.extui %ge3A_256 : i1 to i32
      %cond3A_258 = arith.constant 0 : i32
      %cond3A_259 = arith.cmpi ne, %convert_element_type3A_257, %cond3A_258 : i32
      scf.if %cond3A_259 {
        %dma_wait3A_447 = arith.constant 0 : i32
        %dma_wait3A_448 = arith.constant 0 : i32
        %dma_wait3A_449 = tpu.memref_slice %arg7[%dma_wait3A_447, %dma_wait3A_448] : memref<79x128xi32, #tpu.memory_space<vmem>> -> memref<1x128xi32, #tpu.memory_space<vmem>>
        %dma_wait3A_450 = tpu.memref_squeeze %dma_wait3A_449 : memref<1x128xi32, #tpu.memory_space<vmem>> -> memref<128xi32, #tpu.memory_space<vmem>>
        %dma_wait3A_451 = arith.constant 0 : i32
        %dma_wait3A_452 = arith.constant 0 : i32
        %dma_wait3A_453 = tpu.memref_slice %arg16[%dma_wait3A_451, %dma_wait3A_452] : memref<10000x128xbf16, #tpu.memory_space<vmem_shared>> -> memref<10000x128xbf16, #tpu.memory_space<vmem_shared>>
        tpu.wait_indirect_dma semaphore(%arg18 : memref<!tpu.dma_semaphore, #tpu.memory_space<semaphore_mem>>) src(%arg13 : memref<128x128xbf16, #tpu.memory_space<vmem>>) dst(%dma_wait3A_453 : memref<10000x128xbf16, #tpu.memory_space<vmem_shared>>)
      } else {
      }
      %add3A_260 = arith.constant 4 : i32
      %add3A_261 = arith.addi %add3A_254, %add3A_260 : i32
      %lt3A_262 = arith.constant 78 : i32
      %lt3A_263 = arith.cmpi slt, %add3A_261, %lt3A_262 : i32
      %convert_element_type3A_264 = arith.extui %lt3A_263 : i1 to i32
      %cond3A_265 = arith.constant 0 : i32
      %cond3A_266 = arith.cmpi ne, %convert_element_type3A_264, %cond3A_265 : i32
      scf.if %cond3A_266 {
        %add3A_447 = arith.constant 4 : i32
        %add3A_448 = arith.addi %add3A_254, %add3A_447 : i32
        %dma_start3A_449 = arith.constant 0 : i32
        %dma_start3A_450 = tpu.memref_slice %arg6[%add3A_448, %dma_start3A_449] : memref<79x128xi32, #tpu.memory_space<vmem>> -> memref<1x128xi32, #tpu.memory_space<vmem>>
        %dma_start3A_451 = tpu.memref_squeeze %dma_start3A_450 : memref<1x128xi32, #tpu.memory_space<vmem>> -> memref<128xi32, #tpu.memory_space<vmem>>
        %dma_start3A_452 = arith.constant 0 : i32
        %dma_start3A_453 = arith.constant 0 : i32
        %dma_start3A_454 = tpu.memref_slice %arg2[%dma_start3A_452, %dma_start3A_453] : memref<10000x128xbf16, #tpu.memory_space<hbm>> -> memref<10000x128xbf16, #tpu.memory_space<hbm>>
        tpu.enqueue_indirect_dma source(%dma_start3A_454 : memref<10000x128xbf16, #tpu.memory_space<hbm>>) target(%arg13 : memref<128x128xbf16, #tpu.memory_space<vmem>>) offsets(%dma_start3A_451 : memref<128xi32, #tpu.memory_space<vmem>>) semaphore(%arg17 : memref<!tpu.dma_semaphore, #tpu.memory_space<semaphore_mem>>)
      } else {
      }
      %dma_wait3A_267 = arith.constant 0 : i32
      %dma_wait3A_268 = tpu.memref_slice %arg6[%add3A_254, %dma_wait3A_267] : memref<79x128xi32, #tpu.memory_space<vmem>> -> memref<1x128xi32, #tpu.memory_space<vmem>>
      %dma_wait3A_269 = tpu.memref_squeeze %dma_wait3A_268 : memref<1x128xi32, #tpu.memory_space<vmem>> -> memref<128xi32, #tpu.memory_space<vmem>>
      %dma_wait3A_270 = arith.constant 0 : i32
      %dma_wait3A_271 = arith.constant 0 : i32
      %dma_wait3A_272 = tpu.memref_slice %arg2[%dma_wait3A_270, %dma_wait3A_271] : memref<10000x128xbf16, #tpu.memory_space<hbm>> -> memref<10000x128xbf16, #tpu.memory_space<hbm>>
      tpu.wait_indirect_dma semaphore(%arg17 : memref<!tpu.dma_semaphore, #tpu.memory_space<semaphore_mem>>) src(%dma_wait3A_272 : memref<10000x128xbf16, #tpu.memory_space<hbm>>) dst(%arg9 : memref<128x128xbf16, #tpu.memory_space<vmem>>)
      %dma_start3A_273 = arith.constant 0 : i32
      %dma_start3A_274 = tpu.memref_slice %arg7[%add3A_254, %dma_start3A_273] : memref<79x128xi32, #tpu.memory_space<vmem>> -> memref<1x128xi32, #tpu.memory_space<vmem>>
      %dma_start3A_275 = tpu.memref_squeeze %dma_start3A_274 : memref<1x128xi32, #tpu.memory_space<vmem>> -> memref<128xi32, #tpu.memory_space<vmem>>
      %dma_start3A_276 = arith.constant 0 : i32
      %dma_start3A_277 = arith.constant 0 : i32
      %dma_start3A_278 = tpu.memref_slice %arg16[%dma_start3A_276, %dma_start3A_277] : memref<10000x128xbf16, #tpu.memory_space<vmem_shared>> -> memref<10000x128xbf16, #tpu.memory_space<vmem_shared>>
      tpu.enqueue_indirect_dma source(%arg9 : memref<128x128xbf16, #tpu.memory_space<vmem>>) target(%dma_start3A_278 : memref<10000x128xbf16, #tpu.memory_space<vmem_shared>>) offsets(%dma_start3A_275 : memref<128xi32, #tpu.memory_space<vmem>>) semaphore(%arg18 : memref<!tpu.dma_semaphore, #tpu.memory_space<semaphore_mem>>) {add = true}
      %mul3A_279 = arith.constant 8 : i32
      %mul3A_280 = arith.muli %add3A_223, %mul3A_279 : i32
      %add3A_281 = arith.constant 2 : i32
      %add3A_282 = arith.addi %mul3A_280, %add3A_281 : i32
      %ge3A_283 = arith.constant 4 : i32
      %ge3A_284 = arith.cmpi sge, %add3A_282, %ge3A_283 : i32
      %convert_element_type3A_285 = arith.extui %ge3A_284 : i1 to i32
      %cond3A_286 = arith.constant 0 : i32
      %cond3A_287 = arith.cmpi ne, %convert_element_type3A_285, %cond3A_286 : i32
      scf.if %cond3A_287 {
        %dma_wait3A_447 = arith.constant 0 : i32
        %dma_wait3A_448 = arith.constant 0 : i32
        %dma_wait3A_449 = tpu.memref_slice %arg7[%dma_wait3A_447, %dma_wait3A_448] : memref<79x128xi32, #tpu.memory_space<vmem>> -> memref<1x128xi32, #tpu.memory_space<vmem>>
        %dma_wait3A_450 = tpu.memref_squeeze %dma_wait3A_449 : memref<1x128xi32, #tpu.memory_space<vmem>> -> memref<128xi32, #tpu.memory_space<vmem>>
        %dma_wait3A_451 = arith.constant 0 : i32
        %dma_wait3A_452 = arith.constant 0 : i32
        %dma_wait3A_453 = tpu.memref_slice %arg16[%dma_wait3A_451, %dma_wait3A_452] : memref<10000x128xbf16, #tpu.memory_space<vmem_shared>> -> memref<10000x128xbf16, #tpu.memory_space<vmem_shared>>
        tpu.wait_indirect_dma semaphore(%arg18 : memref<!tpu.dma_semaphore, #tpu.memory_space<semaphore_mem>>) src(%arg14 : memref<128x128xbf16, #tpu.memory_space<vmem>>) dst(%dma_wait3A_453 : memref<10000x128xbf16, #tpu.memory_space<vmem_shared>>)
      } else {
      }
      %add3A_288 = arith.constant 4 : i32
      %add3A_289 = arith.addi %add3A_282, %add3A_288 : i32
      %lt3A_290 = arith.constant 78 : i32
      %lt3A_291 = arith.cmpi slt, %add3A_289, %lt3A_290 : i32
      %convert_element_type3A_292 = arith.extui %lt3A_291 : i1 to i32
      %cond3A_293 = arith.constant 0 : i32
      %cond3A_294 = arith.cmpi ne, %convert_element_type3A_292, %cond3A_293 : i32
      scf.if %cond3A_294 {
        %add3A_447 = arith.constant 4 : i32
        %add3A_448 = arith.addi %add3A_282, %add3A_447 : i32
        %dma_start3A_449 = arith.constant 0 : i32
        %dma_start3A_450 = tpu.memref_slice %arg6[%add3A_448, %dma_start3A_449] : memref<79x128xi32, #tpu.memory_space<vmem>> -> memref<1x128xi32, #tpu.memory_space<vmem>>
        %dma_start3A_451 = tpu.memref_squeeze %dma_start3A_450 : memref<1x128xi32, #tpu.memory_space<vmem>> -> memref<128xi32, #tpu.memory_space<vmem>>
        %dma_start3A_452 = arith.constant 0 : i32
        %dma_start3A_453 = arith.constant 0 : i32
        %dma_start3A_454 = tpu.memref_slice %arg2[%dma_start3A_452, %dma_start3A_453] : memref<10000x128xbf16, #tpu.memory_space<hbm>> -> memref<10000x128xbf16, #tpu.memory_space<hbm>>
        tpu.enqueue_indirect_dma source(%dma_start3A_454 : memref<10000x128xbf16, #tpu.memory_space<hbm>>) target(%arg14 : memref<128x128xbf16, #tpu.memory_space<vmem>>) offsets(%dma_start3A_451 : memref<128xi32, #tpu.memory_space<vmem>>) semaphore(%arg17 : memref<!tpu.dma_semaphore, #tpu.memory_space<semaphore_mem>>)
      } else {
      }
      %dma_wait3A_295 = arith.constant 0 : i32
      %dma_wait3A_296 = tpu.memref_slice %arg6[%add3A_282, %dma_wait3A_295] : memref<79x128xi32, #tpu.memory_space<vmem>> -> memref<1x128xi32, #tpu.memory_space<vmem>>
      %dma_wait3A_297 = tpu.memref_squeeze %dma_wait3A_296 : memref<1x128xi32, #tpu.memory_space<vmem>> -> memref<128xi32, #tpu.memory_space<vmem>>
      %dma_wait3A_298 = arith.constant 0 : i32
      %dma_wait3A_299 = arith.constant 0 : i32
      %dma_wait3A_300 = tpu.memref_slice %arg2[%dma_wait3A_298, %dma_wait3A_299] : memref<10000x128xbf16, #tpu.memory_space<hbm>> -> memref<10000x128xbf16, #tpu.memory_space<hbm>>
      tpu.wait_indirect_dma semaphore(%arg17 : memref<!tpu.dma_semaphore, #tpu.memory_space<semaphore_mem>>) src(%dma_wait3A_300 : memref<10000x128xbf16, #tpu.memory_space<hbm>>) dst(%arg10 : memref<128x128xbf16, #tpu.memory_space<vmem>>)
      %dma_start3A_301 = arith.constant 0 : i32
      %dma_start3A_302 = tpu.memref_slice %arg7[%add3A_282, %dma_start3A_301] : memref<79x128xi32, #tpu.memory_space<vmem>> -> memref<1x128xi32, #tpu.memory_space<vmem>>
      %dma_start3A_303 = tpu.memref_squeeze %dma_start3A_302 : memref<1x128xi32, #tpu.memory_space<vmem>> -> memref<128xi32, #tpu.memory_space<vmem>>
      %dma_start3A_304 = arith.constant 0 : i32
      %dma_start3A_305 = arith.constant 0 : i32
      %dma_start3A_306 = tpu.memref_slice %arg16[%dma_start3A_304, %dma_start3A_305] : memref<10000x128xbf16, #tpu.memory_space<vmem_shared>> -> memref<10000x128xbf16, #tpu.memory_space<vmem_shared>>
      tpu.enqueue_indirect_dma source(%arg10 : memref<128x128xbf16, #tpu.memory_space<vmem>>) target(%dma_start3A_306 : memref<10000x128xbf16, #tpu.memory_space<vmem_shared>>) offsets(%dma_start3A_303 : memref<128xi32, #tpu.memory_space<vmem>>) semaphore(%arg18 : memref<!tpu.dma_semaphore, #tpu.memory_space<semaphore_mem>>) {add = true}
      %mul3A_307 = arith.constant 8 : i32
      %mul3A_308 = arith.muli %add3A_223, %mul3A_307 : i32
      %add3A_309 = arith.constant 3 : i32
      %add3A_310 = arith.addi %mul3A_308, %add3A_309 : i32
      %ge3A_311 = arith.constant 4 : i32
      %ge3A_312 = arith.cmpi sge, %add3A_310, %ge3A_311 : i32
      %convert_element_type3A_313 = arith.extui %ge3A_312 : i1 to i32
      %cond3A_314 = arith.constant 0 : i32
      %cond3A_315 = arith.cmpi ne, %convert_element_type3A_313, %cond3A_314 : i32
      scf.if %cond3A_315 {
        %dma_wait3A_447 = arith.constant 0 : i32
        %dma_wait3A_448 = arith.constant 0 : i32
        %dma_wait3A_449 = tpu.memref_slice %arg7[%dma_wait3A_447, %dma_wait3A_448] : memref<79x128xi32, #tpu.memory_space<vmem>> -> memref<1x128xi32, #tpu.memory_space<vmem>>
        %dma_wait3A_450 = tpu.memref_squeeze %dma_wait3A_449 : memref<1x128xi32, #tpu.memory_space<vmem>> -> memref<128xi32, #tpu.memory_space<vmem>>
        %dma_wait3A_451 = arith.constant 0 : i32
        %dma_wait3A_452 = arith.constant 0 : i32
        %dma_wait3A_453 = tpu.memref_slice %arg16[%dma_wait3A_451, %dma_wait3A_452] : memref<10000x128xbf16, #tpu.memory_space<vmem_shared>> -> memref<10000x128xbf16, #tpu.memory_space<vmem_shared>>
        tpu.wait_indirect_dma semaphore(%arg18 : memref<!tpu.dma_semaphore, #tpu.memory_space<semaphore_mem>>) src(%arg15 : memref<128x128xbf16, #tpu.memory_space<vmem>>) dst(%dma_wait3A_453 : memref<10000x128xbf16, #tpu.memory_space<vmem_shared>>)
      } else {
      }
      %add3A_316 = arith.constant 4 : i32
      %add3A_317 = arith.addi %add3A_310, %add3A_316 : i32
      %lt3A_318 = arith.constant 78 : i32
      %lt3A_319 = arith.cmpi slt, %add3A_317, %lt3A_318 : i32
      %convert_element_type3A_320 = arith.extui %lt3A_319 : i1 to i32
      %cond3A_321 = arith.constant 0 : i32
      %cond3A_322 = arith.cmpi ne, %convert_element_type3A_320, %cond3A_321 : i32
      scf.if %cond3A_322 {
        %add3A_447 = arith.constant 4 : i32
        %add3A_448 = arith.addi %add3A_310, %add3A_447 : i32
        %dma_start3A_449 = arith.constant 0 : i32
        %dma_start3A_450 = tpu.memref_slice %arg6[%add3A_448, %dma_start3A_449] : memref<79x128xi32, #tpu.memory_space<vmem>> -> memref<1x128xi32, #tpu.memory_space<vmem>>
        %dma_start3A_451 = tpu.memref_squeeze %dma_start3A_450 : memref<1x128xi32, #tpu.memory_space<vmem>> -> memref<128xi32, #tpu.memory_space<vmem>>
        %dma_start3A_452 = arith.constant 0 : i32
        %dma_start3A_453 = arith.constant 0 : i32
        %dma_start3A_454 = tpu.memref_slice %arg2[%dma_start3A_452, %dma_start3A_453] : memref<10000x128xbf16, #tpu.memory_space<hbm>> -> memref<10000x128xbf16, #tpu.memory_space<hbm>>
        tpu.enqueue_indirect_dma source(%dma_start3A_454 : memref<10000x128xbf16, #tpu.memory_space<hbm>>) target(%arg15 : memref<128x128xbf16, #tpu.memory_space<vmem>>) offsets(%dma_start3A_451 : memref<128xi32, #tpu.memory_space<vmem>>) semaphore(%arg17 : memref<!tpu.dma_semaphore, #tpu.memory_space<semaphore_mem>>)
      } else {
      }
      %dma_wait3A_323 = arith.constant 0 : i32
      %dma_wait3A_324 = tpu.memref_slice %arg6[%add3A_310, %dma_wait3A_323] : memref<79x128xi32, #tpu.memory_space<vmem>> -> memref<1x128xi32, #tpu.memory_space<vmem>>
      %dma_wait3A_325 = tpu.memref_squeeze %dma_wait3A_324 : memref<1x128xi32, #tpu.memory_space<vmem>> -> memref<128xi32, #tpu.memory_space<vmem>>
      %dma_wait3A_326 = arith.constant 0 : i32
      %dma_wait3A_327 = arith.constant 0 : i32
      %dma_wait3A_328 = tpu.memref_slice %arg2[%dma_wait3A_326, %dma_wait3A_327] : memref<10000x128xbf16, #tpu.memory_space<hbm>> -> memref<10000x128xbf16, #tpu.memory_space<hbm>>
      tpu.wait_indirect_dma semaphore(%arg17 : memref<!tpu.dma_semaphore, #tpu.memory_space<semaphore_mem>>) src(%dma_wait3A_328 : memref<10000x128xbf16, #tpu.memory_space<hbm>>) dst(%arg11 : memref<128x128xbf16, #tpu.memory_space<vmem>>)
      %dma_start3A_329 = arith.constant 0 : i32
      %dma_start3A_330 = tpu.memref_slice %arg7[%add3A_310, %dma_start3A_329] : memref<79x128xi32, #tpu.memory_space<vmem>> -> memref<1x128xi32, #tpu.memory_space<vmem>>
      %dma_start3A_331 = tpu.memref_squeeze %dma_start3A_330 : memref<1x128xi32, #tpu.memory_space<vmem>> -> memref<128xi32, #tpu.memory_space<vmem>>
      %dma_start3A_332 = arith.constant 0 : i32
      %dma_start3A_333 = arith.constant 0 : i32
      %dma_start3A_334 = tpu.memref_slice %arg16[%dma_start3A_332, %dma_start3A_333] : memref<10000x128xbf16, #tpu.memory_space<vmem_shared>> -> memref<10000x128xbf16, #tpu.memory_space<vmem_shared>>
      tpu.enqueue_indirect_dma source(%arg11 : memref<128x128xbf16, #tpu.memory_space<vmem>>) target(%dma_start3A_334 : memref<10000x128xbf16, #tpu.memory_space<vmem_shared>>) offsets(%dma_start3A_331 : memref<128xi32, #tpu.memory_space<vmem>>) semaphore(%arg18 : memref<!tpu.dma_semaphore, #tpu.memory_space<semaphore_mem>>) {add = true}
      %mul3A_335 = arith.constant 8 : i32
      %mul3A_336 = arith.muli %add3A_223, %mul3A_335 : i32
      %add3A_337 = arith.constant 4 : i32
      %add3A_338 = arith.addi %mul3A_336, %add3A_337 : i32
      %ge3A_339 = arith.constant 4 : i32
      %ge3A_340 = arith.cmpi sge, %add3A_338, %ge3A_339 : i32
      %convert_element_type3A_341 = arith.extui %ge3A_340 : i1 to i32
      %cond3A_342 = arith.constant 0 : i32
      %cond3A_343 = arith.cmpi ne, %convert_element_type3A_341, %cond3A_342 : i32
      scf.if %cond3A_343 {
        %dma_wait3A_447 = arith.constant 0 : i32
        %dma_wait3A_448 = arith.constant 0 : i32
        %dma_wait3A_449 = tpu.memref_slice %arg7[%dma_wait3A_447, %dma_wait3A_448] : memref<79x128xi32, #tpu.memory_space<vmem>> -> memref<1x128xi32, #tpu.memory_space<vmem>>
        %dma_wait3A_450 = tpu.memref_squeeze %dma_wait3A_449 : memref<1x128xi32, #tpu.memory_space<vmem>> -> memref<128xi32, #tpu.memory_space<vmem>>
        %dma_wait3A_451 = arith.constant 0 : i32
        %dma_wait3A_452 = arith.constant 0 : i32
        %dma_wait3A_453 = tpu.memref_slice %arg16[%dma_wait3A_451, %dma_wait3A_452] : memref<10000x128xbf16, #tpu.memory_space<vmem_shared>> -> memref<10000x128xbf16, #tpu.memory_space<vmem_shared>>
        tpu.wait_indirect_dma semaphore(%arg18 : memref<!tpu.dma_semaphore, #tpu.memory_space<semaphore_mem>>) src(%arg8 : memref<128x128xbf16, #tpu.memory_space<vmem>>) dst(%dma_wait3A_453 : memref<10000x128xbf16, #tpu.memory_space<vmem_shared>>)
      } else {
      }
      %add3A_344 = arith.constant 4 : i32
      %add3A_345 = arith.addi %add3A_338, %add3A_344 : i32
      %lt3A_346 = arith.constant 78 : i32
      %lt3A_347 = arith.cmpi slt, %add3A_345, %lt3A_346 : i32
      %convert_element_type3A_348 = arith.extui %lt3A_347 : i1 to i32
      %cond3A_349 = arith.constant 0 : i32
      %cond3A_350 = arith.cmpi ne, %convert_element_type3A_348, %cond3A_349 : i32
      scf.if %cond3A_350 {
        %add3A_447 = arith.constant 4 : i32
        %add3A_448 = arith.addi %add3A_338, %add3A_447 : i32
        %dma_start3A_449 = arith.constant 0 : i32
        %dma_start3A_450 = tpu.memref_slice %arg6[%add3A_448, %dma_start3A_449] : memref<79x128xi32, #tpu.memory_space<vmem>> -> memref<1x128xi32, #tpu.memory_space<vmem>>
        %dma_start3A_451 = tpu.memref_squeeze %dma_start3A_450 : memref<1x128xi32, #tpu.memory_space<vmem>> -> memref<128xi32, #tpu.memory_space<vmem>>
        %dma_start3A_452 = arith.constant 0 : i32
        %dma_start3A_453 = arith.constant 0 : i32
        %dma_start3A_454 = tpu.memref_slice %arg2[%dma_start3A_452, %dma_start3A_453] : memref<10000x128xbf16, #tpu.memory_space<hbm>> -> memref<10000x128xbf16, #tpu.memory_space<hbm>>
        tpu.enqueue_indirect_dma source(%dma_start3A_454 : memref<10000x128xbf16, #tpu.memory_space<hbm>>) target(%arg8 : memref<128x128xbf16, #tpu.memory_space<vmem>>) offsets(%dma_start3A_451 : memref<128xi32, #tpu.memory_space<vmem>>) semaphore(%arg17 : memref<!tpu.dma_semaphore, #tpu.memory_space<semaphore_mem>>)
      } else {
      }
      %dma_wait3A_351 = arith.constant 0 : i32
      %dma_wait3A_352 = tpu.memref_slice %arg6[%add3A_338, %dma_wait3A_351] : memref<79x128xi32, #tpu.memory_space<vmem>> -> memref<1x128xi32, #tpu.memory_space<vmem>>
      %dma_wait3A_353 = tpu.memref_squeeze %dma_wait3A_352 : memref<1x128xi32, #tpu.memory_space<vmem>> -> memref<128xi32, #tpu.memory_space<vmem>>
      %dma_wait3A_354 = arith.constant 0 : i32
      %dma_wait3A_355 = arith.constant 0 : i32
      %dma_wait3A_356 = tpu.memref_slice %arg2[%dma_wait3A_354, %dma_wait3A_355] : memref<10000x128xbf16, #tpu.memory_space<hbm>> -> memref<10000x128xbf16, #tpu.memory_space<hbm>>
      tpu.wait_indirect_dma semaphore(%arg17 : memref<!tpu.dma_semaphore, #tpu.memory_space<semaphore_mem>>) src(%dma_wait3A_356 : memref<10000x128xbf16, #tpu.memory_space<hbm>>) dst(%arg12 : memref<128x128xbf16, #tpu.memory_space<vmem>>)
      %dma_start3A_357 = arith.constant 0 : i32
      %dma_start3A_358 = tpu.memref_slice %arg7[%add3A_338, %dma_start3A_357] : memref<79x128xi32, #tpu.memory_space<vmem>> -> memref<1x128xi32, #tpu.memory_space<vmem>>
      %dma_start3A_359 = tpu.memref_squeeze %dma_start3A_358 : memref<1x128xi32, #tpu.memory_space<vmem>> -> memref<128xi32, #tpu.memory_space<vmem>>
      %dma_start3A_360 = arith.constant 0 : i32
      %dma_start3A_361 = arith.constant 0 : i32
      %dma_start3A_362 = tpu.memref_slice %arg16[%dma_start3A_360, %dma_start3A_361] : memref<10000x128xbf16, #tpu.memory_space<vmem_shared>> -> memref<10000x128xbf16, #tpu.memory_space<vmem_shared>>
      tpu.enqueue_indirect_dma source(%arg12 : memref<128x128xbf16, #tpu.memory_space<vmem>>) target(%dma_start3A_362 : memref<10000x128xbf16, #tpu.memory_space<vmem_shared>>) offsets(%dma_start3A_359 : memref<128xi32, #tpu.memory_space<vmem>>) semaphore(%arg18 : memref<!tpu.dma_semaphore, #tpu.memory_space<semaphore_mem>>) {add = true}
      %mul3A_363 = arith.constant 8 : i32
      %mul3A_364 = arith.muli %add3A_223, %mul3A_363 : i32
      %add3A_365 = arith.constant 5 : i32
      %add3A_366 = arith.addi %mul3A_364, %add3A_365 : i32
      %ge3A_367 = arith.constant 4 : i32
      %ge3A_368 = arith.cmpi sge, %add3A_366, %ge3A_367 : i32
      %convert_element_type3A_369 = arith.extui %ge3A_368 : i1 to i32
      %cond3A_370 = arith.constant 0 : i32
      %cond3A_371 = arith.cmpi ne, %convert_element_type3A_369, %cond3A_370 : i32
      scf.if %cond3A_371 {
        %dma_wait3A_447 = arith.constant 0 : i32
        %dma_wait3A_448 = arith.constant 0 : i32
        %dma_wait3A_449 = tpu.memref_slice %arg7[%dma_wait3A_447, %dma_wait3A_448] : memref<79x128xi32, #tpu.memory_space<vmem>> -> memref<1x128xi32, #tpu.memory_space<vmem>>
        %dma_wait3A_450 = tpu.memref_squeeze %dma_wait3A_449 : memref<1x128xi32, #tpu.memory_space<vmem>> -> memref<128xi32, #tpu.memory_space<vmem>>
        %dma_wait3A_451 = arith.constant 0 : i32
        %dma_wait3A_452 = arith.constant 0 : i32
        %dma_wait3A_453 = tpu.memref_slice %arg16[%dma_wait3A_451, %dma_wait3A_452] : memref<10000x128xbf16, #tpu.memory_space<vmem_shared>> -> memref<10000x128xbf16, #tpu.memory_space<vmem_shared>>
        tpu.wait_indirect_dma semaphore(%arg18 : memref<!tpu.dma_semaphore, #tpu.memory_space<semaphore_mem>>) src(%arg9 : memref<128x128xbf16, #tpu.memory_space<vmem>>) dst(%dma_wait3A_453 : memref<10000x128xbf16, #tpu.memory_space<vmem_shared>>)
      } else {
      }
      %add3A_372 = arith.constant 4 : i32
      %add3A_373 = arith.addi %add3A_366, %add3A_372 : i32
      %lt3A_374 = arith.constant 78 : i32
      %lt3A_375 = arith.cmpi slt, %add3A_373, %lt3A_374 : i32
      %convert_element_type3A_376 = arith.extui %lt3A_375 : i1 to i32
      %cond3A_377 = arith.constant 0 : i32
      %cond3A_378 = arith.cmpi ne, %convert_element_type3A_376, %cond3A_377 : i32
      scf.if %cond3A_378 {
        %add3A_447 = arith.constant 4 : i32
        %add3A_448 = arith.addi %add3A_366, %add3A_447 : i32
        %dma_start3A_449 = arith.constant 0 : i32
        %dma_start3A_450 = tpu.memref_slice %arg6[%add3A_448, %dma_start3A_449] : memref<79x128xi32, #tpu.memory_space<vmem>> -> memref<1x128xi32, #tpu.memory_space<vmem>>
        %dma_start3A_451 = tpu.memref_squeeze %dma_start3A_450 : memref<1x128xi32, #tpu.memory_space<vmem>> -> memref<128xi32, #tpu.memory_space<vmem>>
        %dma_start3A_452 = arith.constant 0 : i32
        %dma_start3A_453 = arith.constant 0 : i32
        %dma_start3A_454 = tpu.memref_slice %arg2[%dma_start3A_452, %dma_start3A_453] : memref<10000x128xbf16, #tpu.memory_space<hbm>> -> memref<10000x128xbf16, #tpu.memory_space<hbm>>
        tpu.enqueue_indirect_dma source(%dma_start3A_454 : memref<10000x128xbf16, #tpu.memory_space<hbm>>) target(%arg9 : memref<128x128xbf16, #tpu.memory_space<vmem>>) offsets(%dma_start3A_451 : memref<128xi32, #tpu.memory_space<vmem>>) semaphore(%arg17 : memref<!tpu.dma_semaphore, #tpu.memory_space<semaphore_mem>>)
      } else {
      }
      %dma_wait3A_379 = arith.constant 0 : i32
      %dma_wait3A_380 = tpu.memref_slice %arg6[%add3A_366, %dma_wait3A_379] : memref<79x128xi32, #tpu.memory_space<vmem>> -> memref<1x128xi32, #tpu.memory_space<vmem>>
      %dma_wait3A_381 = tpu.memref_squeeze %dma_wait3A_380 : memref<1x128xi32, #tpu.memory_space<vmem>> -> memref<128xi32, #tpu.memory_space<vmem>>
      %dma_wait3A_382 = arith.constant 0 : i32
      %dma_wait3A_383 = arith.constant 0 : i32
      %dma_wait3A_384 = tpu.memref_slice %arg2[%dma_wait3A_382, %dma_wait3A_383] : memref<10000x128xbf16, #tpu.memory_space<hbm>> -> memref<10000x128xbf16, #tpu.memory_space<hbm>>
      tpu.wait_indirect_dma semaphore(%arg17 : memref<!tpu.dma_semaphore, #tpu.memory_space<semaphore_mem>>) src(%dma_wait3A_384 : memref<10000x128xbf16, #tpu.memory_space<hbm>>) dst(%arg13 : memref<128x128xbf16, #tpu.memory_space<vmem>>)
      %dma_start3A_385 = arith.constant 0 : i32
      %dma_start3A_386 = tpu.memref_slice %arg7[%add3A_366, %dma_start3A_385] : memref<79x128xi32, #tpu.memory_space<vmem>> -> memref<1x128xi32, #tpu.memory_space<vmem>>
      %dma_start3A_387 = tpu.memref_squeeze %dma_start3A_386 : memref<1x128xi32, #tpu.memory_space<vmem>> -> memref<128xi32, #tpu.memory_space<vmem>>
      %dma_start3A_388 = arith.constant 0 : i32
      %dma_start3A_389 = arith.constant 0 : i32
      %dma_start3A_390 = tpu.memref_slice %arg16[%dma_start3A_388, %dma_start3A_389] : memref<10000x128xbf16, #tpu.memory_space<vmem_shared>> -> memref<10000x128xbf16, #tpu.memory_space<vmem_shared>>
      tpu.enqueue_indirect_dma source(%arg13 : memref<128x128xbf16, #tpu.memory_space<vmem>>) target(%dma_start3A_390 : memref<10000x128xbf16, #tpu.memory_space<vmem_shared>>) offsets(%dma_start3A_387 : memref<128xi32, #tpu.memory_space<vmem>>) semaphore(%arg18 : memref<!tpu.dma_semaphore, #tpu.memory_space<semaphore_mem>>) {add = true}
      %mul3A_391 = arith.constant 8 : i32
      %mul3A_392 = arith.muli %add3A_223, %mul3A_391 : i32
      %add3A_393 = arith.constant 6 : i32
      %add3A_394 = arith.addi %mul3A_392, %add3A_393 : i32
      %ge3A_395 = arith.constant 4 : i32
      %ge3A_396 = arith.cmpi sge, %add3A_394, %ge3A_395 : i32
      %convert_element_type3A_397 = arith.extui %ge3A_396 : i1 to i32
      %cond3A_398 = arith.constant 0 : i32
      %cond3A_399 = arith.cmpi ne, %convert_element_type3A_397, %cond3A_398 : i32
      scf.if %cond3A_399 {
        %dma_wait3A_447 = arith.constant 0 : i32
        %dma_wait3A_448 = arith.constant 0 : i32
        %dma_wait3A_449 = tpu.memref_slice %arg7[%dma_wait3A_447, %dma_wait3A_448] : memref<79x128xi32, #tpu.memory_space<vmem>> -> memref<1x128xi32, #tpu.memory_space<vmem>>
        %dma_wait3A_450 = tpu.memref_squeeze %dma_wait3A_449 : memref<1x128xi32, #tpu.memory_space<vmem>> -> memref<128xi32, #tpu.memory_space<vmem>>
        %dma_wait3A_451 = arith.constant 0 : i32
        %dma_wait3A_452 = arith.constant 0 : i32
        %dma_wait3A_453 = tpu.memref_slice %arg16[%dma_wait3A_451, %dma_wait3A_452] : memref<10000x128xbf16, #tpu.memory_space<vmem_shared>> -> memref<10000x128xbf16, #tpu.memory_space<vmem_shared>>
        tpu.wait_indirect_dma semaphore(%arg18 : memref<!tpu.dma_semaphore, #tpu.memory_space<semaphore_mem>>) src(%arg10 : memref<128x128xbf16, #tpu.memory_space<vmem>>) dst(%dma_wait3A_453 : memref<10000x128xbf16, #tpu.memory_space<vmem_shared>>)
      } else {
      }
      %add3A_400 = arith.constant 4 : i32
      %add3A_401 = arith.addi %add3A_394, %add3A_400 : i32
      %lt3A_402 = arith.constant 78 : i32
      %lt3A_403 = arith.cmpi slt, %add3A_401, %lt3A_402 : i32
      %convert_element_type3A_404 = arith.extui %lt3A_403 : i1 to i32
      %cond3A_405 = arith.constant 0 : i32
      %cond3A_406 = arith.cmpi ne, %convert_element_type3A_404, %cond3A_405 : i32
      scf.if %cond3A_406 {
        %add3A_447 = arith.constant 4 : i32
        %add3A_448 = arith.addi %add3A_394, %add3A_447 : i32
        %dma_start3A_449 = arith.constant 0 : i32
        %dma_start3A_450 = tpu.memref_slice %arg6[%add3A_448, %dma_start3A_449] : memref<79x128xi32, #tpu.memory_space<vmem>> -> memref<1x128xi32, #tpu.memory_space<vmem>>
        %dma_start3A_451 = tpu.memref_squeeze %dma_start3A_450 : memref<1x128xi32, #tpu.memory_space<vmem>> -> memref<128xi32, #tpu.memory_space<vmem>>
        %dma_start3A_452 = arith.constant 0 : i32
        %dma_start3A_453 = arith.constant 0 : i32
        %dma_start3A_454 = tpu.memref_slice %arg2[%dma_start3A_452, %dma_start3A_453] : memref<10000x128xbf16, #tpu.memory_space<hbm>> -> memref<10000x128xbf16, #tpu.memory_space<hbm>>
        tpu.enqueue_indirect_dma source(%dma_start3A_454 : memref<10000x128xbf16, #tpu.memory_space<hbm>>) target(%arg10 : memref<128x128xbf16, #tpu.memory_space<vmem>>) offsets(%dma_start3A_451 : memref<128xi32, #tpu.memory_space<vmem>>) semaphore(%arg17 : memref<!tpu.dma_semaphore, #tpu.memory_space<semaphore_mem>>)
      } else {
      }
      %dma_wait3A_407 = arith.constant 0 : i32
      %dma_wait3A_408 = tpu.memref_slice %arg6[%add3A_394, %dma_wait3A_407] : memref<79x128xi32, #tpu.memory_space<vmem>> -> memref<1x128xi32, #tpu.memory_space<vmem>>
      %dma_wait3A_409 = tpu.memref_squeeze %dma_wait3A_408 : memref<1x128xi32, #tpu.memory_space<vmem>> -> memref<128xi32, #tpu.memory_space<vmem>>
      %dma_wait3A_410 = arith.constant 0 : i32
      %dma_wait3A_411 = arith.constant 0 : i32
      %dma_wait3A_412 = tpu.memref_slice %arg2[%dma_wait3A_410, %dma_wait3A_411] : memref<10000x128xbf16, #tpu.memory_space<hbm>> -> memref<10000x128xbf16, #tpu.memory_space<hbm>>
      tpu.wait_indirect_dma semaphore(%arg17 : memref<!tpu.dma_semaphore, #tpu.memory_space<semaphore_mem>>) src(%dma_wait3A_412 : memref<10000x128xbf16, #tpu.memory_space<hbm>>) dst(%arg14 : memref<128x128xbf16, #tpu.memory_space<vmem>>)
      %dma_start3A_413 = arith.constant 0 : i32
      %dma_start3A_414 = tpu.memref_slice %arg7[%add3A_394, %dma_start3A_413] : memref<79x128xi32, #tpu.memory_space<vmem>> -> memref<1x128xi32, #tpu.memory_space<vmem>>
      %dma_start3A_415 = tpu.memref_squeeze %dma_start3A_414 : memref<1x128xi32, #tpu.memory_space<vmem>> -> memref<128xi32, #tpu.memory_space<vmem>>
      %dma_start3A_416 = arith.constant 0 : i32
      %dma_start3A_417 = arith.constant 0 : i32
      %dma_start3A_418 = tpu.memref_slice %arg16[%dma_start3A_416, %dma_start3A_417] : memref<10000x128xbf16, #tpu.memory_space<vmem_shared>> -> memref<10000x128xbf16, #tpu.memory_space<vmem_shared>>
      tpu.enqueue_indirect_dma source(%arg14 : memref<128x128xbf16, #tpu.memory_space<vmem>>) target(%dma_start3A_418 : memref<10000x128xbf16, #tpu.memory_space<vmem_shared>>) offsets(%dma_start3A_415 : memref<128xi32, #tpu.memory_space<vmem>>) semaphore(%arg18 : memref<!tpu.dma_semaphore, #tpu.memory_space<semaphore_mem>>) {add = true}
      %mul3A_419 = arith.constant 8 : i32
      %mul3A_420 = arith.muli %add3A_223, %mul3A_419 : i32
      %add3A_421 = arith.constant 7 : i32
      %add3A_422 = arith.addi %mul3A_420, %add3A_421 : i32
      %ge3A_423 = arith.constant 4 : i32
      %ge3A_424 = arith.cmpi sge, %add3A_422, %ge3A_423 : i32
      %convert_element_type3A_425 = arith.extui %ge3A_424 : i1 to i32
      %cond3A_426 = arith.constant 0 : i32
      %cond3A_427 = arith.cmpi ne, %convert_element_type3A_425, %cond3A_426 : i32
      scf.if %cond3A_427 {
        %dma_wait3A_447 = arith.constant 0 : i32
        %dma_wait3A_448 = arith.constant 0 : i32
        %dma_wait3A_449 = tpu.memref_slice %arg7[%dma_wait3A_447, %dma_wait3A_448] : memref<79x128xi32, #tpu.memory_space<vmem>> -> memref<1x128xi32, #tpu.memory_space<vmem>>
        %dma_wait3A_450 = tpu.memref_squeeze %dma_wait3A_449 : memref<1x128xi32, #tpu.memory_space<vmem>> -> memref<128xi32, #tpu.memory_space<vmem>>
        %dma_wait3A_451 = arith.constant 0 : i32
        %dma_wait3A_452 = arith.constant 0 : i32
        %dma_wait3A_453 = tpu.memref_slice %arg16[%dma_wait3A_451, %dma_wait3A_452] : memref<10000x128xbf16, #tpu.memory_space<vmem_shared>> -> memref<10000x128xbf16, #tpu.memory_space<vmem_shared>>
        tpu.wait_indirect_dma semaphore(%arg18 : memref<!tpu.dma_semaphore, #tpu.memory_space<semaphore_mem>>) src(%arg11 : memref<128x128xbf16, #tpu.memory_space<vmem>>) dst(%dma_wait3A_453 : memref<10000x128xbf16, #tpu.memory_space<vmem_shared>>)
      } else {
      }
      %add3A_428 = arith.constant 4 : i32
      %add3A_429 = arith.addi %add3A_422, %add3A_428 : i32
      %lt3A_430 = arith.constant 78 : i32
      %lt3A_431 = arith.cmpi slt, %add3A_429, %lt3A_430 : i32
      %convert_element_type3A_432 = arith.extui %lt3A_431 : i1 to i32
      %cond3A_433 = arith.constant 0 : i32
      %cond3A_434 = arith.cmpi ne, %convert_element_type3A_432, %cond3A_433 : i32
      scf.if %cond3A_434 {
        %add3A_447 = arith.constant 4 : i32
        %add3A_448 = arith.addi %add3A_422, %add3A_447 : i32
        %dma_start3A_449 = arith.constant 0 : i32
        %dma_start3A_450 = tpu.memref_slice %arg6[%add3A_448, %dma_start3A_449] : memref<79x128xi32, #tpu.memory_space<vmem>> -> memref<1x128xi32, #tpu.memory_space<vmem>>
        %dma_start3A_451 = tpu.memref_squeeze %dma_start3A_450 : memref<1x128xi32, #tpu.memory_space<vmem>> -> memref<128xi32, #tpu.memory_space<vmem>>
        %dma_start3A_452 = arith.constant 0 : i32
        %dma_start3A_453 = arith.constant 0 : i32
        %dma_start3A_454 = tpu.memref_slice %arg2[%dma_start3A_452, %dma_start3A_453] : memref<10000x128xbf16, #tpu.memory_space<hbm>> -> memref<10000x128xbf16, #tpu.memory_space<hbm>>
        tpu.enqueue_indirect_dma source(%dma_start3A_454 : memref<10000x128xbf16, #tpu.memory_space<hbm>>) target(%arg11 : memref<128x128xbf16, #tpu.memory_space<vmem>>) offsets(%dma_start3A_451 : memref<128xi32, #tpu.memory_space<vmem>>) semaphore(%arg17 : memref<!tpu.dma_semaphore, #tpu.memory_space<semaphore_mem>>)
      } else {
      }
      %dma_wait3A_435 = arith.constant 0 : i32
      %dma_wait3A_436 = tpu.memref_slice %arg6[%add3A_422, %dma_wait3A_435] : memref<79x128xi32, #tpu.memory_space<vmem>> -> memref<1x128xi32, #tpu.memory_space<vmem>>
      %dma_wait3A_437 = tpu.memref_squeeze %dma_wait3A_436 : memref<1x128xi32, #tpu.memory_space<vmem>> -> memref<128xi32, #tpu.memory_space<vmem>>
      %dma_wait3A_438 = arith.constant 0 : i32
      %dma_wait3A_439 = arith.constant 0 : i32
      %dma_wait3A_440 = tpu.memref_slice %arg2[%dma_wait3A_438, %dma_wait3A_439] : memref<10000x128xbf16, #tpu.memory_space<hbm>> -> memref<10000x128xbf16, #tpu.memory_space<hbm>>
      tpu.wait_indirect_dma semaphore(%arg17 : memref<!tpu.dma_semaphore, #tpu.memory_space<semaphore_mem>>) src(%dma_wait3A_440 : memref<10000x128xbf16, #tpu.memory_space<hbm>>) dst(%arg15 : memref<128x128xbf16, #tpu.memory_space<vmem>>)
      %dma_start3A_441 = arith.constant 0 : i32
      %dma_start3A_442 = tpu.memref_slice %arg7[%add3A_422, %dma_start3A_441] : memref<79x128xi32, #tpu.memory_space<vmem>> -> memref<1x128xi32, #tpu.memory_space<vmem>>
      %dma_start3A_443 = tpu.memref_squeeze %dma_start3A_442 : memref<1x128xi32, #tpu.memory_space<vmem>> -> memref<128xi32, #tpu.memory_space<vmem>>
      %dma_start3A_444 = arith.constant 0 : i32
      %dma_start3A_445 = arith.constant 0 : i32
      %dma_start3A_446 = tpu.memref_slice %arg16[%dma_start3A_444, %dma_start3A_445] : memref<10000x128xbf16, #tpu.memory_space<vmem_shared>> -> memref<10000x128xbf16, #tpu.memory_space<vmem_shared>>
      tpu.enqueue_indirect_dma source(%arg15 : memref<128x128xbf16, #tpu.memory_space<vmem>>) target(%dma_start3A_446 : memref<10000x128xbf16, #tpu.memory_space<vmem_shared>>) offsets(%dma_start3A_443 : memref<128xi32, #tpu.memory_space<vmem>>) semaphore(%arg18 : memref<!tpu.dma_semaphore, #tpu.memory_space<semaphore_mem>>) {add = true}
    }
    %scan3A_40 = arith.constant 9 : i32
    %dma_wait3A = arith.constant 0 : i32
    %dma_wait3A_41 = arith.constant 0 : i32
    %dma_wait3A_42 = tpu.memref_slice %arg7[%dma_wait3A, %dma_wait3A_41] : memref<79x128xi32, #tpu.memory_space<vmem>> -> memref<1x128xi32, #tpu.memory_space<vmem>>
    %dma_wait3A_43 = tpu.memref_squeeze %dma_wait3A_42 : memref<1x128xi32, #tpu.memory_space<vmem>> -> memref<128xi32, #tpu.memory_space<vmem>>
    %dma_wait3A_44 = arith.constant 0 : i32
    %dma_wait3A_45 = arith.constant 0 : i32
    %dma_wait3A_46 = tpu.memref_slice %arg16[%dma_wait3A_44, %dma_wait3A_45] : memref<10000x128xbf16, #tpu.memory_space<vmem_shared>> -> memref<10000x128xbf16, #tpu.memory_space<vmem_shared>>
    tpu.wait_indirect_dma semaphore(%arg18 : memref<!tpu.dma_semaphore, #tpu.memory_space<semaphore_mem>>) src(%arg12 : memref<128x128xbf16, #tpu.memory_space<vmem>>) dst(%dma_wait3A_46 : memref<10000x128xbf16, #tpu.memory_space<vmem_shared>>)
    %dma_start3A_47 = arith.constant 76 : i32
    %dma_start3A_48 = arith.constant 0 : i32
    %dma_start3A_49 = tpu.memref_slice %arg6[%dma_start3A_47, %dma_start3A_48] : memref<79x128xi32, #tpu.memory_space<vmem>> -> memref<1x128xi32, #tpu.memory_space<vmem>>
    %dma_start3A_50 = tpu.memref_squeeze %dma_start3A_49 : memref<1x128xi32, #tpu.memory_space<vmem>> -> memref<128xi32, #tpu.memory_space<vmem>>
    %dma_start3A_51 = arith.constant 0 : i32
    %dma_start3A_52 = arith.constant 0 : i32
    %dma_start3A_53 = tpu.memref_slice %arg2[%dma_start3A_51, %dma_start3A_52] : memref<10000x128xbf16, #tpu.memory_space<hbm>> -> memref<10000x128xbf16, #tpu.memory_space<hbm>>
    tpu.enqueue_indirect_dma source(%dma_start3A_53 : memref<10000x128xbf16, #tpu.memory_space<hbm>>) target(%arg12 : memref<128x128xbf16, #tpu.memory_space<vmem>>) offsets(%dma_start3A_50 : memref<128xi32, #tpu.memory_space<vmem>>) semaphore(%arg17 : memref<!tpu.dma_semaphore, #tpu.memory_space<semaphore_mem>>)
    %dma_wait3A_54 = arith.constant 72 : i32
    %dma_wait3A_55 = arith.constant 0 : i32
    %dma_wait3A_56 = tpu.memref_slice %arg6[%dma_wait3A_54, %dma_wait3A_55] : memref<79x128xi32, #tpu.memory_space<vmem>> -> memref<1x128xi32, #tpu.memory_space<vmem>>
    %dma_wait3A_57 = tpu.memref_squeeze %dma_wait3A_56 : memref<1x128xi32, #tpu.memory_space<vmem>> -> memref<128xi32, #tpu.memory_space<vmem>>
    %dma_wait3A_58 = arith.constant 0 : i32
    %dma_wait3A_59 = arith.constant 0 : i32
    %dma_wait3A_60 = tpu.memref_slice %arg2[%dma_wait3A_58, %dma_wait3A_59] : memref<10000x128xbf16, #tpu.memory_space<hbm>> -> memref<10000x128xbf16, #tpu.memory_space<hbm>>
    tpu.wait_indirect_dma semaphore(%arg17 : memref<!tpu.dma_semaphore, #tpu.memory_space<semaphore_mem>>) src(%dma_wait3A_60 : memref<10000x128xbf16, #tpu.memory_space<hbm>>) dst(%arg8 : memref<128x128xbf16, #tpu.memory_space<vmem>>)
    %dma_start3A_61 = arith.constant 72 : i32
    %dma_start3A_62 = arith.constant 0 : i32
    %dma_start3A_63 = tpu.memref_slice %arg7[%dma_start3A_61, %dma_start3A_62] : memref<79x128xi32, #tpu.memory_space<vmem>> -> memref<1x128xi32, #tpu.memory_space<vmem>>
    %dma_start3A_64 = tpu.memref_squeeze %dma_start3A_63 : memref<1x128xi32, #tpu.memory_space<vmem>> -> memref<128xi32, #tpu.memory_space<vmem>>
    %dma_start3A_65 = arith.constant 0 : i32
    %dma_start3A_66 = arith.constant 0 : i32
    %dma_start3A_67 = tpu.memref_slice %arg16[%dma_start3A_65, %dma_start3A_66] : memref<10000x128xbf16, #tpu.memory_space<vmem_shared>> -> memref<10000x128xbf16, #tpu.memory_space<vmem_shared>>
    tpu.enqueue_indirect_dma source(%arg8 : memref<128x128xbf16, #tpu.memory_space<vmem>>) target(%dma_start3A_67 : memref<10000x128xbf16, #tpu.memory_space<vmem_shared>>) offsets(%dma_start3A_64 : memref<128xi32, #tpu.memory_space<vmem>>) semaphore(%arg18 : memref<!tpu.dma_semaphore, #tpu.memory_space<semaphore_mem>>) {add = true}
    %dma_wait3A_68 = arith.constant 0 : i32
    %dma_wait3A_69 = arith.constant 0 : i32
    %dma_wait3A_70 = tpu.memref_slice %arg7[%dma_wait3A_68, %dma_wait3A_69] : memref<79x128xi32, #tpu.memory_space<vmem>> -> memref<1x128xi32, #tpu.memory_space<vmem>>
    %dma_wait3A_71 = tpu.memref_squeeze %dma_wait3A_70 : memref<1x128xi32, #tpu.memory_space<vmem>> -> memref<128xi32, #tpu.memory_space<vmem>>
    %dma_wait3A_72 = arith.constant 0 : i32
    %dma_wait3A_73 = arith.constant 0 : i32
    %dma_wait3A_74 = tpu.memref_slice %arg16[%dma_wait3A_72, %dma_wait3A_73] : memref<10000x128xbf16, #tpu.memory_space<vmem_shared>> -> memref<10000x128xbf16, #tpu.memory_space<vmem_shared>>
    tpu.wait_indirect_dma semaphore(%arg18 : memref<!tpu.dma_semaphore, #tpu.memory_space<semaphore_mem>>) src(%arg13 : memref<128x128xbf16, #tpu.memory_space<vmem>>) dst(%dma_wait3A_74 : memref<10000x128xbf16, #tpu.memory_space<vmem_shared>>)
    %dma_start3A_75 = arith.constant 77 : i32
    %dma_start3A_76 = arith.constant 0 : i32
    %dma_start3A_77 = tpu.memref_slice %arg6[%dma_start3A_75, %dma_start3A_76] : memref<79x128xi32, #tpu.memory_space<vmem>> -> memref<1x128xi32, #tpu.memory_space<vmem>>
    %dma_start3A_78 = tpu.memref_squeeze %dma_start3A_77 : memref<1x128xi32, #tpu.memory_space<vmem>> -> memref<128xi32, #tpu.memory_space<vmem>>
    %dma_start3A_79 = arith.constant 0 : i32
    %dma_start3A_80 = arith.constant 0 : i32
    %dma_start3A_81 = tpu.memref_slice %arg2[%dma_start3A_79, %dma_start3A_80] : memref<10000x128xbf16, #tpu.memory_space<hbm>> -> memref<10000x128xbf16, #tpu.memory_space<hbm>>
    tpu.enqueue_indirect_dma source(%dma_start3A_81 : memref<10000x128xbf16, #tpu.memory_space<hbm>>) target(%arg13 : memref<128x128xbf16, #tpu.memory_space<vmem>>) offsets(%dma_start3A_78 : memref<128xi32, #tpu.memory_space<vmem>>) semaphore(%arg17 : memref<!tpu.dma_semaphore, #tpu.memory_space<semaphore_mem>>)
    %dma_wait3A_82 = arith.constant 73 : i32
    %dma_wait3A_83 = arith.constant 0 : i32
    %dma_wait3A_84 = tpu.memref_slice %arg6[%dma_wait3A_82, %dma_wait3A_83] : memref<79x128xi32, #tpu.memory_space<vmem>> -> memref<1x128xi32, #tpu.memory_space<vmem>>
    %dma_wait3A_85 = tpu.memref_squeeze %dma_wait3A_84 : memref<1x128xi32, #tpu.memory_space<vmem>> -> memref<128xi32, #tpu.memory_space<vmem>>
    %dma_wait3A_86 = arith.constant 0 : i32
    %dma_wait3A_87 = arith.constant 0 : i32
    %dma_wait3A_88 = tpu.memref_slice %arg2[%dma_wait3A_86, %dma_wait3A_87] : memref<10000x128xbf16, #tpu.memory_space<hbm>> -> memref<10000x128xbf16, #tpu.memory_space<hbm>>
    tpu.wait_indirect_dma semaphore(%arg17 : memref<!tpu.dma_semaphore, #tpu.memory_space<semaphore_mem>>) src(%dma_wait3A_88 : memref<10000x128xbf16, #tpu.memory_space<hbm>>) dst(%arg9 : memref<128x128xbf16, #tpu.memory_space<vmem>>)
    %dma_start3A_89 = arith.constant 73 : i32
    %dma_start3A_90 = arith.constant 0 : i32
    %dma_start3A_91 = tpu.memref_slice %arg7[%dma_start3A_89, %dma_start3A_90] : memref<79x128xi32, #tpu.memory_space<vmem>> -> memref<1x128xi32, #tpu.memory_space<vmem>>
    %dma_start3A_92 = tpu.memref_squeeze %dma_start3A_91 : memref<1x128xi32, #tpu.memory_space<vmem>> -> memref<128xi32, #tpu.memory_space<vmem>>
    %dma_start3A_93 = arith.constant 0 : i32
    %dma_start3A_94 = arith.constant 0 : i32
    %dma_start3A_95 = tpu.memref_slice %arg16[%dma_start3A_93, %dma_start3A_94] : memref<10000x128xbf16, #tpu.memory_space<vmem_shared>> -> memref<10000x128xbf16, #tpu.memory_space<vmem_shared>>
    tpu.enqueue_indirect_dma source(%arg9 : memref<128x128xbf16, #tpu.memory_space<vmem>>) target(%dma_start3A_95 : memref<10000x128xbf16, #tpu.memory_space<vmem_shared>>) offsets(%dma_start3A_92 : memref<128xi32, #tpu.memory_space<vmem>>) semaphore(%arg18 : memref<!tpu.dma_semaphore, #tpu.memory_space<semaphore_mem>>) {add = true}
    %dma_wait3A_96 = arith.constant 0 : i32
    %dma_wait3A_97 = arith.constant 0 : i32
    %dma_wait3A_98 = tpu.memref_slice %arg7[%dma_wait3A_96, %dma_wait3A_97] : memref<79x128xi32, #tpu.memory_space<vmem>> -> memref<1x128xi32, #tpu.memory_space<vmem>>
    %dma_wait3A_99 = tpu.memref_squeeze %dma_wait3A_98 : memref<1x128xi32, #tpu.memory_space<vmem>> -> memref<128xi32, #tpu.memory_space<vmem>>
    %dma_wait3A_100 = arith.constant 0 : i32
    %dma_wait3A_101 = arith.constant 0 : i32
    %dma_wait3A_102 = tpu.memref_slice %arg16[%dma_wait3A_100, %dma_wait3A_101] : memref<10000x128xbf16, #tpu.memory_space<vmem_shared>> -> memref<10000x128xbf16, #tpu.memory_space<vmem_shared>>
    tpu.wait_indirect_dma semaphore(%arg18 : memref<!tpu.dma_semaphore, #tpu.memory_space<semaphore_mem>>) src(%arg14 : memref<128x128xbf16, #tpu.memory_space<vmem>>) dst(%dma_wait3A_102 : memref<10000x128xbf16, #tpu.memory_space<vmem_shared>>)
    %dma_wait3A_103 = arith.constant 74 : i32
    %dma_wait3A_104 = arith.constant 0 : i32
    %dma_wait3A_105 = tpu.memref_slice %arg6[%dma_wait3A_103, %dma_wait3A_104] : memref<79x128xi32, #tpu.memory_space<vmem>> -> memref<1x128xi32, #tpu.memory_space<vmem>>
    %dma_wait3A_106 = tpu.memref_squeeze %dma_wait3A_105 : memref<1x128xi32, #tpu.memory_space<vmem>> -> memref<128xi32, #tpu.memory_space<vmem>>
    %dma_wait3A_107 = arith.constant 0 : i32
    %dma_wait3A_108 = arith.constant 0 : i32
    %dma_wait3A_109 = tpu.memref_slice %arg2[%dma_wait3A_107, %dma_wait3A_108] : memref<10000x128xbf16, #tpu.memory_space<hbm>> -> memref<10000x128xbf16, #tpu.memory_space<hbm>>
    tpu.wait_indirect_dma semaphore(%arg17 : memref<!tpu.dma_semaphore, #tpu.memory_space<semaphore_mem>>) src(%dma_wait3A_109 : memref<10000x128xbf16, #tpu.memory_space<hbm>>) dst(%arg10 : memref<128x128xbf16, #tpu.memory_space<vmem>>)
    %dma_start3A_110 = arith.constant 74 : i32
    %dma_start3A_111 = arith.constant 0 : i32
    %dma_start3A_112 = tpu.memref_slice %arg7[%dma_start3A_110, %dma_start3A_111] : memref<79x128xi32, #tpu.memory_space<vmem>> -> memref<1x128xi32, #tpu.memory_space<vmem>>
    %dma_start3A_113 = tpu.memref_squeeze %dma_start3A_112 : memref<1x128xi32, #tpu.memory_space<vmem>> -> memref<128xi32, #tpu.memory_space<vmem>>
    %dma_start3A_114 = arith.constant 0 : i32
    %dma_start3A_115 = arith.constant 0 : i32
    %dma_start3A_116 = tpu.memref_slice %arg16[%dma_start3A_114, %dma_start3A_115] : memref<10000x128xbf16, #tpu.memory_space<vmem_shared>> -> memref<10000x128xbf16, #tpu.memory_space<vmem_shared>>
    tpu.enqueue_indirect_dma source(%arg10 : memref<128x128xbf16, #tpu.memory_space<vmem>>) target(%dma_start3A_116 : memref<10000x128xbf16, #tpu.memory_space<vmem_shared>>) offsets(%dma_start3A_113 : memref<128xi32, #tpu.memory_space<vmem>>) semaphore(%arg18 : memref<!tpu.dma_semaphore, #tpu.memory_space<semaphore_mem>>) {add = true}
    %dma_wait3A_117 = arith.constant 0 : i32
    %dma_wait3A_118 = arith.constant 0 : i32
    %dma_wait3A_119 = tpu.memref_slice %arg7[%dma_wait3A_117, %dma_wait3A_118] : memref<79x128xi32, #tpu.memory_space<vmem>> -> memref<1x128xi32, #tpu.memory_space<vmem>>
    %dma_wait3A_120 = tpu.memref_squeeze %dma_wait3A_119 : memref<1x128xi32, #tpu.memory_space<vmem>> -> memref<128xi32, #tpu.memory_space<vmem>>
    %dma_wait3A_121 = arith.constant 0 : i32
    %dma_wait3A_122 = arith.constant 0 : i32
    %dma_wait3A_123 = tpu.memref_slice %arg16[%dma_wait3A_121, %dma_wait3A_122] : memref<10000x128xbf16, #tpu.memory_space<vmem_shared>> -> memref<10000x128xbf16, #tpu.memory_space<vmem_shared>>
    tpu.wait_indirect_dma semaphore(%arg18 : memref<!tpu.dma_semaphore, #tpu.memory_space<semaphore_mem>>) src(%arg15 : memref<128x128xbf16, #tpu.memory_space<vmem>>) dst(%dma_wait3A_123 : memref<10000x128xbf16, #tpu.memory_space<vmem_shared>>)
    %dma_wait3A_124 = arith.constant 75 : i32
    %dma_wait3A_125 = arith.constant 0 : i32
    %dma_wait3A_126 = tpu.memref_slice %arg6[%dma_wait3A_124, %dma_wait3A_125] : memref<79x128xi32, #tpu.memory_space<vmem>> -> memref<1x128xi32, #tpu.memory_space<vmem>>
    %dma_wait3A_127 = tpu.memref_squeeze %dma_wait3A_126 : memref<1x128xi32, #tpu.memory_space<vmem>> -> memref<128xi32, #tpu.memory_space<vmem>>
    %dma_wait3A_128 = arith.constant 0 : i32
    %dma_wait3A_129 = arith.constant 0 : i32
    %dma_wait3A_130 = tpu.memref_slice %arg2[%dma_wait3A_128, %dma_wait3A_129] : memref<10000x128xbf16, #tpu.memory_space<hbm>> -> memref<10000x128xbf16, #tpu.memory_space<hbm>>
    tpu.wait_indirect_dma semaphore(%arg17 : memref<!tpu.dma_semaphore, #tpu.memory_space<semaphore_mem>>) src(%dma_wait3A_130 : memref<10000x128xbf16, #tpu.memory_space<hbm>>) dst(%arg11 : memref<128x128xbf16, #tpu.memory_space<vmem>>)
    %dma_start3A_131 = arith.constant 75 : i32
    %dma_start3A_132 = arith.constant 0 : i32
    %dma_start3A_133 = tpu.memref_slice %arg7[%dma_start3A_131, %dma_start3A_132] : memref<79x128xi32, #tpu.memory_space<vmem>> -> memref<1x128xi32, #tpu.memory_space<vmem>>
    %dma_start3A_134 = tpu.memref_squeeze %dma_start3A_133 : memref<1x128xi32, #tpu.memory_space<vmem>> -> memref<128xi32, #tpu.memory_space<vmem>>
    %dma_start3A_135 = arith.constant 0 : i32
    %dma_start3A_136 = arith.constant 0 : i32
    %dma_start3A_137 = tpu.memref_slice %arg16[%dma_start3A_135, %dma_start3A_136] : memref<10000x128xbf16, #tpu.memory_space<vmem_shared>> -> memref<10000x128xbf16, #tpu.memory_space<vmem_shared>>
    tpu.enqueue_indirect_dma source(%arg11 : memref<128x128xbf16, #tpu.memory_space<vmem>>) target(%dma_start3A_137 : memref<10000x128xbf16, #tpu.memory_space<vmem_shared>>) offsets(%dma_start3A_134 : memref<128xi32, #tpu.memory_space<vmem>>) semaphore(%arg18 : memref<!tpu.dma_semaphore, #tpu.memory_space<semaphore_mem>>) {add = true}
    %dma_wait3A_138 = arith.constant 0 : i32
    %dma_wait3A_139 = arith.constant 0 : i32
    %dma_wait3A_140 = tpu.memref_slice %arg7[%dma_wait3A_138, %dma_wait3A_139] : memref<79x128xi32, #tpu.memory_space<vmem>> -> memref<1x128xi32, #tpu.memory_space<vmem>>
    %dma_wait3A_141 = tpu.memref_squeeze %dma_wait3A_140 : memref<1x128xi32, #tpu.memory_space<vmem>> -> memref<128xi32, #tpu.memory_space<vmem>>
    %dma_wait3A_142 = arith.constant 0 : i32
    %dma_wait3A_143 = arith.constant 0 : i32
    %dma_wait3A_144 = tpu.memref_slice %arg16[%dma_wait3A_142, %dma_wait3A_143] : memref<10000x128xbf16, #tpu.memory_space<vmem_shared>> -> memref<10000x128xbf16, #tpu.memory_space<vmem_shared>>
    tpu.wait_indirect_dma semaphore(%arg18 : memref<!tpu.dma_semaphore, #tpu.memory_space<semaphore_mem>>) src(%arg8 : memref<128x128xbf16, #tpu.memory_space<vmem>>) dst(%dma_wait3A_144 : memref<10000x128xbf16, #tpu.memory_space<vmem_shared>>)
    %dma_wait3A_145 = arith.constant 76 : i32
    %dma_wait3A_146 = arith.constant 0 : i32
    %dma_wait3A_147 = tpu.memref_slice %arg6[%dma_wait3A_145, %dma_wait3A_146] : memref<79x128xi32, #tpu.memory_space<vmem>> -> memref<1x128xi32, #tpu.memory_space<vmem>>
    %dma_wait3A_148 = tpu.memref_squeeze %dma_wait3A_147 : memref<1x128xi32, #tpu.memory_space<vmem>> -> memref<128xi32, #tpu.memory_space<vmem>>
    %dma_wait3A_149 = arith.constant 0 : i32
    %dma_wait3A_150 = arith.constant 0 : i32
    %dma_wait3A_151 = tpu.memref_slice %arg2[%dma_wait3A_149, %dma_wait3A_150] : memref<10000x128xbf16, #tpu.memory_space<hbm>> -> memref<10000x128xbf16, #tpu.memory_space<hbm>>
    tpu.wait_indirect_dma semaphore(%arg17 : memref<!tpu.dma_semaphore, #tpu.memory_space<semaphore_mem>>) src(%dma_wait3A_151 : memref<10000x128xbf16, #tpu.memory_space<hbm>>) dst(%arg12 : memref<128x128xbf16, #tpu.memory_space<vmem>>)
    %dma_start3A_152 = arith.constant 76 : i32
    %dma_start3A_153 = arith.constant 0 : i32
    %dma_start3A_154 = tpu.memref_slice %arg7[%dma_start3A_152, %dma_start3A_153] : memref<79x128xi32, #tpu.memory_space<vmem>> -> memref<1x128xi32, #tpu.memory_space<vmem>>
    %dma_start3A_155 = tpu.memref_squeeze %dma_start3A_154 : memref<1x128xi32, #tpu.memory_space<vmem>> -> memref<128xi32, #tpu.memory_space<vmem>>
    %dma_start3A_156 = arith.constant 0 : i32
    %dma_start3A_157 = arith.constant 0 : i32
    %dma_start3A_158 = tpu.memref_slice %arg16[%dma_start3A_156, %dma_start3A_157] : memref<10000x128xbf16, #tpu.memory_space<vmem_shared>> -> memref<10000x128xbf16, #tpu.memory_space<vmem_shared>>
    tpu.enqueue_indirect_dma source(%arg12 : memref<128x128xbf16, #tpu.memory_space<vmem>>) target(%dma_start3A_158 : memref<10000x128xbf16, #tpu.memory_space<vmem_shared>>) offsets(%dma_start3A_155 : memref<128xi32, #tpu.memory_space<vmem>>) semaphore(%arg18 : memref<!tpu.dma_semaphore, #tpu.memory_space<semaphore_mem>>) {add = true}
    %dma_wait3A_159 = arith.constant 0 : i32
    %dma_wait3A_160 = arith.constant 0 : i32
    %dma_wait3A_161 = tpu.memref_slice %arg7[%dma_wait3A_159, %dma_wait3A_160] : memref<79x128xi32, #tpu.memory_space<vmem>> -> memref<1x128xi32, #tpu.memory_space<vmem>>
    %dma_wait3A_162 = tpu.memref_squeeze %dma_wait3A_161 : memref<1x128xi32, #tpu.memory_space<vmem>> -> memref<128xi32, #tpu.memory_space<vmem>>
    %dma_wait3A_163 = arith.constant 0 : i32
    %dma_wait3A_164 = arith.constant 0 : i32
    %dma_wait3A_165 = tpu.memref_slice %arg16[%dma_wait3A_163, %dma_wait3A_164] : memref<10000x128xbf16, #tpu.memory_space<vmem_shared>> -> memref<10000x128xbf16, #tpu.memory_space<vmem_shared>>
    tpu.wait_indirect_dma semaphore(%arg18 : memref<!tpu.dma_semaphore, #tpu.memory_space<semaphore_mem>>) src(%arg9 : memref<128x128xbf16, #tpu.memory_space<vmem>>) dst(%dma_wait3A_165 : memref<10000x128xbf16, #tpu.memory_space<vmem_shared>>)
    %dma_wait3A_166 = arith.constant 77 : i32
    %dma_wait3A_167 = arith.constant 0 : i32
    %dma_wait3A_168 = tpu.memref_slice %arg6[%dma_wait3A_166, %dma_wait3A_167] : memref<79x128xi32, #tpu.memory_space<vmem>> -> memref<1x128xi32, #tpu.memory_space<vmem>>
    %dma_wait3A_169 = tpu.memref_squeeze %dma_wait3A_168 : memref<1x128xi32, #tpu.memory_space<vmem>> -> memref<128xi32, #tpu.memory_space<vmem>>
    %dma_wait3A_170 = arith.constant 0 : i32
    %dma_wait3A_171 = arith.constant 0 : i32
    %dma_wait3A_172 = tpu.memref_slice %arg2[%dma_wait3A_170, %dma_wait3A_171] : memref<10000x128xbf16, #tpu.memory_space<hbm>> -> memref<10000x128xbf16, #tpu.memory_space<hbm>>
    tpu.wait_indirect_dma semaphore(%arg17 : memref<!tpu.dma_semaphore, #tpu.memory_space<semaphore_mem>>) src(%dma_wait3A_172 : memref<10000x128xbf16, #tpu.memory_space<hbm>>) dst(%arg13 : memref<128x128xbf16, #tpu.memory_space<vmem>>)
    %dma_start3A_173 = arith.constant 77 : i32
    %dma_start3A_174 = arith.constant 0 : i32
    %dma_start3A_175 = tpu.memref_slice %arg7[%dma_start3A_173, %dma_start3A_174] : memref<79x128xi32, #tpu.memory_space<vmem>> -> memref<1x128xi32, #tpu.memory_space<vmem>>
    %dma_start3A_176 = tpu.memref_squeeze %dma_start3A_175 : memref<1x128xi32, #tpu.memory_space<vmem>> -> memref<128xi32, #tpu.memory_space<vmem>>
    %dma_start3A_177 = arith.constant 0 : i32
    %dma_start3A_178 = arith.constant 0 : i32
    %dma_start3A_179 = tpu.memref_slice %arg16[%dma_start3A_177, %dma_start3A_178] : memref<10000x128xbf16, #tpu.memory_space<vmem_shared>> -> memref<10000x128xbf16, #tpu.memory_space<vmem_shared>>
    tpu.enqueue_indirect_dma source(%arg13 : memref<128x128xbf16, #tpu.memory_space<vmem>>) target(%dma_start3A_179 : memref<10000x128xbf16, #tpu.memory_space<vmem_shared>>) offsets(%dma_start3A_176 : memref<128xi32, #tpu.memory_space<vmem>>) semaphore(%arg18 : memref<!tpu.dma_semaphore, #tpu.memory_space<semaphore_mem>>) {add = true}
    %dma_wait3A_180 = arith.constant 0 : i32
    %dma_wait3A_181 = arith.constant 0 : i32
    %dma_wait3A_182 = tpu.memref_slice %arg7[%dma_wait3A_180, %dma_wait3A_181] : memref<79x128xi32, #tpu.memory_space<vmem>> -> memref<1x128xi32, #tpu.memory_space<vmem>>
    %dma_wait3A_183 = tpu.memref_squeeze %dma_wait3A_182 : memref<1x128xi32, #tpu.memory_space<vmem>> -> memref<128xi32, #tpu.memory_space<vmem>>
    %dma_wait3A_184 = arith.constant 0 : i32
    %dma_wait3A_185 = arith.constant 0 : i32
    %dma_wait3A_186 = tpu.memref_slice %arg16[%dma_wait3A_184, %dma_wait3A_185] : memref<10000x128xbf16, #tpu.memory_space<vmem_shared>> -> memref<10000x128xbf16, #tpu.memory_space<vmem_shared>>
    tpu.wait_indirect_dma semaphore(%arg18 : memref<!tpu.dma_semaphore, #tpu.memory_space<semaphore_mem>>) src(%arg10 : memref<128x128xbf16, #tpu.memory_space<vmem>>) dst(%dma_wait3A_186 : memref<10000x128xbf16, #tpu.memory_space<vmem_shared>>)
    %dma_wait3A_187 = arith.constant 0 : i32
    %dma_wait3A_188 = arith.constant 0 : i32
    %dma_wait3A_189 = tpu.memref_slice %arg7[%dma_wait3A_187, %dma_wait3A_188] : memref<79x128xi32, #tpu.memory_space<vmem>> -> memref<1x128xi32, #tpu.memory_space<vmem>>
    %dma_wait3A_190 = tpu.memref_squeeze %dma_wait3A_189 : memref<1x128xi32, #tpu.memory_space<vmem>> -> memref<128xi32, #tpu.memory_space<vmem>>
    %dma_wait3A_191 = arith.constant 0 : i32
    %dma_wait3A_192 = arith.constant 0 : i32
    %dma_wait3A_193 = tpu.memref_slice %arg16[%dma_wait3A_191, %dma_wait3A_192] : memref<10000x128xbf16, #tpu.memory_space<vmem_shared>> -> memref<10000x128xbf16, #tpu.memory_space<vmem_shared>>
    tpu.wait_indirect_dma semaphore(%arg18 : memref<!tpu.dma_semaphore, #tpu.memory_space<semaphore_mem>>) src(%arg11 : memref<128x128xbf16, #tpu.memory_space<vmem>>) dst(%dma_wait3A_193 : memref<10000x128xbf16, #tpu.memory_space<vmem_shared>>)
    %dma_wait3A_194 = arith.constant 0 : i32
    %dma_wait3A_195 = arith.constant 0 : i32
    %dma_wait3A_196 = tpu.memref_slice %arg7[%dma_wait3A_194, %dma_wait3A_195] : memref<79x128xi32, #tpu.memory_space<vmem>> -> memref<1x128xi32, #tpu.memory_space<vmem>>
    %dma_wait3A_197 = tpu.memref_squeeze %dma_wait3A_196 : memref<1x128xi32, #tpu.memory_space<vmem>> -> memref<128xi32, #tpu.memory_space<vmem>>
    %dma_wait3A_198 = arith.constant 0 : i32
    %dma_wait3A_199 = arith.constant 0 : i32
    %dma_wait3A_200 = tpu.memref_slice %arg16[%dma_wait3A_198, %dma_wait3A_199] : memref<10000x128xbf16, #tpu.memory_space<vmem_shared>> -> memref<10000x128xbf16, #tpu.memory_space<vmem_shared>>
    tpu.wait_indirect_dma semaphore(%arg18 : memref<!tpu.dma_semaphore, #tpu.memory_space<semaphore_mem>>) src(%arg12 : memref<128x128xbf16, #tpu.memory_space<vmem>>) dst(%dma_wait3A_200 : memref<10000x128xbf16, #tpu.memory_space<vmem_shared>>)
    %dma_wait3A_201 = arith.constant 0 : i32
    %dma_wait3A_202 = arith.constant 0 : i32
    %dma_wait3A_203 = tpu.memref_slice %arg7[%dma_wait3A_201, %dma_wait3A_202] : memref<79x128xi32, #tpu.memory_space<vmem>> -> memref<1x128xi32, #tpu.memory_space<vmem>>
    %dma_wait3A_204 = tpu.memref_squeeze %dma_wait3A_203 : memref<1x128xi32, #tpu.memory_space<vmem>> -> memref<128xi32, #tpu.memory_space<vmem>>
    %dma_wait3A_205 = arith.constant 0 : i32
    %dma_wait3A_206 = arith.constant 0 : i32
    %dma_wait3A_207 = tpu.memref_slice %arg16[%dma_wait3A_205, %dma_wait3A_206] : memref<10000x128xbf16, #tpu.memory_space<vmem_shared>> -> memref<10000x128xbf16, #tpu.memory_space<vmem_shared>>
    tpu.wait_indirect_dma semaphore(%arg18 : memref<!tpu.dma_semaphore, #tpu.memory_space<semaphore_mem>>) src(%arg13 : memref<128x128xbf16, #tpu.memory_space<vmem>>) dst(%dma_wait3A_207 : memref<10000x128xbf16, #tpu.memory_space<vmem_shared>>)
    %lt3A_208 = arith.constant 4 : i32
    %lt3A_209 = arith.cmpi slt, %add3A, %lt3A_208 : i32
    %convert_element_type3A_210 = arith.extui %lt3A_209 : i1 to i32
    %cond3A_211 = arith.constant 0 : i32
    %cond3A_212 = arith.cmpi ne, %convert_element_type3A_210, %cond3A_211 : i32
    scf.if %cond3A_212 {
      %dma_start3A_219 = arith.constant 78 : i32
      %dma_start3A_220 = arith.constant 0 : i32
      %dma_start3A_221 = tpu.memref_slice %arg6[%dma_start3A_219, %dma_start3A_220] : memref<79x128xi32, #tpu.memory_space<vmem>> -> memref<1x128xi32, #tpu.memory_space<vmem>>
      %dma_start3A_222 = tpu.memref_squeeze %dma_start3A_221 : memref<1x128xi32, #tpu.memory_space<vmem>> -> memref<128xi32, #tpu.memory_space<vmem>>
      %dma_start3A_223 = arith.constant 0 : i32
      %dma_start3A_224 = arith.constant 0 : i32
      %dma_start3A_225 = tpu.memref_slice %arg2[%dma_start3A_223, %dma_start3A_224] : memref<10000x128xbf16, #tpu.memory_space<hbm>> -> memref<10000x128xbf16, #tpu.memory_space<hbm>>
      tpu.enqueue_indirect_dma source(%dma_start3A_225 : memref<10000x128xbf16, #tpu.memory_space<hbm>>) target(%arg8 : memref<128x128xbf16, #tpu.memory_space<vmem>>) offsets(%dma_start3A_222 : memref<128xi32, #tpu.memory_space<vmem>>) semaphore(%arg17 : memref<!tpu.dma_semaphore, #tpu.memory_space<semaphore_mem>>)
      %dma_wait3A_226 = arith.constant 78 : i32
      %dma_wait3A_227 = arith.constant 0 : i32
      %dma_wait3A_228 = tpu.memref_slice %arg6[%dma_wait3A_226, %dma_wait3A_227] : memref<79x128xi32, #tpu.memory_space<vmem>> -> memref<1x128xi32, #tpu.memory_space<vmem>>
      %dma_wait3A_229 = tpu.memref_squeeze %dma_wait3A_228 : memref<1x128xi32, #tpu.memory_space<vmem>> -> memref<128xi32, #tpu.memory_space<vmem>>
      %dma_wait3A_230 = arith.constant 0 : i32
      %dma_wait3A_231 = arith.constant 0 : i32
      %dma_wait3A_232 = tpu.memref_slice %arg2[%dma_wait3A_230, %dma_wait3A_231] : memref<10000x128xbf16, #tpu.memory_space<hbm>> -> memref<10000x128xbf16, #tpu.memory_space<hbm>>
      tpu.wait_indirect_dma semaphore(%arg17 : memref<!tpu.dma_semaphore, #tpu.memory_space<semaphore_mem>>) src(%dma_wait3A_232 : memref<10000x128xbf16, #tpu.memory_space<hbm>>) dst(%arg8 : memref<128x128xbf16, #tpu.memory_space<vmem>>)
      %run_scoped3A_233 = arith.constant 78 : i32
      "tpu.region"() ({
        %run_scoped3A_234 = tpu.sem_alloc : memref<!tpu.dma_semaphore, #tpu.memory_space<semaphore_mem>>
        %dma_start3A_235 = arith.constant 0 : i32
        %dma_start3A_236 = tpu.memref_slice %arg7[%run_scoped3A_233, %dma_start3A_235] : memref<79x128xi32, #tpu.memory_space<vmem>> -> memref<1x128xi32, #tpu.memory_space<vmem>>
        %dma_start3A_237 = tpu.memref_squeeze %dma_start3A_236 : memref<1x128xi32, #tpu.memory_space<vmem>> -> memref<128xi32, #tpu.memory_space<vmem>>
        %dma_start3A_238 = arith.constant 0 : i32
        %dma_start3A_239 = arith.constant 0 : i32
        %dma_start3A_240 = tpu.memref_slice %arg16[%dma_start3A_238, %dma_start3A_239] : memref<10000x128xbf16, #tpu.memory_space<vmem_shared>> -> memref<10000x128xbf16, #tpu.memory_space<vmem_shared>>
        tpu.enqueue_indirect_dma source(%arg8 : memref<128x128xbf16, #tpu.memory_space<vmem>>) target(%dma_start3A_240 : memref<10000x128xbf16, #tpu.memory_space<vmem_shared>>) offsets(%dma_start3A_237 : memref<128xi32, #tpu.memory_space<vmem>>) semaphore(%run_scoped3A_234 : memref<!tpu.dma_semaphore, #tpu.memory_space<semaphore_mem>>) {add = true}
        %dma_wait3A_241 = arith.constant 0 : i32
        %dma_wait3A_242 = tpu.memref_slice %arg7[%run_scoped3A_233, %dma_wait3A_241] : memref<79x128xi32, #tpu.memory_space<vmem>> -> memref<1x128xi32, #tpu.memory_space<vmem>>
        %dma_wait3A_243 = tpu.memref_squeeze %dma_wait3A_242 : memref<1x128xi32, #tpu.memory_space<vmem>> -> memref<128xi32, #tpu.memory_space<vmem>>
        %dma_wait3A_244 = arith.constant 0 : i32
        %dma_wait3A_245 = arith.constant 0 : i32
        %dma_wait3A_246 = tpu.memref_slice %arg16[%dma_wait3A_244, %dma_wait3A_245] : memref<10000x128xbf16, #tpu.memory_space<vmem_shared>> -> memref<10000x128xbf16, #tpu.memory_space<vmem_shared>>
        tpu.wait_indirect_dma semaphore(%run_scoped3A_234 : memref<!tpu.dma_semaphore, #tpu.memory_space<semaphore_mem>>) src(%arg8 : memref<128x128xbf16, #tpu.memory_space<vmem>>) dst(%dma_wait3A_246 : memref<10000x128xbf16, #tpu.memory_space<vmem_shared>>)
        tpu.yield
      }) : () -> ()
    } else {
    }
    %barrier3A_213 = arith.constant 0 : index
    tpu.barrier barrier_id(%barrier3A_213)
    %mul3A_214 = arith.constant 625 : i32
    %mul3A_215 = arith.muli %arg1, %mul3A_214 : i32
    %mul3A_216 = arith.constant 10000 : i32
    %mul3A_217 = arith.muli %arg0, %mul3A_216 : i32
    %add3A_218 = arith.addi %mul3A_217, %mul3A_215 : i32
    "tpu.region"() ({
      %run_scoped3A_219 = tpu.sem_alloc : memref<!tpu.dma_semaphore, #tpu.memory_space<semaphore_mem>>
      %dma_start3A_220 = arith.constant 0 : i32
      %dma_start3A_221 = tpu.memref_slice %arg5[%add3A_218, %dma_start3A_220] : memref<20000x128xbf16, #tpu.memory_space<hbm>> -> memref<625x128xbf16, #tpu.memory_space<hbm>>
      %dma_start3A_222 = arith.constant 0 : i32
      %dma_start3A_223 = tpu.memref_slice %arg16[%mul3A_215, %dma_start3A_222] : memref<10000x128xbf16, #tpu.memory_space<vmem_shared>> -> memref<625x128xbf16, #tpu.memory_space<vmem_shared>>
      tpu.enqueue_dma source(%dma_start3A_223 : memref<625x128xbf16, #tpu.memory_space<vmem_shared>>) target(%dma_start3A_221 : memref<625x128xbf16, #tpu.memory_space<hbm>>) target_semaphore(%run_scoped3A_219 : memref<!tpu.dma_semaphore, #tpu.memory_space<semaphore_mem>>)
      %dma_wait3A_224 = arith.constant 0 : i32
      %dma_wait3A_225 = tpu.memref_slice %arg5[%add3A_218, %dma_wait3A_224] : memref<20000x128xbf16, #tpu.memory_space<hbm>> -> memref<625x128xbf16, #tpu.memory_space<hbm>>
      %dma_wait3A_226 = arith.constant 0 : i32
      %dma_wait3A_227 = tpu.memref_slice %arg16[%mul3A_215, %dma_wait3A_226] : memref<10000x128xbf16, #tpu.memory_space<vmem_shared>> -> memref<625x128xbf16, #tpu.memory_space<vmem_shared>>
      tpu.wait_dma2 semaphore(%run_scoped3A_219 : memref<!tpu.dma_semaphore, #tpu.memory_space<semaphore_mem>>) src(%dma_wait3A_227 : memref<625x128xbf16, #tpu.memory_space<vmem_shared>>) dst(%dma_wait3A_225 : memref<625x128xbf16, #tpu.memory_space<hbm>>)
      tpu.yield
    }) : () -> ()
    return
  }
}

module attributes {stable_mosaic.version = 14 : i64} {
  func.func @_tc1_body(%arg0: i32, %arg1: memref<2000x128xf32, #tpu.memory_space<vmem>>, %arg2: memref<2000x16xf32, #tpu.memory_space<vmem>>, %arg3: memref<2000x16xf32, #tpu.memory_space<vmem>>, %arg4: memref<128x128xf32, #tpu.memory_space<vmem>>, %arg5: memref<2000x128xbf16, #tpu.memory_space<vmem>>) attributes {dimension_semantics = [#tpu.dimension_semantics<arbitrary>], iteration_bounds = array<i64: 5>, scalar_prefetch = 0 : i64, scratch_operands = 0 : i64, tpu.core_type = #tpu.core_type<tc>, window_params = [{transform_indices = @transform_0, window_bounds = array<i64: 2000, 128>}, {transform_indices = @transform_1, window_bounds = array<i64: 2000, 16>}, {transform_indices = @transform_2, window_bounds = array<i64: 2000, 16>}, {pipeline_mode = #tpu.pipeline_mode<synchronous>, transform_indices = @transform_3, window_bounds = array<i64: 128, 128>}, {transform_indices = @transform_4, window_bounds = array<i64: 2000, 128>}]} {
    %get3A = arith.constant 0 : index
    %get3A_0 = arith.constant 0 : index
    %get3A_1 = vector.load %arg2[%get3A, %get3A_0] : memref<2000x16xf32, #tpu.memory_space<vmem>>, vector<2000x1xf32>
    %get3A_2 = arith.constant 0 : index
    %get3A_3 = arith.constant 0 : index
    %get3A_4 = vector.load %arg3[%get3A_2, %get3A_3] : memref<2000x16xf32, #tpu.memory_space<vmem>>, vector<2000x1xf32>
    %add3A = arith.addf %get3A_1, %get3A_4 : vector<2000x1xf32>
    %add3A_5 = arith.constant 1.000000e+00 : f32
    %add3A_6 = vector.broadcast %add3A_5 : f32 to vector<2000x1xf32>
    %add3A_7 = arith.addf %add3A, %add3A_6 : vector<2000x1xf32>
    %rsqrt3A = math.rsqrt %add3A_7 : vector<2000x1xf32>
    %get3A_8 = arith.constant 0 : index
    %get3A_9 = arith.constant 0 : index
    %get3A_10 = vector.load %arg1[%get3A_8, %get3A_9] : memref<2000x128xf32, #tpu.memory_space<vmem>>, vector<2000x128xf32>
    %mul3A = vector.broadcast %rsqrt3A : vector<2000x1xf32> to vector<2000x128xf32>
    %mul3A_11 = arith.mulf %get3A_10, %mul3A : vector<2000x128xf32>
    %get3A_12 = arith.constant 0 : index
    %get3A_13 = arith.constant 0 : index
    %get3A_14 = vector.load %arg4[%get3A_12, %get3A_13] : memref<128x128xf32, #tpu.memory_space<vmem>>, vector<128x128xf32>
    %dot_general3A = arith.constant dense<0.000000e+00> : vector<2000x128xf32>
    %dot_general3A_15 = tpu.matmul %mul3A_11, %get3A_14, %dot_general3A {dimension_numbers = #tpu.dot_dimension_numbers<[1], [0], [0], [1], [0, 0, 1, 1], [], []>, transpose_lhs_hint = false} : vector<2000x128xf32>, vector<128x128xf32>, vector<2000x128xf32> -> vector<2000x128xf32>
    %convert_element_type3A = arith.truncf %dot_general3A_15 : vector<2000x128xf32> to vector<2000x128xbf16>
    %swap3A = arith.constant 0 : index
    %swap3A_16 = arith.constant 0 : index
    %swap3A_17 = vector.load %arg5[%swap3A, %swap3A_16] : memref<2000x128xbf16, #tpu.memory_space<vmem>>, vector<2000x128xbf16>
    tpu.vector_store %arg5[%swap3A, %swap3A_16], %convert_element_type3A {strides = array<i32>} : memref<2000x128xbf16, #tpu.memory_space<vmem>>, vector<2000x128xbf16>,
    return
  }
  func.func @transform_0(%arg0: i32) -> (i32, i32) {
    %c0_i32 = arith.constant 0 : i32
    %c0_i32_0 = arith.constant 0 : i32
    return %arg0, %c0_i32 : i32, i32
  }
  func.func @transform_1(%arg0: i32) -> (i32, i32) {
    %add3A = arith.constant 0 : i32
    %add3A_0 = arith.addi %arg0, %add3A : i32
    %c0_i32 = arith.constant 0 : i32
    %c0_i32_1 = arith.constant 0 : i32
    return %add3A_0, %c0_i32 : i32, i32
  }
  func.func @transform_2(%arg0: i32) -> (i32, i32) {
    %add3A = arith.constant 10 : i32
    %add3A_0 = arith.addi %arg0, %add3A : i32
    %c0_i32 = arith.constant 0 : i32
    %c0_i32_1 = arith.constant 0 : i32
    return %add3A_0, %c0_i32 : i32, i32
  }
  func.func @transform_3(%arg0: i32) -> (i32, i32) {
    %c0_i32 = arith.constant 0 : i32
    %c0_i32_0 = arith.constant 0 : i32
    %c0_i32_1 = arith.constant 0 : i32
    return %c0_i32, %c0_i32_0 : i32, i32
  }
  func.func @transform_4(%arg0: i32) -> (i32, i32) {
    %c0_i32 = arith.constant 0 : i32
    %c0_i32_0 = arith.constant 0 : i32
    return %arg0, %c0_i32 : i32, i32
  }
}

module attributes {stable_mosaic.version = 14 : i64} {
  func.func @_tc2_body(%arg0: i32, %arg1: memref<2x2000x128xbf16, #tpu.memory_space<vmem>>, %arg2: memref<2000x128xbf16, #tpu.memory_space<vmem>>, %arg3: memref<2000x16xf32, #tpu.memory_space<vmem>>, %arg4: memref<2000x16xf32, #tpu.memory_space<vmem>>, %arg5: memref<2000x16xf32, #tpu.memory_space<vmem>>, %arg6: memref<2000x16xf32, #tpu.memory_space<vmem>>, %arg7: memref<1x128xf32, #tpu.memory_space<vmem>>, %arg8: memref<128x128xf32, #tpu.memory_space<vmem>>, %arg9: memref<2000x128xbf16, #tpu.memory_space<vmem>>) attributes {dimension_semantics = [#tpu.dimension_semantics<arbitrary>], iteration_bounds = array<i64: 5>, scalar_prefetch = 0 : i64, scratch_operands = 0 : i64, tpu.core_type = #tpu.core_type<tc>, window_params = [{transform_indices = @transform_0, window_bounds = array<i64: 2, 2000, 128>}, {transform_indices = @transform_1, window_bounds = array<i64: 2000, 128>}, {transform_indices = @transform_2, window_bounds = array<i64: 2000, 16>}, {transform_indices = @transform_3, window_bounds = array<i64: 2000, 16>}, {transform_indices = @transform_4, window_bounds = array<i64: 2000, 16>}, {transform_indices = @transform_5, window_bounds = array<i64: 2000, 16>}, {pipeline_mode = #tpu.pipeline_mode<synchronous>, transform_indices = @transform_6, window_bounds = array<i64: 1, 128>}, {pipeline_mode = #tpu.pipeline_mode<synchronous>, transform_indices = @transform_7, window_bounds = array<i64: 128, 128>}, {transform_indices = @transform_8, window_bounds = array<i64: 2000, 128>}]} {
    %get3A = arith.constant 0 : index
    %get3A_0 = arith.constant 0 : index
    %get3A_1 = vector.load %arg3[%get3A, %get3A_0] : memref<2000x16xf32, #tpu.memory_space<vmem>>, vector<2000x1xf32>
    %get3A_2 = arith.constant 0 : index
    %get3A_3 = arith.constant 0 : index
    %get3A_4 = vector.load %arg4[%get3A_2, %get3A_3] : memref<2000x16xf32, #tpu.memory_space<vmem>>, vector<2000x1xf32>
    %add3A = arith.addf %get3A_1, %get3A_4 : vector<2000x1xf32>
    %add3A_5 = arith.constant 1.000000e+00 : f32
    %add3A_6 = vector.broadcast %add3A_5 : f32 to vector<2000x1xf32>
    %add3A_7 = arith.addf %add3A, %add3A_6 : vector<2000x1xf32>
    %rsqrt3A = math.rsqrt %add3A_7 : vector<2000x1xf32>
    %get3A_8 = arith.constant 0 : index
    %get3A_9 = arith.constant 0 : index
    %get3A_10 = vector.load %arg5[%get3A_8, %get3A_9] : memref<2000x16xf32, #tpu.memory_space<vmem>>, vector<2000x1xf32>
    %get3A_11 = arith.constant 0 : index
    %get3A_12 = arith.constant 0 : index
    %get3A_13 = vector.load %arg6[%get3A_11, %get3A_12] : memref<2000x16xf32, #tpu.memory_space<vmem>>, vector<2000x1xf32>
    %add3A_14 = arith.addf %get3A_10, %get3A_13 : vector<2000x1xf32>
    %add3A_15 = arith.constant 1.000000e+00 : f32
    %add3A_16 = vector.broadcast %add3A_15 : f32 to vector<2000x1xf32>
    %add3A_17 = arith.addf %add3A_14, %add3A_16 : vector<2000x1xf32>
    %rsqrt3A_18 = math.rsqrt %add3A_17 : vector<2000x1xf32>
    %get3A_19 = arith.constant 0 : index
    %get3A_20 = arith.constant 0 : index
    %get3A_21 = arith.constant 0 : index
    %get3A_22 = vector.load %arg1[%get3A_19, %get3A_20, %get3A_21] : memref<2x2000x128xbf16, #tpu.memory_space<vmem>>, vector<1x2000x128xbf16>
    %get3A_23 = vector.shape_cast %get3A_22 : vector<1x2000x128xbf16> to vector<2000x128xbf16>
    %get3A_24 = arith.constant 1 : index
    %get3A_25 = arith.constant 0 : index
    %get3A_26 = arith.constant 0 : index
    %get3A_27 = vector.load %arg1[%get3A_24, %get3A_25, %get3A_26] : memref<2x2000x128xbf16, #tpu.memory_space<vmem>>, vector<1x2000x128xbf16>
    %get3A_28 = vector.shape_cast %get3A_27 : vector<1x2000x128xbf16> to vector<2000x128xbf16>
    %add3A_29 = arith.addf %get3A_23, %get3A_28 : vector<2000x128xbf16>
    %convert_element_type3A = arith.extf %add3A_29 : vector<2000x128xbf16> to vector<2000x128xf32>
    %get3A_30 = arith.constant 0 : index
    %get3A_31 = arith.constant 0 : index
    %get3A_32 = vector.load %arg2[%get3A_30, %get3A_31] : memref<2000x128xbf16, #tpu.memory_space<vmem>>, vector<2000x128xbf16>
    %convert_element_type3A_33 = arith.extf %get3A_32 : vector<2000x128xbf16> to vector<2000x128xf32>
    %add3A_34 = arith.addf %convert_element_type3A, %convert_element_type3A_33 : vector<2000x128xf32>
    %mul3A = vector.broadcast %rsqrt3A : vector<2000x1xf32> to vector<2000x128xf32>
    %mul3A_35 = arith.mulf %add3A_34, %mul3A : vector<2000x128xf32>
    %get3A_36 = arith.constant 0 : index
    %get3A_37 = arith.constant 0 : index
    %get3A_38 = vector.load %arg7[%get3A_36, %get3A_37] : memref<1x128xf32, #tpu.memory_space<vmem>>, vector<1x128xf32>
    %add3A_39 = vector.broadcast %get3A_38 : vector<1x128xf32> to vector<2000x128xf32>
    %add3A_40 = arith.addf %mul3A_35, %add3A_39 : vector<2000x128xf32>
    %max3A = arith.constant 0.000000e+00 : f32
    %max3A_41 = vector.broadcast %max3A : f32 to vector<2000x128xf32>
    %max3A_42 = arith.maximumf %add3A_40, %max3A_41 : vector<2000x128xf32>
    %mul3A_43 = vector.broadcast %rsqrt3A_18 : vector<2000x1xf32> to vector<2000x128xf32>
    %mul3A_44 = arith.mulf %max3A_42, %mul3A_43 : vector<2000x128xf32>
    %get3A_45 = arith.constant 0 : index
    %get3A_46 = arith.constant 0 : index
    %get3A_47 = vector.load %arg8[%get3A_45, %get3A_46] : memref<128x128xf32, #tpu.memory_space<vmem>>, vector<128x128xf32>
    %dot_general3A = arith.constant dense<0.000000e+00> : vector<2000x128xf32>
    %dot_general3A_48 = tpu.matmul %mul3A_44, %get3A_47, %dot_general3A {dimension_numbers = #tpu.dot_dimension_numbers<[1], [0], [0], [1], [0, 0, 1, 1], [], []>, transpose_lhs_hint = false} : vector<2000x128xf32>, vector<128x128xf32>, vector<2000x128xf32> -> vector<2000x128xf32>
    %convert_element_type3A_49 = arith.truncf %dot_general3A_48 : vector<2000x128xf32> to vector<2000x128xbf16>
    %swap3A = arith.constant 0 : index
    %swap3A_50 = arith.constant 0 : index
    %swap3A_51 = vector.load %arg9[%swap3A, %swap3A_50] : memref<2000x128xbf16, #tpu.memory_space<vmem>>, vector<2000x128xbf16>
    tpu.vector_store %arg9[%swap3A, %swap3A_50], %convert_element_type3A_49 {strides = array<i32>} : memref<2000x128xbf16, #tpu.memory_space<vmem>>, vector<2000x128xbf16>,
    return
  }
  func.func @transform_0(%arg0: i32) -> (i32, i32, i32) {
    %c0_i32 = arith.constant 0 : i32
    %c0_i32_0 = arith.constant 0 : i32
    %c0_i32_1 = arith.constant 0 : i32
    return %c0_i32, %arg0, %c0_i32_0 : i32, i32, i32
  }
  func.func @transform_1(%arg0: i32) -> (i32, i32) {
    %c0_i32 = arith.constant 0 : i32
    %c0_i32_0 = arith.constant 0 : i32
    return %arg0, %c0_i32 : i32, i32
  }
  func.func @transform_2(%arg0: i32) -> (i32, i32) {
    %add3A = arith.constant 5 : i32
    %add3A_0 = arith.addi %arg0, %add3A : i32
    %c0_i32 = arith.constant 0 : i32
    %c0_i32_1 = arith.constant 0 : i32
    return %add3A_0, %c0_i32 : i32, i32
  }
  func.func @transform_3(%arg0: i32) -> (i32, i32) {
    %add3A = arith.constant 15 : i32
    %add3A_0 = arith.addi %arg0, %add3A : i32
    %c0_i32 = arith.constant 0 : i32
    %c0_i32_1 = arith.constant 0 : i32
    return %add3A_0, %c0_i32 : i32, i32
  }
  func.func @transform_4(%arg0: i32) -> (i32, i32) {
    %add3A = arith.constant 0 : i32
    %add3A_0 = arith.addi %arg0, %add3A : i32
    %c0_i32 = arith.constant 0 : i32
    %c0_i32_1 = arith.constant 0 : i32
    return %add3A_0, %c0_i32 : i32, i32
  }
  func.func @transform_5(%arg0: i32) -> (i32, i32) {
    %add3A = arith.constant 10 : i32
    %add3A_0 = arith.addi %arg0, %add3A : i32
    %c0_i32 = arith.constant 0 : i32
    %c0_i32_1 = arith.constant 0 : i32
    return %add3A_0, %c0_i32 : i32, i32
  }
  func.func @transform_6(%arg0: i32) -> (i32, i32) {
    %c0_i32 = arith.constant 0 : i32
    %c0_i32_0 = arith.constant 0 : i32
    %c0_i32_1 = arith.constant 0 : i32
    return %c0_i32, %c0_i32_0 : i32, i32
  }
  func.func @transform_7(%arg0: i32) -> (i32, i32) {
    %c0_i32 = arith.constant 0 : i32
    %c0_i32_0 = arith.constant 0 : i32
    %c0_i32_1 = arith.constant 0 : i32
    return %c0_i32, %c0_i32_0 : i32, i32
  }
  func.func @transform_8(%arg0: i32) -> (i32, i32) {
    %c0_i32 = arith.constant 0 : i32
    %c0_i32_0 = arith.constant 0 : i32
    return %arg0, %c0_i32 : i32, i32
  }
}

module attributes {stable_mosaic.version = 14 : i64} {
  func.func @_tc3_body(%arg0: i32, %arg1: memref<2x2000x128xbf16, #tpu.memory_space<vmem>>, %arg2: memref<2000x128xbf16, #tpu.memory_space<vmem>>, %arg3: memref<2000x16xf32, #tpu.memory_space<vmem>>, %arg4: memref<2000x16xf32, #tpu.memory_space<vmem>>, %arg5: memref<1x128xf32, #tpu.memory_space<vmem>>, %arg6: memref<2000x128xf32, #tpu.memory_space<vmem>>) attributes {dimension_semantics = [#tpu.dimension_semantics<arbitrary>], iteration_bounds = array<i64: 5>, scalar_prefetch = 0 : i64, scratch_operands = 0 : i64, tpu.core_type = #tpu.core_type<tc>, window_params = [{transform_indices = @transform_0, window_bounds = array<i64: 2, 2000, 128>}, {transform_indices = @transform_1, window_bounds = array<i64: 2000, 128>}, {transform_indices = @transform_2, window_bounds = array<i64: 2000, 16>}, {transform_indices = @transform_3, window_bounds = array<i64: 2000, 16>}, {pipeline_mode = #tpu.pipeline_mode<synchronous>, transform_indices = @transform_4, window_bounds = array<i64: 1, 128>}, {transform_indices = @transform_5, window_bounds = array<i64: 2000, 128>}]} {
    %get3A = arith.constant 0 : index
    %get3A_0 = arith.constant 0 : index
    %get3A_1 = vector.load %arg3[%get3A, %get3A_0] : memref<2000x16xf32, #tpu.memory_space<vmem>>, vector<2000x1xf32>
    %get3A_2 = arith.constant 0 : index
    %get3A_3 = arith.constant 0 : index
    %get3A_4 = vector.load %arg4[%get3A_2, %get3A_3] : memref<2000x16xf32, #tpu.memory_space<vmem>>, vector<2000x1xf32>
    %add3A = arith.addf %get3A_1, %get3A_4 : vector<2000x1xf32>
    %add3A_5 = arith.constant 1.000000e+00 : f32
    %add3A_6 = vector.broadcast %add3A_5 : f32 to vector<2000x1xf32>
    %add3A_7 = arith.addf %add3A, %add3A_6 : vector<2000x1xf32>
    %rsqrt3A = math.rsqrt %add3A_7 : vector<2000x1xf32>
    %get3A_8 = arith.constant 0 : index
    %get3A_9 = arith.constant 0 : index
    %get3A_10 = arith.constant 0 : index
    %get3A_11 = vector.load %arg1[%get3A_8, %get3A_9, %get3A_10] : memref<2x2000x128xbf16, #tpu.memory_space<vmem>>, vector<1x2000x128xbf16>
    %get3A_12 = vector.shape_cast %get3A_11 : vector<1x2000x128xbf16> to vector<2000x128xbf16>
    %get3A_13 = arith.constant 1 : index
    %get3A_14 = arith.constant 0 : index
    %get3A_15 = arith.constant 0 : index
    %get3A_16 = vector.load %arg1[%get3A_13, %get3A_14, %get3A_15] : memref<2x2000x128xbf16, #tpu.memory_space<vmem>>, vector<1x2000x128xbf16>
    %get3A_17 = vector.shape_cast %get3A_16 : vector<1x2000x128xbf16> to vector<2000x128xbf16>
    %add3A_18 = arith.addf %get3A_12, %get3A_17 : vector<2000x128xbf16>
    %convert_element_type3A = arith.extf %add3A_18 : vector<2000x128xbf16> to vector<2000x128xf32>
    %get3A_19 = arith.constant 0 : index
    %get3A_20 = arith.constant 0 : index
    %get3A_21 = vector.load %arg2[%get3A_19, %get3A_20] : memref<2000x128xbf16, #tpu.memory_space<vmem>>, vector<2000x128xbf16>
    %convert_element_type3A_22 = arith.extf %get3A_21 : vector<2000x128xbf16> to vector<2000x128xf32>
    %add3A_23 = arith.addf %convert_element_type3A, %convert_element_type3A_22 : vector<2000x128xf32>
    %mul3A = vector.broadcast %rsqrt3A : vector<2000x1xf32> to vector<2000x128xf32>
    %mul3A_24 = arith.mulf %add3A_23, %mul3A : vector<2000x128xf32>
    %get3A_25 = arith.constant 0 : index
    %get3A_26 = arith.constant 0 : index
    %get3A_27 = vector.load %arg5[%get3A_25, %get3A_26] : memref<1x128xf32, #tpu.memory_space<vmem>>, vector<1x128xf32>
    %add3A_28 = vector.broadcast %get3A_27 : vector<1x128xf32> to vector<2000x128xf32>
    %add3A_29 = arith.addf %mul3A_24, %add3A_28 : vector<2000x128xf32>
    %swap3A = arith.constant 0 : index
    %swap3A_30 = arith.constant 0 : index
    %swap3A_31 = vector.load %arg6[%swap3A, %swap3A_30] : memref<2000x128xf32, #tpu.memory_space<vmem>>, vector<2000x128xf32>
    tpu.vector_store %arg6[%swap3A, %swap3A_30], %add3A_29 {strides = array<i32>} : memref<2000x128xf32, #tpu.memory_space<vmem>>, vector<2000x128xf32>,
    return
  }
  func.func @transform_0(%arg0: i32) -> (i32, i32, i32) {
    %c0_i32 = arith.constant 0 : i32
    %c0_i32_0 = arith.constant 0 : i32
    %c0_i32_1 = arith.constant 0 : i32
    return %c0_i32, %arg0, %c0_i32_0 : i32, i32, i32
  }
  func.func @transform_1(%arg0: i32) -> (i32, i32) {
    %c0_i32 = arith.constant 0 : i32
    %c0_i32_0 = arith.constant 0 : i32
    return %arg0, %c0_i32 : i32, i32
  }
  func.func @transform_2(%arg0: i32) -> (i32, i32) {
    %add3A = arith.constant 5 : i32
    %add3A_0 = arith.addi %arg0, %add3A : i32
    %c0_i32 = arith.constant 0 : i32
    %c0_i32_1 = arith.constant 0 : i32
    return %add3A_0, %c0_i32 : i32, i32
  }
  func.func @transform_3(%arg0: i32) -> (i32, i32) {
    %add3A = arith.constant 15 : i32
    %add3A_0 = arith.addi %arg0, %add3A : i32
    %c0_i32 = arith.constant 0 : i32
    %c0_i32_1 = arith.constant 0 : i32
    return %add3A_0, %c0_i32 : i32, i32
  }
  func.func @transform_4(%arg0: i32) -> (i32, i32) {
    %c0_i32 = arith.constant 0 : i32
    %c0_i32_0 = arith.constant 0 : i32
    %c0_i32_1 = arith.constant 0 : i32
    return %c0_i32, %c0_i32_0 : i32, i32
  }
  func.func @transform_5(%arg0: i32) -> (i32, i32) {
    %c0_i32 = arith.constant 0 : i32
    %c0_i32_0 = arith.constant 0 : i32
    return %arg0, %c0_i32 : i32, i32
  }
}

</mosaic_0001>

<sc_bundles>
// kernel: kernel.11.cloned.1.call-start
scs
__scs_entry_jumppad:
0x0: {  	(pc) =	sbr.rel $0x88, $3  }
0x1: {  	(tag) =	ssettag $0x0;
	lr =	simm.s32 $0x1  }
0x2: {  	[smem:$0x3F9B] =	sst lr;
	_ =	strace $0xD0000000  }
0x3: {  	_ = 	snop  }
0x4: {  	_ = 	snop  }
0x5: {  	_ = 	snop  }
0x6: {  	_ = 	snop  }
0x7: {  	_ = 	snop  }
__scs_overlays_trampoline_lowered:
0x8: {  	[smem:$0x3FAA] =	sst s0  }
0x9: {  	[smem:$0x3FAB] =	sst s1  }
0xa: {  	[smem:$0x3FAC] =	sst s2  }
0xb: {  	[smem:$0x3FAD] =	sst s3  }
0xc: {  	[smem:$0x3FAE] =	sst s4  }
0xd: {  	[smem:$0x3FAF] =	sst s5  }
0xe: {  	[smem:$0x3FB0] =	sst s6  }
0xf: {  	[smem:$0x3FB1] =	sst s7  }
0x10: {  	[smem:$0x3FB2] =	sst s8  }
0x11: {  	[smem:$0x3FB3] =	sst s9;
	s0 =	simm.s32 @!p0 $0x0  }
0x12: {  	s1 =	sld [smem:$0x3F99];
	s0 =	simm.s32 @p0 $0x1  }
0x13: {  	[smem:$0x3FB4] =	sst s0;
	s0 =	simm.s32 @!p1 $0x0  }
0x14: {  	s2 =	sld [smem:$0x3F98];
	s0 =	simm.s32 @p1 $0x1  }
0x15: {  	[smem:$0x3FB5] =	sst s0;
	s0 =	simm.s32 @!p2 $0x0  }
0x16: {  	s3 =	sld [smem:$0x3FDB];
	s0 =	simm.s32 @p2 $0x1  }
0x17: {  	s4 =	simm.s32 $0x1BF5;
	[smem:$0x3FB7] =	sst s0  }
0x18: {  	s0 =	sld [smem:$0x3F9A];
	_ =	swait.ge [sflag:s4], $0x0  }
0x19: {  	s7 =	sld [smem:$0x3F9B]  }
0x1a: {  	s8 =	sadd.s32 $0xFFFFE003, lr  }
0x1b: {  	s9 =	sadd.s32 $0xFFFFFEF7, lr;
	s5 =	simm.s32 $0xFFFFFFFF;
	p2 =	slt.u32 s8, $0xFFFFF086  }
0x1c: {  	p1 =	slt.u32 s9, $0xF7A;
	s5 =	simm.s32 @!p2 $0x0  }
0x1d: {  	s5 =	simm.s32 @p1 $0x1;
	p0 =	seq.s32 s7, s2  }
0x1e: {  	s7 =	smul.u32 @!p0 $0xF7A, s2;
	p2 =	seq.s32 @!p0 s5, $0x0  }
0x1f: {  	s9 =	smul.u32 $0xF7A, s1;
	s8 =	simm.s32 @!p0 $0x1BF5;
	p2 =	por !p2, p0  }
0x20: {  	[sflag:s8] =	ssyncset.s32 @!p0 $0xFFFFF086;
	s6 =	sadd.s32 @!p0 s3, s7;
	s7 =	simm.s32 @!p0 $0x108  }
0x21: {  	s3 =	sadd.s32 s3, s9;
	s6 =	sadd.s32 @!p0 $0x88, s6;
	s7 =	simm.s32 @p2 $0x1082  }
0x22: {  	[simem:s7], [sflag:s8] =	dma.local @!p0 [hbm:s6], $0xF7A  }
0x23: {  	s9 =	sor.u32 $0xD0000000, s2;
	s6 =	simm.s32 $0x108;
	_ =	swait.ge @!p0 [sflag:s8], $0x0  }
0x24: {  	s3 =	sadd.s32 $0x88, s3;
	s6 =	simm.s32 @!p1 $0x1082;
	[sflag:s4] =	ssyncset.s32 $0xFFFFF086  }
0x25: {  	[simem:s6], [sflag:s4] =	dma.local [hbm:s3], $0xF7A  }
0x26: {  	[smem:$0x3F9B] =	sst s1;
	(tag) =	ssettag s2;
	_ =	strace s9  }
0x27: {  	s1 =	sld [smem:$0x3FAB]  }
0x28: {  	s2 =	sld [smem:$0x3FAC]  }
0x29: {  	s4 =	sld [smem:$0x3FAE]  }
0x2a: {  	p0 =	seq.s32 s5, $0x0;
	s5 =	sld [smem:$0x3FAF]  }
0x2b: {  	s6 =	sld [smem:$0x3FB0]  }
0x2c: {  	s7 =	sld [smem:$0x3FB1]  }
0x2d: {  	s3 =	simm.s32 $0x108;
	s8 =	sld [smem:$0x3FB2]  }
0x2e: {  	s3 =	simm.s32 @!p0 $0x1082;
	s9 =	sld [smem:$0x3FB3]  }
0x2f: {  	lr =	sadd.s32 s0, s3;
	s0 =	sld [smem:$0x3FAA]  }
0x30: {  	s3 =	sld [smem:$0x3FAD]  }
0x31: {  	[smem:$0x3FB6] =	sst s10  }
0x32: {  	s10 =	sld [smem:$0x3FB4];
	_ =	sdelay $0x3  }
0x33: {  	p0 =	seq.s32 s10, $0x1;
	s10 =	sld [smem:$0x3FB6];
	_ =	sdelay $0x3  }
0x34: {  	[smem:$0x3FB6] =	sst s10  }
0x35: {  	s10 =	sld [smem:$0x3FB5];
	_ =	sdelay $0x3  }
0x36: {  	p1 =	seq.s32 s10, $0x1;
	s10 =	sld [smem:$0x3FB6];
	_ =	sdelay $0x3  }
0x37: {  	[smem:$0x3FB6] =	sst s10  }
0x38: {  	s10 =	sld [smem:$0x3FB7]  }
0x39: {  	_ = 	snop;
	(pc) =	sbr.ind lr, $3  }
0x3a: {  	_ = 	snop  }
0x3b: {  	_ = 	snop  }
0x3c: {  	p2 =	seq.s32 s10, $0x1;
	s10 =	sld [smem:$0x3FB6]  }
0x3d: {  	_ =	shalt  }
0x3e: {  	_ =	shalt  }
0x3f: {  	_ =	shalt  }
0x40: {  	_ =	shalt  }
0x41: {  	_ =	shalt  }
0x42: {  	_ =	shalt  }
0x43: {  	_ =	shalt  }
0x44: {  	_ =	shalt  }
0x45: {  	_ =	shalt  }
0x46: {  	_ =	shalt  }
0x47: {  	_ =	shalt  }
0x48: {  	_ =	shalt  }
0x49: {  	_ =	shalt  }
0x4a: {  	_ =	shalt  }
0x4b: {  	_ =	shalt  }
0x4c: {  	_ =	shalt  }
0x4d: {  	_ =	shalt  }
0x4e: {  	_ =	shalt  }
0x4f: {  	_ =	shalt  }
0x50: {  	_ =	shalt  }
0x51: {  	_ =	shalt  }
0x52: {  	_ =	shalt  }
0x53: {  	_ =	shalt  }
0x54: {  	_ =	shalt  }
0x55: {  	_ =	shalt  }
0x56: {  	_ =	shalt  }
0x57: {  	_ =	shalt  }
0x58: {  	_ =	shalt  }
0x59: {  	_ =	shalt  }
0x5a: {  	_ =	shalt  }
0x5b: {  	_ =	shalt  }
0x5c: {  	_ =	shalt  }
0x5d: {  	_ =	shalt  }
0x5e: {  	_ =	shalt  }
0x5f: {  	_ =	shalt  }
0x60: {  	_ =	shalt  }
0x61: {  	_ =	shalt  }
0x62: {  	_ =	shalt  }
0x63: {  	_ =	shalt  }
0x64: {  	_ =	shalt  }
0x65: {  	_ =	shalt  }
0x66: {  	_ =	shalt  }
0x67: {  	_ =	shalt  }
0x68: {  	_ =	shalt  }
0x69: {  	_ =	shalt  }
0x6a: {  	_ =	shalt  }
0x6b: {  	_ =	shalt  }
0x6c: {  	_ =	shalt  }
0x6d: {  	_ =	shalt  }
0x6e: {  	_ =	shalt  }
0x6f: {  	_ =	shalt  }
0x70: {  	_ =	shalt  }
0x71: {  	_ =	shalt  }
0x72: {  	_ =	shalt  }
0x73: {  	_ =	shalt  }
0x74: {  	_ =	shalt  }
0x75: {  	_ =	shalt  }
0x76: {  	_ =	shalt  }
0x77: {  	_ =	shalt  }
0x78: {  	_ =	shalt  }
0x79: {  	_ =	shalt  }
0x7a: {  	_ =	shalt  }
0x7b: {  	_ =	shalt  }
0x7c: {  	_ =	shalt  }
0x7d: {  	_ =	shalt  }
0x7e: {  	_ =	shalt  }
0x7f: {  	_ =	shalt  }
0x80: {  	_ =	shalt  }
0x81: {  	_ =	shalt  }
0x82: {  	_ =	shalt  }
0x83: {  	_ =	shalt  }
0x84: {  	_ =	shalt  }
0x85: {  	_ =	shalt  }
0x86: {  	_ =	shalt  }
0x87: {  	_ =	shalt  }
.Lfunc_end0:
.L_simem_size_0:
called_computation.1_lowered:
.L_overlay_start_0:
0x88: {  	s2 =	sld [smem:$0x3FD9]  }
0x89: {  	s3 =	sld [smem:$0x3FFE];
	_ =	sdelay $0x1  }
0x8a: {  	s1 =	srdreg.scid  }
0x8b: {  	s0 =	sand.u32 $0x1, s1  }
0x8c: {  	s17 =	sshll.u32 s0, $0xA;
	s2 =	sadd.s32 s3, s2  }
0x8d: {  	s2 =	sadd.s32 s2, s17  }
0x8e: {  	[smem:$0x3FC2] =	sst s2  }
0x8f: {  	_ = 	snop  }
0x90: {  	s2 =	sld [smem:$0x3FD0];
	(tm) =	ssettm $0x1  }
0x91: {  	s18 =	sld [smem:$0x3FFB];
	_ =	sdelay $0x3  }
0x92: {  	_ =	strace s18  }
0x93: {  	s3 =	sld [smem:$0x3FFC];
	_ =	sdelay $0x3  }
0x94: {  	_ =	strace s3  }
0x95: {  	s3 =	sld [smem:$0x3FFD];
	_ =	sdelay $0x3  }
0x96: {  	_ =	strace s3  }
0x97: {  	_ =	strace $0x8FFFFFFF  }
0x98: {  	s19 =	sld [smem:$0x3FDB];
	_ =	sdelay $0x1  }
0x99: {  	s4 =	simm.s32 $_scs_section_size  }
0x9a: {  	s5 =	simm.s32 $_size__tile_overlayer_lowered;
	s6 =	simm.s32 $_tile_overlayer_lowered  }
0x9b: {  	s22 =	simm.s32 $0x1BFF;
	s21 =	sshll.u32 s6, $0x1;
	s3 =	sadd.s32 s4, s19  }
0x9c: {  	s7 =	simm.s32 $0x0;
	s20 =	sshll.u32 s5, $0x1;
	s5 =	sadd.s32 s21, s3  }
0x9d: {  	[timem:s7], [sflag:s22] =	dma.local [hbm:s5], s20  }
0x9e: {  	_ =	swait.ge [sflag:s22], s20  }
0x9f: {  	s4 =	ssub.s32 $0x0, s20;
	[sflag:s22] =	ssyncset.done $0x0  }
0xa0: {  	[sflag:s22] =	ssyncadd.s32 s4;
	_ =	sdelay $0x1  }
0xa1: {  	s23 =	simm.s32 $0x1B8B  }
0xa2: {  	_ =	swait.ge [sflag:s23], $0x1  }
0xa3: {  	[sflag:s23] =	ssyncset.done $0x0  }
0xa4: {  	s25 =	simm.s32 $0x1B8E;
	s24 =	sld [smem:$0x3FFE];
	[sflag:s23] =	ssyncadd.s32 $0xFFFFFFFF  }
0xa5: {  	s26 =	simm.s32 $execute0_lowered;
	[smem:$0x3FD2] =	sst s25  }
0xa6: {  	s5 =	sshll.u32 s26, $0x1;
	_ =	strace $0x80000049;
	[dreg:$0x1] =	wrdreg $0xFFFFFFFF  }
0xa7: {  	s28 =	simm.s32 $_size_execute0_lowered;
	s3 =	sadd.s32 s3, s5;
	[dreg:$0x0] =	wrdreg $0x0  }
0xa8: {  	s5 =	sshll.u32 s28, $0x1;
	[dreg:$0x2] =	wrdreg s3  }
0xa9: {  	[dreg:$0x3] =	wrdreg s5  }
0xaa: {  	[dreg:$0x4] =	wrdreg $0xC0  }
0xab: {  	_ =	task [dreg:s7], $0x5FFFF  }
0xac: {  	[dreg:$0x1] =	wrdreg $0xFFFFFFFF  }
0xad: {  	[dreg:$0x0] =	wrdreg $0x60  }
0xae: {  	[dreg:$0x2] =	wrdreg s24  }
0xaf: {  	[dreg:$0x3] =	wrdreg s2  }
0xb0: {  	[dreg:$0x4] =	wrdreg $0x14F000  }
0xb1: {  	[dreg:$0x5] =	wrdreg $0x9  }
0xb2: {  	_ =	task.clear_ibuf [dreg:s7], $0x6FFFF;
	_ =	strace $0x90000049  }
0xb3: {  	s29 =	simm.s32 $0x9;
	_ =	strace $0x8000004B  }
0xb4: {  	_ =	swait.ge [sflag:s29], $0x1  }
0xb5: {  	[sflag:s29] =	ssyncadd.s32 $0xFFFFFFFF  }
0xb6: {  	_ =	strace $0x9000004B  }
0xb7: {  	_ =	sfence  }
0xb8: {  	s30 =	sld [smem:$0x0];
	_ =	sdelay $0x2  }
0xb9: {  	s31 =	sshll.u32 s1, $0xD;
	s1 =	sshrl.u32 s1, $0x2  }
0xba: {  	s3 =	sand.u32 $0x4000, s31;
	s1 =	sadd.s32 s1, s30  }
0xbb: {  	s0 =	sor.u32 s3, s0;
	s1 =	sshll.u32 s1, $0x11  }
0xbc: {  	s0 =	sor.u32 s1, s0  }
0xbd: {  	s0 =	sadd.s32 $0x8F2B, s0  }
0xbe: {  	[sflag:s0] =	ssyncadd.remote.s32 $0x1  }
0xbf: {  	_ =	sfence.sel $0xFFFF  }
0xc0: {  	[dreg:$0x0] =	wrdreg $0xFFFFFFFF;
	(pc) =	sbr.abs _section_cstart, $3  }
0xc1: {  	[dreg:$0x1] =	wrdreg $0xFFFFFFFF  }
0xc2: {  	_ =	task.clear_ibuf [dreg:s7], $0x2FFFF;
	_ =	strace $0x9FFFFFFF  }
0xc3: {  	(tm) =	ssettm $0x7FFFFFFF  }
tec
execute0_lowered:
.L_overlay_start_1:
0x0: {  	(tag) =	ssettag $0x1  }
0x1: {  	s0 =	rddreg [dreg:$0x0]  }
0x2: {  	s3 =	rddreg [dreg:$0x1]  }
0x3: {  	s1 =	rddreg [dreg:$0x2];
	s2 =	simm.s32 $0x0;
	s5 =	srdreg.scid  }
0x4: {  	s11 =	stileid.u32;
	s16 =	simm.s32 $0x80;
	s17 =	simm.s32 $0x4F00  }
0x5: {  	s18 =	simm.s32 $0x6F00;
	s20 =	simm.s32 $0x8F00;
	s28 =	simm.s32 $0x12F00  }
0x6: {  	s29 =	simm.s32 $0x2;
	s31 =	simm.s32 $0x0;
	[smem:$0x7FF] =	sst s2  }
0x7: {  	s4 =	sadd.s32 $0xB3200, s0;
	s5 =	sand.u32 $0x1, s5;
	s7 =	smul.u32 $0x27100, s11  }
0x8: {  	s8 =	sadd.s32 $0x1A00, s0;
	s0 =	sadd.s32 $0x15A00, s0;
	s10 =	smul.u32 $0x1388, s11  }
0x9: {  	s24 =	sshll.u32 s11, $0x6;
	s26 =	sshll.u32 s11, $0x4;
	_ =	strace $0x8000004A  }
0xa: {  	s6 =	sshll.u32 s5, $0x4;
	[dreg:$0x4] =	wrdreg s0;
	s22 =	ssub.s32 $0x2, s5  }
0xb: {  	s5 =	smul.u32 $0x13880, s5;
	s13 =	sor.u32 s11, s6;
	s23 =	sshrl.u32 s22, $0x1  }
0xc: {  	s7 =	sshrl.u32 s7, $0x2;
	s6 =	sor.u32 $0x1C03, s24;
	s24 =	simm.s32 $0x1  }
0xd: {  	s9 =	smul.u32 $0x2700, s13;
	s0 =	ssub.s32 s22, s23;
	s14 =	sadd.s32 s7, s1  }
0xe: {  	s5 =	sadd.s32 s10, s5;
	p0 =	sgt.u32 s13, $0x3;
	s22 =	simm.s32 $0xAF00  }
0xf: {  	s23 =	simm.s32 $0xCF00;
	s11 =	sadd.s32 s3, s5;
	s25 =	sshrl.u32 s9, $0x3  }
0x10: {  	s12 =	smax.u32 s0, $0x1;
	s13 =	sshrl.u32 s14, $0x3;
	s7 =	sadd.s32 s8, s25  }
0x11: {  	s14 =	simm.s32 $0x3;
	s8 =	sadd.s32 s26, s8;
	s30 =	sadd.s32 $0x9C40, s7  }
0x12: {  	s25 =	simm.s32 $0xEF00;
	s9 =	sadd.s32 $0x9C00, s8;
	[dreg:$0x5] =	wrdreg s30  }
0x13: {  	s26 =	simm.s32 $0x10F00;
	s10 =	sadd.s32 $0x13840, s8;
	[dreg:$0x6] =	wrdreg s9  }
.LBB2_1:
0x14: {  	s0 =	rddreg [dreg:$0x4]  }
0x15: {  	[spmem:s13], [sflag:s6] =	dma.local [hbm:s0], $0x1388  }
0x16: {  	_ =	swait.ge [sflag:s14], $0x1388  }
0x17: {  	[sflag:s14] =	ssyncset.done $0x0  }
0x18: {  	[sflag:s14] =	ssyncadd.s32 $0xFFFFEC78  }
0x19: {  	[bflag:$0x0] =	sbarrier.arrive $0xFFFF  }
0x1a: {  	[tilespmem:s2], [sflag:$0x3] =	stream.linear.gather [hbm4b:s7+s2], $0x2700, $0x38;
	[tilespmem:$0x1EB40] =	vst v63  }
0x1b: {  	_ =	swait.ge [sflag:s14], $0x2700  }
0x1c: {  	[sflag:s14] =	ssyncset.done $0x0  }
0x1d: {  	s3 =	simm.s32 $0x2780;
	s5 =	rddreg [dreg:$0x5];
	[sflag:s14] =	ssyncadd.s32 $0xFFFFD900  }
0x1e: {  	[tilespmem:s3], [sflag:$0x3] =	stream.linear.gather [hbm4b:s5+s2], $0x2700, $0x38;
	[tilespmem:$0x1EB40] =	vst v63  }
0x1f: {  	_ =	swait.ge [sflag:s14], $0x2700  }
0x20: {  	s0 =	simm.s32 @!p0 $0x0;
	[sflag:s14] =	ssyncset.done $0x0  }
0x21: {  	s3 =	simm.s32 @!p0 $0x2700;
	s5 =	rddreg [dreg:$0x6];
	[sflag:s14] =	ssyncadd.s32 $0xFFFFD900  }
0x22: {  	[tilespmem:s3], [sflag:$0x3] =	stream.linear.gather @!p0 [hbm4b:s5+s0], $0x80, $0x38;
	[tilespmem:$0x1EB40] =	vst v63  }
0x23: {  	s3 =	simm.s32 @!p0 $0x3  }
0x24: {  	_ =	swait.ge @!p0 [sflag:s3], $0x80  }
0x25: {  	[sflag:s3] =	ssyncset.done @!p0 $0x0  }
0x26: {  	s5 =	simm.s32 @!p0 $0x4E80;
	[sflag:s3] =	ssyncadd.s32 @!p0 $0xFFFFFF80  }
0x27: {  	[tilespmem:s5], [sflag:$0x3] =	stream.linear.gather @!p0 [hbm4b:s10+s0], $0x80, $0x38;
	[tilespmem:$0x1EB40] =	vst v63  }
0x28: {  	_ =	swait.ge @!p0 [sflag:s3], $0x80  }
0x29: {  	[sflag:s3] =	ssyncset.done @!p0 $0x0  }
0x2a: {  	[sflag:s3] =	ssyncadd.s32 @!p0 $0xFFFFFF80  }
0x2b: {  	[tilespmem:s17], [sflag:$0x1] =	stream.indirect.gather [hbm4b:s4+s16], $0x40, s2, s16, $0xb8;
	[tilespmem:$0x1EB40] =	vst v63  }
0x2c: {  	_ = 	snop  }
0x2d: {  	[tilespmem:s18], [sflag:$0x1] =	stream.indirect.gather [hbm4b:s4+s16], $0x40, s16, s16, $0xb8;
	[tilespmem:$0x1EB40] =	vst v63  }
0x2e: {  	s8 =	simm.s32 $0x100;
	p1 =	por $0x1, $0x1  }
0x2f: {  	[tilespmem:s20], [sflag:$0x1] =	stream.indirect.gather [hbm4b:s4+s16], $0x40, s8, s16, $0xb8;
	[tilespmem:$0x1EB40] =	vst v63  }
0x30: {  	s9 =	simm.s32 $0x180;
	s0 =	simm.s32 @!p1 $0x2  }
0x31: {  	[tilespmem:s22], [sflag:$0x1] =	stream.indirect.gather [hbm4b:s4+s16], $0x40, s9, s16, $0xb8;
	[tilespmem:$0x1EB40] =	vst v63  }
0x32: {  	s3 =	simm.s32 @!p1 $0x800;
	_ =	swait.ge @!p1 [sflag:s0], $0x2000  }
0x33: {  	s3 =	simm.s32 @p1 $0x800;
	[sflag:s0] =	ssyncset.done @!p1 $0x0  }
0x34: {  	s3 =	sshra.s32 s3, $0x2;
	[sflag:s0] =	ssyncadd.s32 @!p1 $0xFFFFE000  }
0x35: {  	[tilespmem:s23], [sflag:$0x1] =	stream.indirect.gather [hbm4b:s4+s16], $0x40, s3, s16, $0xb8;
	[tilespmem:$0x1EB40] =	vst v63  }
0x36: {  	_ =	swait.ge [sflag:s24], $0x2000  }
0x37: {  	[sflag:s24] =	ssyncset.done $0x0  }
0x38: {  	s15 =	simm.s32 $0x2780;
	[sflag:s24] =	ssyncadd.s32 $0xFFFFE000  }
0x39: {  	[spmem:s1] =	stream.indirect.scatter.add.bf16 [tilespmem:s17], [sflag:$0x2], $0x40, s15, s16, $0xb8;
	[tilespmem:$0x1EB40] =	vst v63  }
0x3a: {  	s5 =	simm.s32 @!p1 $0xA00;
	_ =	swait.ge @!p1 [sflag:s0], $0x2000  }
0x3b: {  	s5 =	simm.s32 @p1 $0xA00;
	[sflag:s0] =	ssyncset.done @!p1 $0x0  }
0x3c: {  	s5 =	sshra.s32 s5, $0x2;
	[sflag:s0] =	ssyncadd.s32 @!p1 $0xFFFFE000  }
0x3d: {  	[tilespmem:s25], [sflag:$0x1] =	stream.indirect.gather [hbm4b:s4+s16], $0x40, s5, s16, $0xb8;
	[tilespmem:$0x1EB40] =	vst v63  }
0x3e: {  	_ =	swait.ge [sflag:s24], $0x2000  }
0x3f: {  	[sflag:s24] =	ssyncset.done $0x0  }
0x40: {  	s8 =	simm.s32 $0x2800;
	[sflag:s24] =	ssyncadd.s32 $0xFFFFE000  }
0x41: {  	[spmem:s1] =	stream.indirect.scatter.add.bf16 [tilespmem:s18], [sflag:$0x2], $0x40, s8, s16, $0xb8;
	[tilespmem:$0x1EB40] =	vst v63  }
0x42: {  	s8 =	simm.s32 @!p1 $0xC00;
	_ =	swait.ge @!p1 [sflag:s0], $0x2000  }
0x43: {  	s8 =	simm.s32 @p1 $0xC00;
	[sflag:s0] =	ssyncset.done @!p1 $0x0  }
0x44: {  	s8 =	sshra.s32 s8, $0x2;
	[sflag:s0] =	ssyncadd.s32 @!p1 $0xFFFFE000  }
0x45: {  	[tilespmem:s26], [sflag:$0x1] =	stream.indirect.gather [hbm4b:s4+s16], $0x40, s8, s16, $0xb8;
	[tilespmem:$0x1EB40] =	vst v63  }
0x46: {  	_ =	swait.ge [sflag:s24], $0x2000  }
0x47: {  	[sflag:s24] =	ssyncset.done $0x0  }
0x48: {  	s15 =	simm.s32 $0x2880;
	[sflag:s24] =	ssyncadd.s32 $0xFFFFE000  }
0x49: {  	[spmem:s1] =	stream.indirect.scatter.add.bf16 [tilespmem:s20], [sflag:$0x2], $0x40, s15, s16, $0xb8;
	[tilespmem:$0x1EB40] =	vst v63  }
0x4a: {  	s15 =	simm.s32 @!p1 $0xE00;
	_ =	swait.ge @!p1 [sflag:s0], $0x2000  }
0x4b: {  	s15 =	simm.s32 @p1 $0xE00;
	[sflag:s0] =	ssyncset.done @!p1 $0x0  }
0x4c: {  	s15 =	sshra.s32 s15, $0x2;
	[sflag:s0] =	ssyncadd.s32 @!p1 $0xFFFFE000  }
0x4d: {  	[tilespmem:s28], [sflag:$0x1] =	stream.indirect.gather [hbm4b:s4+s16], $0x40, s15, s16, $0xb8;
	[tilespmem:$0x1EB40] =	vst v63  }
0x4e: {  	_ =	swait.ge [sflag:s24], $0x2000  }
0x4f: {  	[sflag:s24] =	ssyncset.done $0x0  }
0x50: {  	s19 =	simm.s32 $0x2900;
	[sflag:s24] =	ssyncadd.s32 $0xFFFFE000  }
0x51: {  	[spmem:s1] =	stream.indirect.scatter.add.bf16 [tilespmem:s22], [sflag:$0x2], $0x40, s19, s16, $0xb8;
	[tilespmem:$0x1EB40] =	vst v63  }
0x52: {  	_ =	swait.ge [sflag:s29], $0x2000  }
0x53: {  	[sflag:s29] =	ssyncset.done $0x0  }
0x54: {  	s21 =	simm.s32 $0x400;
	[sflag:s29] =	ssyncadd.s32 $0xFFFFE000  }
0x55: {  	[tilespmem:s17], [sflag:$0x1] =	stream.indirect.gather [hbm4b:s4+s16], $0x40, s21, s16, $0xb8;
	[tilespmem:$0x1EB40] =	vst v63  }
0x56: {  	_ =	swait.ge [sflag:s24], $0x2000  }
0x57: {  	[sflag:s24] =	ssyncset.done $0x0  }
0x58: {  	s30 =	sadd.s32 $0x2780, s3;
	[sflag:s24] =	ssyncadd.s32 $0xFFFFE000  }
0x59: {  	[spmem:s1] =	stream.indirect.scatter.add.bf16 [tilespmem:s23], [sflag:$0x2], $0x40, s30, s16, $0xb8;
	[tilespmem:$0x1EB40] =	vst v63  }
0x5a: {  	_ =	swait.ge [sflag:s29], $0x2000  }
0x5b: {  	[sflag:s29] =	ssyncset.done $0x0  }
0x5c: {  	s3 =	simm.s32 $0x480;
	[sflag:s29] =	ssyncadd.s32 $0xFFFFE000  }
0x5d: {  	[tilespmem:s18], [sflag:$0x1] =	stream.indirect.gather [hbm4b:s4+s16], $0x40, s3, s16, $0xb8;
	[tilespmem:$0x1EB40] =	vst v63  }
0x5e: {  	_ =	swait.ge [sflag:s24], $0x2000  }
0x5f: {  	[sflag:s24] =	ssyncset.done $0x0  }
0x60: {  	s9 =	sadd.s32 $0x2780, s5;
	[sflag:s24] =	ssyncadd.s32 $0xFFFFE000  }
0x61: {  	[spmem:s1] =	stream.indirect.scatter.add.bf16 [tilespmem:s25], [sflag:$0x2], $0x40, s9, s16, $0xb8;
	[tilespmem:$0x1EB40] =	vst v63  }
0x62: {  	_ =	swait.ge [sflag:s29], $0x2000  }
0x63: {  	[sflag:s29] =	ssyncset.done $0x0  }
0x64: {  	s19 =	simm.s32 $0x500;
	[sflag:s29] =	ssyncadd.s32 $0xFFFFE000  }
0x65: {  	[tilespmem:s20], [sflag:$0x1] =	stream.indirect.gather [hbm4b:s4+s16], $0x40, s19, s16, $0xb8;
	[tilespmem:$0x1EB40] =	vst v63  }
0x66: {  	_ =	swait.ge [sflag:s24], $0x2000  }
0x67: {  	[sflag:s24] =	ssyncset.done $0x0  }
0x68: {  	s21 =	sadd.s32 $0x2780, s8;
	[sflag:s24] =	ssyncadd.s32 $0xFFFFE000  }
0x69: {  	[spmem:s1] =	stream.indirect.scatter.add.bf16 [tilespmem:s26], [sflag:$0x2], $0x40, s21, s16, $0xb8;
	[tilespmem:$0x1EB40] =	vst v63  }
0x6a: {  	_ =	swait.ge [sflag:s29], $0x2000  }
0x6b: {  	[sflag:s29] =	ssyncset.done $0x0  }
0x6c: {  	s30 =	simm.s32 $0x580;
	[sflag:s29] =	ssyncadd.s32 $0xFFFFE000  }
0x6d: {  	[tilespmem:s22], [sflag:$0x1] =	stream.indirect.gather [hbm4b:s4+s16], $0x40, s30, s16, $0xb8;
	[tilespmem:$0x1EB40] =	vst v63  }
0x6e: {  	p2 =	por $0x0, $0x0;
	s0 =	simm.s32 $0x1000;
	_ =	swait.ge [sflag:s24], $0x2000  }
0x6f: {  	s15 =	sadd.s32 $0x2780, s15;
	s3 =	simm.s32 $0x2000;
	[sflag:s24] =	ssyncset.done $0x0  }
.LBB2_2:
0x70: {  	s5 =	simm.s32 @!p2 $0x2  }
0x71: {  	s19 =	sadd.s32 @!p2 $0x800, s0;
	[sflag:s24] =	ssyncadd.s32 $0xFFFFE000;
	s8 =	smov.u32 s3  }
0x72: {  	[spmem:s1] =	stream.indirect.scatter.add.bf16 [tilespmem:s28], [sflag:$0x2], $0x40, s15, s16, $0xb8;
	[tilespmem:$0x1EB40] =	vst v63  }
0x73: {  	s3 =	sadd.s32 $0x1000, s3;
	s19 =	simm.s32 @p2 $0x800;
	_ =	swait.ge @!p2 [sflag:s5], $0x2000  }
0x74: {  	p1 =	sne.s32 s3, $0x9000;
	s19 =	sshra.s32 s19, $0x2;
	[sflag:s5] =	ssyncset.done @!p2 $0x0  }
0x75: {  	[sflag:s5] =	ssyncadd.s32 @!p2 $0xFFFFE000  }
0x76: {  	[tilespmem:s23], [sflag:$0x1] =	stream.indirect.gather [hbm4b:s4+s16], $0x40, s19, s16, $0xb8;
	[tilespmem:$0x1EB40] =	vst v63  }
0x77: {  	_ =	swait.ge [sflag:s24], $0x2000  }
0x78: {  	s15 =	sshra.s32 s0, $0x2;
	[sflag:s24] =	ssyncset.done $0x0  }
0x79: {  	s21 =	sadd.s32 $0x2780, s15;
	[sflag:s24] =	ssyncadd.s32 $0xFFFFE000  }
0x7a: {  	[spmem:s1] =	stream.indirect.scatter.add.bf16 [tilespmem:s17], [sflag:$0x2], $0x40, s21, s16, $0xb8;
	[tilespmem:$0x1EB40] =	vst v63  }
0x7b: {  	s21 =	sadd.s32 @!p2 $0xA00, s0;
	_ =	swait.ge @!p2 [sflag:s5], $0x2000  }
0x7c: {  	s21 =	simm.s32 @p2 $0xA00;
	[sflag:s5] =	ssyncset.done @!p2 $0x0  }
0x7d: {  	s21 =	sshra.s32 s21, $0x2;
	[sflag:s5] =	ssyncadd.s32 @!p2 $0xFFFFE000  }
0x7e: {  	[tilespmem:s25], [sflag:$0x1] =	stream.indirect.gather [hbm4b:s4+s16], $0x40, s21, s16, $0xb8;
	[tilespmem:$0x1EB40] =	vst v63  }
0x7f: {  	_ =	swait.ge [sflag:s24], $0x2000  }
0x80: {  	[sflag:s24] =	ssyncset.done $0x0  }
0x81: {  	s30 =	sadd.s32 $0x2800, s15;
	[sflag:s24] =	ssyncadd.s32 $0xFFFFE000  }
0x82: {  	[spmem:s1] =	stream.indirect.scatter.add.bf16 [tilespmem:s18], [sflag:$0x2], $0x40, s30, s16, $0xb8;
	[tilespmem:$0x1EB40] =	vst v63  }
0x83: {  	s30 =	sadd.s32 @!p2 $0xC00, s0;
	_ =	swait.ge @!p2 [sflag:s5], $0x2000  }
0x84: {  	s30 =	simm.s32 @p2 $0xC00;
	[sflag:s5] =	ssyncset.done @!p2 $0x0  }
0x85: {  	s30 =	sshra.s32 s30, $0x2;
	[sflag:s5] =	ssyncadd.s32 @!p2 $0xFFFFE000  }
0x86: {  	[tilespmem:s26], [sflag:$0x1] =	stream.indirect.gather [hbm4b:s4+s16], $0x40, s30, s16, $0xb8;
	[tilespmem:$0x1EB40] =	vst v63  }
0x87: {  	_ =	swait.ge [sflag:s24], $0x2000  }
0x88: {  	[sflag:s24] =	ssyncset.done $0x0  }
0x89: {  	s9 =	sadd.s32 $0x2880, s15;
	[sflag:s24] =	ssyncadd.s32 $0xFFFFE000  }
0x8a: {  	[spmem:s1] =	stream.indirect.scatter.add.bf16 [tilespmem:s20], [sflag:$0x2], $0x40, s9, s16, $0xb8;
	[tilespmem:$0x1EB40] =	vst v63  }
0x8b: {  	s9 =	sadd.s32 @!p2 $0xE00, s0;
	s0 =	smov.u32 s8;
	_ =	swait.ge @!p2 [sflag:s5], $0x2000  }
0x8c: {  	s9 =	simm.s32 @p2 $0xE00;
	[sflag:s5] =	ssyncset.done @!p2 $0x0  }
0x8d: {  	[sflag:s5] =	ssyncadd.s32 @!p2 $0xFFFFE000;
	s5 =	sshra.s32 s9, $0x2  }
0x8e: {  	[tilespmem:s28], [sflag:$0x1] =	stream.indirect.gather [hbm4b:s4+s16], $0x40, s5, s16, $0xb8;
	[tilespmem:$0x1EB40] =	vst v63  }
0x8f: {  	_ =	swait.ge [sflag:s24], $0x2000  }
0x90: {  	[sflag:s24] =	ssyncset.done $0x0  }
0x91: {  	s8 =	sadd.s32 $0x2900, s15;
	[sflag:s24] =	ssyncadd.s32 $0xFFFFE000  }
0x92: {  	[spmem:s1] =	stream.indirect.scatter.add.bf16 [tilespmem:s22], [sflag:$0x2], $0x40, s8, s16, $0xb8;
	[tilespmem:$0x1EB40] =	vst v63  }
0x93: {  	_ =	swait.ge [sflag:s29], $0x2000  }
0x94: {  	[sflag:s29] =	ssyncset.done $0x0  }
0x95: {  	s8 =	sadd.s32 $0x400, s15;
	[sflag:s29] =	ssyncadd.s32 $0xFFFFE000  }
0x96: {  	[tilespmem:s17], [sflag:$0x1] =	stream.indirect.gather [hbm4b:s4+s16], $0x40, s8, s16, $0xb8;
	[tilespmem:$0x1EB40] =	vst v63  }
0x97: {  	_ =	swait.ge [sflag:s24], $0x2000  }
0x98: {  	[sflag:s24] =	ssyncset.done $0x0  }
0x99: {  	s8 =	sadd.s32 $0x2780, s19;
	[sflag:s24] =	ssyncadd.s32 $0xFFFFE000  }
0x9a: {  	[spmem:s1] =	stream.indirect.scatter.add.bf16 [tilespmem:s23], [sflag:$0x2], $0x40, s8, s16, $0xb8;
	[tilespmem:$0x1EB40] =	vst v63  }
0x9b: {  	_ =	swait.ge [sflag:s29], $0x2000  }
0x9c: {  	[sflag:s29] =	ssyncset.done $0x0  }
0x9d: {  	s8 =	sadd.s32 $0x480, s15;
	[sflag:s29] =	ssyncadd.s32 $0xFFFFE000  }
0x9e: {  	[tilespmem:s18], [sflag:$0x1] =	stream.indirect.gather [hbm4b:s4+s16], $0x40, s8, s16, $0xb8;
	[tilespmem:$0x1EB40] =	vst v63  }
0x9f: {  	_ =	swait.ge [sflag:s24], $0x2000  }
0xa0: {  	[sflag:s24] =	ssyncset.done $0x0  }
0xa1: {  	s8 =	sadd.s32 $0x2780, s21;
	[sflag:s24] =	ssyncadd.s32 $0xFFFFE000  }
0xa2: {  	[spmem:s1] =	stream.indirect.scatter.add.bf16 [tilespmem:s25], [sflag:$0x2], $0x40, s8, s16, $0xb8;
	[tilespmem:$0x1EB40] =	vst v63  }
0xa3: {  	_ =	swait.ge [sflag:s29], $0x2000  }
0xa4: {  	[sflag:s29] =	ssyncset.done $0x0  }
0xa5: {  	s8 =	sadd.s32 $0x500, s15;
	[sflag:s29] =	ssyncadd.s32 $0xFFFFE000  }
0xa6: {  	[tilespmem:s20], [sflag:$0x1] =	stream.indirect.gather [hbm4b:s4+s16], $0x40, s8, s16, $0xb8;
	[tilespmem:$0x1EB40] =	vst v63  }
0xa7: {  	_ =	swait.ge [sflag:s24], $0x2000  }
0xa8: {  	[sflag:s24] =	ssyncset.done $0x0  }
0xa9: {  	s8 =	sadd.s32 $0x2780, s30;
	[sflag:s24] =	ssyncadd.s32 $0xFFFFE000  }
0xaa: {  	[spmem:s1] =	stream.indirect.scatter.add.bf16 [tilespmem:s26], [sflag:$0x2], $0x40, s8, s16, $0xb8;
	[tilespmem:$0x1EB40] =	vst v63  }
0xab: {  	_ =	swait.ge [sflag:s29], $0x2000  }
.Ltmp0:
0xac: {  	[sflag:s29] =	ssyncset.done $0x0;
	(pc) =	sbr.rel @p1 .LBB2_2-.Ltmp0, $4  }
0xad: {  	s8 =	sadd.s32 $0x580, s15;
	[sflag:s29] =	ssyncadd.s32 $0xFFFFE000  }
0xae: {  	[tilespmem:s22], [sflag:$0x1] =	stream.indirect.gather [hbm4b:s4+s16], $0x40, s8, s16, $0xb8;
	[tilespmem:$0x1EB40] =	vst v63  }
0xaf: {  	_ =	swait.ge [sflag:s24], $0x2000  }
0xb0: {  	p2 =	seq.s32 s0, $0x0;
	s15 =	sadd.s32 $0x2780, s5;
	[sflag:s24] =	ssyncset.done $0x0  }
0xb1: {  	s5 =	simm.s32 @!p2 $0x2;
	[sflag:s24] =	ssyncadd.s32 $0xFFFFE000  }
0xb2: {  	[spmem:s1] =	stream.indirect.scatter.add.bf16 [tilespmem:s28], [sflag:$0x2], $0x40, s15, s16, $0xb8;
	[tilespmem:$0x1EB40] =	vst v63  }
0xb3: {  	s3 =	sadd.s32 @!p2 $0x800, s0;
	_ =	swait.ge @!p2 [sflag:s5], $0x2000  }
0xb4: {  	s3 =	simm.s32 @p2 $0x800;
	[sflag:s5] =	ssyncset.done @!p2 $0x0  }
0xb5: {  	s8 =	sshra.s32 s3, $0x2;
	[sflag:s5] =	ssyncadd.s32 @!p2 $0xFFFFE000  }
0xb6: {  	[tilespmem:s23], [sflag:$0x1] =	stream.indirect.gather [hbm4b:s4+s16], $0x40, s8, s16, $0xb8;
	[tilespmem:$0x1EB40] =	vst v63  }
0xb7: {  	_ =	swait.ge [sflag:s24], $0x2000  }
0xb8: {  	s3 =	sshra.s32 s0, $0x2;
	[sflag:s24] =	ssyncset.done $0x0  }
0xb9: {  	s9 =	sadd.s32 $0x2780, s3;
	[sflag:s24] =	ssyncadd.s32 $0xFFFFE000  }
0xba: {  	[spmem:s1] =	stream.indirect.scatter.add.bf16 [tilespmem:s17], [sflag:$0x2], $0x40, s9, s16, $0xb8;
	[tilespmem:$0x1EB40] =	vst v63  }
0xbb: {  	s9 =	sadd.s32 @!p2 $0xA00, s0;
	_ =	swait.ge @!p2 [sflag:s5], $0x2000  }
0xbc: {  	s9 =	simm.s32 @p2 $0xA00;
	[sflag:s5] =	ssyncset.done @!p2 $0x0  }
0xbd: {  	s9 =	sshra.s32 s9, $0x2;
	[sflag:s5] =	ssyncadd.s32 @!p2 $0xFFFFE000  }
0xbe: {  	[tilespmem:s25], [sflag:$0x1] =	stream.indirect.gather [hbm4b:s4+s16], $0x40, s9, s16, $0xb8;
	[tilespmem:$0x1EB40] =	vst v63  }
0xbf: {  	_ =	swait.ge [sflag:s24], $0x2000  }
0xc0: {  	[sflag:s24] =	ssyncset.done $0x0  }
0xc1: {  	s30 =	sadd.s32 $0x2800, s3;
	[sflag:s24] =	ssyncadd.s32 $0xFFFFE000  }
0xc2: {  	[spmem:s1] =	stream.indirect.scatter.add.bf16 [tilespmem:s18], [sflag:$0x2], $0x40, s30, s16, $0xb8;
	[tilespmem:$0x1EB40] =	vst v63  }
0xc3: {  	s15 =	sadd.s32 @!p2 $0xC00, s0;
	_ =	swait.ge @!p2 [sflag:s5], $0x2000  }
0xc4: {  	s15 =	simm.s32 @p2 $0xC00;
	[sflag:s5] =	ssyncset.done @!p2 $0x0  }
0xc5: {  	s15 =	sshra.s32 s15, $0x2;
	[sflag:s5] =	ssyncadd.s32 @!p2 $0xFFFFE000  }
0xc6: {  	[tilespmem:s26], [sflag:$0x1] =	stream.indirect.gather [hbm4b:s4+s16], $0x40, s15, s16, $0xb8;
	[tilespmem:$0x1EB40] =	vst v63  }
0xc7: {  	_ =	swait.ge [sflag:s24], $0x2000  }
0xc8: {  	[sflag:s24] =	ssyncset.done $0x0  }
0xc9: {  	s19 =	sadd.s32 $0x2880, s3;
	[sflag:s24] =	ssyncadd.s32 $0xFFFFE000  }
0xca: {  	[spmem:s1] =	stream.indirect.scatter.add.bf16 [tilespmem:s20], [sflag:$0x2], $0x40, s19, s16, $0xb8;
	[tilespmem:$0x1EB40] =	vst v63  }
0xcb: {  	s0 =	sadd.s32 @!p2 $0xE00, s0;
	_ =	swait.ge @!p2 [sflag:s5], $0x2000  }
0xcc: {  	s0 =	simm.s32 @p2 $0xE00;
	[sflag:s5] =	ssyncset.done @!p2 $0x0  }
0xcd: {  	s0 =	sshra.s32 s0, $0x2;
	[sflag:s5] =	ssyncadd.s32 @!p2 $0xFFFFE000  }
0xce: {  	[tilespmem:s28], [sflag:$0x1] =	stream.indirect.gather [hbm4b:s4+s16], $0x40, s0, s16, $0xb8;
	[tilespmem:$0x1EB40] =	vst v63  }
0xcf: {  	_ =	swait.ge [sflag:s24], $0x2000  }
0xd0: {  	[sflag:s24] =	ssyncset.done $0x0  }
0xd1: {  	s19 =	sadd.s32 $0x2900, s3;
	[sflag:s24] =	ssyncadd.s32 $0xFFFFE000  }
0xd2: {  	[spmem:s1] =	stream.indirect.scatter.add.bf16 [tilespmem:s22], [sflag:$0x2], $0x40, s19, s16, $0xb8;
	[tilespmem:$0x1EB40] =	vst v63  }
0xd3: {  	_ =	swait.ge [sflag:s29], $0x2000  }
0xd4: {  	[sflag:s29] =	ssyncset.done $0x0  }
0xd5: {  	s21 =	sadd.s32 $0x400, s3;
	[sflag:s29] =	ssyncadd.s32 $0xFFFFE000  }
0xd6: {  	[tilespmem:s17], [sflag:$0x1] =	stream.indirect.gather [hbm4b:s4+s16], $0x40, s21, s16, $0xb8;
	[tilespmem:$0x1EB40] =	vst v63  }
0xd7: {  	_ =	swait.ge [sflag:s24], $0x2000  }
0xd8: {  	[sflag:s24] =	ssyncset.done $0x0  }
0xd9: {  	s30 =	sadd.s32 $0x2780, s8;
	[sflag:s24] =	ssyncadd.s32 $0xFFFFE000  }
0xda: {  	[spmem:s1] =	stream.indirect.scatter.add.bf16 [tilespmem:s23], [sflag:$0x2], $0x40, s30, s16, $0xb8;
	[tilespmem:$0x1EB40] =	vst v63  }
0xdb: {  	_ =	swait.ge [sflag:s29], $0x2000  }
0xdc: {  	[sflag:s29] =	ssyncset.done $0x0  }
0xdd: {  	s8 =	sadd.s32 $0x480, s3;
	[sflag:s29] =	ssyncadd.s32 $0xFFFFE000  }
0xde: {  	[tilespmem:s18], [sflag:$0x1] =	stream.indirect.gather [hbm4b:s4+s16], $0x40, s8, s16, $0xb8;
	[tilespmem:$0x1EB40] =	vst v63  }
0xdf: {  	_ =	swait.ge [sflag:s24], $0x2000  }
0xe0: {  	[sflag:s24] =	ssyncset.done $0x0  }
0xe1: {  	s19 =	sadd.s32 $0x2780, s9;
	[sflag:s24] =	ssyncadd.s32 $0xFFFFE000  }
0xe2: {  	[spmem:s1] =	stream.indirect.scatter.add.bf16 [tilespmem:s25], [sflag:$0x2], $0x40, s19, s16, $0xb8;
	[tilespmem:$0x1EB40] =	vst v63  }
0xe3: {  	_ =	swait.ge [sflag:s29], $0x2000  }
0xe4: {  	[sflag:s29] =	ssyncset.done $0x0  }
0xe5: {  	s21 =	sadd.s32 $0x500, s3;
	[sflag:s29] =	ssyncadd.s32 $0xFFFFE000  }
0xe6: {  	[tilespmem:s20], [sflag:$0x1] =	stream.indirect.gather [hbm4b:s4+s16], $0x40, s21, s16, $0xb8;
	[tilespmem:$0x1EB40] =	vst v63  }
0xe7: {  	_ =	swait.ge [sflag:s24], $0x2000  }
0xe8: {  	[sflag:s24] =	ssyncset.done $0x0  }
0xe9: {  	s30 =	sadd.s32 $0x2780, s15;
	[sflag:s24] =	ssyncadd.s32 $0xFFFFE000  }
0xea: {  	[spmem:s1] =	stream.indirect.scatter.add.bf16 [tilespmem:s26], [sflag:$0x2], $0x40, s30, s16, $0xb8;
	[tilespmem:$0x1EB40] =	vst v63  }
0xeb: {  	_ =	swait.ge [sflag:s29], $0x2000  }
0xec: {  	[sflag:s29] =	ssyncset.done $0x0  }
0xed: {  	s3 =	sadd.s32 $0x580, s3;
	[sflag:s29] =	ssyncadd.s32 $0xFFFFE000  }
0xee: {  	[tilespmem:s22], [sflag:$0x1] =	stream.indirect.gather [hbm4b:s4+s16], $0x40, s3, s16, $0xb8;
	[tilespmem:$0x1EB40] =	vst v63  }
0xef: {  	_ =	swait.ge [sflag:s24], $0x2000  }
0xf0: {  	[sflag:s24] =	ssyncset.done $0x0  }
0xf1: {  	s0 =	sadd.s32 $0x2780, s0;
	[sflag:s24] =	ssyncadd.s32 $0xFFFFE000  }
0xf2: {  	[spmem:s1] =	stream.indirect.scatter.add.bf16 [tilespmem:s28], [sflag:$0x2], $0x40, s0, s16, $0xb8;
	[tilespmem:$0x1EB40] =	vst v63  }
0xf3: {  	_ =	swait.ge [sflag:s29], $0x2000  }
0xf4: {  	[sflag:s29] =	ssyncset.done $0x0  }
0xf5: {  	s3 =	simm.s32 $0x2600;
	[sflag:s29] =	ssyncadd.s32 $0xFFFFE000  }
0xf6: {  	[tilespmem:s23], [sflag:$0x1] =	stream.indirect.gather [hbm4b:s4+s16], $0x40, s3, s16, $0xb8;
	[tilespmem:$0x1EB40] =	vst v63  }
0xf7: {  	_ =	swait.ge [sflag:s24], $0x2000  }
0xf8: {  	[sflag:s24] =	ssyncset.done $0x0  }
0xf9: {  	s5 =	simm.s32 $0x4B80;
	[sflag:s24] =	ssyncadd.s32 $0xFFFFE000  }
0xfa: {  	[spmem:s1] =	stream.indirect.scatter.add.bf16 [tilespmem:s17], [sflag:$0x2], $0x40, s5, s16, $0xb8;
	[tilespmem:$0x1EB40] =	vst v63  }
0xfb: {  	_ =	swait.ge [sflag:s29], $0x2000  }
0xfc: {  	[sflag:s29] =	ssyncset.done $0x0  }
0xfd: {  	s8 =	simm.s32 $0x2680;
	[sflag:s29] =	ssyncadd.s32 $0xFFFFE000  }
0xfe: {  	[tilespmem:s25], [sflag:$0x1] =	stream.indirect.gather [hbm4b:s4+s16], $0x40, s8, s16, $0xb8;
	[tilespmem:$0x1EB40] =	vst v63  }
0xff: {  	_ =	swait.ge [sflag:s24], $0x2000  }
0x100: {  	[sflag:s24] =	ssyncset.done $0x0  }
0x101: {  	s9 =	simm.s32 $0x4C00;
	[sflag:s24] =	ssyncadd.s32 $0xFFFFE000  }
0x102: {  	[spmem:s1] =	stream.indirect.scatter.add.bf16 [tilespmem:s18], [sflag:$0x2], $0x40, s9, s16, $0xb8;
	[tilespmem:$0x1EB40] =	vst v63  }
0x103: {  	_ =	swait.ge [sflag:s29], $0x2000  }
0x104: {  	[sflag:s29] =	ssyncset.done $0x0  }
0x105: {  	[sflag:s29] =	ssyncadd.s32 $0xFFFFE000  }
0x106: {  	_ =	swait.ge [sflag:s24], $0x2000  }
0x107: {  	[sflag:s24] =	ssyncset.done $0x0  }
0x108: {  	s15 =	simm.s32 $0x4C80;
	[sflag:s24] =	ssyncadd.s32 $0xFFFFE000  }
0x109: {  	[spmem:s1] =	stream.indirect.scatter.add.bf16 [tilespmem:s20], [sflag:$0x2], $0x40, s15, s16, $0xb8;
	[tilespmem:$0x1EB40] =	vst v63  }
0x10a: {  	_ =	swait.ge [sflag:s29], $0x2000  }
0x10b: {  	[sflag:s29] =	ssyncset.done $0x0  }
0x10c: {  	[sflag:s29] =	ssyncadd.s32 $0xFFFFE000  }
0x10d: {  	_ =	swait.ge [sflag:s24], $0x2000  }
0x10e: {  	[sflag:s24] =	ssyncset.done $0x0  }
0x10f: {  	s19 =	simm.s32 $0x4D00;
	[sflag:s24] =	ssyncadd.s32 $0xFFFFE000  }
0x110: {  	[spmem:s1] =	stream.indirect.scatter.add.bf16 [tilespmem:s22], [sflag:$0x2], $0x40, s19, s16, $0xb8;
	[tilespmem:$0x1EB40] =	vst v63  }
0x111: {  	_ =	swait.ge [sflag:s29], $0x2000  }
0x112: {  	[sflag:s29] =	ssyncset.done $0x0  }
0x113: {  	[sflag:s29] =	ssyncadd.s32 $0xFFFFE000  }
0x114: {  	_ =	swait.ge [sflag:s24], $0x2000  }
0x115: {  	[sflag:s24] =	ssyncset.done $0x0  }
0x116: {  	s21 =	simm.s32 $0x4D80;
	[sflag:s24] =	ssyncadd.s32 $0xFFFFE000  }
0x117: {  	[spmem:s1] =	stream.indirect.scatter.add.bf16 [tilespmem:s23], [sflag:$0x2], $0x40, s21, s16, $0xb8;
	[tilespmem:$0x1EB40] =	vst v63  }
0x118: {  	_ =	swait.ge [sflag:s29], $0x2000  }
0x119: {  	[sflag:s29] =	ssyncset.done $0x0  }
0x11a: {  	[sflag:s29] =	ssyncadd.s32 $0xFFFFE000  }
0x11b: {  	_ =	swait.ge [sflag:s24], $0x2000  }
0x11c: {  	[sflag:s24] =	ssyncset.done $0x0  }
0x11d: {  	s30 =	simm.s32 $0x4E00;
	[sflag:s24] =	ssyncadd.s32 $0xFFFFE000  }
0x11e: {  	[spmem:s1] =	stream.indirect.scatter.add.bf16 [tilespmem:s25], [sflag:$0x2], $0x40, s30, s16, $0xb8;
	[tilespmem:$0x1EB40] =	vst v63  }
0x11f: {  	_ =	swait.ge [sflag:s29], $0x2000  }
0x120: {  	[sflag:s29] =	ssyncset.done $0x0  }
0x121: {  	[sflag:s29] =	ssyncadd.s32 $0xFFFFE000  }
0x122: {  	_ =	swait.ge [sflag:s29], $0x2000  }
0x123: {  	[sflag:s29] =	ssyncset.done $0x0  }
0x124: {  	[sflag:s29] =	ssyncadd.s32 $0xFFFFE000  }
0x125: {  	_ =	swait.ge [sflag:s29], $0x2000  }
0x126: {  	[sflag:s29] =	ssyncset.done $0x0  }
0x127: {  	[sflag:s29] =	ssyncadd.s32 $0xFFFFE000  }
0x128: {  	_ =	swait.ge [sflag:s29], $0x2000  }
0x129: {  	s0 =	simm.s32 @!p0 $0x80;
	[sflag:s29] =	ssyncset.done $0x0  }
0x12a: {  	s3 =	simm.s32 @!p0 $0x2700;
	s5 =	simm.s32 @!p0 $0x4F00;
	[sflag:s29] =	ssyncadd.s32 $0xFFFFE000  }
0x12b: {  	[tilespmem:s5], [sflag:$0x1] =	stream.indirect.gather @!p0 [hbm4b:s4+s0], $0x40, s3, s0, $0xb8;
	[tilespmem:$0x1EB40] =	vst v63  }
0x12c: {  	s3 =	simm.s32 @!p0 $0x1  }
0x12d: {  	_ =	swait.ge @!p0 [sflag:s3], $0x2000  }
0x12e: {  	[sflag:s3] =	ssyncset.done @!p0 $0x0  }
0x12f: {  	[sflag:s3] =	ssyncadd.s32 @!p0 $0xFFFFE000;
	s3 =	simm.s32 @!p0 $0x4E80  }
0x130: {  	[spmem:s1] =	stream.indirect.scatter.add.bf16 @!p0 [tilespmem:s5], [sflag:$0x3], $0x40, s3, s0, $0xb8;
	[tilespmem:$0x1EB40] =	vst v63  }
0x131: {  	s0 =	simm.s32 @!p0 $0x3  }
0x132: {  	_ =	swait.ge @!p0 [sflag:s0], $0x2000  }
0x133: {  	s31 =	sadd.s32 $0x1, s31;
	[sflag:s0] =	ssyncset.done @!p0 $0x0  }
0x134: {  	p1 =	sne.s32 s31, s12;
	[sflag:s0] =	ssyncadd.s32 @!p0 $0xFFFFE000  }
.Ltmp1:
0x135: {  	[bflag:$0x0] =	sbarrier.arrive $0xFFFF;
	(pc) =	sbr.rel @p1 .LBB2_1-.Ltmp1, $4  }
0x136: {  	[hbm:s11], [sflag:s6] =	dma.local [spmem:s13], $0x1388  }
0x137: {  	_ =	swait.ge [sflag:s14], $0x1388  }
0x138: {  	[sflag:s14] =	ssyncset.done $0x0  }
0x139: {  	[sflag:s14] =	ssyncadd.s32 $0xFFFFEC78  }
0x13a: {  	_ =	sfence.sel $0x180000  }
0x13b: {  	[bflag:$0x0] =	sbarrier.arrive $0xFFFF  }
0x13c: {  	_ =	strace $0x9000004A  }
0x13d: {  	s0 =	stileid.u32;
	[bflag:$0x2] =	sbarrier.arrive $0xFFFF  }
0x13e: {  	p0 =	sne.s32 s0, $0x0;
	s0 =	rddreg [dreg:$0x3]  }
0x13f: {  	s0 =	sadd.s32 @!p0 $0x100000, s0  }
0x140: {  	[sflag:s0] =	ssyncadd.tile.s32 @!p0 $0x1;
	_ =	shalt  }
.Lfunc_end2:
_tile_overlayer_lowered:
.L_overlay_start_2:
0x141: {  	(tag) =	ssettag $0x2  }
0x142: {  	s0 =	rddreg [dreg:$0x0];
	s2 =	stileid.u32  }
0x143: {  	s1 =	rddreg [dreg:$0x1];
	p0 =	sne.s32 s2, $0x0  }
0x144: {  	s3 =	rddreg [dreg:$0x2];
	[bflag:$0x3] =	sbarrier.arrive $0xFFFF;
	s2 =	simm.s32 @!p0 $0x1C03  }
0x145: {  	[timem:s3], [sflag:s2] =	dma.local @!p0 [hbm:s0], s1  }
0x146: {  	s0 =	simm.s32 @!p0 $0x3  }
0x147: {  	_ =	swait.ge @!p0 [sflag:s0], s1  }
0x148: {  	s1 =	ssub.s32 @!p0 $0x0, s1;
	[sflag:s0] =	ssyncset.done @!p0 $0x0  }
0x149: {  	[sflag:s0] =	ssyncadd.s32 @!p0 s1  }
0x14a: {  	[bflag:$0x3] =	sbarrier.arrive $0xFFFF  }
0x14b: {  	_ =	shalt  }

// kernel: kernel.14.cloned.1.call-start
scs
__scs_entry_jumppad:
0x0: {  	(pc) =	sbr.rel $0x88, $3  }
0x1: {  	(tag) =	ssettag $0x0;
	lr =	simm.s32 $0x1  }
0x2: {  	[smem:$0x3F9B] =	sst lr;
	_ =	strace $0xD0000000  }
0x3: {  	_ = 	snop  }
0x4: {  	_ = 	snop  }
0x5: {  	_ = 	snop  }
0x6: {  	_ = 	snop  }
0x7: {  	_ = 	snop  }
__scs_overlays_trampoline_lowered:
0x8: {  	[smem:$0x3FAA] =	sst s0  }
0x9: {  	[smem:$0x3FAB] =	sst s1  }
0xa: {  	[smem:$0x3FAC] =	sst s2  }
0xb: {  	[smem:$0x3FAD] =	sst s3  }
0xc: {  	[smem:$0x3FAE] =	sst s4  }
0xd: {  	[smem:$0x3FAF] =	sst s5  }
0xe: {  	[smem:$0x3FB0] =	sst s6  }
0xf: {  	[smem:$0x3FB1] =	sst s7  }
0x10: {  	[smem:$0x3FB2] =	sst s8  }
0x11: {  	[smem:$0x3FB3] =	sst s9;
	s0 =	simm.s32 @!p0 $0x0  }
0x12: {  	s1 =	sld [smem:$0x3F99];
	s0 =	simm.s32 @p0 $0x1  }
0x13: {  	[smem:$0x3FB4] =	sst s0;
	s0 =	simm.s32 @!p1 $0x0  }
0x14: {  	s2 =	sld [smem:$0x3F98];
	s0 =	simm.s32 @p1 $0x1  }
0x15: {  	[smem:$0x3FB5] =	sst s0;
	s0 =	simm.s32 @!p2 $0x0  }
0x16: {  	s3 =	sld [smem:$0x3FDB];
	s0 =	simm.s32 @p2 $0x1  }
0x17: {  	s4 =	simm.s32 $0x1BF5;
	[smem:$0x3FB7] =	sst s0  }
0x18: {  	s0 =	sld [smem:$0x3F9A];
	_ =	swait.ge [sflag:s4], $0x0  }
0x19: {  	s7 =	sld [smem:$0x3F9B]  }
0x1a: {  	s8 =	sadd.s32 $0xFFFFE003, lr  }
0x1b: {  	s9 =	sadd.s32 $0xFFFFFEF7, lr;
	s5 =	simm.s32 $0xFFFFFFFF;
	p2 =	slt.u32 s8, $0xFFFFF086  }
0x1c: {  	p1 =	slt.u32 s9, $0xF7A;
	s5 =	simm.s32 @!p2 $0x0  }
0x1d: {  	s5 =	simm.s32 @p1 $0x1;
	p0 =	seq.s32 s7, s2  }
0x1e: {  	s7 =	smul.u32 @!p0 $0xF7A, s2;
	p2 =	seq.s32 @!p0 s5, $0x0  }
0x1f: {  	s9 =	smul.u32 $0xF7A, s1;
	s8 =	simm.s32 @!p0 $0x1BF5;
	p2 =	por !p2, p0  }
0x20: {  	[sflag:s8] =	ssyncset.s32 @!p0 $0xFFFFF086;
	s6 =	sadd.s32 @!p0 s3, s7;
	s7 =	simm.s32 @!p0 $0x108  }
0x21: {  	s3 =	sadd.s32 s3, s9;
	s6 =	sadd.s32 @!p0 $0x88, s6;
	s7 =	simm.s32 @p2 $0x1082  }
0x22: {  	[simem:s7], [sflag:s8] =	dma.local @!p0 [hbm:s6], $0xF7A  }
0x23: {  	s9 =	sor.u32 $0xD0000000, s2;
	s6 =	simm.s32 $0x108;
	_ =	swait.ge @!p0 [sflag:s8], $0x0  }
0x24: {  	s3 =	sadd.s32 $0x88, s3;
	s6 =	simm.s32 @!p1 $0x1082;
	[sflag:s4] =	ssyncset.s32 $0xFFFFF086  }
0x25: {  	[simem:s6], [sflag:s4] =	dma.local [hbm:s3], $0xF7A  }
0x26: {  	[smem:$0x3F9B] =	sst s1;
	(tag) =	ssettag s2;
	_ =	strace s9  }
0x27: {  	s1 =	sld [smem:$0x3FAB]  }
0x28: {  	s2 =	sld [smem:$0x3FAC]  }
0x29: {  	s4 =	sld [smem:$0x3FAE]  }
0x2a: {  	p0 =	seq.s32 s5, $0x0;
	s5 =	sld [smem:$0x3FAF]  }
0x2b: {  	s6 =	sld [smem:$0x3FB0]  }
0x2c: {  	s7 =	sld [smem:$0x3FB1]  }
0x2d: {  	s3 =	simm.s32 $0x108;
	s8 =	sld [smem:$0x3FB2]  }
0x2e: {  	s3 =	simm.s32 @!p0 $0x1082;
	s9 =	sld [smem:$0x3FB3]  }
0x2f: {  	lr =	sadd.s32 s0, s3;
	s0 =	sld [smem:$0x3FAA]  }
0x30: {  	s3 =	sld [smem:$0x3FAD]  }
0x31: {  	[smem:$0x3FB6] =	sst s10  }
0x32: {  	s10 =	sld [smem:$0x3FB4];
	_ =	sdelay $0x3  }
0x33: {  	p0 =	seq.s32 s10, $0x1;
	s10 =	sld [smem:$0x3FB6];
	_ =	sdelay $0x3  }
0x34: {  	[smem:$0x3FB6] =	sst s10  }
0x35: {  	s10 =	sld [smem:$0x3FB5];
	_ =	sdelay $0x3  }
0x36: {  	p1 =	seq.s32 s10, $0x1;
	s10 =	sld [smem:$0x3FB6];
	_ =	sdelay $0x3  }
0x37: {  	[smem:$0x3FB6] =	sst s10  }
0x38: {  	s10 =	sld [smem:$0x3FB7]  }
0x39: {  	_ = 	snop;
	(pc) =	sbr.ind lr, $3  }
0x3a: {  	_ = 	snop  }
0x3b: {  	_ = 	snop  }
0x3c: {  	p2 =	seq.s32 s10, $0x1;
	s10 =	sld [smem:$0x3FB6]  }
0x3d: {  	_ =	shalt  }
0x3e: {  	_ =	shalt  }
0x3f: {  	_ =	shalt  }
0x40: {  	_ =	shalt  }
0x41: {  	_ =	shalt  }
0x42: {  	_ =	shalt  }
0x43: {  	_ =	shalt  }
0x44: {  	_ =	shalt  }
0x45: {  	_ =	shalt  }
0x46: {  	_ =	shalt  }
0x47: {  	_ =	shalt  }
0x48: {  	_ =	shalt  }
0x49: {  	_ =	shalt  }
0x4a: {  	_ =	shalt  }
0x4b: {  	_ =	shalt  }
0x4c: {  	_ =	shalt  }
0x4d: {  	_ =	shalt  }
0x4e: {  	_ =	shalt  }
0x4f: {  	_ =	shalt  }
0x50: {  	_ =	shalt  }
0x51: {  	_ =	shalt  }
0x52: {  	_ =	shalt  }
0x53: {  	_ =	shalt  }
0x54: {  	_ =	shalt  }
0x55: {  	_ =	shalt  }
0x56: {  	_ =	shalt  }
0x57: {  	_ =	shalt  }
0x58: {  	_ =	shalt  }
0x59: {  	_ =	shalt  }
0x5a: {  	_ =	shalt  }
0x5b: {  	_ =	shalt  }
0x5c: {  	_ =	shalt  }
0x5d: {  	_ =	shalt  }
0x5e: {  	_ =	shalt  }
0x5f: {  	_ =	shalt  }
0x60: {  	_ =	shalt  }
0x61: {  	_ =	shalt  }
0x62: {  	_ =	shalt  }
0x63: {  	_ =	shalt  }
0x64: {  	_ =	shalt  }
0x65: {  	_ =	shalt  }
0x66: {  	_ =	shalt  }
0x67: {  	_ =	shalt  }
0x68: {  	_ =	shalt  }
0x69: {  	_ =	shalt  }
0x6a: {  	_ =	shalt  }
0x6b: {  	_ =	shalt  }
0x6c: {  	_ =	shalt  }
0x6d: {  	_ =	shalt  }
0x6e: {  	_ =	shalt  }
0x6f: {  	_ =	shalt  }
0x70: {  	_ =	shalt  }
0x71: {  	_ =	shalt  }
0x72: {  	_ =	shalt  }
0x73: {  	_ =	shalt  }
0x74: {  	_ =	shalt  }
0x75: {  	_ =	shalt  }
0x76: {  	_ =	shalt  }
0x77: {  	_ =	shalt  }
0x78: {  	_ =	shalt  }
0x79: {  	_ =	shalt  }
0x7a: {  	_ =	shalt  }
0x7b: {  	_ =	shalt  }
0x7c: {  	_ =	shalt  }
0x7d: {  	_ =	shalt  }
0x7e: {  	_ =	shalt  }
0x7f: {  	_ =	shalt  }
0x80: {  	_ =	shalt  }
0x81: {  	_ =	shalt  }
0x82: {  	_ =	shalt  }
0x83: {  	_ =	shalt  }
0x84: {  	_ =	shalt  }
0x85: {  	_ =	shalt  }
0x86: {  	_ =	shalt  }
0x87: {  	_ =	shalt  }
.Lfunc_end0:
.L_simem_size_0:
called_computation.2_lowered:
.L_overlay_start_0:
0x88: {  	s2 =	sld [smem:$0x3FD9]  }
0x89: {  	s3 =	sld [smem:$0x3FFE];
	_ =	sdelay $0x1  }
0x8a: {  	s1 =	srdreg.scid  }
0x8b: {  	s0 =	sand.u32 $0x1, s1  }
0x8c: {  	s17 =	sshll.u32 s0, $0xA;
	s2 =	sadd.s32 s3, s2  }
0x8d: {  	s2 =	sadd.s32 s2, s17  }
0x8e: {  	[smem:$0x3FC2] =	sst s2  }
0x8f: {  	_ = 	snop  }
0x90: {  	s2 =	sld [smem:$0x3FD0];
	(tm) =	ssettm $0x1  }
0x91: {  	s18 =	sld [smem:$0x3FFB];
	_ =	sdelay $0x3  }
0x92: {  	_ =	strace s18  }
0x93: {  	s3 =	sld [smem:$0x3FFC];
	_ =	sdelay $0x3  }
0x94: {  	_ =	strace s3  }
0x95: {  	s3 =	sld [smem:$0x3FFD];
	_ =	sdelay $0x3  }
0x96: {  	_ =	strace s3  }
0x97: {  	_ =	strace $0x8FFFFFFF  }
0x98: {  	s19 =	sld [smem:$0x3FDB];
	_ =	sdelay $0x1  }
0x99: {  	s4 =	simm.s32 $_scs_section_size  }
0x9a: {  	s5 =	simm.s32 $_size__tile_overlayer_lowered;
	s6 =	simm.s32 $_tile_overlayer_lowered  }
0x9b: {  	s22 =	simm.s32 $0x1BFF;
	s21 =	sshll.u32 s6, $0x1;
	s3 =	sadd.s32 s4, s19  }
0x9c: {  	s7 =	simm.s32 $0x0;
	s20 =	sshll.u32 s5, $0x1;
	s5 =	sadd.s32 s21, s3  }
0x9d: {  	[timem:s7], [sflag:s22] =	dma.local [hbm:s5], s20  }
0x9e: {  	_ =	swait.ge [sflag:s22], s20  }
0x9f: {  	s4 =	ssub.s32 $0x0, s20;
	[sflag:s22] =	ssyncset.done $0x0  }
0xa0: {  	[sflag:s22] =	ssyncadd.s32 s4;
	_ =	sdelay $0x1  }
0xa1: {  	s23 =	simm.s32 $0x1B8B  }
0xa2: {  	_ =	swait.ge [sflag:s23], $0x1  }
0xa3: {  	[sflag:s23] =	ssyncset.done $0x0  }
0xa4: {  	s25 =	simm.s32 $0x1B8E;
	s24 =	sld [smem:$0x3FFE];
	[sflag:s23] =	ssyncadd.s32 $0xFFFFFFFF  }
0xa5: {  	s26 =	simm.s32 $execute0_lowered;
	[smem:$0x3FD2] =	sst s25  }
0xa6: {  	s5 =	sshll.u32 s26, $0x1;
	_ =	strace $0x8000004C;
	[dreg:$0x1] =	wrdreg $0xFFFFFFFF  }
0xa7: {  	s28 =	simm.s32 $_size_execute0_lowered;
	s3 =	sadd.s32 s3, s5;
	[dreg:$0x0] =	wrdreg $0x0  }
0xa8: {  	s5 =	sshll.u32 s28, $0x1;
	[dreg:$0x2] =	wrdreg s3  }
0xa9: {  	[dreg:$0x3] =	wrdreg s5  }
0xaa: {  	[dreg:$0x4] =	wrdreg $0xC0  }
0xab: {  	_ =	task [dreg:s7], $0x5FFFF  }
0xac: {  	[dreg:$0x1] =	wrdreg $0xFFFFFFFF  }
0xad: {  	[dreg:$0x0] =	wrdreg $0x60  }
0xae: {  	[dreg:$0x2] =	wrdreg s24  }
0xaf: {  	[dreg:$0x3] =	wrdreg s2  }
0xb0: {  	[dreg:$0x4] =	wrdreg $0x14F000  }
0xb1: {  	[dreg:$0x5] =	wrdreg $0x9  }
0xb2: {  	_ =	task.clear_ibuf [dreg:s7], $0x6FFFF;
	_ =	strace $0x9000004C  }
0xb3: {  	s29 =	simm.s32 $0x9;
	_ =	strace $0x8000004E  }
0xb4: {  	_ =	swait.ge [sflag:s29], $0x1  }
0xb5: {  	[sflag:s29] =	ssyncadd.s32 $0xFFFFFFFF  }
0xb6: {  	_ =	strace $0x9000004E  }
0xb7: {  	_ =	sfence  }
0xb8: {  	s30 =	sld [smem:$0x0];
	_ =	sdelay $0x2  }
0xb9: {  	s31 =	sshll.u32 s1, $0xD;
	s1 =	sshrl.u32 s1, $0x2  }
0xba: {  	s3 =	sand.u32 $0x4000, s31;
	s1 =	sadd.s32 s1, s30  }
0xbb: {  	s0 =	sor.u32 s3, s0;
	s1 =	sshll.u32 s1, $0x11  }
0xbc: {  	s0 =	sor.u32 s1, s0  }
0xbd: {  	s0 =	sadd.s32 $0x8F2B, s0  }
0xbe: {  	[sflag:s0] =	ssyncadd.remote.s32 $0x1  }
0xbf: {  	_ =	sfence.sel $0xFFFF  }
0xc0: {  	[dreg:$0x0] =	wrdreg $0xFFFFFFFF;
	(pc) =	sbr.abs _section_cstart, $3  }
0xc1: {  	[dreg:$0x1] =	wrdreg $0xFFFFFFFF  }
0xc2: {  	_ =	task.clear_ibuf [dreg:s7], $0x2FFFF;
	_ =	strace $0x9FFFFFFF  }
0xc3: {  	(tm) =	ssettm $0x7FFFFFFF  }
tec
execute0_lowered:
.L_overlay_start_1:
0x0: {  	(tag) =	ssettag $0x1  }
0x1: {  	s0 =	rddreg [dreg:$0x0]  }
0x2: {  	s3 =	rddreg [dreg:$0x1]  }
0x3: {  	s1 =	rddreg [dreg:$0x2];
	s2 =	simm.s32 $0x0;
	s5 =	srdreg.scid  }
0x4: {  	s11 =	stileid.u32;
	s16 =	simm.s32 $0x80;
	s17 =	simm.s32 $0x4F00  }
0x5: {  	s18 =	simm.s32 $0x6F00;
	s20 =	simm.s32 $0x8F00;
	s28 =	simm.s32 $0x12F00  }
0x6: {  	s29 =	simm.s32 $0x2;
	s31 =	simm.s32 $0x0;
	[smem:$0x7FF] =	sst s2  }
0x7: {  	s4 =	sadd.s32 $0xB3200, s0;
	s5 =	sand.u32 $0x1, s5;
	s7 =	smul.u32 $0x27100, s11  }
0x8: {  	s8 =	sadd.s32 $0x1A00, s0;
	s0 =	sadd.s32 $0x15A00, s0;
	s10 =	smul.u32 $0x1388, s11  }
0x9: {  	s24 =	sshll.u32 s11, $0x6;
	s26 =	sshll.u32 s11, $0x4;
	_ =	strace $0x8000004D  }
0xa: {  	s6 =	sshll.u32 s5, $0x4;
	[dreg:$0x4] =	wrdreg s0;
	s22 =	ssub.s32 $0x2, s5  }
0xb: {  	s5 =	smul.u32 $0x13880, s5;
	s13 =	sor.u32 s11, s6;
	s23 =	sshrl.u32 s22, $0x1  }
0xc: {  	s7 =	sshrl.u32 s7, $0x2;
	s6 =	sor.u32 $0x1C03, s24;
	s24 =	simm.s32 $0x1  }
0xd: {  	s9 =	smul.u32 $0x2700, s13;
	s0 =	ssub.s32 s22, s23;
	s14 =	sadd.s32 s7, s1  }
0xe: {  	s5 =	sadd.s32 s10, s5;
	p0 =	sgt.u32 s13, $0x3;
	s22 =	simm.s32 $0xAF00  }
0xf: {  	s23 =	simm.s32 $0xCF00;
	s11 =	sadd.s32 s3, s5;
	s25 =	sshrl.u32 s9, $0x3  }
0x10: {  	s12 =	smax.u32 s0, $0x1;
	s13 =	sshrl.u32 s14, $0x3;
	s7 =	sadd.s32 s8, s25  }
0x11: {  	s14 =	simm.s32 $0x3;
	s8 =	sadd.s32 s26, s8;
	s30 =	sadd.s32 $0x9C40, s7  }
0x12: {  	s25 =	simm.s32 $0xEF00;
	s9 =	sadd.s32 $0x9C00, s8;
	[dreg:$0x5] =	wrdreg s30  }
0x13: {  	s26 =	simm.s32 $0x10F00;
	s10 =	sadd.s32 $0x13840, s8;
	[dreg:$0x6] =	wrdreg s9  }
.LBB2_1:
0x14: {  	s0 =	rddreg [dreg:$0x4]  }
0x15: {  	[spmem:s13], [sflag:s6] =	dma.local [hbm:s0], $0x1388  }
0x16: {  	_ =	swait.ge [sflag:s14], $0x1388  }
0x17: {  	[sflag:s14] =	ssyncset.done $0x0  }
0x18: {  	[sflag:s14] =	ssyncadd.s32 $0xFFFFEC78  }
0x19: {  	[bflag:$0x0] =	sbarrier.arrive $0xFFFF  }
0x1a: {  	[tilespmem:s2], [sflag:$0x3] =	stream.linear.gather [hbm4b:s7+s2], $0x2700, $0x38;
	[tilespmem:$0x1EB40] =	vst v63  }
0x1b: {  	_ =	swait.ge [sflag:s14], $0x2700  }
0x1c: {  	[sflag:s14] =	ssyncset.done $0x0  }
0x1d: {  	s3 =	simm.s32 $0x2780;
	s5 =	rddreg [dreg:$0x5];
	[sflag:s14] =	ssyncadd.s32 $0xFFFFD900  }
0x1e: {  	[tilespmem:s3], [sflag:$0x3] =	stream.linear.gather [hbm4b:s5+s2], $0x2700, $0x38;
	[tilespmem:$0x1EB40] =	vst v63  }
0x1f: {  	_ =	swait.ge [sflag:s14], $0x2700  }
0x20: {  	s0 =	simm.s32 @!p0 $0x0;
	[sflag:s14] =	ssyncset.done $0x0  }
0x21: {  	s3 =	simm.s32 @!p0 $0x2700;
	s5 =	rddreg [dreg:$0x6];
	[sflag:s14] =	ssyncadd.s32 $0xFFFFD900  }
0x22: {  	[tilespmem:s3], [sflag:$0x3] =	stream.linear.gather @!p0 [hbm4b:s5+s0], $0x80, $0x38;
	[tilespmem:$0x1EB40] =	vst v63  }
0x23: {  	s3 =	simm.s32 @!p0 $0x3  }
0x24: {  	_ =	swait.ge @!p0 [sflag:s3], $0x80  }
0x25: {  	[sflag:s3] =	ssyncset.done @!p0 $0x0  }
0x26: {  	s5 =	simm.s32 @!p0 $0x4E80;
	[sflag:s3] =	ssyncadd.s32 @!p0 $0xFFFFFF80  }
0x27: {  	[tilespmem:s5], [sflag:$0x3] =	stream.linear.gather @!p0 [hbm4b:s10+s0], $0x80, $0x38;
	[tilespmem:$0x1EB40] =	vst v63  }
0x28: {  	_ =	swait.ge @!p0 [sflag:s3], $0x80  }
0x29: {  	[sflag:s3] =	ssyncset.done @!p0 $0x0  }
0x2a: {  	[sflag:s3] =	ssyncadd.s32 @!p0 $0xFFFFFF80  }
0x2b: {  	[tilespmem:s17], [sflag:$0x1] =	stream.indirect.gather [hbm4b:s4+s16], $0x40, s2, s16, $0xb8;
	[tilespmem:$0x1EB40] =	vst v63  }
0x2c: {  	_ = 	snop  }
0x2d: {  	[tilespmem:s18], [sflag:$0x1] =	stream.indirect.gather [hbm4b:s4+s16], $0x40, s16, s16, $0xb8;
	[tilespmem:$0x1EB40] =	vst v63  }
0x2e: {  	s8 =	simm.s32 $0x100;
	p1 =	por $0x1, $0x1  }
0x2f: {  	[tilespmem:s20], [sflag:$0x1] =	stream.indirect.gather [hbm4b:s4+s16], $0x40, s8, s16, $0xb8;
	[tilespmem:$0x1EB40] =	vst v63  }
0x30: {  	s9 =	simm.s32 $0x180;
	s0 =	simm.s32 @!p1 $0x2  }
0x31: {  	[tilespmem:s22], [sflag:$0x1] =	stream.indirect.gather [hbm4b:s4+s16], $0x40, s9, s16, $0xb8;
	[tilespmem:$0x1EB40] =	vst v63  }
0x32: {  	s3 =	simm.s32 @!p1 $0x800;
	_ =	swait.ge @!p1 [sflag:s0], $0x2000  }
0x33: {  	s3 =	simm.s32 @p1 $0x800;
	[sflag:s0] =	ssyncset.done @!p1 $0x0  }
0x34: {  	s3 =	sshra.s32 s3, $0x2;
	[sflag:s0] =	ssyncadd.s32 @!p1 $0xFFFFE000  }
0x35: {  	[tilespmem:s23], [sflag:$0x1] =	stream.indirect.gather [hbm4b:s4+s16], $0x40, s3, s16, $0xb8;
	[tilespmem:$0x1EB40] =	vst v63  }
0x36: {  	_ =	swait.ge [sflag:s24], $0x2000  }
0x37: {  	[sflag:s24] =	ssyncset.done $0x0  }
0x38: {  	s15 =	simm.s32 $0x2780;
	[sflag:s24] =	ssyncadd.s32 $0xFFFFE000  }
0x39: {  	[spmem:s1] =	stream.indirect.scatter.add.bf16 [tilespmem:s17], [sflag:$0x2], $0x40, s15, s16, $0xb8;
	[tilespmem:$0x1EB40] =	vst v63  }
0x3a: {  	s5 =	simm.s32 @!p1 $0xA00;
	_ =	swait.ge @!p1 [sflag:s0], $0x2000  }
0x3b: {  	s5 =	simm.s32 @p1 $0xA00;
	[sflag:s0] =	ssyncset.done @!p1 $0x0  }
0x3c: {  	s5 =	sshra.s32 s5, $0x2;
	[sflag:s0] =	ssyncadd.s32 @!p1 $0xFFFFE000  }
0x3d: {  	[tilespmem:s25], [sflag:$0x1] =	stream.indirect.gather [hbm4b:s4+s16], $0x40, s5, s16, $0xb8;
	[tilespmem:$0x1EB40] =	vst v63  }
0x3e: {  	_ =	swait.ge [sflag:s24], $0x2000  }
0x3f: {  	[sflag:s24] =	ssyncset.done $0x0  }
0x40: {  	s8 =	simm.s32 $0x2800;
	[sflag:s24] =	ssyncadd.s32 $0xFFFFE000  }
0x41: {  	[spmem:s1] =	stream.indirect.scatter.add.bf16 [tilespmem:s18], [sflag:$0x2], $0x40, s8, s16, $0xb8;
	[tilespmem:$0x1EB40] =	vst v63  }
0x42: {  	s8 =	simm.s32 @!p1 $0xC00;
	_ =	swait.ge @!p1 [sflag:s0], $0x2000  }
0x43: {  	s8 =	simm.s32 @p1 $0xC00;
	[sflag:s0] =	ssyncset.done @!p1 $0x0  }
0x44: {  	s8 =	sshra.s32 s8, $0x2;
	[sflag:s0] =	ssyncadd.s32 @!p1 $0xFFFFE000  }
0x45: {  	[tilespmem:s26], [sflag:$0x1] =	stream.indirect.gather [hbm4b:s4+s16], $0x40, s8, s16, $0xb8;
	[tilespmem:$0x1EB40] =	vst v63  }
0x46: {  	_ =	swait.ge [sflag:s24], $0x2000  }
0x47: {  	[sflag:s24] =	ssyncset.done $0x0  }
0x48: {  	s15 =	simm.s32 $0x2880;
	[sflag:s24] =	ssyncadd.s32 $0xFFFFE000  }
0x49: {  	[spmem:s1] =	stream.indirect.scatter.add.bf16 [tilespmem:s20], [sflag:$0x2], $0x40, s15, s16, $0xb8;
	[tilespmem:$0x1EB40] =	vst v63  }
0x4a: {  	s15 =	simm.s32 @!p1 $0xE00;
	_ =	swait.ge @!p1 [sflag:s0], $0x2000  }
0x4b: {  	s15 =	simm.s32 @p1 $0xE00;
	[sflag:s0] =	ssyncset.done @!p1 $0x0  }
0x4c: {  	s15 =	sshra.s32 s15, $0x2;
	[sflag:s0] =	ssyncadd.s32 @!p1 $0xFFFFE000  }
0x4d: {  	[tilespmem:s28], [sflag:$0x1] =	stream.indirect.gather [hbm4b:s4+s16], $0x40, s15, s16, $0xb8;
	[tilespmem:$0x1EB40] =	vst v63  }
0x4e: {  	_ =	swait.ge [sflag:s24], $0x2000  }
0x4f: {  	[sflag:s24] =	ssyncset.done $0x0  }
0x50: {  	s19 =	simm.s32 $0x2900;
	[sflag:s24] =	ssyncadd.s32 $0xFFFFE000  }
0x51: {  	[spmem:s1] =	stream.indirect.scatter.add.bf16 [tilespmem:s22], [sflag:$0x2], $0x40, s19, s16, $0xb8;
	[tilespmem:$0x1EB40] =	vst v63  }
0x52: {  	_ =	swait.ge [sflag:s29], $0x2000  }
0x53: {  	[sflag:s29] =	ssyncset.done $0x0  }
0x54: {  	s21 =	simm.s32 $0x400;
	[sflag:s29] =	ssyncadd.s32 $0xFFFFE000  }
0x55: {  	[tilespmem:s17], [sflag:$0x1] =	stream.indirect.gather [hbm4b:s4+s16], $0x40, s21, s16, $0xb8;
	[tilespmem:$0x1EB40] =	vst v63  }
0x56: {  	_ =	swait.ge [sflag:s24], $0x2000  }
0x57: {  	[sflag:s24] =	ssyncset.done $0x0  }
0x58: {  	s30 =	sadd.s32 $0x2780, s3;
	[sflag:s24] =	ssyncadd.s32 $0xFFFFE000  }
0x59: {  	[spmem:s1] =	stream.indirect.scatter.add.bf16 [tilespmem:s23], [sflag:$0x2], $0x40, s30, s16, $0xb8;
	[tilespmem:$0x1EB40] =	vst v63  }
0x5a: {  	_ =	swait.ge [sflag:s29], $0x2000  }
0x5b: {  	[sflag:s29] =	ssyncset.done $0x0  }
0x5c: {  	s3 =	simm.s32 $0x480;
	[sflag:s29] =	ssyncadd.s32 $0xFFFFE000  }
0x5d: {  	[tilespmem:s18], [sflag:$0x1] =	stream.indirect.gather [hbm4b:s4+s16], $0x40, s3, s16, $0xb8;
	[tilespmem:$0x1EB40] =	vst v63  }
0x5e: {  	_ =	swait.ge [sflag:s24], $0x2000  }
0x5f: {  	[sflag:s24] =	ssyncset.done $0x0  }
0x60: {  	s9 =	sadd.s32 $0x2780, s5;
	[sflag:s24] =	ssyncadd.s32 $0xFFFFE000  }
0x61: {  	[spmem:s1] =	stream.indirect.scatter.add.bf16 [tilespmem:s25], [sflag:$0x2], $0x40, s9, s16, $0xb8;
	[tilespmem:$0x1EB40] =	vst v63  }
0x62: {  	_ =	swait.ge [sflag:s29], $0x2000  }
0x63: {  	[sflag:s29] =	ssyncset.done $0x0  }
0x64: {  	s19 =	simm.s32 $0x500;
	[sflag:s29] =	ssyncadd.s32 $0xFFFFE000  }
0x65: {  	[tilespmem:s20], [sflag:$0x1] =	stream.indirect.gather [hbm4b:s4+s16], $0x40, s19, s16, $0xb8;
	[tilespmem:$0x1EB40] =	vst v63  }
0x66: {  	_ =	swait.ge [sflag:s24], $0x2000  }
0x67: {  	[sflag:s24] =	ssyncset.done $0x0  }
0x68: {  	s21 =	sadd.s32 $0x2780, s8;
	[sflag:s24] =	ssyncadd.s32 $0xFFFFE000  }
0x69: {  	[spmem:s1] =	stream.indirect.scatter.add.bf16 [tilespmem:s26], [sflag:$0x2], $0x40, s21, s16, $0xb8;
	[tilespmem:$0x1EB40] =	vst v63  }
0x6a: {  	_ =	swait.ge [sflag:s29], $0x2000  }
0x6b: {  	[sflag:s29] =	ssyncset.done $0x0  }
0x6c: {  	s30 =	simm.s32 $0x580;
	[sflag:s29] =	ssyncadd.s32 $0xFFFFE000  }
0x6d: {  	[tilespmem:s22], [sflag:$0x1] =	stream.indirect.gather [hbm4b:s4+s16], $0x40, s30, s16, $0xb8;
	[tilespmem:$0x1EB40] =	vst v63  }
0x6e: {  	p2 =	por $0x0, $0x0;
	s0 =	simm.s32 $0x1000;
	_ =	swait.ge [sflag:s24], $0x2000  }
0x6f: {  	s15 =	sadd.s32 $0x2780, s15;
	s3 =	simm.s32 $0x2000;
	[sflag:s24] =	ssyncset.done $0x0  }
.LBB2_2:
0x70: {  	s5 =	simm.s32 @!p2 $0x2  }
0x71: {  	s19 =	sadd.s32 @!p2 $0x800, s0;
	[sflag:s24] =	ssyncadd.s32 $0xFFFFE000;
	s8 =	smov.u32 s3  }
0x72: {  	[spmem:s1] =	stream.indirect.scatter.add.bf16 [tilespmem:s28], [sflag:$0x2], $0x40, s15, s16, $0xb8;
	[tilespmem:$0x1EB40] =	vst v63  }
0x73: {  	s3 =	sadd.s32 $0x1000, s3;
	s19 =	simm.s32 @p2 $0x800;
	_ =	swait.ge @!p2 [sflag:s5], $0x2000  }
0x74: {  	p1 =	sne.s32 s3, $0x9000;
	s19 =	sshra.s32 s19, $0x2;
	[sflag:s5] =	ssyncset.done @!p2 $0x0  }
0x75: {  	[sflag:s5] =	ssyncadd.s32 @!p2 $0xFFFFE000  }
0x76: {  	[tilespmem:s23], [sflag:$0x1] =	stream.indirect.gather [hbm4b:s4+s16], $0x40, s19, s16, $0xb8;
	[tilespmem:$0x1EB40] =	vst v63  }
0x77: {  	_ =	swait.ge [sflag:s24], $0x2000  }
0x78: {  	s15 =	sshra.s32 s0, $0x2;
	[sflag:s24] =	ssyncset.done $0x0  }
0x79: {  	s21 =	sadd.s32 $0x2780, s15;
	[sflag:s24] =	ssyncadd.s32 $0xFFFFE000  }
0x7a: {  	[spmem:s1] =	stream.indirect.scatter.add.bf16 [tilespmem:s17], [sflag:$0x2], $0x40, s21, s16, $0xb8;
	[tilespmem:$0x1EB40] =	vst v63  }
0x7b: {  	s21 =	sadd.s32 @!p2 $0xA00, s0;
	_ =	swait.ge @!p2 [sflag:s5], $0x2000  }
0x7c: {  	s21 =	simm.s32 @p2 $0xA00;
	[sflag:s5] =	ssyncset.done @!p2 $0x0  }
0x7d: {  	s21 =	sshra.s32 s21, $0x2;
	[sflag:s5] =	ssyncadd.s32 @!p2 $0xFFFFE000  }
0x7e: {  	[tilespmem:s25], [sflag:$0x1] =	stream.indirect.gather [hbm4b:s4+s16], $0x40, s21, s16, $0xb8;
	[tilespmem:$0x1EB40] =	vst v63  }
0x7f: {  	_ =	swait.ge [sflag:s24], $0x2000  }
0x80: {  	[sflag:s24] =	ssyncset.done $0x0  }
0x81: {  	s30 =	sadd.s32 $0x2800, s15;
	[sflag:s24] =	ssyncadd.s32 $0xFFFFE000  }
0x82: {  	[spmem:s1] =	stream.indirect.scatter.add.bf16 [tilespmem:s18], [sflag:$0x2], $0x40, s30, s16, $0xb8;
	[tilespmem:$0x1EB40] =	vst v63  }
0x83: {  	s30 =	sadd.s32 @!p2 $0xC00, s0;
	_ =	swait.ge @!p2 [sflag:s5], $0x2000  }
0x84: {  	s30 =	simm.s32 @p2 $0xC00;
	[sflag:s5] =	ssyncset.done @!p2 $0x0  }
0x85: {  	s30 =	sshra.s32 s30, $0x2;
	[sflag:s5] =	ssyncadd.s32 @!p2 $0xFFFFE000  }
0x86: {  	[tilespmem:s26], [sflag:$0x1] =	stream.indirect.gather [hbm4b:s4+s16], $0x40, s30, s16, $0xb8;
	[tilespmem:$0x1EB40] =	vst v63  }
0x87: {  	_ =	swait.ge [sflag:s24], $0x2000  }
0x88: {  	[sflag:s24] =	ssyncset.done $0x0  }
0x89: {  	s9 =	sadd.s32 $0x2880, s15;
	[sflag:s24] =	ssyncadd.s32 $0xFFFFE000  }
0x8a: {  	[spmem:s1] =	stream.indirect.scatter.add.bf16 [tilespmem:s20], [sflag:$0x2], $0x40, s9, s16, $0xb8;
	[tilespmem:$0x1EB40] =	vst v63  }
0x8b: {  	s9 =	sadd.s32 @!p2 $0xE00, s0;
	s0 =	smov.u32 s8;
	_ =	swait.ge @!p2 [sflag:s5], $0x2000  }
0x8c: {  	s9 =	simm.s32 @p2 $0xE00;
	[sflag:s5] =	ssyncset.done @!p2 $0x0  }
0x8d: {  	[sflag:s5] =	ssyncadd.s32 @!p2 $0xFFFFE000;
	s5 =	sshra.s32 s9, $0x2  }
0x8e: {  	[tilespmem:s28], [sflag:$0x1] =	stream.indirect.gather [hbm4b:s4+s16], $0x40, s5, s16, $0xb8;
	[tilespmem:$0x1EB40] =	vst v63  }
0x8f: {  	_ =	swait.ge [sflag:s24], $0x2000  }
0x90: {  	[sflag:s24] =	ssyncset.done $0x0  }
0x91: {  	s8 =	sadd.s32 $0x2900, s15;
	[sflag:s24] =	ssyncadd.s32 $0xFFFFE000  }
0x92: {  	[spmem:s1] =	stream.indirect.scatter.add.bf16 [tilespmem:s22], [sflag:$0x2], $0x40, s8, s16, $0xb8;
	[tilespmem:$0x1EB40] =	vst v63  }
0x93: {  	_ =	swait.ge [sflag:s29], $0x2000  }
0x94: {  	[sflag:s29] =	ssyncset.done $0x0  }
0x95: {  	s8 =	sadd.s32 $0x400, s15;
	[sflag:s29] =	ssyncadd.s32 $0xFFFFE000  }
0x96: {  	[tilespmem:s17], [sflag:$0x1] =	stream.indirect.gather [hbm4b:s4+s16], $0x40, s8, s16, $0xb8;
	[tilespmem:$0x1EB40] =	vst v63  }
0x97: {  	_ =	swait.ge [sflag:s24], $0x2000  }
0x98: {  	[sflag:s24] =	ssyncset.done $0x0  }
0x99: {  	s8 =	sadd.s32 $0x2780, s19;
	[sflag:s24] =	ssyncadd.s32 $0xFFFFE000  }
0x9a: {  	[spmem:s1] =	stream.indirect.scatter.add.bf16 [tilespmem:s23], [sflag:$0x2], $0x40, s8, s16, $0xb8;
	[tilespmem:$0x1EB40] =	vst v63  }
0x9b: {  	_ =	swait.ge [sflag:s29], $0x2000  }
0x9c: {  	[sflag:s29] =	ssyncset.done $0x0  }
0x9d: {  	s8 =	sadd.s32 $0x480, s15;
	[sflag:s29] =	ssyncadd.s32 $0xFFFFE000  }
0x9e: {  	[tilespmem:s18], [sflag:$0x1] =	stream.indirect.gather [hbm4b:s4+s16], $0x40, s8, s16, $0xb8;
	[tilespmem:$0x1EB40] =	vst v63  }
0x9f: {  	_ =	swait.ge [sflag:s24], $0x2000  }
0xa0: {  	[sflag:s24] =	ssyncset.done $0x0  }
0xa1: {  	s8 =	sadd.s32 $0x2780, s21;
	[sflag:s24] =	ssyncadd.s32 $0xFFFFE000  }
0xa2: {  	[spmem:s1] =	stream.indirect.scatter.add.bf16 [tilespmem:s25], [sflag:$0x2], $0x40, s8, s16, $0xb8;
	[tilespmem:$0x1EB40] =	vst v63  }
0xa3: {  	_ =	swait.ge [sflag:s29], $0x2000  }
0xa4: {  	[sflag:s29] =	ssyncset.done $0x0  }
0xa5: {  	s8 =	sadd.s32 $0x500, s15;
	[sflag:s29] =	ssyncadd.s32 $0xFFFFE000  }
0xa6: {  	[tilespmem:s20], [sflag:$0x1] =	stream.indirect.gather [hbm4b:s4+s16], $0x40, s8, s16, $0xb8;
	[tilespmem:$0x1EB40] =	vst v63  }
0xa7: {  	_ =	swait.ge [sflag:s24], $0x2000  }
0xa8: {  	[sflag:s24] =	ssyncset.done $0x0  }
0xa9: {  	s8 =	sadd.s32 $0x2780, s30;
	[sflag:s24] =	ssyncadd.s32 $0xFFFFE000  }
0xaa: {  	[spmem:s1] =	stream.indirect.scatter.add.bf16 [tilespmem:s26], [sflag:$0x2], $0x40, s8, s16, $0xb8;
	[tilespmem:$0x1EB40] =	vst v63  }
0xab: {  	_ =	swait.ge [sflag:s29], $0x2000  }
.Ltmp0:
0xac: {  	[sflag:s29] =	ssyncset.done $0x0;
	(pc) =	sbr.rel @p1 .LBB2_2-.Ltmp0, $4  }
0xad: {  	s8 =	sadd.s32 $0x580, s15;
	[sflag:s29] =	ssyncadd.s32 $0xFFFFE000  }
0xae: {  	[tilespmem:s22], [sflag:$0x1] =	stream.indirect.gather [hbm4b:s4+s16], $0x40, s8, s16, $0xb8;
	[tilespmem:$0x1EB40] =	vst v63  }
0xaf: {  	_ =	swait.ge [sflag:s24], $0x2000  }
0xb0: {  	p2 =	seq.s32 s0, $0x0;
	s15 =	sadd.s32 $0x2780, s5;
	[sflag:s24] =	ssyncset.done $0x0  }
0xb1: {  	s5 =	simm.s32 @!p2 $0x2;
	[sflag:s24] =	ssyncadd.s32 $0xFFFFE000  }
0xb2: {  	[spmem:s1] =	stream.indirect.scatter.add.bf16 [tilespmem:s28], [sflag:$0x2], $0x40, s15, s16, $0xb8;
	[tilespmem:$0x1EB40] =	vst v63  }
0xb3: {  	s3 =	sadd.s32 @!p2 $0x800, s0;
	_ =	swait.ge @!p2 [sflag:s5], $0x2000  }
0xb4: {  	s3 =	simm.s32 @p2 $0x800;
	[sflag:s5] =	ssyncset.done @!p2 $0x0  }
0xb5: {  	s8 =	sshra.s32 s3, $0x2;
	[sflag:s5] =	ssyncadd.s32 @!p2 $0xFFFFE000  }
0xb6: {  	[tilespmem:s23], [sflag:$0x1] =	stream.indirect.gather [hbm4b:s4+s16], $0x40, s8, s16, $0xb8;
	[tilespmem:$0x1EB40] =	vst v63  }
0xb7: {  	_ =	swait.ge [sflag:s24], $0x2000  }
0xb8: {  	s3 =	sshra.s32 s0, $0x2;
	[sflag:s24] =	ssyncset.done $0x0  }
0xb9: {  	s9 =	sadd.s32 $0x2780, s3;
	[sflag:s24] =	ssyncadd.s32 $0xFFFFE000  }
0xba: {  	[spmem:s1] =	stream.indirect.scatter.add.bf16 [tilespmem:s17], [sflag:$0x2], $0x40, s9, s16, $0xb8;
	[tilespmem:$0x1EB40] =	vst v63  }
0xbb: {  	s9 =	sadd.s32 @!p2 $0xA00, s0;
	_ =	swait.ge @!p2 [sflag:s5], $0x2000  }
0xbc: {  	s9 =	simm.s32 @p2 $0xA00;
	[sflag:s5] =	ssyncset.done @!p2 $0x0  }
0xbd: {  	s9 =	sshra.s32 s9, $0x2;
	[sflag:s5] =	ssyncadd.s32 @!p2 $0xFFFFE000  }
0xbe: {  	[tilespmem:s25], [sflag:$0x1] =	stream.indirect.gather [hbm4b:s4+s16], $0x40, s9, s16, $0xb8;
	[tilespmem:$0x1EB40] =	vst v63  }
0xbf: {  	_ =	swait.ge [sflag:s24], $0x2000  }
0xc0: {  	[sflag:s24] =	ssyncset.done $0x0  }
0xc1: {  	s30 =	sadd.s32 $0x2800, s3;
	[sflag:s24] =	ssyncadd.s32 $0xFFFFE000  }
0xc2: {  	[spmem:s1] =	stream.indirect.scatter.add.bf16 [tilespmem:s18], [sflag:$0x2], $0x40, s30, s16, $0xb8;
	[tilespmem:$0x1EB40] =	vst v63  }
0xc3: {  	s15 =	sadd.s32 @!p2 $0xC00, s0;
	_ =	swait.ge @!p2 [sflag:s5], $0x2000  }
0xc4: {  	s15 =	simm.s32 @p2 $0xC00;
	[sflag:s5] =	ssyncset.done @!p2 $0x0  }
0xc5: {  	s15 =	sshra.s32 s15, $0x2;
	[sflag:s5] =	ssyncadd.s32 @!p2 $0xFFFFE000  }
0xc6: {  	[tilespmem:s26], [sflag:$0x1] =	stream.indirect.gather [hbm4b:s4+s16], $0x40, s15, s16, $0xb8;
	[tilespmem:$0x1EB40] =	vst v63  }
0xc7: {  	_ =	swait.ge [sflag:s24], $0x2000  }
0xc8: {  	[sflag:s24] =	ssyncset.done $0x0  }
0xc9: {  	s19 =	sadd.s32 $0x2880, s3;
	[sflag:s24] =	ssyncadd.s32 $0xFFFFE000  }
0xca: {  	[spmem:s1] =	stream.indirect.scatter.add.bf16 [tilespmem:s20], [sflag:$0x2], $0x40, s19, s16, $0xb8;
	[tilespmem:$0x1EB40] =	vst v63  }
0xcb: {  	s0 =	sadd.s32 @!p2 $0xE00, s0;
	_ =	swait.ge @!p2 [sflag:s5], $0x2000  }
0xcc: {  	s0 =	simm.s32 @p2 $0xE00;
	[sflag:s5] =	ssyncset.done @!p2 $0x0  }
0xcd: {  	s0 =	sshra.s32 s0, $0x2;
	[sflag:s5] =	ssyncadd.s32 @!p2 $0xFFFFE000  }
0xce: {  	[tilespmem:s28], [sflag:$0x1] =	stream.indirect.gather [hbm4b:s4+s16], $0x40, s0, s16, $0xb8;
	[tilespmem:$0x1EB40] =	vst v63  }
0xcf: {  	_ =	swait.ge [sflag:s24], $0x2000  }
0xd0: {  	[sflag:s24] =	ssyncset.done $0x0  }
0xd1: {  	s19 =	sadd.s32 $0x2900, s3;
	[sflag:s24] =	ssyncadd.s32 $0xFFFFE000  }
0xd2: {  	[spmem:s1] =	stream.indirect.scatter.add.bf16 [tilespmem:s22], [sflag:$0x2], $0x40, s19, s16, $0xb8;
	[tilespmem:$0x1EB40] =	vst v63  }
0xd3: {  	_ =	swait.ge [sflag:s29], $0x2000  }
0xd4: {  	[sflag:s29] =	ssyncset.done $0x0  }
0xd5: {  	s21 =	sadd.s32 $0x400, s3;
	[sflag:s29] =	ssyncadd.s32 $0xFFFFE000  }
0xd6: {  	[tilespmem:s17], [sflag:$0x1] =	stream.indirect.gather [hbm4b:s4+s16], $0x40, s21, s16, $0xb8;
	[tilespmem:$0x1EB40] =	vst v63  }
0xd7: {  	_ =	swait.ge [sflag:s24], $0x2000  }
0xd8: {  	[sflag:s24] =	ssyncset.done $0x0  }
0xd9: {  	s30 =	sadd.s32 $0x2780, s8;
	[sflag:s24] =	ssyncadd.s32 $0xFFFFE000  }
0xda: {  	[spmem:s1] =	stream.indirect.scatter.add.bf16 [tilespmem:s23], [sflag:$0x2], $0x40, s30, s16, $0xb8;
	[tilespmem:$0x1EB40] =	vst v63  }
0xdb: {  	_ =	swait.ge [sflag:s29], $0x2000  }
0xdc: {  	[sflag:s29] =	ssyncset.done $0x0  }
0xdd: {  	s8 =	sadd.s32 $0x480, s3;
	[sflag:s29] =	ssyncadd.s32 $0xFFFFE000  }
0xde: {  	[tilespmem:s18], [sflag:$0x1] =	stream.indirect.gather [hbm4b:s4+s16], $0x40, s8, s16, $0xb8;
	[tilespmem:$0x1EB40] =	vst v63  }
0xdf: {  	_ =	swait.ge [sflag:s24], $0x2000  }
0xe0: {  	[sflag:s24] =	ssyncset.done $0x0  }
0xe1: {  	s19 =	sadd.s32 $0x2780, s9;
	[sflag:s24] =	ssyncadd.s32 $0xFFFFE000  }
0xe2: {  	[spmem:s1] =	stream.indirect.scatter.add.bf16 [tilespmem:s25], [sflag:$0x2], $0x40, s19, s16, $0xb8;
	[tilespmem:$0x1EB40] =	vst v63  }
0xe3: {  	_ =	swait.ge [sflag:s29], $0x2000  }
0xe4: {  	[sflag:s29] =	ssyncset.done $0x0  }
0xe5: {  	s21 =	sadd.s32 $0x500, s3;
	[sflag:s29] =	ssyncadd.s32 $0xFFFFE000  }
0xe6: {  	[tilespmem:s20], [sflag:$0x1] =	stream.indirect.gather [hbm4b:s4+s16], $0x40, s21, s16, $0xb8;
	[tilespmem:$0x1EB40] =	vst v63  }
0xe7: {  	_ =	swait.ge [sflag:s24], $0x2000  }
0xe8: {  	[sflag:s24] =	ssyncset.done $0x0  }
0xe9: {  	s30 =	sadd.s32 $0x2780, s15;
	[sflag:s24] =	ssyncadd.s32 $0xFFFFE000  }
0xea: {  	[spmem:s1] =	stream.indirect.scatter.add.bf16 [tilespmem:s26], [sflag:$0x2], $0x40, s30, s16, $0xb8;
	[tilespmem:$0x1EB40] =	vst v63  }
0xeb: {  	_ =	swait.ge [sflag:s29], $0x2000  }
0xec: {  	[sflag:s29] =	ssyncset.done $0x0  }
0xed: {  	s3 =	sadd.s32 $0x580, s3;
	[sflag:s29] =	ssyncadd.s32 $0xFFFFE000  }
0xee: {  	[tilespmem:s22], [sflag:$0x1] =	stream.indirect.gather [hbm4b:s4+s16], $0x40, s3, s16, $0xb8;
	[tilespmem:$0x1EB40] =	vst v63  }
0xef: {  	_ =	swait.ge [sflag:s24], $0x2000  }
0xf0: {  	[sflag:s24] =	ssyncset.done $0x0  }
0xf1: {  	s0 =	sadd.s32 $0x2780, s0;
	[sflag:s24] =	ssyncadd.s32 $0xFFFFE000  }
0xf2: {  	[spmem:s1] =	stream.indirect.scatter.add.bf16 [tilespmem:s28], [sflag:$0x2], $0x40, s0, s16, $0xb8;
	[tilespmem:$0x1EB40] =	vst v63  }
0xf3: {  	_ =	swait.ge [sflag:s29], $0x2000  }
0xf4: {  	[sflag:s29] =	ssyncset.done $0x0  }
0xf5: {  	s3 =	simm.s32 $0x2600;
	[sflag:s29] =	ssyncadd.s32 $0xFFFFE000  }
0xf6: {  	[tilespmem:s23], [sflag:$0x1] =	stream.indirect.gather [hbm4b:s4+s16], $0x40, s3, s16, $0xb8;
	[tilespmem:$0x1EB40] =	vst v63  }
0xf7: {  	_ =	swait.ge [sflag:s24], $0x2000  }
0xf8: {  	[sflag:s24] =	ssyncset.done $0x0  }
0xf9: {  	s5 =	simm.s32 $0x4B80;
	[sflag:s24] =	ssyncadd.s32 $0xFFFFE000  }
0xfa: {  	[spmem:s1] =	stream.indirect.scatter.add.bf16 [tilespmem:s17], [sflag:$0x2], $0x40, s5, s16, $0xb8;
	[tilespmem:$0x1EB40] =	vst v63  }
0xfb: {  	_ =	swait.ge [sflag:s29], $0x2000  }
0xfc: {  	[sflag:s29] =	ssyncset.done $0x0  }
0xfd: {  	s8 =	simm.s32 $0x2680;
	[sflag:s29] =	ssyncadd.s32 $0xFFFFE000  }
0xfe: {  	[tilespmem:s25], [sflag:$0x1] =	stream.indirect.gather [hbm4b:s4+s16], $0x40, s8, s16, $0xb8;
	[tilespmem:$0x1EB40] =	vst v63  }
0xff: {  	_ =	swait.ge [sflag:s24], $0x2000  }
0x100: {  	[sflag:s24] =	ssyncset.done $0x0  }
0x101: {  	s9 =	simm.s32 $0x4C00;
	[sflag:s24] =	ssyncadd.s32 $0xFFFFE000  }
0x102: {  	[spmem:s1] =	stream.indirect.scatter.add.bf16 [tilespmem:s18], [sflag:$0x2], $0x40, s9, s16, $0xb8;
	[tilespmem:$0x1EB40] =	vst v63  }
0x103: {  	_ =	swait.ge [sflag:s29], $0x2000  }
0x104: {  	[sflag:s29] =	ssyncset.done $0x0  }
0x105: {  	[sflag:s29] =	ssyncadd.s32 $0xFFFFE000  }
0x106: {  	_ =	swait.ge [sflag:s24], $0x2000  }
0x107: {  	[sflag:s24] =	ssyncset.done $0x0  }
0x108: {  	s15 =	simm.s32 $0x4C80;
	[sflag:s24] =	ssyncadd.s32 $0xFFFFE000  }
0x109: {  	[spmem:s1] =	stream.indirect.scatter.add.bf16 [tilespmem:s20], [sflag:$0x2], $0x40, s15, s16, $0xb8;
	[tilespmem:$0x1EB40] =	vst v63  }
0x10a: {  	_ =	swait.ge [sflag:s29], $0x2000  }
0x10b: {  	[sflag:s29] =	ssyncset.done $0x0  }
0x10c: {  	[sflag:s29] =	ssyncadd.s32 $0xFFFFE000  }
0x10d: {  	_ =	swait.ge [sflag:s24], $0x2000  }
0x10e: {  	[sflag:s24] =	ssyncset.done $0x0  }
0x10f: {  	s19 =	simm.s32 $0x4D00;
	[sflag:s24] =	ssyncadd.s32 $0xFFFFE000  }
0x110: {  	[spmem:s1] =	stream.indirect.scatter.add.bf16 [tilespmem:s22], [sflag:$0x2], $0x40, s19, s16, $0xb8;
	[tilespmem:$0x1EB40] =	vst v63  }
0x111: {  	_ =	swait.ge [sflag:s29], $0x2000  }
0x112: {  	[sflag:s29] =	ssyncset.done $0x0  }
0x113: {  	[sflag:s29] =	ssyncadd.s32 $0xFFFFE000  }
0x114: {  	_ =	swait.ge [sflag:s24], $0x2000  }
0x115: {  	[sflag:s24] =	ssyncset.done $0x0  }
0x116: {  	s21 =	simm.s32 $0x4D80;
	[sflag:s24] =	ssyncadd.s32 $0xFFFFE000  }
0x117: {  	[spmem:s1] =	stream.indirect.scatter.add.bf16 [tilespmem:s23], [sflag:$0x2], $0x40, s21, s16, $0xb8;
	[tilespmem:$0x1EB40] =	vst v63  }
0x118: {  	_ =	swait.ge [sflag:s29], $0x2000  }
0x119: {  	[sflag:s29] =	ssyncset.done $0x0  }
0x11a: {  	[sflag:s29] =	ssyncadd.s32 $0xFFFFE000  }
0x11b: {  	_ =	swait.ge [sflag:s24], $0x2000  }
0x11c: {  	[sflag:s24] =	ssyncset.done $0x0  }
0x11d: {  	s30 =	simm.s32 $0x4E00;
	[sflag:s24] =	ssyncadd.s32 $0xFFFFE000  }
0x11e: {  	[spmem:s1] =	stream.indirect.scatter.add.bf16 [tilespmem:s25], [sflag:$0x2], $0x40, s30, s16, $0xb8;
	[tilespmem:$0x1EB40] =	vst v63  }
0x11f: {  	_ =	swait.ge [sflag:s29], $0x2000  }
0x120: {  	[sflag:s29] =	ssyncset.done $0x0  }
0x121: {  	[sflag:s29] =	ssyncadd.s32 $0xFFFFE000  }
0x122: {  	_ =	swait.ge [sflag:s29], $0x2000  }
0x123: {  	[sflag:s29] =	ssyncset.done $0x0  }
0x124: {  	[sflag:s29] =	ssyncadd.s32 $0xFFFFE000  }
0x125: {  	_ =	swait.ge [sflag:s29], $0x2000  }
0x126: {  	[sflag:s29] =	ssyncset.done $0x0  }
0x127: {  	[sflag:s29] =	ssyncadd.s32 $0xFFFFE000  }
0x128: {  	_ =	swait.ge [sflag:s29], $0x2000  }
0x129: {  	s0 =	simm.s32 @!p0 $0x80;
	[sflag:s29] =	ssyncset.done $0x0  }
0x12a: {  	s3 =	simm.s32 @!p0 $0x2700;
	s5 =	simm.s32 @!p0 $0x4F00;
	[sflag:s29] =	ssyncadd.s32 $0xFFFFE000  }
0x12b: {  	[tilespmem:s5], [sflag:$0x1] =	stream.indirect.gather @!p0 [hbm4b:s4+s0], $0x40, s3, s0, $0xb8;
	[tilespmem:$0x1EB40] =	vst v63  }
0x12c: {  	s3 =	simm.s32 @!p0 $0x1  }
0x12d: {  	_ =	swait.ge @!p0 [sflag:s3], $0x2000  }
0x12e: {  	[sflag:s3] =	ssyncset.done @!p0 $0x0  }
0x12f: {  	[sflag:s3] =	ssyncadd.s32 @!p0 $0xFFFFE000;
	s3 =	simm.s32 @!p0 $0x4E80  }
0x130: {  	[spmem:s1] =	stream.indirect.scatter.add.bf16 @!p0 [tilespmem:s5], [sflag:$0x3], $0x40, s3, s0, $0xb8;
	[tilespmem:$0x1EB40] =	vst v63  }
0x131: {  	s0 =	simm.s32 @!p0 $0x3  }
0x132: {  	_ =	swait.ge @!p0 [sflag:s0], $0x2000  }
0x133: {  	s31 =	sadd.s32 $0x1, s31;
	[sflag:s0] =	ssyncset.done @!p0 $0x0  }
0x134: {  	p1 =	sne.s32 s31, s12;
	[sflag:s0] =	ssyncadd.s32 @!p0 $0xFFFFE000  }
.Ltmp1:
0x135: {  	[bflag:$0x0] =	sbarrier.arrive $0xFFFF;
	(pc) =	sbr.rel @p1 .LBB2_1-.Ltmp1, $4  }
0x136: {  	[hbm:s11], [sflag:s6] =	dma.local [spmem:s13], $0x1388  }
0x137: {  	_ =	swait.ge [sflag:s14], $0x1388  }
0x138: {  	[sflag:s14] =	ssyncset.done $0x0  }
0x139: {  	[sflag:s14] =	ssyncadd.s32 $0xFFFFEC78  }
0x13a: {  	_ =	sfence.sel $0x180000  }
0x13b: {  	[bflag:$0x0] =	sbarrier.arrive $0xFFFF  }
0x13c: {  	_ =	strace $0x9000004D  }
0x13d: {  	s0 =	stileid.u32;
	[bflag:$0x2] =	sbarrier.arrive $0xFFFF  }
0x13e: {  	p0 =	sne.s32 s0, $0x0;
	s0 =	rddreg [dreg:$0x3]  }
0x13f: {  	s0 =	sadd.s32 @!p0 $0x100000, s0  }
0x140: {  	[sflag:s0] =	ssyncadd.tile.s32 @!p0 $0x1;
	_ =	shalt  }
.Lfunc_end2:
_tile_overlayer_lowered:
.L_overlay_start_2:
0x141: {  	(tag) =	ssettag $0x2  }
0x142: {  	s0 =	rddreg [dreg:$0x0];
	s2 =	stileid.u32  }
0x143: {  	s1 =	rddreg [dreg:$0x1];
	p0 =	sne.s32 s2, $0x0  }
0x144: {  	s3 =	rddreg [dreg:$0x2];
	[bflag:$0x3] =	sbarrier.arrive $0xFFFF;
	s2 =	simm.s32 @!p0 $0x1C03  }
0x145: {  	[timem:s3], [sflag:s2] =	dma.local @!p0 [hbm:s0], s1  }
0x146: {  	s0 =	simm.s32 @!p0 $0x3  }
0x147: {  	_ =	swait.ge @!p0 [sflag:s0], s1  }
0x148: {  	s1 =	ssub.s32 @!p0 $0x0, s1;
	[sflag:s0] =	ssyncset.done @!p0 $0x0  }
0x149: {  	[sflag:s0] =	ssyncadd.s32 @!p0 s1  }
0x14a: {  	[bflag:$0x3] =	sbarrier.arrive $0xFFFF  }
0x14b: {  	_ =	shalt  }

// kernel: kernel.8.cloned.1.call-start
scs
__scs_entry_jumppad:
0x0: {  	(pc) =	sbr.rel $0x88, $3  }
0x1: {  	(tag) =	ssettag $0x0;
	lr =	simm.s32 $0x1  }
0x2: {  	[smem:$0x3F9B] =	sst lr;
	_ =	strace $0xD0000000  }
0x3: {  	_ = 	snop  }
0x4: {  	_ = 	snop  }
0x5: {  	_ = 	snop  }
0x6: {  	_ = 	snop  }
0x7: {  	_ = 	snop  }
__scs_overlays_trampoline_lowered:
0x8: {  	[smem:$0x3FAA] =	sst s0  }
0x9: {  	[smem:$0x3FAB] =	sst s1  }
0xa: {  	[smem:$0x3FAC] =	sst s2  }
0xb: {  	[smem:$0x3FAD] =	sst s3  }
0xc: {  	[smem:$0x3FAE] =	sst s4  }
0xd: {  	[smem:$0x3FAF] =	sst s5  }
0xe: {  	[smem:$0x3FB0] =	sst s6  }
0xf: {  	[smem:$0x3FB1] =	sst s7  }
0x10: {  	[smem:$0x3FB2] =	sst s8  }
0x11: {  	[smem:$0x3FB3] =	sst s9;
	s0 =	simm.s32 @!p0 $0x0  }
0x12: {  	s1 =	sld [smem:$0x3F99];
	s0 =	simm.s32 @p0 $0x1  }
0x13: {  	[smem:$0x3FB4] =	sst s0;
	s0 =	simm.s32 @!p1 $0x0  }
0x14: {  	s2 =	sld [smem:$0x3F98];
	s0 =	simm.s32 @p1 $0x1  }
0x15: {  	[smem:$0x3FB5] =	sst s0;
	s0 =	simm.s32 @!p2 $0x0  }
0x16: {  	s3 =	sld [smem:$0x3FDB];
	s0 =	simm.s32 @p2 $0x1  }
0x17: {  	s4 =	simm.s32 $0x1BF5;
	[smem:$0x3FB7] =	sst s0  }
0x18: {  	s0 =	sld [smem:$0x3F9A];
	_ =	swait.ge [sflag:s4], $0x0  }
0x19: {  	s7 =	sld [smem:$0x3F9B]  }
0x1a: {  	s8 =	sadd.s32 $0xFFFFE003, lr  }
0x1b: {  	s9 =	sadd.s32 $0xFFFFFEF7, lr;
	s5 =	simm.s32 $0xFFFFFFFF;
	p2 =	slt.u32 s8, $0xFFFFF086  }
0x1c: {  	p1 =	slt.u32 s9, $0xF7A;
	s5 =	simm.s32 @!p2 $0x0  }
0x1d: {  	s5 =	simm.s32 @p1 $0x1;
	p0 =	seq.s32 s7, s2  }
0x1e: {  	s7 =	smul.u32 @!p0 $0xF7A, s2;
	p2 =	seq.s32 @!p0 s5, $0x0  }
0x1f: {  	s9 =	smul.u32 $0xF7A, s1;
	s8 =	simm.s32 @!p0 $0x1BF5;
	p2 =	por !p2, p0  }
0x20: {  	[sflag:s8] =	ssyncset.s32 @!p0 $0xFFFFF086;
	s6 =	sadd.s32 @!p0 s3, s7;
	s7 =	simm.s32 @!p0 $0x108  }
0x21: {  	s3 =	sadd.s32 s3, s9;
	s6 =	sadd.s32 @!p0 $0x88, s6;
	s7 =	simm.s32 @p2 $0x1082  }
0x22: {  	[simem:s7], [sflag:s8] =	dma.local @!p0 [hbm:s6], $0xF7A  }
0x23: {  	s9 =	sor.u32 $0xD0000000, s2;
	s6 =	simm.s32 $0x108;
	_ =	swait.ge @!p0 [sflag:s8], $0x0  }
0x24: {  	s3 =	sadd.s32 $0x88, s3;
	s6 =	simm.s32 @!p1 $0x1082;
	[sflag:s4] =	ssyncset.s32 $0xFFFFF086  }
0x25: {  	[simem:s6], [sflag:s4] =	dma.local [hbm:s3], $0xF7A  }
0x26: {  	[smem:$0x3F9B] =	sst s1;
	(tag) =	ssettag s2;
	_ =	strace s9  }
0x27: {  	s1 =	sld [smem:$0x3FAB]  }
0x28: {  	s2 =	sld [smem:$0x3FAC]  }
0x29: {  	s4 =	sld [smem:$0x3FAE]  }
0x2a: {  	p0 =	seq.s32 s5, $0x0;
	s5 =	sld [smem:$0x3FAF]  }
0x2b: {  	s6 =	sld [smem:$0x3FB0]  }
0x2c: {  	s7 =	sld [smem:$0x3FB1]  }
0x2d: {  	s3 =	simm.s32 $0x108;
	s8 =	sld [smem:$0x3FB2]  }
0x2e: {  	s3 =	simm.s32 @!p0 $0x1082;
	s9 =	sld [smem:$0x3FB3]  }
0x2f: {  	lr =	sadd.s32 s0, s3;
	s0 =	sld [smem:$0x3FAA]  }
0x30: {  	s3 =	sld [smem:$0x3FAD]  }
0x31: {  	[smem:$0x3FB6] =	sst s10  }
0x32: {  	s10 =	sld [smem:$0x3FB4];
	_ =	sdelay $0x3  }
0x33: {  	p0 =	seq.s32 s10, $0x1;
	s10 =	sld [smem:$0x3FB6];
	_ =	sdelay $0x3  }
0x34: {  	[smem:$0x3FB6] =	sst s10  }
0x35: {  	s10 =	sld [smem:$0x3FB5];
	_ =	sdelay $0x3  }
0x36: {  	p1 =	seq.s32 s10, $0x1;
	s10 =	sld [smem:$0x3FB6];
	_ =	sdelay $0x3  }
0x37: {  	[smem:$0x3FB6] =	sst s10  }
0x38: {  	s10 =	sld [smem:$0x3FB7]  }
0x39: {  	_ = 	snop;
	(pc) =	sbr.ind lr, $3  }
0x3a: {  	_ = 	snop  }
0x3b: {  	_ = 	snop  }
0x3c: {  	p2 =	seq.s32 s10, $0x1;
	s10 =	sld [smem:$0x3FB6]  }
0x3d: {  	_ =	shalt  }
0x3e: {  	_ =	shalt  }
0x3f: {  	_ =	shalt  }
0x40: {  	_ =	shalt  }
0x41: {  	_ =	shalt  }
0x42: {  	_ =	shalt  }
0x43: {  	_ =	shalt  }
0x44: {  	_ =	shalt  }
0x45: {  	_ =	shalt  }
0x46: {  	_ =	shalt  }
0x47: {  	_ =	shalt  }
0x48: {  	_ =	shalt  }
0x49: {  	_ =	shalt  }
0x4a: {  	_ =	shalt  }
0x4b: {  	_ =	shalt  }
0x4c: {  	_ =	shalt  }
0x4d: {  	_ =	shalt  }
0x4e: {  	_ =	shalt  }
0x4f: {  	_ =	shalt  }
0x50: {  	_ =	shalt  }
0x51: {  	_ =	shalt  }
0x52: {  	_ =	shalt  }
0x53: {  	_ =	shalt  }
0x54: {  	_ =	shalt  }
0x55: {  	_ =	shalt  }
0x56: {  	_ =	shalt  }
0x57: {  	_ =	shalt  }
0x58: {  	_ =	shalt  }
0x59: {  	_ =	shalt  }
0x5a: {  	_ =	shalt  }
0x5b: {  	_ =	shalt  }
0x5c: {  	_ =	shalt  }
0x5d: {  	_ =	shalt  }
0x5e: {  	_ =	shalt  }
0x5f: {  	_ =	shalt  }
0x60: {  	_ =	shalt  }
0x61: {  	_ =	shalt  }
0x62: {  	_ =	shalt  }
0x63: {  	_ =	shalt  }
0x64: {  	_ =	shalt  }
0x65: {  	_ =	shalt  }
0x66: {  	_ =	shalt  }
0x67: {  	_ =	shalt  }
0x68: {  	_ =	shalt  }
0x69: {  	_ =	shalt  }
0x6a: {  	_ =	shalt  }
0x6b: {  	_ =	shalt  }
0x6c: {  	_ =	shalt  }
0x6d: {  	_ =	shalt  }
0x6e: {  	_ =	shalt  }
0x6f: {  	_ =	shalt  }
0x70: {  	_ =	shalt  }
0x71: {  	_ =	shalt  }
0x72: {  	_ =	shalt  }
0x73: {  	_ =	shalt  }
0x74: {  	_ =	shalt  }
0x75: {  	_ =	shalt  }
0x76: {  	_ =	shalt  }
0x77: {  	_ =	shalt  }
0x78: {  	_ =	shalt  }
0x79: {  	_ =	shalt  }
0x7a: {  	_ =	shalt  }
0x7b: {  	_ =	shalt  }
0x7c: {  	_ =	shalt  }
0x7d: {  	_ =	shalt  }
0x7e: {  	_ =	shalt  }
0x7f: {  	_ =	shalt  }
0x80: {  	_ =	shalt  }
0x81: {  	_ =	shalt  }
0x82: {  	_ =	shalt  }
0x83: {  	_ =	shalt  }
0x84: {  	_ =	shalt  }
0x85: {  	_ =	shalt  }
0x86: {  	_ =	shalt  }
0x87: {  	_ =	shalt  }
.Lfunc_end0:
.L_simem_size_0:
called_computation_lowered:
.L_overlay_start_0:
0x88: {  	s2 =	sld [smem:$0x3FD9]  }
0x89: {  	s3 =	sld [smem:$0x3FFE];
	_ =	sdelay $0x1  }
0x8a: {  	s1 =	srdreg.scid  }
0x8b: {  	s0 =	sand.u32 $0x1, s1  }
0x8c: {  	s17 =	sshll.u32 s0, $0xA;
	s2 =	sadd.s32 s3, s2  }
0x8d: {  	s2 =	sadd.s32 s2, s17  }
0x8e: {  	[smem:$0x3FC2] =	sst s2  }
0x8f: {  	_ = 	snop  }
0x90: {  	s2 =	sld [smem:$0x3FD0];
	(tm) =	ssettm $0x1  }
0x91: {  	s18 =	sld [smem:$0x3FFB];
	_ =	sdelay $0x3  }
0x92: {  	_ =	strace s18  }
0x93: {  	s3 =	sld [smem:$0x3FFC];
	_ =	sdelay $0x3  }
0x94: {  	_ =	strace s3  }
0x95: {  	s3 =	sld [smem:$0x3FFD];
	_ =	sdelay $0x3  }
0x96: {  	_ =	strace s3  }
0x97: {  	_ =	strace $0x8FFFFFFF  }
0x98: {  	s19 =	sld [smem:$0x3FDB];
	_ =	sdelay $0x1  }
0x99: {  	s4 =	simm.s32 $_scs_section_size  }
0x9a: {  	s5 =	simm.s32 $_size__tile_overlayer_lowered;
	s6 =	simm.s32 $_tile_overlayer_lowered  }
0x9b: {  	s22 =	simm.s32 $0x1BFF;
	s21 =	sshll.u32 s6, $0x1;
	s3 =	sadd.s32 s4, s19  }
0x9c: {  	s7 =	simm.s32 $0x0;
	s20 =	sshll.u32 s5, $0x1;
	s5 =	sadd.s32 s21, s3  }
0x9d: {  	[timem:s7], [sflag:s22] =	dma.local [hbm:s5], s20  }
0x9e: {  	_ =	swait.ge [sflag:s22], s20  }
0x9f: {  	s4 =	ssub.s32 $0x0, s20;
	[sflag:s22] =	ssyncset.done $0x0  }
0xa0: {  	[sflag:s22] =	ssyncadd.s32 s4;
	_ =	sdelay $0x1  }
0xa1: {  	s23 =	simm.s32 $0x1B8B  }
0xa2: {  	_ =	swait.ge [sflag:s23], $0x1  }
0xa3: {  	[sflag:s23] =	ssyncset.done $0x0  }
0xa4: {  	s25 =	simm.s32 $0x1B8E;
	s24 =	sld [smem:$0x3FFE];
	[sflag:s23] =	ssyncadd.s32 $0xFFFFFFFF  }
0xa5: {  	s26 =	simm.s32 $execute0_lowered;
	[smem:$0x3FD2] =	sst s25  }
0xa6: {  	s5 =	sshll.u32 s26, $0x1;
	_ =	strace $0x80000046;
	[dreg:$0x1] =	wrdreg $0xFFFFFFFF  }
0xa7: {  	s28 =	simm.s32 $_size_execute0_lowered;
	s3 =	sadd.s32 s3, s5;
	[dreg:$0x0] =	wrdreg $0x0  }
0xa8: {  	s5 =	sshll.u32 s28, $0x1;
	[dreg:$0x2] =	wrdreg s3  }
0xa9: {  	[dreg:$0x3] =	wrdreg s5  }
0xaa: {  	[dreg:$0x4] =	wrdreg $0xC0  }
0xab: {  	_ =	task [dreg:s7], $0x5FFFF  }
0xac: {  	[dreg:$0x1] =	wrdreg $0xFFFFFFFF  }
0xad: {  	[dreg:$0x0] =	wrdreg $0x60  }
0xae: {  	[dreg:$0x2] =	wrdreg s24  }
0xaf: {  	[dreg:$0x3] =	wrdreg s2  }
0xb0: {  	[dreg:$0x4] =	wrdreg $0x57000  }
0xb1: {  	[dreg:$0x5] =	wrdreg $0x7E100  }
0xb2: {  	[dreg:$0x6] =	wrdreg $0x9  }
0xb3: {  	_ =	task.clear_ibuf [dreg:s7], $0x7FFFF;
	_ =	strace $0x90000046  }
0xb4: {  	s29 =	simm.s32 $0x9;
	_ =	strace $0x80000048  }
0xb5: {  	_ =	swait.ge [sflag:s29], $0x1  }
0xb6: {  	[sflag:s29] =	ssyncadd.s32 $0xFFFFFFFF  }
0xb7: {  	_ =	strace $0x90000048  }
0xb8: {  	_ =	sfence  }
0xb9: {  	s30 =	sld [smem:$0x0];
	_ =	sdelay $0x2  }
0xba: {  	s31 =	sshll.u32 s1, $0xD;
	s1 =	sshrl.u32 s1, $0x2  }
0xbb: {  	s3 =	sand.u32 $0x4000, s31;
	s1 =	sadd.s32 s1, s30  }
0xbc: {  	s0 =	sor.u32 s3, s0;
	s1 =	sshll.u32 s1, $0x11  }
0xbd: {  	s0 =	sor.u32 s1, s0  }
0xbe: {  	s0 =	sadd.s32 $0x8F2B, s0  }
0xbf: {  	[sflag:s0] =	ssyncadd.remote.s32 $0x1  }
0xc0: {  	_ =	sfence.sel $0xFFFF  }
0xc1: {  	[dreg:$0x0] =	wrdreg $0xFFFFFFFF;
	(pc) =	sbr.abs _section_cstart, $3  }
0xc2: {  	[dreg:$0x1] =	wrdreg $0xFFFFFFFF  }
0xc3: {  	_ =	task.clear_ibuf [dreg:s7], $0x2FFFF;
	_ =	strace $0x9FFFFFFF  }
0xc4: {  	(tm) =	ssettm $0x7FFFFFFF  }
0xc5: {  	_ =	shalt  }
tec
execute0_lowered:
.L_overlay_start_1:
0x0: {  	(tag) =	ssettag $0x1  }
0x1: {  	s6 =	rddreg [dreg:$0x0]  }
0x2: {  	s11 =	rddreg [dreg:$0x1]  }
0x3: {  	s1 =	rddreg [dreg:$0x2]  }
0x4: {  	s2 =	rddreg [dreg:$0x3]  }
0x5: {  	s3 =	srdreg.scid;
	s0 =	rddreg [dreg:$0x4]  }
0x6: {  	s4 =	simm.s32 $0x0;
	s16 =	simm.s32 $0x4F00;
	s20 =	simm.s32 $0x80  }
0x7: {  	s21 =	simm.s32 $0x1;
	s22 =	simm.s32 $0x0;
	s7 =	sand.u32 $0x1, s3  }
0x8: {  	s3 =	stileid.u32;
	[smem:$0x7FF] =	sst s4;
	s9 =	sadd.s32 $0x1A00, s6  }
0x9: {  	s5 =	sshll.u32 s7, $0x4;
	_ =	strace $0x80000047;
	s12 =	smul.u32 $0x271, s3  }
0xa: {  	s10 =	ssub.s32 $0x2, s7;
	s15 =	smul.u32 $0x4E20, s7;
	s30 =	sshll.u32 s3, $0x4  }
0xb: {  	s31 =	smul.u32 $0x2710, s3;
	s17 =	sshll.u32 s3, $0x6;
	s14 =	sor.u32 s3, s5  }
0xc: {  	s5 =	sadd.s32 $0x1800, s6;
	s13 =	sshrl.u32 s10, $0x1;
	s6 =	sadd.s32 $0x15400, s6  }
0xd: {  	s17 =	sor.u32 $0x1C02, s17;
	s8 =	smul.u32 $0x2700, s14;
	s13 =	ssub.s32 s10, s13  }
0xe: {  	s12 =	sadd.s32 s12, s15;
	s10 =	sadd.s32 s30, s9;
	s18 =	sadd.s32 s31, s1  }
0xf: {  	s19 =	sadd.s32 s31, s2;
	p0 =	sgt.u32 s14, $0x3;
	s14 =	simm.s32 $0x2  }
0x10: {  	s15 =	simm.s32 $0x2780;
	s12 =	sshll.u32 s12, $0x1;
	s13 =	smax.u32 s13, $0x1  }
0x11: {  	s18 =	sshrl.u32 s18, $0x3;
	s19 =	sshrl.u32 s19, $0x3;
	s8 =	sshrl.u32 s8, $0x3  }
0x12: {  	s11 =	sadd.s32 s11, s12;
	s7 =	sadd.s32 s9, s8;
	s9 =	sadd.s32 $0x9C00, s10  }
0x13: {  	s10 =	sadd.s32 $0x13840, s10;
	s12 =	sadd.s32 $0x4E20, s11;
	s8 =	sadd.s32 $0x9C40, s7  }
.LBB2_1:
0x14: {  	[tilespmem:s4], [sflag:$0x2] =	stream.linear.gather [hbm4b:s7+s4], $0x2700, $0x38;
	[tilespmem:$0xA520] =	vst v63  }
0x15: {  	_ =	swait.ge [sflag:s14], $0x2700  }
0x16: {  	[sflag:s14] =	ssyncset.done $0x0  }
0x17: {  	[sflag:s14] =	ssyncadd.s32 $0xFFFFD900  }
0x18: {  	[tilespmem:s15], [sflag:$0x2] =	stream.linear.gather [hbm4b:s8+s4], $0x2700, $0x38;
	[tilespmem:$0xA520] =	vst v63  }
0x19: {  	_ =	swait.ge [sflag:s14], $0x2700  }
0x1a: {  	[sflag:s14] =	ssyncset.done $0x0  }
0x1b: {  	s23 =	simm.s32 @!p0 $0x0;
	s24 =	simm.s32 @!p0 $0x2700;
	[sflag:s14] =	ssyncadd.s32 $0xFFFFD900  }
0x1c: {  	[tilespmem:s24], [sflag:$0x2] =	stream.linear.gather @!p0 [hbm4b:s9+s23], $0x80, $0x38;
	[tilespmem:$0xA520] =	vst v63  }
0x1d: {  	s24 =	simm.s32 @!p0 $0x2  }
0x1e: {  	_ =	swait.ge @!p0 [sflag:s24], $0x80  }
0x1f: {  	[sflag:s24] =	ssyncset.done @!p0 $0x0  }
0x20: {  	s25 =	simm.s32 @!p0 $0x4E80;
	[sflag:s24] =	ssyncadd.s32 @!p0 $0xFFFFFF80  }
0x21: {  	[tilespmem:s25], [sflag:$0x2] =	stream.linear.gather @!p0 [hbm4b:s10+s23], $0x80, $0x38;
	[tilespmem:$0xA520] =	vst v63  }
0x22: {  	_ =	swait.ge @!p0 [sflag:s24], $0x80  }
0x23: {  	[sflag:s24] =	ssyncset.done @!p0 $0x0  }
0x24: {  	[sflag:s24] =	ssyncadd.s32 @!p0 $0xFFFFFF80  }
0x25: {  	[tilespmem:s16], [sflag:$0x2] =	stream.linear.gather [hbm4b:s5+s4], $0x800, $0x38;
	[tilespmem:$0xA520] =	vst v63  }
0x26: {  	_ =	swait.ge [sflag:s14], $0x800  }
0x27: {  	[sflag:s14] =	ssyncset.done $0x0  }
0x28: {  	[sflag:s14] =	ssyncadd.s32 $0xFFFFF800  }
0x29: {  	[spmem:s18], [sflag:s17] =	dma.local [hbm:s6], $0x4E2  }
0x2a: {  	_ =	swait.ge [sflag:s14], $0x4E2  }
0x2b: {  	[sflag:s14] =	ssyncset.done $0x0  }
0x2c: {  	[sflag:s14] =	ssyncadd.s32 $0xFFFFFB1E  }
0x2d: {  	[spmem:s19], [sflag:s17] =	dma.local [hbm:s6], $0x4E2  }
0x2e: {  	_ =	swait.ge [sflag:s14], $0x4E2  }
0x2f: {  	[sflag:s14] =	ssyncset.done $0x0  }
0x30: {  	[sflag:s14] =	ssyncadd.s32 $0xFFFFFB1E  }
0x31: {  	s25 =	simm.s32 $0x0;
	[bflag:$0x0] =	sbarrier.arrive $0xFFFF  }
0x32: {  	[spmem:s1] =	stream.indirect.scatter.add.f32 [tilespmem:s16], [sflag:$0x1], $0x10, s25, s20, $0xb8;
	[tilespmem:$0xA520] =	vst v63  }
0x33: {  	s26 =	simm.s32 $0x2780  }
0x34: {  	[spmem:s2] =	stream.indirect.scatter.add.f32 [tilespmem:s16], [sflag:$0x1], $0x10, s26, s20, $0xb8;
	[tilespmem:$0xA520] =	vst v63  }
0x35: {  	s28 =	simm.s32 $0x80  }
0x36: {  	[spmem:s1] =	stream.indirect.scatter.add.f32 [tilespmem:s16], [sflag:$0x1], $0x10, s28, s20, $0xb8;
	[tilespmem:$0xA520] =	vst v63  }
0x37: {  	s29 =	simm.s32 $0x2800  }
0x38: {  	[spmem:s2] =	stream.indirect.scatter.add.f32 [tilespmem:s16], [sflag:$0x1], $0x10, s29, s20, $0xb8;
	[tilespmem:$0xA520] =	vst v63  }
0x39: {  	s30 =	simm.s32 $0x100  }
0x3a: {  	[spmem:s1] =	stream.indirect.scatter.add.f32 [tilespmem:s16], [sflag:$0x1], $0x10, s30, s20, $0xb8;
	[tilespmem:$0xA520] =	vst v63  }
0x3b: {  	s31 =	simm.s32 $0x2880  }
0x3c: {  	[spmem:s2] =	stream.indirect.scatter.add.f32 [tilespmem:s16], [sflag:$0x1], $0x10, s31, s20, $0xb8;
	[tilespmem:$0xA520] =	vst v63  }
0x3d: {  	_ =	swait.ge [sflag:s21], $0x800  }
0x3e: {  	[sflag:s21] =	ssyncset.done $0x0  }
0x3f: {  	[sflag:s21] =	ssyncadd.s32 $0xFFFFF800  }
0x40: {  	_ =	swait.ge [sflag:s21], $0x800  }
0x41: {  	[sflag:s21] =	ssyncset.done $0x0  }
0x42: {  	[sflag:s21] =	ssyncadd.s32 $0xFFFFF800  }
0x43: {  	_ =	swait.ge [sflag:s21], $0x800  }
0x44: {  	[sflag:s21] =	ssyncset.done $0x0  }
0x45: {  	[sflag:s21] =	ssyncadd.s32 $0xFFFFF800  }
0x46: {  	_ =	swait.ge [sflag:s21], $0x800  }
0x47: {  	[sflag:s21] =	ssyncset.done $0x0  }
0x48: {  	[sflag:s21] =	ssyncadd.s32 $0xFFFFF800  }
0x49: {  	_ =	swait.ge [sflag:s21], $0x800  }
0x4a: {  	[sflag:s21] =	ssyncset.done $0x0  }
0x4b: {  	[sflag:s21] =	ssyncadd.s32 $0xFFFFF800  }
0x4c: {  	_ =	swait.ge [sflag:s21], $0x800  }
0x4d: {  	s23 =	simm.s32 $0x600;
	s24 =	simm.s32 $0xC00;
	[sflag:s21] =	ssyncset.done $0x0  }
.LBB2_2:
0x4e: {  	s25 =	sshra.s32 s23, $0x2  }
0x4f: {  	[sflag:s21] =	ssyncadd.s32 $0xFFFFF800;
	s23 =	smov.u32 s24;
	s26 =	sadd.s32 $0x600, s24  }
0x50: {  	[spmem:s1] =	stream.indirect.scatter.add.f32 [tilespmem:s16], [sflag:$0x1], $0x10, s25, s20, $0xb8;
	[tilespmem:$0xA520] =	vst v63  }
0x51: {  	p1 =	sne.s32 s24, $0x9600;
	s24 =	sadd.s32 $0x2780, s25  }
0x52: {  	[spmem:s2] =	stream.indirect.scatter.add.f32 [tilespmem:s16], [sflag:$0x1], $0x10, s24, s20, $0xb8;
	[tilespmem:$0xA520] =	vst v63  }
0x53: {  	s24 =	sadd.s32 $0x80, s25  }
0x54: {  	[spmem:s1] =	stream.indirect.scatter.add.f32 [tilespmem:s16], [sflag:$0x1], $0x10, s24, s20, $0xb8;
	[tilespmem:$0xA520] =	vst v63  }
0x55: {  	s24 =	sadd.s32 $0x2800, s25  }
0x56: {  	[spmem:s2] =	stream.indirect.scatter.add.f32 [tilespmem:s16], [sflag:$0x1], $0x10, s24, s20, $0xb8;
	[tilespmem:$0xA520] =	vst v63  }
0x57: {  	s24 =	sadd.s32 $0x100, s25  }
0x58: {  	[spmem:s1] =	stream.indirect.scatter.add.f32 [tilespmem:s16], [sflag:$0x1], $0x10, s24, s20, $0xb8;
	[tilespmem:$0xA520] =	vst v63  }
0x59: {  	s24 =	sadd.s32 $0x2880, s25  }
0x5a: {  	[spmem:s2] =	stream.indirect.scatter.add.f32 [tilespmem:s16], [sflag:$0x1], $0x10, s24, s20, $0xb8;
	[tilespmem:$0xA520] =	vst v63  }
0x5b: {  	_ =	swait.ge [sflag:s21], $0x800  }
0x5c: {  	[sflag:s21] =	ssyncset.done $0x0  }
0x5d: {  	[sflag:s21] =	ssyncadd.s32 $0xFFFFF800  }
0x5e: {  	_ =	swait.ge [sflag:s21], $0x800  }
0x5f: {  	[sflag:s21] =	ssyncset.done $0x0  }
0x60: {  	[sflag:s21] =	ssyncadd.s32 $0xFFFFF800  }
0x61: {  	_ =	swait.ge [sflag:s21], $0x800  }
0x62: {  	[sflag:s21] =	ssyncset.done $0x0  }
0x63: {  	[sflag:s21] =	ssyncadd.s32 $0xFFFFF800  }
0x64: {  	_ =	swait.ge [sflag:s21], $0x800  }
0x65: {  	[sflag:s21] =	ssyncset.done $0x0  }
0x66: {  	[sflag:s21] =	ssyncadd.s32 $0xFFFFF800  }
.Ltmp0:
0x67: {  	_ =	swait.ge [sflag:s21], $0x800;
	(pc) =	sbr.rel @p1 .LBB2_2-.Ltmp0, $4  }
0x68: {  	[sflag:s21] =	ssyncset.done $0x0  }
0x69: {  	[sflag:s21] =	ssyncadd.s32 $0xFFFFF800  }
0x6a: {  	_ =	swait.ge [sflag:s21], $0x800  }
0x6b: {  	s24 =	smov.u32 s26;
	[sflag:s21] =	ssyncset.done $0x0  }
0x6c: {  	s23 =	sshra.s32 s23, $0x2;
	[sflag:s21] =	ssyncadd.s32 $0xFFFFF800  }
0x6d: {  	[spmem:s1] =	stream.indirect.scatter.add.f32 [tilespmem:s16], [sflag:$0x1], $0x10, s23, s20, $0xb8;
	[tilespmem:$0xA520] =	vst v63  }
0x6e: {  	s24 =	sadd.s32 $0x2780, s23  }
0x6f: {  	[spmem:s2] =	stream.indirect.scatter.add.f32 [tilespmem:s16], [sflag:$0x1], $0x10, s24, s20, $0xb8;
	[tilespmem:$0xA520] =	vst v63  }
0x70: {  	s29 =	sadd.s32 $0x80, s23  }
0x71: {  	[spmem:s1] =	stream.indirect.scatter.add.f32 [tilespmem:s16], [sflag:$0x1], $0x10, s29, s20, $0xb8;
	[tilespmem:$0xA520] =	vst v63  }
0x72: {  	s30 =	sadd.s32 $0x2800, s23  }
0x73: {  	[spmem:s2] =	stream.indirect.scatter.add.f32 [tilespmem:s16], [sflag:$0x1], $0x10, s30, s20, $0xb8;
	[tilespmem:$0xA520] =	vst v63  }
0x74: {  	s31 =	sadd.s32 $0x100, s23  }
0x75: {  	[spmem:s1] =	stream.indirect.scatter.add.f32 [tilespmem:s16], [sflag:$0x1], $0x10, s31, s20, $0xb8;
	[tilespmem:$0xA520] =	vst v63  }
0x76: {  	s23 =	sadd.s32 $0x2880, s23  }
0x77: {  	[spmem:s2] =	stream.indirect.scatter.add.f32 [tilespmem:s16], [sflag:$0x1], $0x10, s23, s20, $0xb8;
	[tilespmem:$0xA520] =	vst v63  }
0x78: {  	_ =	swait.ge [sflag:s21], $0x800  }
0x79: {  	[sflag:s21] =	ssyncset.done $0x0  }
0x7a: {  	[sflag:s21] =	ssyncadd.s32 $0xFFFFF800  }
0x7b: {  	_ =	swait.ge [sflag:s21], $0x800  }
0x7c: {  	[sflag:s21] =	ssyncset.done $0x0  }
0x7d: {  	[sflag:s21] =	ssyncadd.s32 $0xFFFFF800  }
0x7e: {  	_ =	swait.ge [sflag:s21], $0x800  }
0x7f: {  	[sflag:s21] =	ssyncset.done $0x0  }
0x80: {  	[sflag:s21] =	ssyncadd.s32 $0xFFFFF800  }
0x81: {  	_ =	swait.ge [sflag:s21], $0x800  }
0x82: {  	[sflag:s21] =	ssyncset.done $0x0  }
0x83: {  	[sflag:s21] =	ssyncadd.s32 $0xFFFFF800  }
0x84: {  	_ =	swait.ge [sflag:s21], $0x800  }
0x85: {  	[sflag:s21] =	ssyncset.done $0x0  }
0x86: {  	[sflag:s21] =	ssyncadd.s32 $0xFFFFF800  }
0x87: {  	_ =	swait.ge [sflag:s21], $0x800  }
0x88: {  	s25 =	simm.s32 @!p0 $0x4F00;
	[sflag:s21] =	ssyncset.done $0x0  }
0x89: {  	s24 =	simm.s32 @!p0 $0x2700;
	s23 =	simm.s32 @!p0 $0x80;
	[sflag:s21] =	ssyncadd.s32 $0xFFFFF800  }
0x8a: {  	[spmem:s1] =	stream.indirect.scatter.add.f32 @!p0 [tilespmem:s25], [sflag:$0x2], $0x10, s24, s23, $0xb8;
	[tilespmem:$0xA520] =	vst v63  }
0x8b: {  	s24 =	simm.s32 @!p0 $0x2  }
0x8c: {  	_ =	swait.ge @!p0 [sflag:s24], $0x800  }
0x8d: {  	[sflag:s24] =	ssyncset.done @!p0 $0x0  }
0x8e: {  	s26 =	simm.s32 @!p0 $0x4E80;
	[sflag:s24] =	ssyncadd.s32 @!p0 $0xFFFFF800  }
0x8f: {  	[spmem:s2] =	stream.indirect.scatter.add.f32 @!p0 [tilespmem:s25], [sflag:$0x2], $0x10, s26, s23, $0xb8;
	[tilespmem:$0xA520] =	vst v63  }
0x90: {  	_ =	swait.ge @!p0 [sflag:s24], $0x800  }
0x91: {  	[sflag:s24] =	ssyncset.done @!p0 $0x0  }
0x92: {  	[sflag:s24] =	ssyncadd.s32 @!p0 $0xFFFFF800  }
0x93: {  	[bflag:$0x0] =	sbarrier.arrive $0xFFFF  }
0x94: {  	[hbm:s11], [sflag:s17] =	dma.local [spmem:s18], $0x4E2  }
0x95: {  	s22 =	sadd.s32 $0x1, s22;
	_ =	swait.ge [sflag:s14], $0x4E2  }
0x96: {  	p1 =	sne.s32 s22, s13;
	[sflag:s14] =	ssyncset.done $0x0  }
.Ltmp1:
0x97: {  	[sflag:s14] =	ssyncadd.s32 $0xFFFFFB1E;
	(pc) =	sbr.rel @p1 .LBB2_1-.Ltmp1, $4  }
0x98: {  	[hbm:s12], [sflag:s17] =	dma.local [spmem:s19], $0x4E2  }
0x99: {  	_ =	swait.ge [sflag:s14], $0x4E2  }
0x9a: {  	[sflag:s14] =	ssyncset.done $0x0  }
0x9b: {  	[sflag:s14] =	ssyncadd.s32 $0xFFFFFB1E  }
0x9c: {  	_ =	sfence.sel $0x180000  }
0x9d: {  	[bflag:$0x0] =	sbarrier.arrive $0xFFFF  }
0x9e: {  	p0 =	sne.s32 s3, $0x0;
	_ =	strace $0x90000047  }
0x9f: {  	s0 =	sadd.s32 @!p0 $0x100000, s0;
	[bflag:$0x2] =	sbarrier.arrive $0xFFFF  }
0xa0: {  	[sflag:s0] =	ssyncadd.tile.s32 @!p0 $0x1;
	_ =	shalt  }
.Lfunc_end2:
_tile_overlayer_lowered:
.L_overlay_start_2:
0xa1: {  	(tag) =	ssettag $0x2  }
0xa2: {  	s0 =	rddreg [dreg:$0x0];
	s2 =	stileid.u32  }
0xa3: {  	s1 =	rddreg [dreg:$0x1];
	p0 =	sne.s32 s2, $0x0  }
0xa4: {  	s3 =	rddreg [dreg:$0x2];
	[bflag:$0x3] =	sbarrier.arrive $0xFFFF;
	s2 =	simm.s32 @!p0 $0x1C02  }
0xa5: {  	[timem:s3], [sflag:s2] =	dma.local @!p0 [hbm:s0], s1  }
0xa6: {  	s0 =	simm.s32 @!p0 $0x2  }
0xa7: {  	_ =	swait.ge @!p0 [sflag:s0], s1  }
0xa8: {  	s1 =	ssub.s32 @!p0 $0x0, s1;
	[sflag:s0] =	ssyncset.done @!p0 $0x0  }
0xa9: {  	[sflag:s0] =	ssyncadd.s32 @!p0 s1  }
0xaa: {  	[bflag:$0x3] =	sbarrier.arrive $0xFFFF  }
0xab: {  	_ =	shalt  }

</sc_bundles>
